<compile_context>
chip_gen: v7x
topology: tpu7x:2x2x1
jax: 0.10.2.dev20260603
libtpu: 0.0.44.dev20260713+nightly
codegen_flags: <defaults>
</compile_context>

<pallas_src>
import functools
import math

import jax
import jax.numpy as jnp
import numpy as np
from jax import lax
from jax.experimental import pallas as pl
from jax.experimental.pallas import tpu as pltpu
from jax.experimental.pallas import tpu_sc as plsc

_NB = (24, 12, 16)
_PI = math.pi

_B, _T, _C = 16384, 512, 3
_PLANE = _B * _T
_F = _PLANE * _C
_M = _PLANE * 2

_NCORES, _NSUB = 2, 16
_NWORK = _NCORES * _NSUB
_SLAB = _PLANE // _NWORK

_CHUNK = 8192
_NCH = _SLAB // _CHUNK
_UNROLL = 8
_NVEC = _CHUNK // (16 * _UNROLL)
_NBUF = 2
_CHUNKM = _CHUNK // 4


def _sc_body(ang_hbm, msk_hbm, q_hbm, i_hbm,
             ang_v, msk_v, q_v, i_v,
             ain0, ain1, min0, min1, qout0, qout1, iout0, iout1):
    ain, min_ = (ain0, ain1), (min0, min1)
    qout, iout = (qout0, qout1), (iout0, iout1)
    wid = lax.axis_index("s") * _NCORES + lax.axis_index("c")
    sbase = wid * _SLAB

    for ci in range(3):
        n = _NB[ci]
        inv = float(np.float32(n / (2 * _PI)))
        halfn = float(np.float32(n * 0.5))
        width = float(np.float32(2 * _PI / n))
        pbase = ci * _PLANE + sbase
        mpbase = ci * (_PLANE // 4) + wid * (_SLAB // 4)
        has_mask = ci < 2

        def start_in(k, b, pbase=pbase, mpbase=mpbase, has_mask=has_mask):
            off = pbase + k * _CHUNK
            pltpu.async_copy(ang_hbm.at[pl.ds(off, _CHUNK)], ang_v.at[b], ain[b])
            if has_mask:
                offm = mpbase + k * _CHUNKM
                pltpu.async_copy(msk_hbm.at[pl.ds(offm, _CHUNKM)], msk_v.at[b],
                                 min_[b])

        def wait_in(k, b, pbase=pbase, mpbase=mpbase, has_mask=has_mask):
            off = pbase + k * _CHUNK
            pltpu.make_async_copy(ang_hbm.at[pl.ds(off, _CHUNK)], ang_v.at[b],
                                  ain[b]).wait()
            if has_mask:
                offm = mpbase + k * _CHUNKM
                pltpu.make_async_copy(msk_hbm.at[pl.ds(offm, _CHUNKM)],
                                      msk_v.at[b], min_[b]).wait()

        def start_out(k, b, pbase=pbase):
            off = pbase + k * _CHUNK
            pltpu.async_copy(q_v.at[b], q_hbm.at[pl.ds(off, _CHUNK)], qout[b])
            pltpu.async_copy(i_v.at[b], i_hbm.at[pl.ds(off, _CHUNK)], iout[b])

        def wait_out(k, b, pbase=pbase):
            off = pbase + k * _CHUNK
            pltpu.make_async_copy(q_v.at[b], q_hbm.at[pl.ds(off, _CHUNK)],
                                  qout[b]).wait()
            pltpu.make_async_copy(i_v.at[b], i_hbm.at[pl.ds(off, _CHUNK)],
                                  iout[b]).wait()

        def compute(b, ci=ci, n=n, inv=inv, halfn=halfn, width=width):
            def vec(v, c2):
                if ci < 2:
                    mw = (msk_v[b, pl.ds(v * 32, 16)],
                          msk_v[b, pl.ds(v * 32 + 16, 16)])
                for u in range(_UNROLL):
                    o = v * (16 * _UNROLL) + u * 16
                    a = ang_v[b, pl.ds(o, 16)]
                    t = a * inv + halfn
                    i = jnp.minimum(t.astype(jnp.int32), n - 1)
                    q = (i.astype(jnp.float32) + 0.5) * width - _PI
                    if ci < 2:
                        m = (mw[u // 4] & (1 << (8 * (u % 4)))) != 0
                        q = jnp.where(m, 0.0, q)
                        i = jnp.where(m, n, i)
                    q_v[b, pl.ds(o, 16)] = q
                    i_v[b, pl.ds(o, 16)] = i
                return c2

            lax.fori_loop(0, _NVEC, vec, 0)

        start_in(0, 0)

        def pair(g, carry):
            for b in range(_NBUF):
                k = g + b
                nxt = k + 1

                @pl.when(nxt < _NCH)
                def _():
                    start_in(nxt, 1 - b)

                wait_in(k, b)

                @pl.when(k >= _NBUF)
                def _():
                    wait_out(k - _NBUF, b)

                compute(b)
                start_out(k, b)
            return carry

        lax.fori_loop(0, _NCH // _NBUF, lambda g, c: pair(g * _NBUF, c), 0)
        wait_out(_NCH - 2, 0)
        wait_out(_NCH - 1, 1)


_mesh = plsc.VectorSubcoreMesh(core_axis_name="c", subcore_axis_name="s",
                               num_cores=_NCORES, num_subcores=_NSUB)

_sc_call = functools.partial(
    pl.kernel,
    compiler_params=pltpu.CompilerParams(needs_layout_passes=False),
    out_type=(jax.ShapeDtypeStruct((_F,), jnp.float32),
              jax.ShapeDtypeStruct((_F,), jnp.int32)),
    mesh=_mesh,
    scratch_types=[
        pltpu.VMEM((_NBUF, _CHUNK), jnp.float32),
        pltpu.VMEM((_NBUF, _CHUNKM), jnp.int32),
        pltpu.VMEM((_NBUF, _CHUNK), jnp.float32),
        pltpu.VMEM((_NBUF, _CHUNK), jnp.int32),
    ] + [pltpu.SemaphoreType.DMA] * 8,
)(_sc_body)


def kernel(angles, null_mask):
    a = jnp.transpose(angles, (2, 0, 1))
    a = a.reshape(3, 2048, 8, 4, 128).transpose(0, 1, 3, 2, 4).reshape(_F)
    mp = jnp.transpose(null_mask, (2, 0, 1))
    mp = mp.reshape(2, 2048, 8, 4, 128).transpose(0, 1, 3, 2, 4)
    m8 = mp.reshape(2, _PLANE // 64, 4, 16).transpose(0, 1, 3, 2)
    m8 = m8.astype(jnp.uint8).reshape(_PLANE * 2 // 4, 4)
    m = jax.lax.bitcast_convert_type(m8, jnp.int32)

    q_flat, i_flat = _sc_call(a, m)

    q = q_flat.reshape(3, 2048, 4, 8, 128).transpose(0, 1, 3, 2, 4)
    q = q.reshape(3, _B, _T).transpose(1, 2, 0)
    ii = i_flat.reshape(3, 2048, 4, 8, 128).transpose(0, 1, 3, 2, 4)
    ii = ii.reshape(3, _B, _T).transpose(1, 2, 0)
    return (q, ii)

# --- scband reference (transcript-rebuilt; emitter-appended) ---
"""Pipeline reference for scband-cyclic-vq-40046275068125 (READ-ONLY COPY).

The authoritative reference and input builder live on the scoring server;
editing this copy changes nothing except your own understanding.
"""

import jax, jax.numpy as jnp
import numpy as np
import math

N_BINS = (24, 12, 16)

def _centers(n):
    return -math.pi + 2 * math.pi / n * (jnp.arange(n, dtype=jnp.float32) + 0.5)

def setup_inputs(seed: int = 0) -> dict:
    key = jax.random.key(seed)
    k1, k2 = jax.random.split(key)
    angles = jax.random.uniform(k1, (16384, 512, 3), dtype=jnp.float32, minval=-math.pi, maxval=math.pi)
    null_mask = jax.random.randint(k2, (16384, 512, 2), 0, 2) > 0
    return {"angles": angles, "null_mask": null_mask}

def _geodesic(a, b):
    diff = jnp.abs(a - b)
    return jnp.minimum(diff, 2 * math.pi - diff)

def reference(angles, null_mask):
    quantized_list = []
    indices_list = []
    for i, n in enumerate(N_BINS):
        centers = _centers(n)
        a = angles[..., i]
        dists = _geodesic(a[..., None], centers)
        idx = jnp.argmin(dists, axis=-1)
        q = centers[idx]
        q = a + jax.lax.stop_gradient(q - a)  # STE
        quantized_list.append(q)
        indices_list.append(idx)
    quantized = jnp.stack(quantized_list, axis=-1)
    indices = jnp.stack(indices_list, axis=-1).astype(jnp.int64 if jax.config.read('jax_enable_x64') else jnp.int32)
    mask_trans = null_mask[..., 0]
    mask_rot = null_mask[..., 1]
    indices = indices.at[..., 0].set(jnp.where(mask_trans, N_BINS[0], indices[..., 0]))
    quantized = quantized.at[..., 0].set(jnp.where(mask_trans, jnp.zeros_like(quantized[..., 0]), quantized[..., 0]))
    indices = indices.at[..., 1].set(jnp.where(mask_rot, N_BINS[1], indices[..., 1]))
    quantized = quantized.at[..., 1].set(jnp.where(mask_rot, jnp.zeros_like(quantized[..., 1]), quantized[..., 1]))
    return (quantized, indices)

if __name__ == "__main__":
    import jax
    _d = setup_inputs()
    print(jax.jit(kernel)(*tuple(_d.values())))

</pallas_src>

<mosaic_0001>
#map = affine_map<(d0, d1) -> (0)>
module attributes {stable_mosaic.version = 14 : i64} {
  func.func @_sc_body(%arg0: i32, %arg1: i32, %arg2: memref<25165824xf32, #tpu.memory_space<hbm>>, %arg3: memref<4194304xi32, #tpu.memory_space<hbm>>, %arg4: memref<25165824xf32, #tpu.memory_space<hbm>>, %arg5: memref<25165824xi32, #tpu.memory_space<hbm>>, %arg6: memref<2x8192xf32, #tpu.memory_space<vmem>>, %arg7: memref<2x2048xi32, #tpu.memory_space<vmem>>, %arg8: memref<2x8192xf32, #tpu.memory_space<vmem>>, %arg9: memref<2x8192xi32, #tpu.memory_space<vmem>>, %arg10: memref<!tpu.dma_semaphore, #tpu.memory_space<semaphore_mem>>, %arg11: memref<!tpu.dma_semaphore, #tpu.memory_space<semaphore_mem>>, %arg12: memref<!tpu.dma_semaphore, #tpu.memory_space<semaphore_mem>>, %arg13: memref<!tpu.dma_semaphore, #tpu.memory_space<semaphore_mem>>, %arg14: memref<!tpu.dma_semaphore, #tpu.memory_space<semaphore_mem>>, %arg15: memref<!tpu.dma_semaphore, #tpu.memory_space<semaphore_mem>>, %arg16: memref<!tpu.dma_semaphore, #tpu.memory_space<semaphore_mem>>, %arg17: memref<!tpu.dma_semaphore, #tpu.memory_space<semaphore_mem>>) attributes {dimension_semantics = [#tpu.dimension_semantics<core_parallel>, #tpu.dimension_semantics<subcore_parallel>], iteration_bounds = array<i64: 2, 16>, scalar_prefetch = 0 : i64, scratch_operands = 12 : i64, tpu.core_type = #tpu.core_type<sc_vector_subcore>, window_params = [{transform_indices = #map}, {transform_indices = #map}, {transform_indices = #map}, {transform_indices = #map}]} {
    %mul3A = arith.constant 2 : i32
    %mul3A_0 = arith.muli %arg1, %mul3A : i32
    %add3A = arith.addi %mul3A_0, %arg0 : i32
    %mul3A_1 = arith.constant 262144 : i32
    %mul3A_2 = arith.muli %add3A, %mul3A_1 : i32
    %add3A_3 = arith.constant 0 : i32
    %add3A_4 = arith.addi %add3A_3, %mul3A_2 : i32
    %mul3A_5 = arith.constant 65536 : i32
    %mul3A_6 = arith.muli %add3A, %mul3A_5 : i32
    %add3A_7 = arith.constant 0 : i32
    %add3A_8 = arith.addi %add3A_7, %mul3A_6 : i32
    %add3A_9 = arith.constant 0 : i32
    %add3A_10 = arith.addi %add3A_4, %add3A_9 : i32
    %dma_start3A = arith.constant 0 : i32
    %dma_start3A_11 = arith.constant 0 : i32
    %dma_start3A_12 = tpu.memref_slice %arg6[%dma_start3A, %dma_start3A_11] : memref<2x8192xf32, #tpu.memory_space<vmem>> -> memref<1x8192xf32, #tpu.memory_space<vmem>>
    %dma_start3A_13 = tpu.memref_squeeze %dma_start3A_12 : memref<1x8192xf32, #tpu.memory_space<vmem>> -> memref<8192xf32, #tpu.memory_space<vmem>>
    %dma_start3A_14 = tpu.memref_slice %arg2[%add3A_10] : memref<25165824xf32, #tpu.memory_space<hbm>> -> memref<8192xf32, #tpu.memory_space<hbm>>
    %dma_start3A_15 = arith.constant 0 : i32
    %dma_start3A_16 = tpu.memref_slice %arg6[%dma_start3A, %dma_start3A_15] : memref<2x8192xf32, #tpu.memory_space<vmem>> -> memref<1x8192xf32, #tpu.memory_space<vmem>>
    %dma_start3A_17 = tpu.memref_squeeze %dma_start3A_16 : memref<1x8192xf32, #tpu.memory_space<vmem>> -> memref<8192xf32, #tpu.memory_space<vmem>>
    %dma_start3A_18 = tpu.memref_slice %arg2[%add3A_10] : memref<25165824xf32, #tpu.memory_space<hbm>> -> memref<8192xf32, #tpu.memory_space<hbm>>
    tpu.enqueue_dma source(%dma_start3A_18 : memref<8192xf32, #tpu.memory_space<hbm>>) target(%dma_start3A_17 : memref<8192xf32, #tpu.memory_space<vmem>>) target_semaphore(%arg10 : memref<!tpu.dma_semaphore, #tpu.memory_space<semaphore_mem>>)
    %add3A_19 = arith.constant 0 : i32
    %add3A_20 = arith.addi %add3A_8, %add3A_19 : i32
    %dma_start3A_21 = arith.constant 0 : i32
    %dma_start3A_22 = arith.constant 0 : i32
    %dma_start3A_23 = tpu.memref_slice %arg7[%dma_start3A_21, %dma_start3A_22] : memref<2x2048xi32, #tpu.memory_space<vmem>> -> memref<1x2048xi32, #tpu.memory_space<vmem>>
    %dma_start3A_24 = tpu.memref_squeeze %dma_start3A_23 : memref<1x2048xi32, #tpu.memory_space<vmem>> -> memref<2048xi32, #tpu.memory_space<vmem>>
    %dma_start3A_25 = tpu.memref_slice %arg3[%add3A_20] : memref<4194304xi32, #tpu.memory_space<hbm>> -> memref<2048xi32, #tpu.memory_space<hbm>>
    %dma_start3A_26 = arith.constant 0 : i32
    %dma_start3A_27 = tpu.memref_slice %arg7[%dma_start3A_21, %dma_start3A_26] : memref<2x2048xi32, #tpu.memory_space<vmem>> -> memref<1x2048xi32, #tpu.memory_space<vmem>>
    %dma_start3A_28 = tpu.memref_squeeze %dma_start3A_27 : memref<1x2048xi32, #tpu.memory_space<vmem>> -> memref<2048xi32, #tpu.memory_space<vmem>>
    %dma_start3A_29 = tpu.memref_slice %arg3[%add3A_20] : memref<4194304xi32, #tpu.memory_space<hbm>> -> memref<2048xi32, #tpu.memory_space<hbm>>
    tpu.enqueue_dma source(%dma_start3A_29 : memref<2048xi32, #tpu.memory_space<hbm>>) target(%dma_start3A_28 : memref<2048xi32, #tpu.memory_space<vmem>>) target_semaphore(%arg12 : memref<!tpu.dma_semaphore, #tpu.memory_space<semaphore_mem>>)
    %scan3A = arith.constant 0 : i32
    %scan3A_30 = arith.constant 0 : i32
    %scan3A_31 = arith.constant 16 : i32
    %scan3A_32 = arith.addi %scan3A_30, %scan3A_31 : i32
    %scan3A_33 = arith.constant 1 : i32
    scf.for %scan3A_211 = %scan3A_30 to %scan3A_32 step %scan3A_33  : i32 {
      %mul3A_212 = arith.constant 2 : i32
      %mul3A_213 = arith.muli %scan3A_211, %mul3A_212 : i32
      %add3A_214 = arith.constant 0 : i32
      %add3A_215 = arith.addi %mul3A_213, %add3A_214 : i32
      %add3A_216 = arith.constant 1 : i32
      %add3A_217 = arith.addi %add3A_215, %add3A_216 : i32
      %lt3A = arith.constant 32 : i32
      %lt3A_218 = arith.cmpi slt, %add3A_217, %lt3A : i32
      %convert_element_type3A = arith.extui %lt3A_218 : i1 to i32
      %cond3A = arith.constant 0 : i32
      %cond3A_219 = arith.cmpi ne, %convert_element_type3A, %cond3A : i32
      scf.if %cond3A_219 {
        %mul3A_340 = arith.constant 8192 : i32
        %mul3A_341 = arith.muli %add3A_217, %mul3A_340 : i32
        %add3A_342 = arith.addi %add3A_4, %mul3A_341 : i32
        %dma_start3A_343 = arith.constant 1 : i32
        %dma_start3A_344 = arith.constant 0 : i32
        %dma_start3A_345 = tpu.memref_slice %arg6[%dma_start3A_343, %dma_start3A_344] : memref<2x8192xf32, #tpu.memory_space<vmem>> -> memref<1x8192xf32, #tpu.memory_space<vmem>>
        %dma_start3A_346 = tpu.memref_squeeze %dma_start3A_345 : memref<1x8192xf32, #tpu.memory_space<vmem>> -> memref<8192xf32, #tpu.memory_space<vmem>>
        %dma_start3A_347 = tpu.memref_slice %arg2[%add3A_342] : memref<25165824xf32, #tpu.memory_space<hbm>> -> memref<8192xf32, #tpu.memory_space<hbm>>
        %dma_start3A_348 = arith.constant 0 : i32
        %dma_start3A_349 = tpu.memref_slice %arg6[%dma_start3A_343, %dma_start3A_348] : memref<2x8192xf32, #tpu.memory_space<vmem>> -> memref<1x8192xf32, #tpu.memory_space<vmem>>
        %dma_start3A_350 = tpu.memref_squeeze %dma_start3A_349 : memref<1x8192xf32, #tpu.memory_space<vmem>> -> memref<8192xf32, #tpu.memory_space<vmem>>
        %dma_start3A_351 = tpu.memref_slice %arg2[%add3A_342] : memref<25165824xf32, #tpu.memory_space<hbm>> -> memref<8192xf32, #tpu.memory_space<hbm>>
        tpu.enqueue_dma source(%dma_start3A_351 : memref<8192xf32, #tpu.memory_space<hbm>>) target(%dma_start3A_350 : memref<8192xf32, #tpu.memory_space<vmem>>) target_semaphore(%arg11 : memref<!tpu.dma_semaphore, #tpu.memory_space<semaphore_mem>>)
        %mul3A_352 = arith.constant 2048 : i32
        %mul3A_353 = arith.muli %add3A_217, %mul3A_352 : i32
        %add3A_354 = arith.addi %add3A_8, %mul3A_353 : i32
        %dma_start3A_355 = arith.constant 1 : i32
        %dma_start3A_356 = arith.constant 0 : i32
        %dma_start3A_357 = tpu.memref_slice %arg7[%dma_start3A_355, %dma_start3A_356] : memref<2x2048xi32, #tpu.memory_space<vmem>> -> memref<1x2048xi32, #tpu.memory_space<vmem>>
        %dma_start3A_358 = tpu.memref_squeeze %dma_start3A_357 : memref<1x2048xi32, #tpu.memory_space<vmem>> -> memref<2048xi32, #tpu.memory_space<vmem>>
        %dma_start3A_359 = tpu.memref_slice %arg3[%add3A_354] : memref<4194304xi32, #tpu.memory_space<hbm>> -> memref<2048xi32, #tpu.memory_space<hbm>>
        %dma_start3A_360 = arith.constant 0 : i32
        %dma_start3A_361 = tpu.memref_slice %arg7[%dma_start3A_355, %dma_start3A_360] : memref<2x2048xi32, #tpu.memory_space<vmem>> -> memref<1x2048xi32, #tpu.memory_space<vmem>>
        %dma_start3A_362 = tpu.memref_squeeze %dma_start3A_361 : memref<1x2048xi32, #tpu.memory_space<vmem>> -> memref<2048xi32, #tpu.memory_space<vmem>>
        %dma_start3A_363 = tpu.memref_slice %arg3[%add3A_354] : memref<4194304xi32, #tpu.memory_space<hbm>> -> memref<2048xi32, #tpu.memory_space<hbm>>
        tpu.enqueue_dma source(%dma_start3A_363 : memref<2048xi32, #tpu.memory_space<hbm>>) target(%dma_start3A_362 : memref<2048xi32, #tpu.memory_space<vmem>>) target_semaphore(%arg13 : memref<!tpu.dma_semaphore, #tpu.memory_space<semaphore_mem>>)
      } else {
      }
      %mul3A_220 = arith.constant 8192 : i32
      %mul3A_221 = arith.muli %add3A_215, %mul3A_220 : i32
      %add3A_222 = arith.addi %add3A_4, %mul3A_221 : i32
      %dma_wait3A_223 = arith.constant 0 : i32
      %dma_wait3A_224 = arith.constant 0 : i32
      %dma_wait3A_225 = tpu.memref_slice %arg6[%dma_wait3A_223, %dma_wait3A_224] : memref<2x8192xf32, #tpu.memory_space<vmem>> -> memref<1x8192xf32, #tpu.memory_space<vmem>>
      %dma_wait3A_226 = tpu.memref_squeeze %dma_wait3A_225 : memref<1x8192xf32, #tpu.memory_space<vmem>> -> memref<8192xf32, #tpu.memory_space<vmem>>
      %dma_wait3A_227 = tpu.memref_slice %arg2[%add3A_222] : memref<25165824xf32, #tpu.memory_space<hbm>> -> memref<8192xf32, #tpu.memory_space<hbm>>
      %dma_wait3A_228 = arith.constant 0 : i32
      %dma_wait3A_229 = tpu.memref_slice %arg6[%dma_wait3A_223, %dma_wait3A_228] : memref<2x8192xf32, #tpu.memory_space<vmem>> -> memref<1x8192xf32, #tpu.memory_space<vmem>>
      %dma_wait3A_230 = tpu.memref_squeeze %dma_wait3A_229 : memref<1x8192xf32, #tpu.memory_space<vmem>> -> memref<8192xf32, #tpu.memory_space<vmem>>
      %dma_wait3A_231 = tpu.memref_slice %arg2[%add3A_222] : memref<25165824xf32, #tpu.memory_space<hbm>> -> memref<8192xf32, #tpu.memory_space<hbm>>
      tpu.wait_dma2 semaphore(%arg10 : memref<!tpu.dma_semaphore, #tpu.memory_space<semaphore_mem>>) src(%dma_wait3A_231 : memref<8192xf32, #tpu.memory_space<hbm>>) dst(%dma_wait3A_230 : memref<8192xf32, #tpu.memory_space<vmem>>)
      %mul3A_232 = arith.constant 2048 : i32
      %mul3A_233 = arith.muli %add3A_215, %mul3A_232 : i32
      %add3A_234 = arith.addi %add3A_8, %mul3A_233 : i32
      %dma_wait3A_235 = arith.constant 0 : i32
      %dma_wait3A_236 = arith.constant 0 : i32
      %dma_wait3A_237 = tpu.memref_slice %arg7[%dma_wait3A_235, %dma_wait3A_236] : memref<2x2048xi32, #tpu.memory_space<vmem>> -> memref<1x2048xi32, #tpu.memory_space<vmem>>
      %dma_wait3A_238 = tpu.memref_squeeze %dma_wait3A_237 : memref<1x2048xi32, #tpu.memory_space<vmem>> -> memref<2048xi32, #tpu.memory_space<vmem>>
      %dma_wait3A_239 = tpu.memref_slice %arg3[%add3A_234] : memref<4194304xi32, #tpu.memory_space<hbm>> -> memref<2048xi32, #tpu.memory_space<hbm>>
      %dma_wait3A_240 = arith.constant 0 : i32
      %dma_wait3A_241 = tpu.memref_slice %arg7[%dma_wait3A_235, %dma_wait3A_240] : memref<2x2048xi32, #tpu.memory_space<vmem>> -> memref<1x2048xi32, #tpu.memory_space<vmem>>
      %dma_wait3A_242 = tpu.memref_squeeze %dma_wait3A_241 : memref<1x2048xi32, #tpu.memory_space<vmem>> -> memref<2048xi32, #tpu.memory_space<vmem>>
      %dma_wait3A_243 = tpu.memref_slice %arg3[%add3A_234] : memref<4194304xi32, #tpu.memory_space<hbm>> -> memref<2048xi32, #tpu.memory_space<hbm>>
      tpu.wait_dma2 semaphore(%arg12 : memref<!tpu.dma_semaphore, #tpu.memory_space<semaphore_mem>>) src(%dma_wait3A_243 : memref<2048xi32, #tpu.memory_space<hbm>>) dst(%dma_wait3A_242 : memref<2048xi32, #tpu.memory_space<vmem>>)
      %ge3A = arith.constant 2 : i32
      %ge3A_244 = arith.cmpi sge, %add3A_215, %ge3A : i32
      %convert_element_type3A_245 = arith.extui %ge3A_244 : i1 to i32
      %cond3A_246 = arith.constant 0 : i32
      %cond3A_247 = arith.cmpi ne, %convert_element_type3A_245, %cond3A_246 : i32
      scf.if %cond3A_247 {
        %sub3A = arith.constant 2 : i32
        %sub3A_340 = arith.subi %add3A_215, %sub3A : i32
        %mul3A_341 = arith.constant 8192 : i32
        %mul3A_342 = arith.muli %sub3A_340, %mul3A_341 : i32
        %add3A_343 = arith.addi %add3A_4, %mul3A_342 : i32
        %dma_wait3A_344 = arith.constant 0 : i32
        %dma_wait3A_345 = arith.constant 0 : i32
        %dma_wait3A_346 = tpu.memref_slice %arg8[%dma_wait3A_344, %dma_wait3A_345] : memref<2x8192xf32, #tpu.memory_space<vmem>> -> memref<1x8192xf32, #tpu.memory_space<vmem>>
        %dma_wait3A_347 = tpu.memref_squeeze %dma_wait3A_346 : memref<1x8192xf32, #tpu.memory_space<vmem>> -> memref<8192xf32, #tpu.memory_space<vmem>>
        %dma_wait3A_348 = tpu.memref_slice %arg4[%add3A_343] : memref<25165824xf32, #tpu.memory_space<hbm>> -> memref<8192xf32, #tpu.memory_space<hbm>>
        %dma_wait3A_349 = tpu.memref_slice %arg4[%add3A_343] : memref<25165824xf32, #tpu.memory_space<hbm>> -> memref<8192xf32, #tpu.memory_space<hbm>>
        %dma_wait3A_350 = arith.constant 0 : i32
        %dma_wait3A_351 = tpu.memref_slice %arg8[%dma_wait3A_344, %dma_wait3A_350] : memref<2x8192xf32, #tpu.memory_space<vmem>> -> memref<1x8192xf32, #tpu.memory_space<vmem>>
        %dma_wait3A_352 = tpu.memref_squeeze %dma_wait3A_351 : memref<1x8192xf32, #tpu.memory_space<vmem>> -> memref<8192xf32, #tpu.memory_space<vmem>>
        tpu.wait_dma2 semaphore(%arg14 : memref<!tpu.dma_semaphore, #tpu.memory_space<semaphore_mem>>) src(%dma_wait3A_352 : memref<8192xf32, #tpu.memory_space<vmem>>) dst(%dma_wait3A_349 : memref<8192xf32, #tpu.memory_space<hbm>>)
        %dma_wait3A_353 = arith.constant 0 : i32
        %dma_wait3A_354 = arith.constant 0 : i32
        %dma_wait3A_355 = tpu.memref_slice %arg9[%dma_wait3A_353, %dma_wait3A_354] : memref<2x8192xi32, #tpu.memory_space<vmem>> -> memref<1x8192xi32, #tpu.memory_space<vmem>>
        %dma_wait3A_356 = tpu.memref_squeeze %dma_wait3A_355 : memref<1x8192xi32, #tpu.memory_space<vmem>> -> memref<8192xi32, #tpu.memory_space<vmem>>
        %dma_wait3A_357 = tpu.memref_slice %arg5[%add3A_343] : memref<25165824xi32, #tpu.memory_space<hbm>> -> memref<8192xi32, #tpu.memory_space<hbm>>
        %dma_wait3A_358 = tpu.memref_slice %arg5[%add3A_343] : memref<25165824xi32, #tpu.memory_space<hbm>> -> memref<8192xi32, #tpu.memory_space<hbm>>
        %dma_wait3A_359 = arith.constant 0 : i32
        %dma_wait3A_360 = tpu.memref_slice %arg9[%dma_wait3A_353, %dma_wait3A_359] : memref<2x8192xi32, #tpu.memory_space<vmem>> -> memref<1x8192xi32, #tpu.memory_space<vmem>>
        %dma_wait3A_361 = tpu.memref_squeeze %dma_wait3A_360 : memref<1x8192xi32, #tpu.memory_space<vmem>> -> memref<8192xi32, #tpu.memory_space<vmem>>
        tpu.wait_dma2 semaphore(%arg16 : memref<!tpu.dma_semaphore, #tpu.memory_space<semaphore_mem>>) src(%dma_wait3A_361 : memref<8192xi32, #tpu.memory_space<vmem>>) dst(%dma_wait3A_358 : memref<8192xi32, #tpu.memory_space<hbm>>)
      } else {
      }
      %scan3A_248 = arith.constant 0 : i32
      %scan3A_249 = arith.constant 0 : i32
      %scan3A_250 = arith.constant 64 : i32
      %scan3A_251 = arith.addi %scan3A_249, %scan3A_250 : i32
      %scan3A_252 = arith.constant 1 : i32
      scf.for %scan3A_340 = %scan3A_249 to %scan3A_251 step %scan3A_252  : i32 {
        %mul3A_341 = arith.constant 32 : i32
        %mul3A_342 = arith.muli %scan3A_340, %mul3A_341 : i32
        %get3A = arith.constant 0 : i32
        %get3A_343 = arith.index_cast %get3A : i32 to index
        %get3A_344 = arith.index_cast %mul3A_342 : i32 to index
        %get3A_345 = tpu.vector_load %arg7[%get3A_343, %get3A_344] {strides = array<i32>} : memref<2x2048xi32, #tpu.memory_space<vmem>>, vector<16xi32>,
        %mul3A_346 = arith.constant 32 : i32
        %mul3A_347 = arith.muli %scan3A_340, %mul3A_346 : i32
        %add3A_348 = arith.constant 16 : i32
        %add3A_349 = arith.addi %mul3A_347, %add3A_348 : i32
        %get3A_350 = arith.constant 0 : i32
        %get3A_351 = arith.index_cast %get3A_350 : i32 to index
        %get3A_352 = arith.index_cast %add3A_349 : i32 to index
        %get3A_353 = tpu.vector_load %arg7[%get3A_351, %get3A_352] {strides = array<i32>} : memref<2x2048xi32, #tpu.memory_space<vmem>>, vector<16xi32>,
        %mul3A_354 = arith.constant 128 : i32
        %mul3A_355 = arith.muli %scan3A_340, %mul3A_354 : i32
        %add3A_356 = arith.constant 0 : i32
        %add3A_357 = arith.addi %mul3A_355, %add3A_356 : i32
        %get3A_358 = arith.constant 0 : i32
        %get3A_359 = arith.index_cast %get3A_358 : i32 to index
        %get3A_360 = arith.index_cast %add3A_357 : i32 to index
        %get3A_361 = tpu.vector_load %arg6[%get3A_359, %get3A_360] {strides = array<i32>} : memref<2x8192xf32, #tpu.memory_space<vmem>>, vector<16xf32>,
        %mul3A_362 = arith.constant 3.8197186 : f32
        %mul3A_363 = vector.broadcast %mul3A_362 : f32 to vector<16xf32>
        %mul3A_364 = arith.mulf %get3A_361, %mul3A_363 : vector<16xf32>
        %add3A_365 = arith.constant 1.200000e+01 : f32
        %add3A_366 = vector.broadcast %add3A_365 : f32 to vector<16xf32>
        %add3A_367 = arith.addf %mul3A_364, %add3A_366 : vector<16xf32>
        %convert_element_type3A_368 = arith.fptosi %add3A_367 : vector<16xf32> to vector<16xi32>
        %min3A = arith.constant 23 : i32
        %min3A_369 = vector.broadcast %min3A : i32 to vector<16xi32>
        %min3A_370 = arith.minsi %convert_element_type3A_368, %min3A_369 : vector<16xi32>
        %convert_element_type3A_371 = arith.sitofp %min3A_370 : vector<16xi32> to vector<16xf32>
        %add3A_372 = arith.constant 5.000000e-01 : f32
        %add3A_373 = vector.broadcast %add3A_372 : f32 to vector<16xf32>
        %add3A_374 = arith.addf %convert_element_type3A_371, %add3A_373 : vector<16xf32>
        %mul3A_375 = arith.constant 0.261799395 : f32
        %mul3A_376 = vector.broadcast %mul3A_375 : f32 to vector<16xf32>
        %mul3A_377 = arith.mulf %add3A_374, %mul3A_376 : vector<16xf32>
        %sub3A = arith.constant 3.14159274 : f32
        %sub3A_378 = vector.broadcast %sub3A : f32 to vector<16xf32>
        %sub3A_379 = arith.subf %mul3A_377, %sub3A_378 : vector<16xf32>
        %and3A = arith.constant 1 : i32
        %and3A_380 = vector.broadcast %and3A : i32 to vector<16xi32>
        %and3A_381 = arith.andi %get3A_345, %and3A_380 : vector<16xi32>
        %ne3A = arith.constant 0 : i32
        %ne3A_382 = vector.broadcast %ne3A : i32 to vector<16xi32>
        %ne3A_383 = arith.cmpi ne, %and3A_381, %ne3A_382 : vector<16xi32>
        %jit3A = arith.constant 0.000000e+00 : f32
        %broadcast_in_dim3A = vector.broadcast %jit3A : f32 to vector<16xf32>
        %select_n3A = arith.select %ne3A_383, %broadcast_in_dim3A, %sub3A_379 : vector<16xi1>, vector<16xf32>
        %jit3A_384 = arith.constant 24 : i32
        %broadcast_in_dim3A_385 = vector.broadcast %jit3A_384 : i32 to vector<16xi32>
        %select_n3A_386 = arith.select %ne3A_383, %broadcast_in_dim3A_385, %min3A_370 : vector<16xi1>, vector<16xi32>
        %swap3A = arith.constant 0 : i32
        %swap3A_387 = arith.index_cast %swap3A : i32 to index
        %swap3A_388 = arith.index_cast %add3A_357 : i32 to index
        %swap3A_389 = tpu.vector_load %arg8[%swap3A_387, %swap3A_388] {strides = array<i32>} : memref<2x8192xf32, #tpu.memory_space<vmem>>, vector<16xf32>,
        tpu.vector_store %arg8[%swap3A_387, %swap3A_388], %select_n3A {strides = array<i32>} : memref<2x8192xf32, #tpu.memory_space<vmem>>, vector<16xf32>,
        %swap3A_390 = arith.constant 0 : i32
        %swap3A_391 = arith.index_cast %swap3A_390 : i32 to index
        %swap3A_392 = arith.index_cast %add3A_357 : i32 to index
        %swap3A_393 = tpu.vector_load %arg9[%swap3A_391, %swap3A_392] {strides = array<i32>} : memref<2x8192xi32, #tpu.memory_space<vmem>>, vector<16xi32>,
        tpu.vector_store %arg9[%swap3A_391, %swap3A_392], %select_n3A_386 {strides = array<i32>} : memref<2x8192xi32, #tpu.memory_space<vmem>>, vector<16xi32>,
        %mul3A_394 = arith.constant 128 : i32
        %mul3A_395 = arith.muli %scan3A_340, %mul3A_394 : i32
        %add3A_396 = arith.constant 16 : i32
        %add3A_397 = arith.addi %mul3A_395, %add3A_396 : i32
        %get3A_398 = arith.constant 0 : i32
        %get3A_399 = arith.index_cast %get3A_398 : i32 to index
        %get3A_400 = arith.index_cast %add3A_397 : i32 to index
        %get3A_401 = tpu.vector_load %arg6[%get3A_399, %get3A_400] {strides = array<i32>} : memref<2x8192xf32, #tpu.memory_space<vmem>>, vector<16xf32>,
        %mul3A_402 = arith.constant 3.8197186 : f32
        %mul3A_403 = vector.broadcast %mul3A_402 : f32 to vector<16xf32>
        %mul3A_404 = arith.mulf %get3A_401, %mul3A_403 : vector<16xf32>
        %add3A_405 = arith.constant 1.200000e+01 : f32
        %add3A_406 = vector.broadcast %add3A_405 : f32 to vector<16xf32>
        %add3A_407 = arith.addf %mul3A_404, %add3A_406 : vector<16xf32>
        %convert_element_type3A_408 = arith.fptosi %add3A_407 : vector<16xf32> to vector<16xi32>
        %min3A_409 = arith.constant 23 : i32
        %min3A_410 = vector.broadcast %min3A_409 : i32 to vector<16xi32>
        %min3A_411 = arith.minsi %convert_element_type3A_408, %min3A_410 : vector<16xi32>
        %convert_element_type3A_412 = arith.sitofp %min3A_411 : vector<16xi32> to vector<16xf32>
        %add3A_413 = arith.constant 5.000000e-01 : f32
        %add3A_414 = vector.broadcast %add3A_413 : f32 to vector<16xf32>
        %add3A_415 = arith.addf %convert_element_type3A_412, %add3A_414 : vector<16xf32>
        %mul3A_416 = arith.constant 0.261799395 : f32
        %mul3A_417 = vector.broadcast %mul3A_416 : f32 to vector<16xf32>
        %mul3A_418 = arith.mulf %add3A_415, %mul3A_417 : vector<16xf32>
        %sub3A_419 = arith.constant 3.14159274 : f32
        %sub3A_420 = vector.broadcast %sub3A_419 : f32 to vector<16xf32>
        %sub3A_421 = arith.subf %mul3A_418, %sub3A_420 : vector<16xf32>
        %and3A_422 = arith.constant 256 : i32
        %and3A_423 = vector.broadcast %and3A_422 : i32 to vector<16xi32>
        %and3A_424 = arith.andi %get3A_345, %and3A_423 : vector<16xi32>
        %ne3A_425 = arith.constant 0 : i32
        %ne3A_426 = vector.broadcast %ne3A_425 : i32 to vector<16xi32>
        %ne3A_427 = arith.cmpi ne, %and3A_424, %ne3A_426 : vector<16xi32>
        %jit3A_428 = arith.constant 0.000000e+00 : f32
        %broadcast_in_dim3A_429 = vector.broadcast %jit3A_428 : f32 to vector<16xf32>
        %select_n3A_430 = arith.select %ne3A_427, %broadcast_in_dim3A_429, %sub3A_421 : vector<16xi1>, vector<16xf32>
        %jit3A_431 = arith.constant 24 : i32
        %broadcast_in_dim3A_432 = vector.broadcast %jit3A_431 : i32 to vector<16xi32>
        %select_n3A_433 = arith.select %ne3A_427, %broadcast_in_dim3A_432, %min3A_411 : vector<16xi1>, vector<16xi32>
        %swap3A_434 = arith.constant 0 : i32
        %swap3A_435 = arith.index_cast %swap3A_434 : i32 to index
        %swap3A_436 = arith.index_cast %add3A_397 : i32 to index
        %swap3A_437 = tpu.vector_load %arg8[%swap3A_435, %swap3A_436] {strides = array<i32>} : memref<2x8192xf32, #tpu.memory_space<vmem>>, vector<16xf32>,
        tpu.vector_store %arg8[%swap3A_435, %swap3A_436], %select_n3A_430 {strides = array<i32>} : memref<2x8192xf32, #tpu.memory_space<vmem>>, vector<16xf32>,
        %swap3A_438 = arith.constant 0 : i32
        %swap3A_439 = arith.index_cast %swap3A_438 : i32 to index
        %swap3A_440 = arith.index_cast %add3A_397 : i32 to index
        %swap3A_441 = tpu.vector_load %arg9[%swap3A_439, %swap3A_440] {strides = array<i32>} : memref<2x8192xi32, #tpu.memory_space<vmem>>, vector<16xi32>,
        tpu.vector_store %arg9[%swap3A_439, %swap3A_440], %select_n3A_433 {strides = array<i32>} : memref<2x8192xi32, #tpu.memory_space<vmem>>, vector<16xi32>,
        %mul3A_442 = arith.constant 128 : i32
        %mul3A_443 = arith.muli %scan3A_340, %mul3A_442 : i32
        %add3A_444 = arith.constant 32 : i32
        %add3A_445 = arith.addi %mul3A_443, %add3A_444 : i32
        %get3A_446 = arith.constant 0 : i32
        %get3A_447 = arith.index_cast %get3A_446 : i32 to index
        %get3A_448 = arith.index_cast %add3A_445 : i32 to index
        %get3A_449 = tpu.vector_load %arg6[%get3A_447, %get3A_448] {strides = array<i32>} : memref<2x8192xf32, #tpu.memory_space<vmem>>, vector<16xf32>,
        %mul3A_450 = arith.constant 3.8197186 : f32
        %mul3A_451 = vector.broadcast %mul3A_450 : f32 to vector<16xf32>
        %mul3A_452 = arith.mulf %get3A_449, %mul3A_451 : vector<16xf32>
        %add3A_453 = arith.constant 1.200000e+01 : f32
        %add3A_454 = vector.broadcast %add3A_453 : f32 to vector<16xf32>
        %add3A_455 = arith.addf %mul3A_452, %add3A_454 : vector<16xf32>
        %convert_element_type3A_456 = arith.fptosi %add3A_455 : vector<16xf32> to vector<16xi32>
        %min3A_457 = arith.constant 23 : i32
        %min3A_458 = vector.broadcast %min3A_457 : i32 to vector<16xi32>
        %min3A_459 = arith.minsi %convert_element_type3A_456, %min3A_458 : vector<16xi32>
        %convert_element_type3A_460 = arith.sitofp %min3A_459 : vector<16xi32> to vector<16xf32>
        %add3A_461 = arith.constant 5.000000e-01 : f32
        %add3A_462 = vector.broadcast %add3A_461 : f32 to vector<16xf32>
        %add3A_463 = arith.addf %convert_element_type3A_460, %add3A_462 : vector<16xf32>
        %mul3A_464 = arith.constant 0.261799395 : f32
        %mul3A_465 = vector.broadcast %mul3A_464 : f32 to vector<16xf32>
        %mul3A_466 = arith.mulf %add3A_463, %mul3A_465 : vector<16xf32>
        %sub3A_467 = arith.constant 3.14159274 : f32
        %sub3A_468 = vector.broadcast %sub3A_467 : f32 to vector<16xf32>
        %sub3A_469 = arith.subf %mul3A_466, %sub3A_468 : vector<16xf32>
        %and3A_470 = arith.constant 65536 : i32
        %and3A_471 = vector.broadcast %and3A_470 : i32 to vector<16xi32>
        %and3A_472 = arith.andi %get3A_345, %and3A_471 : vector<16xi32>
        %ne3A_473 = arith.constant 0 : i32
        %ne3A_474 = vector.broadcast %ne3A_473 : i32 to vector<16xi32>
        %ne3A_475 = arith.cmpi ne, %and3A_472, %ne3A_474 : vector<16xi32>
        %jit3A_476 = arith.constant 0.000000e+00 : f32
        %broadcast_in_dim3A_477 = vector.broadcast %jit3A_476 : f32 to vector<16xf32>
        %select_n3A_478 = arith.select %ne3A_475, %broadcast_in_dim3A_477, %sub3A_469 : vector<16xi1>, vector<16xf32>
        %jit3A_479 = arith.constant 24 : i32
        %broadcast_in_dim3A_480 = vector.broadcast %jit3A_479 : i32 to vector<16xi32>
        %select_n3A_481 = arith.select %ne3A_475, %broadcast_in_dim3A_480, %min3A_459 : vector<16xi1>, vector<16xi32>
        %swap3A_482 = arith.constant 0 : i32
        %swap3A_483 = arith.index_cast %swap3A_482 : i32 to index
        %swap3A_484 = arith.index_cast %add3A_445 : i32 to index
        %swap3A_485 = tpu.vector_load %arg8[%swap3A_483, %swap3A_484] {strides = array<i32>} : memref<2x8192xf32, #tpu.memory_space<vmem>>, vector<16xf32>,
        tpu.vector_store %arg8[%swap3A_483, %swap3A_484], %select_n3A_478 {strides = array<i32>} : memref<2x8192xf32, #tpu.memory_space<vmem>>, vector<16xf32>,
        %swap3A_486 = arith.constant 0 : i32
        %swap3A_487 = arith.index_cast %swap3A_486 : i32 to index
        %swap3A_488 = arith.index_cast %add3A_445 : i32 to index
        %swap3A_489 = tpu.vector_load %arg9[%swap3A_487, %swap3A_488] {strides = array<i32>} : memref<2x8192xi32, #tpu.memory_space<vmem>>, vector<16xi32>,
        tpu.vector_store %arg9[%swap3A_487, %swap3A_488], %select_n3A_481 {strides = array<i32>} : memref<2x8192xi32, #tpu.memory_space<vmem>>, vector<16xi32>,
        %mul3A_490 = arith.constant 128 : i32
        %mul3A_491 = arith.muli %scan3A_340, %mul3A_490 : i32
        %add3A_492 = arith.constant 48 : i32
        %add3A_493 = arith.addi %mul3A_491, %add3A_492 : i32
        %get3A_494 = arith.constant 0 : i32
        %get3A_495 = arith.index_cast %get3A_494 : i32 to index
        %get3A_496 = arith.index_cast %add3A_493 : i32 to index
        %get3A_497 = tpu.vector_load %arg6[%get3A_495, %get3A_496] {strides = array<i32>} : memref<2x8192xf32, #tpu.memory_space<vmem>>, vector<16xf32>,
        %mul3A_498 = arith.constant 3.8197186 : f32
        %mul3A_499 = vector.broadcast %mul3A_498 : f32 to vector<16xf32>
        %mul3A_500 = arith.mulf %get3A_497, %mul3A_499 : vector<16xf32>
        %add3A_501 = arith.constant 1.200000e+01 : f32
        %add3A_502 = vector.broadcast %add3A_501 : f32 to vector<16xf32>
        %add3A_503 = arith.addf %mul3A_500, %add3A_502 : vector<16xf32>
        %convert_element_type3A_504 = arith.fptosi %add3A_503 : vector<16xf32> to vector<16xi32>
        %min3A_505 = arith.constant 23 : i32
        %min3A_506 = vector.broadcast %min3A_505 : i32 to vector<16xi32>
        %min3A_507 = arith.minsi %convert_element_type3A_504, %min3A_506 : vector<16xi32>
        %convert_element_type3A_508 = arith.sitofp %min3A_507 : vector<16xi32> to vector<16xf32>
        %add3A_509 = arith.constant 5.000000e-01 : f32
        %add3A_510 = vector.broadcast %add3A_509 : f32 to vector<16xf32>
        %add3A_511 = arith.addf %convert_element_type3A_508, %add3A_510 : vector<16xf32>
        %mul3A_512 = arith.constant 0.261799395 : f32
        %mul3A_513 = vector.broadcast %mul3A_512 : f32 to vector<16xf32>
        %mul3A_514 = arith.mulf %add3A_511, %mul3A_513 : vector<16xf32>
        %sub3A_515 = arith.constant 3.14159274 : f32
        %sub3A_516 = vector.broadcast %sub3A_515 : f32 to vector<16xf32>
        %sub3A_517 = arith.subf %mul3A_514, %sub3A_516 : vector<16xf32>
        %and3A_518 = arith.constant 16777216 : i32
        %and3A_519 = vector.broadcast %and3A_518 : i32 to vector<16xi32>
        %and3A_520 = arith.andi %get3A_345, %and3A_519 : vector<16xi32>
        %ne3A_521 = arith.constant 0 : i32
        %ne3A_522 = vector.broadcast %ne3A_521 : i32 to vector<16xi32>
        %ne3A_523 = arith.cmpi ne, %and3A_520, %ne3A_522 : vector<16xi32>
        %jit3A_524 = arith.constant 0.000000e+00 : f32
        %broadcast_in_dim3A_525 = vector.broadcast %jit3A_524 : f32 to vector<16xf32>
        %select_n3A_526 = arith.select %ne3A_523, %broadcast_in_dim3A_525, %sub3A_517 : vector<16xi1>, vector<16xf32>
        %jit3A_527 = arith.constant 24 : i32
        %broadcast_in_dim3A_528 = vector.broadcast %jit3A_527 : i32 to vector<16xi32>
        %select_n3A_529 = arith.select %ne3A_523, %broadcast_in_dim3A_528, %min3A_507 : vector<16xi1>, vector<16xi32>
        %swap3A_530 = arith.constant 0 : i32
        %swap3A_531 = arith.index_cast %swap3A_530 : i32 to index
        %swap3A_532 = arith.index_cast %add3A_493 : i32 to index
        %swap3A_533 = tpu.vector_load %arg8[%swap3A_531, %swap3A_532] {strides = array<i32>} : memref<2x8192xf32, #tpu.memory_space<vmem>>, vector<16xf32>,
        tpu.vector_store %arg8[%swap3A_531, %swap3A_532], %select_n3A_526 {strides = array<i32>} : memref<2x8192xf32, #tpu.memory_space<vmem>>, vector<16xf32>,
        %swap3A_534 = arith.constant 0 : i32
        %swap3A_535 = arith.index_cast %swap3A_534 : i32 to index
        %swap3A_536 = arith.index_cast %add3A_493 : i32 to index
        %swap3A_537 = tpu.vector_load %arg9[%swap3A_535, %swap3A_536] {strides = array<i32>} : memref<2x8192xi32, #tpu.memory_space<vmem>>, vector<16xi32>,
        tpu.vector_store %arg9[%swap3A_535, %swap3A_536], %select_n3A_529 {strides = array<i32>} : memref<2x8192xi32, #tpu.memory_space<vmem>>, vector<16xi32>,
        %mul3A_538 = arith.constant 128 : i32
        %mul3A_539 = arith.muli %scan3A_340, %mul3A_538 : i32
        %add3A_540 = arith.constant 64 : i32
        %add3A_541 = arith.addi %mul3A_539, %add3A_540 : i32
        %get3A_542 = arith.constant 0 : i32
        %get3A_543 = arith.index_cast %get3A_542 : i32 to index
        %get3A_544 = arith.index_cast %add3A_541 : i32 to index
        %get3A_545 = tpu.vector_load %arg6[%get3A_543, %get3A_544] {strides = array<i32>} : memref<2x8192xf32, #tpu.memory_space<vmem>>, vector<16xf32>,
        %mul3A_546 = arith.constant 3.8197186 : f32
        %mul3A_547 = vector.broadcast %mul3A_546 : f32 to vector<16xf32>
        %mul3A_548 = arith.mulf %get3A_545, %mul3A_547 : vector<16xf32>
        %add3A_549 = arith.constant 1.200000e+01 : f32
        %add3A_550 = vector.broadcast %add3A_549 : f32 to vector<16xf32>
        %add3A_551 = arith.addf %mul3A_548, %add3A_550 : vector<16xf32>
        %convert_element_type3A_552 = arith.fptosi %add3A_551 : vector<16xf32> to vector<16xi32>
        %min3A_553 = arith.constant 23 : i32
        %min3A_554 = vector.broadcast %min3A_553 : i32 to vector<16xi32>
        %min3A_555 = arith.minsi %convert_element_type3A_552, %min3A_554 : vector<16xi32>
        %convert_element_type3A_556 = arith.sitofp %min3A_555 : vector<16xi32> to vector<16xf32>
        %add3A_557 = arith.constant 5.000000e-01 : f32
        %add3A_558 = vector.broadcast %add3A_557 : f32 to vector<16xf32>
        %add3A_559 = arith.addf %convert_element_type3A_556, %add3A_558 : vector<16xf32>
        %mul3A_560 = arith.constant 0.261799395 : f32
        %mul3A_561 = vector.broadcast %mul3A_560 : f32 to vector<16xf32>
        %mul3A_562 = arith.mulf %add3A_559, %mul3A_561 : vector<16xf32>
        %sub3A_563 = arith.constant 3.14159274 : f32
        %sub3A_564 = vector.broadcast %sub3A_563 : f32 to vector<16xf32>
        %sub3A_565 = arith.subf %mul3A_562, %sub3A_564 : vector<16xf32>
        %and3A_566 = arith.constant 1 : i32
        %and3A_567 = vector.broadcast %and3A_566 : i32 to vector<16xi32>
        %and3A_568 = arith.andi %get3A_353, %and3A_567 : vector<16xi32>
        %ne3A_569 = arith.constant 0 : i32
        %ne3A_570 = vector.broadcast %ne3A_569 : i32 to vector<16xi32>
        %ne3A_571 = arith.cmpi ne, %and3A_568, %ne3A_570 : vector<16xi32>
        %jit3A_572 = arith.constant 0.000000e+00 : f32
        %broadcast_in_dim3A_573 = vector.broadcast %jit3A_572 : f32 to vector<16xf32>
        %select_n3A_574 = arith.select %ne3A_571, %broadcast_in_dim3A_573, %sub3A_565 : vector<16xi1>, vector<16xf32>
        %jit3A_575 = arith.constant 24 : i32
        %broadcast_in_dim3A_576 = vector.broadcast %jit3A_575 : i32 to vector<16xi32>
        %select_n3A_577 = arith.select %ne3A_571, %broadcast_in_dim3A_576, %min3A_555 : vector<16xi1>, vector<16xi32>
        %swap3A_578 = arith.constant 0 : i32
        %swap3A_579 = arith.index_cast %swap3A_578 : i32 to index
        %swap3A_580 = arith.index_cast %add3A_541 : i32 to index
        %swap3A_581 = tpu.vector_load %arg8[%swap3A_579, %swap3A_580] {strides = array<i32>} : memref<2x8192xf32, #tpu.memory_space<vmem>>, vector<16xf32>,
        tpu.vector_store %arg8[%swap3A_579, %swap3A_580], %select_n3A_574 {strides = array<i32>} : memref<2x8192xf32, #tpu.memory_space<vmem>>, vector<16xf32>,
        %swap3A_582 = arith.constant 0 : i32
        %swap3A_583 = arith.index_cast %swap3A_582 : i32 to index
        %swap3A_584 = arith.index_cast %add3A_541 : i32 to index
        %swap3A_585 = tpu.vector_load %arg9[%swap3A_583, %swap3A_584] {strides = array<i32>} : memref<2x8192xi32, #tpu.memory_space<vmem>>, vector<16xi32>,
        tpu.vector_store %arg9[%swap3A_583, %swap3A_584], %select_n3A_577 {strides = array<i32>} : memref<2x8192xi32, #tpu.memory_space<vmem>>, vector<16xi32>,
        %mul3A_586 = arith.constant 128 : i32
        %mul3A_587 = arith.muli %scan3A_340, %mul3A_586 : i32
        %add3A_588 = arith.constant 80 : i32
        %add3A_589 = arith.addi %mul3A_587, %add3A_588 : i32
        %get3A_590 = arith.constant 0 : i32
        %get3A_591 = arith.index_cast %get3A_590 : i32 to index
        %get3A_592 = arith.index_cast %add3A_589 : i32 to index
        %get3A_593 = tpu.vector_load %arg6[%get3A_591, %get3A_592] {strides = array<i32>} : memref<2x8192xf32, #tpu.memory_space<vmem>>, vector<16xf32>,
        %mul3A_594 = arith.constant 3.8197186 : f32
        %mul3A_595 = vector.broadcast %mul3A_594 : f32 to vector<16xf32>
        %mul3A_596 = arith.mulf %get3A_593, %mul3A_595 : vector<16xf32>
        %add3A_597 = arith.constant 1.200000e+01 : f32
        %add3A_598 = vector.broadcast %add3A_597 : f32 to vector<16xf32>
        %add3A_599 = arith.addf %mul3A_596, %add3A_598 : vector<16xf32>
        %convert_element_type3A_600 = arith.fptosi %add3A_599 : vector<16xf32> to vector<16xi32>
        %min3A_601 = arith.constant 23 : i32
        %min3A_602 = vector.broadcast %min3A_601 : i32 to vector<16xi32>
        %min3A_603 = arith.minsi %convert_element_type3A_600, %min3A_602 : vector<16xi32>
        %convert_element_type3A_604 = arith.sitofp %min3A_603 : vector<16xi32> to vector<16xf32>
        %add3A_605 = arith.constant 5.000000e-01 : f32
        %add3A_606 = vector.broadcast %add3A_605 : f32 to vector<16xf32>
        %add3A_607 = arith.addf %convert_element_type3A_604, %add3A_606 : vector<16xf32>
        %mul3A_608 = arith.constant 0.261799395 : f32
        %mul3A_609 = vector.broadcast %mul3A_608 : f32 to vector<16xf32>
        %mul3A_610 = arith.mulf %add3A_607, %mul3A_609 : vector<16xf32>
        %sub3A_611 = arith.constant 3.14159274 : f32
        %sub3A_612 = vector.broadcast %sub3A_611 : f32 to vector<16xf32>
        %sub3A_613 = arith.subf %mul3A_610, %sub3A_612 : vector<16xf32>
        %and3A_614 = arith.constant 256 : i32
        %and3A_615 = vector.broadcast %and3A_614 : i32 to vector<16xi32>
        %and3A_616 = arith.andi %get3A_353, %and3A_615 : vector<16xi32>
        %ne3A_617 = arith.constant 0 : i32
        %ne3A_618 = vector.broadcast %ne3A_617 : i32 to vector<16xi32>
        %ne3A_619 = arith.cmpi ne, %and3A_616, %ne3A_618 : vector<16xi32>
        %jit3A_620 = arith.constant 0.000000e+00 : f32
        %broadcast_in_dim3A_621 = vector.broadcast %jit3A_620 : f32 to vector<16xf32>
        %select_n3A_622 = arith.select %ne3A_619, %broadcast_in_dim3A_621, %sub3A_613 : vector<16xi1>, vector<16xf32>
        %jit3A_623 = arith.constant 24 : i32
        %broadcast_in_dim3A_624 = vector.broadcast %jit3A_623 : i32 to vector<16xi32>
        %select_n3A_625 = arith.select %ne3A_619, %broadcast_in_dim3A_624, %min3A_603 : vector<16xi1>, vector<16xi32>
        %swap3A_626 = arith.constant 0 : i32
        %swap3A_627 = arith.index_cast %swap3A_626 : i32 to index
        %swap3A_628 = arith.index_cast %add3A_589 : i32 to index
        %swap3A_629 = tpu.vector_load %arg8[%swap3A_627, %swap3A_628] {strides = array<i32>} : memref<2x8192xf32, #tpu.memory_space<vmem>>, vector<16xf32>,
        tpu.vector_store %arg8[%swap3A_627, %swap3A_628], %select_n3A_622 {strides = array<i32>} : memref<2x8192xf32, #tpu.memory_space<vmem>>, vector<16xf32>,
        %swap3A_630 = arith.constant 0 : i32
        %swap3A_631 = arith.index_cast %swap3A_630 : i32 to index
        %swap3A_632 = arith.index_cast %add3A_589 : i32 to index
        %swap3A_633 = tpu.vector_load %arg9[%swap3A_631, %swap3A_632] {strides = array<i32>} : memref<2x8192xi32, #tpu.memory_space<vmem>>, vector<16xi32>,
        tpu.vector_store %arg9[%swap3A_631, %swap3A_632], %select_n3A_625 {strides = array<i32>} : memref<2x8192xi32, #tpu.memory_space<vmem>>, vector<16xi32>,
        %mul3A_634 = arith.constant 128 : i32
        %mul3A_635 = arith.muli %scan3A_340, %mul3A_634 : i32
        %add3A_636 = arith.constant 96 : i32
        %add3A_637 = arith.addi %mul3A_635, %add3A_636 : i32
        %get3A_638 = arith.constant 0 : i32
        %get3A_639 = arith.index_cast %get3A_638 : i32 to index
        %get3A_640 = arith.index_cast %add3A_637 : i32 to index
        %get3A_641 = tpu.vector_load %arg6[%get3A_639, %get3A_640] {strides = array<i32>} : memref<2x8192xf32, #tpu.memory_space<vmem>>, vector<16xf32>,
        %mul3A_642 = arith.constant 3.8197186 : f32
        %mul3A_643 = vector.broadcast %mul3A_642 : f32 to vector<16xf32>
        %mul3A_644 = arith.mulf %get3A_641, %mul3A_643 : vector<16xf32>
        %add3A_645 = arith.constant 1.200000e+01 : f32
        %add3A_646 = vector.broadcast %add3A_645 : f32 to vector<16xf32>
        %add3A_647 = arith.addf %mul3A_644, %add3A_646 : vector<16xf32>
        %convert_element_type3A_648 = arith.fptosi %add3A_647 : vector<16xf32> to vector<16xi32>
        %min3A_649 = arith.constant 23 : i32
        %min3A_650 = vector.broadcast %min3A_649 : i32 to vector<16xi32>
        %min3A_651 = arith.minsi %convert_element_type3A_648, %min3A_650 : vector<16xi32>
        %convert_element_type3A_652 = arith.sitofp %min3A_651 : vector<16xi32> to vector<16xf32>
        %add3A_653 = arith.constant 5.000000e-01 : f32
        %add3A_654 = vector.broadcast %add3A_653 : f32 to vector<16xf32>
        %add3A_655 = arith.addf %convert_element_type3A_652, %add3A_654 : vector<16xf32>
        %mul3A_656 = arith.constant 0.261799395 : f32
        %mul3A_657 = vector.broadcast %mul3A_656 : f32 to vector<16xf32>
        %mul3A_658 = arith.mulf %add3A_655, %mul3A_657 : vector<16xf32>
        %sub3A_659 = arith.constant 3.14159274 : f32
        %sub3A_660 = vector.broadcast %sub3A_659 : f32 to vector<16xf32>
        %sub3A_661 = arith.subf %mul3A_658, %sub3A_660 : vector<16xf32>
        %and3A_662 = arith.constant 65536 : i32
        %and3A_663 = vector.broadcast %and3A_662 : i32 to vector<16xi32>
        %and3A_664 = arith.andi %get3A_353, %and3A_663 : vector<16xi32>
        %ne3A_665 = arith.constant 0 : i32
        %ne3A_666 = vector.broadcast %ne3A_665 : i32 to vector<16xi32>
        %ne3A_667 = arith.cmpi ne, %and3A_664, %ne3A_666 : vector<16xi32>
        %jit3A_668 = arith.constant 0.000000e+00 : f32
        %broadcast_in_dim3A_669 = vector.broadcast %jit3A_668 : f32 to vector<16xf32>
        %select_n3A_670 = arith.select %ne3A_667, %broadcast_in_dim3A_669, %sub3A_661 : vector<16xi1>, vector<16xf32>
        %jit3A_671 = arith.constant 24 : i32
        %broadcast_in_dim3A_672 = vector.broadcast %jit3A_671 : i32 to vector<16xi32>
        %select_n3A_673 = arith.select %ne3A_667, %broadcast_in_dim3A_672, %min3A_651 : vector<16xi1>, vector<16xi32>
        %swap3A_674 = arith.constant 0 : i32
        %swap3A_675 = arith.index_cast %swap3A_674 : i32 to index
        %swap3A_676 = arith.index_cast %add3A_637 : i32 to index
        %swap3A_677 = tpu.vector_load %arg8[%swap3A_675, %swap3A_676] {strides = array<i32>} : memref<2x8192xf32, #tpu.memory_space<vmem>>, vector<16xf32>,
        tpu.vector_store %arg8[%swap3A_675, %swap3A_676], %select_n3A_670 {strides = array<i32>} : memref<2x8192xf32, #tpu.memory_space<vmem>>, vector<16xf32>,
        %swap3A_678 = arith.constant 0 : i32
        %swap3A_679 = arith.index_cast %swap3A_678 : i32 to index
        %swap3A_680 = arith.index_cast %add3A_637 : i32 to index
        %swap3A_681 = tpu.vector_load %arg9[%swap3A_679, %swap3A_680] {strides = array<i32>} : memref<2x8192xi32, #tpu.memory_space<vmem>>, vector<16xi32>,
        tpu.vector_store %arg9[%swap3A_679, %swap3A_680], %select_n3A_673 {strides = array<i32>} : memref<2x8192xi32, #tpu.memory_space<vmem>>, vector<16xi32>,
        %mul3A_682 = arith.constant 128 : i32
        %mul3A_683 = arith.muli %scan3A_340, %mul3A_682 : i32
        %add3A_684 = arith.constant 112 : i32
        %add3A_685 = arith.addi %mul3A_683, %add3A_684 : i32
        %get3A_686 = arith.constant 0 : i32
        %get3A_687 = arith.index_cast %get3A_686 : i32 to index
        %get3A_688 = arith.index_cast %add3A_685 : i32 to index
        %get3A_689 = tpu.vector_load %arg6[%get3A_687, %get3A_688] {strides = array<i32>} : memref<2x8192xf32, #tpu.memory_space<vmem>>, vector<16xf32>,
        %mul3A_690 = arith.constant 3.8197186 : f32
        %mul3A_691 = vector.broadcast %mul3A_690 : f32 to vector<16xf32>
        %mul3A_692 = arith.mulf %get3A_689, %mul3A_691 : vector<16xf32>
        %add3A_693 = arith.constant 1.200000e+01 : f32
        %add3A_694 = vector.broadcast %add3A_693 : f32 to vector<16xf32>
        %add3A_695 = arith.addf %mul3A_692, %add3A_694 : vector<16xf32>
        %convert_element_type3A_696 = arith.fptosi %add3A_695 : vector<16xf32> to vector<16xi32>
        %min3A_697 = arith.constant 23 : i32
        %min3A_698 = vector.broadcast %min3A_697 : i32 to vector<16xi32>
        %min3A_699 = arith.minsi %convert_element_type3A_696, %min3A_698 : vector<16xi32>
        %convert_element_type3A_700 = arith.sitofp %min3A_699 : vector<16xi32> to vector<16xf32>
        %add3A_701 = arith.constant 5.000000e-01 : f32
        %add3A_702 = vector.broadcast %add3A_701 : f32 to vector<16xf32>
        %add3A_703 = arith.addf %convert_element_type3A_700, %add3A_702 : vector<16xf32>
        %mul3A_704 = arith.constant 0.261799395 : f32
        %mul3A_705 = vector.broadcast %mul3A_704 : f32 to vector<16xf32>
        %mul3A_706 = arith.mulf %add3A_703, %mul3A_705 : vector<16xf32>
        %sub3A_707 = arith.constant 3.14159274 : f32
        %sub3A_708 = vector.broadcast %sub3A_707 : f32 to vector<16xf32>
        %sub3A_709 = arith.subf %mul3A_706, %sub3A_708 : vector<16xf32>
        %and3A_710 = arith.constant 16777216 : i32
        %and3A_711 = vector.broadcast %and3A_710 : i32 to vector<16xi32>
        %and3A_712 = arith.andi %get3A_353, %and3A_711 : vector<16xi32>
        %ne3A_713 = arith.constant 0 : i32
        %ne3A_714 = vector.broadcast %ne3A_713 : i32 to vector<16xi32>
        %ne3A_715 = arith.cmpi ne, %and3A_712, %ne3A_714 : vector<16xi32>
        %jit3A_716 = arith.constant 0.000000e+00 : f32
        %broadcast_in_dim3A_717 = vector.broadcast %jit3A_716 : f32 to vector<16xf32>
        %select_n3A_718 = arith.select %ne3A_715, %broadcast_in_dim3A_717, %sub3A_709 : vector<16xi1>, vector<16xf32>
        %jit3A_719 = arith.constant 24 : i32
        %broadcast_in_dim3A_720 = vector.broadcast %jit3A_719 : i32 to vector<16xi32>
        %select_n3A_721 = arith.select %ne3A_715, %broadcast_in_dim3A_720, %min3A_699 : vector<16xi1>, vector<16xi32>
        %swap3A_722 = arith.constant 0 : i32
        %swap3A_723 = arith.index_cast %swap3A_722 : i32 to index
        %swap3A_724 = arith.index_cast %add3A_685 : i32 to index
        %swap3A_725 = tpu.vector_load %arg8[%swap3A_723, %swap3A_724] {strides = array<i32>} : memref<2x8192xf32, #tpu.memory_space<vmem>>, vector<16xf32>,
        tpu.vector_store %arg8[%swap3A_723, %swap3A_724], %select_n3A_718 {strides = array<i32>} : memref<2x8192xf32, #tpu.memory_space<vmem>>, vector<16xf32>,
        %swap3A_726 = arith.constant 0 : i32
        %swap3A_727 = arith.index_cast %swap3A_726 : i32 to index
        %swap3A_728 = arith.index_cast %add3A_685 : i32 to index
        %swap3A_729 = tpu.vector_load %arg9[%swap3A_727, %swap3A_728] {strides = array<i32>} : memref<2x8192xi32, #tpu.memory_space<vmem>>, vector<16xi32>,
        tpu.vector_store %arg9[%swap3A_727, %swap3A_728], %select_n3A_721 {strides = array<i32>} : memref<2x8192xi32, #tpu.memory_space<vmem>>, vector<16xi32>,
      }
      %scan3A_253 = arith.constant 64 : i32
      %mul3A_254 = arith.constant 8192 : i32
      %mul3A_255 = arith.muli %add3A_215, %mul3A_254 : i32
      %add3A_256 = arith.addi %add3A_4, %mul3A_255 : i32
      %dma_start3A_257 = arith.constant 0 : i32
      %dma_start3A_258 = arith.constant 0 : i32
      %dma_start3A_259 = tpu.memref_slice %arg8[%dma_start3A_257, %dma_start3A_258] : memref<2x8192xf32, #tpu.memory_space<vmem>> -> memref<1x8192xf32, #tpu.memory_space<vmem>>
      %dma_start3A_260 = tpu.memref_squeeze %dma_start3A_259 : memref<1x8192xf32, #tpu.memory_space<vmem>> -> memref<8192xf32, #tpu.memory_space<vmem>>
      %dma_start3A_261 = tpu.memref_slice %arg4[%add3A_256] : memref<25165824xf32, #tpu.memory_space<hbm>> -> memref<8192xf32, #tpu.memory_space<hbm>>
      %dma_start3A_262 = tpu.memref_slice %arg4[%add3A_256] : memref<25165824xf32, #tpu.memory_space<hbm>> -> memref<8192xf32, #tpu.memory_space<hbm>>
      %dma_start3A_263 = arith.constant 0 : i32
      %dma_start3A_264 = tpu.memref_slice %arg8[%dma_start3A_257, %dma_start3A_263] : memref<2x8192xf32, #tpu.memory_space<vmem>> -> memref<1x8192xf32, #tpu.memory_space<vmem>>
      %dma_start3A_265 = tpu.memref_squeeze %dma_start3A_264 : memref<1x8192xf32, #tpu.memory_space<vmem>> -> memref<8192xf32, #tpu.memory_space<vmem>>
      tpu.enqueue_dma source(%dma_start3A_265 : memref<8192xf32, #tpu.memory_space<vmem>>) target(%dma_start3A_262 : memref<8192xf32, #tpu.memory_space<hbm>>) target_semaphore(%arg14 : memref<!tpu.dma_semaphore, #tpu.memory_space<semaphore_mem>>)
      %dma_start3A_266 = arith.constant 0 : i32
      %dma_start3A_267 = arith.constant 0 : i32
      %dma_start3A_268 = tpu.memref_slice %arg9[%dma_start3A_266, %dma_start3A_267] : memref<2x8192xi32, #tpu.memory_space<vmem>> -> memref<1x8192xi32, #tpu.memory_space<vmem>>
      %dma_start3A_269 = tpu.memref_squeeze %dma_start3A_268 : memref<1x8192xi32, #tpu.memory_space<vmem>> -> memref<8192xi32, #tpu.memory_space<vmem>>
      %dma_start3A_270 = tpu.memref_slice %arg5[%add3A_256] : memref<25165824xi32, #tpu.memory_space<hbm>> -> memref<8192xi32, #tpu.memory_space<hbm>>
      %dma_start3A_271 = tpu.memref_slice %arg5[%add3A_256] : memref<25165824xi32, #tpu.memory_space<hbm>> -> memref<8192xi32, #tpu.memory_space<hbm>>
      %dma_start3A_272 = arith.constant 0 : i32
      %dma_start3A_273 = tpu.memref_slice %arg9[%dma_start3A_266, %dma_start3A_272] : memref<2x8192xi32, #tpu.memory_space<vmem>> -> memref<1x8192xi32, #tpu.memory_space<vmem>>
      %dma_start3A_274 = tpu.memref_squeeze %dma_start3A_273 : memref<1x8192xi32, #tpu.memory_space<vmem>> -> memref<8192xi32, #tpu.memory_space<vmem>>
      tpu.enqueue_dma source(%dma_start3A_274 : memref<8192xi32, #tpu.memory_space<vmem>>) target(%dma_start3A_271 : memref<8192xi32, #tpu.memory_space<hbm>>) target_semaphore(%arg16 : memref<!tpu.dma_semaphore, #tpu.memory_space<semaphore_mem>>)
      %add3A_275 = arith.constant 1 : i32
      %add3A_276 = arith.addi %mul3A_213, %add3A_275 : i32
      %add3A_277 = arith.constant 1 : i32
      %add3A_278 = arith.addi %add3A_276, %add3A_277 : i32
      %lt3A_279 = arith.constant 32 : i32
      %lt3A_280 = arith.cmpi slt, %add3A_278, %lt3A_279 : i32
      %convert_element_type3A_281 = arith.extui %lt3A_280 : i1 to i32
      %cond3A_282 = arith.constant 0 : i32
      %cond3A_283 = arith.cmpi ne, %convert_element_type3A_281, %cond3A_282 : i32
      scf.if %cond3A_283 {
        %mul3A_340 = arith.constant 8192 : i32
        %mul3A_341 = arith.muli %add3A_278, %mul3A_340 : i32
        %add3A_342 = arith.addi %add3A_4, %mul3A_341 : i32
        %dma_start3A_343 = arith.constant 0 : i32
        %dma_start3A_344 = arith.constant 0 : i32
        %dma_start3A_345 = tpu.memref_slice %arg6[%dma_start3A_343, %dma_start3A_344] : memref<2x8192xf32, #tpu.memory_space<vmem>> -> memref<1x8192xf32, #tpu.memory_space<vmem>>
        %dma_start3A_346 = tpu.memref_squeeze %dma_start3A_345 : memref<1x8192xf32, #tpu.memory_space<vmem>> -> memref<8192xf32, #tpu.memory_space<vmem>>
        %dma_start3A_347 = tpu.memref_slice %arg2[%add3A_342] : memref<25165824xf32, #tpu.memory_space<hbm>> -> memref<8192xf32, #tpu.memory_space<hbm>>
        %dma_start3A_348 = arith.constant 0 : i32
        %dma_start3A_349 = tpu.memref_slice %arg6[%dma_start3A_343, %dma_start3A_348] : memref<2x8192xf32, #tpu.memory_space<vmem>> -> memref<1x8192xf32, #tpu.memory_space<vmem>>
        %dma_start3A_350 = tpu.memref_squeeze %dma_start3A_349 : memref<1x8192xf32, #tpu.memory_space<vmem>> -> memref<8192xf32, #tpu.memory_space<vmem>>
        %dma_start3A_351 = tpu.memref_slice %arg2[%add3A_342] : memref<25165824xf32, #tpu.memory_space<hbm>> -> memref<8192xf32, #tpu.memory_space<hbm>>
        tpu.enqueue_dma source(%dma_start3A_351 : memref<8192xf32, #tpu.memory_space<hbm>>) target(%dma_start3A_350 : memref<8192xf32, #tpu.memory_space<vmem>>) target_semaphore(%arg10 : memref<!tpu.dma_semaphore, #tpu.memory_space<semaphore_mem>>)
        %mul3A_352 = arith.constant 2048 : i32
        %mul3A_353 = arith.muli %add3A_278, %mul3A_352 : i32
        %add3A_354 = arith.addi %add3A_8, %mul3A_353 : i32
        %dma_start3A_355 = arith.constant 0 : i32
        %dma_start3A_356 = arith.constant 0 : i32
        %dma_start3A_357 = tpu.memref_slice %arg7[%dma_start3A_355, %dma_start3A_356] : memref<2x2048xi32, #tpu.memory_space<vmem>> -> memref<1x2048xi32, #tpu.memory_space<vmem>>
        %dma_start3A_358 = tpu.memref_squeeze %dma_start3A_357 : memref<1x2048xi32, #tpu.memory_space<vmem>> -> memref<2048xi32, #tpu.memory_space<vmem>>
        %dma_start3A_359 = tpu.memref_slice %arg3[%add3A_354] : memref<4194304xi32, #tpu.memory_space<hbm>> -> memref<2048xi32, #tpu.memory_space<hbm>>
        %dma_start3A_360 = arith.constant 0 : i32
        %dma_start3A_361 = tpu.memref_slice %arg7[%dma_start3A_355, %dma_start3A_360] : memref<2x2048xi32, #tpu.memory_space<vmem>> -> memref<1x2048xi32, #tpu.memory_space<vmem>>
        %dma_start3A_362 = tpu.memref_squeeze %dma_start3A_361 : memref<1x2048xi32, #tpu.memory_space<vmem>> -> memref<2048xi32, #tpu.memory_space<vmem>>
        %dma_start3A_363 = tpu.memref_slice %arg3[%add3A_354] : memref<4194304xi32, #tpu.memory_space<hbm>> -> memref<2048xi32, #tpu.memory_space<hbm>>
        tpu.enqueue_dma source(%dma_start3A_363 : memref<2048xi32, #tpu.memory_space<hbm>>) target(%dma_start3A_362 : memref<2048xi32, #tpu.memory_space<vmem>>) target_semaphore(%arg12 : memref<!tpu.dma_semaphore, #tpu.memory_space<semaphore_mem>>)
      } else {
      }
      %mul3A_284 = arith.constant 8192 : i32
      %mul3A_285 = arith.muli %add3A_276, %mul3A_284 : i32
      %add3A_286 = arith.addi %add3A_4, %mul3A_285 : i32
      %dma_wait3A_287 = arith.constant 1 : i32
      %dma_wait3A_288 = arith.constant 0 : i32
      %dma_wait3A_289 = tpu.memref_slice %arg6[%dma_wait3A_287, %dma_wait3A_288] : memref<2x8192xf32, #tpu.memory_space<vmem>> -> memref<1x8192xf32, #tpu.memory_space<vmem>>
      %dma_wait3A_290 = tpu.memref_squeeze %dma_wait3A_289 : memref<1x8192xf32, #tpu.memory_space<vmem>> -> memref<8192xf32, #tpu.memory_space<vmem>>
      %dma_wait3A_291 = tpu.memref_slice %arg2[%add3A_286] : memref<25165824xf32, #tpu.memory_space<hbm>> -> memref<8192xf32, #tpu.memory_space<hbm>>
      %dma_wait3A_292 = arith.constant 0 : i32
      %dma_wait3A_293 = tpu.memref_slice %arg6[%dma_wait3A_287, %dma_wait3A_292] : memref<2x8192xf32, #tpu.memory_space<vmem>> -> memref<1x8192xf32, #tpu.memory_space<vmem>>
      %dma_wait3A_294 = tpu.memref_squeeze %dma_wait3A_293 : memref<1x8192xf32, #tpu.memory_space<vmem>> -> memref<8192xf32, #tpu.memory_space<vmem>>
      %dma_wait3A_295 = tpu.memref_slice %arg2[%add3A_286] : memref<25165824xf32, #tpu.memory_space<hbm>> -> memref<8192xf32, #tpu.memory_space<hbm>>
      tpu.wait_dma2 semaphore(%arg11 : memref<!tpu.dma_semaphore, #tpu.memory_space<semaphore_mem>>) src(%dma_wait3A_295 : memref<8192xf32, #tpu.memory_space<hbm>>) dst(%dma_wait3A_294 : memref<8192xf32, #tpu.memory_space<vmem>>)
      %mul3A_296 = arith.constant 2048 : i32
      %mul3A_297 = arith.muli %add3A_276, %mul3A_296 : i32
      %add3A_298 = arith.addi %add3A_8, %mul3A_297 : i32
      %dma_wait3A_299 = arith.constant 1 : i32
      %dma_wait3A_300 = arith.constant 0 : i32
      %dma_wait3A_301 = tpu.memref_slice %arg7[%dma_wait3A_299, %dma_wait3A_300] : memref<2x2048xi32, #tpu.memory_space<vmem>> -> memref<1x2048xi32, #tpu.memory_space<vmem>>
      %dma_wait3A_302 = tpu.memref_squeeze %dma_wait3A_301 : memref<1x2048xi32, #tpu.memory_space<vmem>> -> memref<2048xi32, #tpu.memory_space<vmem>>
      %dma_wait3A_303 = tpu.memref_slice %arg3[%add3A_298] : memref<4194304xi32, #tpu.memory_space<hbm>> -> memref<2048xi32, #tpu.memory_space<hbm>>
      %dma_wait3A_304 = arith.constant 0 : i32
      %dma_wait3A_305 = tpu.memref_slice %arg7[%dma_wait3A_299, %dma_wait3A_304] : memref<2x2048xi32, #tpu.memory_space<vmem>> -> memref<1x2048xi32, #tpu.memory_space<vmem>>
      %dma_wait3A_306 = tpu.memref_squeeze %dma_wait3A_305 : memref<1x2048xi32, #tpu.memory_space<vmem>> -> memref<2048xi32, #tpu.memory_space<vmem>>
      %dma_wait3A_307 = tpu.memref_slice %arg3[%add3A_298] : memref<4194304xi32, #tpu.memory_space<hbm>> -> memref<2048xi32, #tpu.memory_space<hbm>>
      tpu.wait_dma2 semaphore(%arg13 : memref<!tpu.dma_semaphore, #tpu.memory_space<semaphore_mem>>) src(%dma_wait3A_307 : memref<2048xi32, #tpu.memory_space<hbm>>) dst(%dma_wait3A_306 : memref<2048xi32, #tpu.memory_space<vmem>>)
      %ge3A_308 = arith.constant 2 : i32
      %ge3A_309 = arith.cmpi sge, %add3A_276, %ge3A_308 : i32
      %convert_element_type3A_310 = arith.extui %ge3A_309 : i1 to i32
      %cond3A_311 = arith.constant 0 : i32
      %cond3A_312 = arith.cmpi ne, %convert_element_type3A_310, %cond3A_311 : i32
      scf.if %cond3A_312 {
        %sub3A = arith.constant 2 : i32
        %sub3A_340 = arith.subi %add3A_276, %sub3A : i32
        %mul3A_341 = arith.constant 8192 : i32
        %mul3A_342 = arith.muli %sub3A_340, %mul3A_341 : i32
        %add3A_343 = arith.addi %add3A_4, %mul3A_342 : i32
        %dma_wait3A_344 = arith.constant 1 : i32
        %dma_wait3A_345 = arith.constant 0 : i32
        %dma_wait3A_346 = tpu.memref_slice %arg8[%dma_wait3A_344, %dma_wait3A_345] : memref<2x8192xf32, #tpu.memory_space<vmem>> -> memref<1x8192xf32, #tpu.memory_space<vmem>>
        %dma_wait3A_347 = tpu.memref_squeeze %dma_wait3A_346 : memref<1x8192xf32, #tpu.memory_space<vmem>> -> memref<8192xf32, #tpu.memory_space<vmem>>
        %dma_wait3A_348 = tpu.memref_slice %arg4[%add3A_343] : memref<25165824xf32, #tpu.memory_space<hbm>> -> memref<8192xf32, #tpu.memory_space<hbm>>
        %dma_wait3A_349 = tpu.memref_slice %arg4[%add3A_343] : memref<25165824xf32, #tpu.memory_space<hbm>> -> memref<8192xf32, #tpu.memory_space<hbm>>
        %dma_wait3A_350 = arith.constant 0 : i32
        %dma_wait3A_351 = tpu.memref_slice %arg8[%dma_wait3A_344, %dma_wait3A_350] : memref<2x8192xf32, #tpu.memory_space<vmem>> -> memref<1x8192xf32, #tpu.memory_space<vmem>>
        %dma_wait3A_352 = tpu.memref_squeeze %dma_wait3A_351 : memref<1x8192xf32, #tpu.memory_space<vmem>> -> memref<8192xf32, #tpu.memory_space<vmem>>
        tpu.wait_dma2 semaphore(%arg15 : memref<!tpu.dma_semaphore, #tpu.memory_space<semaphore_mem>>) src(%dma_wait3A_352 : memref<8192xf32, #tpu.memory_space<vmem>>) dst(%dma_wait3A_349 : memref<8192xf32, #tpu.memory_space<hbm>>)
        %dma_wait3A_353 = arith.constant 1 : i32
        %dma_wait3A_354 = arith.constant 0 : i32
        %dma_wait3A_355 = tpu.memref_slice %arg9[%dma_wait3A_353, %dma_wait3A_354] : memref<2x8192xi32, #tpu.memory_space<vmem>> -> memref<1x8192xi32, #tpu.memory_space<vmem>>
        %dma_wait3A_356 = tpu.memref_squeeze %dma_wait3A_355 : memref<1x8192xi32, #tpu.memory_space<vmem>> -> memref<8192xi32, #tpu.memory_space<vmem>>
        %dma_wait3A_357 = tpu.memref_slice %arg5[%add3A_343] : memref<25165824xi32, #tpu.memory_space<hbm>> -> memref<8192xi32, #tpu.memory_space<hbm>>
        %dma_wait3A_358 = tpu.memref_slice %arg5[%add3A_343] : memref<25165824xi32, #tpu.memory_space<hbm>> -> memref<8192xi32, #tpu.memory_space<hbm>>
        %dma_wait3A_359 = arith.constant 0 : i32
        %dma_wait3A_360 = tpu.memref_slice %arg9[%dma_wait3A_353, %dma_wait3A_359] : memref<2x8192xi32, #tpu.memory_space<vmem>> -> memref<1x8192xi32, #tpu.memory_space<vmem>>
        %dma_wait3A_361 = tpu.memref_squeeze %dma_wait3A_360 : memref<1x8192xi32, #tpu.memory_space<vmem>> -> memref<8192xi32, #tpu.memory_space<vmem>>
        tpu.wait_dma2 semaphore(%arg17 : memref<!tpu.dma_semaphore, #tpu.memory_space<semaphore_mem>>) src(%dma_wait3A_361 : memref<8192xi32, #tpu.memory_space<vmem>>) dst(%dma_wait3A_358 : memref<8192xi32, #tpu.memory_space<hbm>>)
      } else {
      }
      %scan3A_313 = arith.constant 0 : i32
      %scan3A_314 = arith.constant 0 : i32
      %scan3A_315 = arith.constant 64 : i32
      %scan3A_316 = arith.addi %scan3A_314, %scan3A_315 : i32
      %scan3A_317 = arith.constant 1 : i32
      scf.for %scan3A_340 = %scan3A_314 to %scan3A_316 step %scan3A_317  : i32 {
        %mul3A_341 = arith.constant 32 : i32
        %mul3A_342 = arith.muli %scan3A_340, %mul3A_341 : i32
        %get3A = arith.constant 1 : i32
        %get3A_343 = arith.index_cast %get3A : i32 to index
        %get3A_344 = arith.index_cast %mul3A_342 : i32 to index
        %get3A_345 = tpu.vector_load %arg7[%get3A_343, %get3A_344] {strides = array<i32>} : memref<2x2048xi32, #tpu.memory_space<vmem>>, vector<16xi32>,
        %mul3A_346 = arith.constant 32 : i32
        %mul3A_347 = arith.muli %scan3A_340, %mul3A_346 : i32
        %add3A_348 = arith.constant 16 : i32
        %add3A_349 = arith.addi %mul3A_347, %add3A_348 : i32
        %get3A_350 = arith.constant 1 : i32
        %get3A_351 = arith.index_cast %get3A_350 : i32 to index
        %get3A_352 = arith.index_cast %add3A_349 : i32 to index
        %get3A_353 = tpu.vector_load %arg7[%get3A_351, %get3A_352] {strides = array<i32>} : memref<2x2048xi32, #tpu.memory_space<vmem>>, vector<16xi32>,
        %mul3A_354 = arith.constant 128 : i32
        %mul3A_355 = arith.muli %scan3A_340, %mul3A_354 : i32
        %add3A_356 = arith.constant 0 : i32
        %add3A_357 = arith.addi %mul3A_355, %add3A_356 : i32
        %get3A_358 = arith.constant 1 : i32
        %get3A_359 = arith.index_cast %get3A_358 : i32 to index
        %get3A_360 = arith.index_cast %add3A_357 : i32 to index
        %get3A_361 = tpu.vector_load %arg6[%get3A_359, %get3A_360] {strides = array<i32>} : memref<2x8192xf32, #tpu.memory_space<vmem>>, vector<16xf32>,
        %mul3A_362 = arith.constant 3.8197186 : f32
        %mul3A_363 = vector.broadcast %mul3A_362 : f32 to vector<16xf32>
        %mul3A_364 = arith.mulf %get3A_361, %mul3A_363 : vector<16xf32>
        %add3A_365 = arith.constant 1.200000e+01 : f32
        %add3A_366 = vector.broadcast %add3A_365 : f32 to vector<16xf32>
        %add3A_367 = arith.addf %mul3A_364, %add3A_366 : vector<16xf32>
        %convert_element_type3A_368 = arith.fptosi %add3A_367 : vector<16xf32> to vector<16xi32>
        %min3A = arith.constant 23 : i32
        %min3A_369 = vector.broadcast %min3A : i32 to vector<16xi32>
        %min3A_370 = arith.minsi %convert_element_type3A_368, %min3A_369 : vector<16xi32>
        %convert_element_type3A_371 = arith.sitofp %min3A_370 : vector<16xi32> to vector<16xf32>
        %add3A_372 = arith.constant 5.000000e-01 : f32
        %add3A_373 = vector.broadcast %add3A_372 : f32 to vector<16xf32>
        %add3A_374 = arith.addf %convert_element_type3A_371, %add3A_373 : vector<16xf32>
        %mul3A_375 = arith.constant 0.261799395 : f32
        %mul3A_376 = vector.broadcast %mul3A_375 : f32 to vector<16xf32>
        %mul3A_377 = arith.mulf %add3A_374, %mul3A_376 : vector<16xf32>
        %sub3A = arith.constant 3.14159274 : f32
        %sub3A_378 = vector.broadcast %sub3A : f32 to vector<16xf32>
        %sub3A_379 = arith.subf %mul3A_377, %sub3A_378 : vector<16xf32>
        %and3A = arith.constant 1 : i32
        %and3A_380 = vector.broadcast %and3A : i32 to vector<16xi32>
        %and3A_381 = arith.andi %get3A_345, %and3A_380 : vector<16xi32>
        %ne3A = arith.constant 0 : i32
        %ne3A_382 = vector.broadcast %ne3A : i32 to vector<16xi32>
        %ne3A_383 = arith.cmpi ne, %and3A_381, %ne3A_382 : vector<16xi32>
        %jit3A = arith.constant 0.000000e+00 : f32
        %broadcast_in_dim3A = vector.broadcast %jit3A : f32 to vector<16xf32>
        %select_n3A = arith.select %ne3A_383, %broadcast_in_dim3A, %sub3A_379 : vector<16xi1>, vector<16xf32>
        %jit3A_384 = arith.constant 24 : i32
        %broadcast_in_dim3A_385 = vector.broadcast %jit3A_384 : i32 to vector<16xi32>
        %select_n3A_386 = arith.select %ne3A_383, %broadcast_in_dim3A_385, %min3A_370 : vector<16xi1>, vector<16xi32>
        %swap3A = arith.constant 1 : i32
        %swap3A_387 = arith.index_cast %swap3A : i32 to index
        %swap3A_388 = arith.index_cast %add3A_357 : i32 to index
        %swap3A_389 = tpu.vector_load %arg8[%swap3A_387, %swap3A_388] {strides = array<i32>} : memref<2x8192xf32, #tpu.memory_space<vmem>>, vector<16xf32>,
        tpu.vector_store %arg8[%swap3A_387, %swap3A_388], %select_n3A {strides = array<i32>} : memref<2x8192xf32, #tpu.memory_space<vmem>>, vector<16xf32>,
        %swap3A_390 = arith.constant 1 : i32
        %swap3A_391 = arith.index_cast %swap3A_390 : i32 to index
        %swap3A_392 = arith.index_cast %add3A_357 : i32 to index
        %swap3A_393 = tpu.vector_load %arg9[%swap3A_391, %swap3A_392] {strides = array<i32>} : memref<2x8192xi32, #tpu.memory_space<vmem>>, vector<16xi32>,
        tpu.vector_store %arg9[%swap3A_391, %swap3A_392], %select_n3A_386 {strides = array<i32>} : memref<2x8192xi32, #tpu.memory_space<vmem>>, vector<16xi32>,
        %mul3A_394 = arith.constant 128 : i32
        %mul3A_395 = arith.muli %scan3A_340, %mul3A_394 : i32
        %add3A_396 = arith.constant 16 : i32
        %add3A_397 = arith.addi %mul3A_395, %add3A_396 : i32
        %get3A_398 = arith.constant 1 : i32
        %get3A_399 = arith.index_cast %get3A_398 : i32 to index
        %get3A_400 = arith.index_cast %add3A_397 : i32 to index
        %get3A_401 = tpu.vector_load %arg6[%get3A_399, %get3A_400] {strides = array<i32>} : memref<2x8192xf32, #tpu.memory_space<vmem>>, vector<16xf32>,
        %mul3A_402 = arith.constant 3.8197186 : f32
        %mul3A_403 = vector.broadcast %mul3A_402 : f32 to vector<16xf32>
        %mul3A_404 = arith.mulf %get3A_401, %mul3A_403 : vector<16xf32>
        %add3A_405 = arith.constant 1.200000e+01 : f32
        %add3A_406 = vector.broadcast %add3A_405 : f32 to vector<16xf32>
        %add3A_407 = arith.addf %mul3A_404, %add3A_406 : vector<16xf32>
        %convert_element_type3A_408 = arith.fptosi %add3A_407 : vector<16xf32> to vector<16xi32>
        %min3A_409 = arith.constant 23 : i32
        %min3A_410 = vector.broadcast %min3A_409 : i32 to vector<16xi32>
        %min3A_411 = arith.minsi %convert_element_type3A_408, %min3A_410 : vector<16xi32>
        %convert_element_type3A_412 = arith.sitofp %min3A_411 : vector<16xi32> to vector<16xf32>
        %add3A_413 = arith.constant 5.000000e-01 : f32
        %add3A_414 = vector.broadcast %add3A_413 : f32 to vector<16xf32>
        %add3A_415 = arith.addf %convert_element_type3A_412, %add3A_414 : vector<16xf32>
        %mul3A_416 = arith.constant 0.261799395 : f32
        %mul3A_417 = vector.broadcast %mul3A_416 : f32 to vector<16xf32>
        %mul3A_418 = arith.mulf %add3A_415, %mul3A_417 : vector<16xf32>
        %sub3A_419 = arith.constant 3.14159274 : f32
        %sub3A_420 = vector.broadcast %sub3A_419 : f32 to vector<16xf32>
        %sub3A_421 = arith.subf %mul3A_418, %sub3A_420 : vector<16xf32>
        %and3A_422 = arith.constant 256 : i32
        %and3A_423 = vector.broadcast %and3A_422 : i32 to vector<16xi32>
        %and3A_424 = arith.andi %get3A_345, %and3A_423 : vector<16xi32>
        %ne3A_425 = arith.constant 0 : i32
        %ne3A_426 = vector.broadcast %ne3A_425 : i32 to vector<16xi32>
        %ne3A_427 = arith.cmpi ne, %and3A_424, %ne3A_426 : vector<16xi32>
        %jit3A_428 = arith.constant 0.000000e+00 : f32
        %broadcast_in_dim3A_429 = vector.broadcast %jit3A_428 : f32 to vector<16xf32>
        %select_n3A_430 = arith.select %ne3A_427, %broadcast_in_dim3A_429, %sub3A_421 : vector<16xi1>, vector<16xf32>
        %jit3A_431 = arith.constant 24 : i32
        %broadcast_in_dim3A_432 = vector.broadcast %jit3A_431 : i32 to vector<16xi32>
        %select_n3A_433 = arith.select %ne3A_427, %broadcast_in_dim3A_432, %min3A_411 : vector<16xi1>, vector<16xi32>
        %swap3A_434 = arith.constant 1 : i32
        %swap3A_435 = arith.index_cast %swap3A_434 : i32 to index
        %swap3A_436 = arith.index_cast %add3A_397 : i32 to index
        %swap3A_437 = tpu.vector_load %arg8[%swap3A_435, %swap3A_436] {strides = array<i32>} : memref<2x8192xf32, #tpu.memory_space<vmem>>, vector<16xf32>,
        tpu.vector_store %arg8[%swap3A_435, %swap3A_436], %select_n3A_430 {strides = array<i32>} : memref<2x8192xf32, #tpu.memory_space<vmem>>, vector<16xf32>,
        %swap3A_438 = arith.constant 1 : i32
        %swap3A_439 = arith.index_cast %swap3A_438 : i32 to index
        %swap3A_440 = arith.index_cast %add3A_397 : i32 to index
        %swap3A_441 = tpu.vector_load %arg9[%swap3A_439, %swap3A_440] {strides = array<i32>} : memref<2x8192xi32, #tpu.memory_space<vmem>>, vector<16xi32>,
        tpu.vector_store %arg9[%swap3A_439, %swap3A_440], %select_n3A_433 {strides = array<i32>} : memref<2x8192xi32, #tpu.memory_space<vmem>>, vector<16xi32>,
        %mul3A_442 = arith.constant 128 : i32
        %mul3A_443 = arith.muli %scan3A_340, %mul3A_442 : i32
        %add3A_444 = arith.constant 32 : i32
        %add3A_445 = arith.addi %mul3A_443, %add3A_444 : i32
        %get3A_446 = arith.constant 1 : i32
        %get3A_447 = arith.index_cast %get3A_446 : i32 to index
        %get3A_448 = arith.index_cast %add3A_445 : i32 to index
        %get3A_449 = tpu.vector_load %arg6[%get3A_447, %get3A_448] {strides = array<i32>} : memref<2x8192xf32, #tpu.memory_space<vmem>>, vector<16xf32>,
        %mul3A_450 = arith.constant 3.8197186 : f32
        %mul3A_451 = vector.broadcast %mul3A_450 : f32 to vector<16xf32>
        %mul3A_452 = arith.mulf %get3A_449, %mul3A_451 : vector<16xf32>
        %add3A_453 = arith.constant 1.200000e+01 : f32
        %add3A_454 = vector.broadcast %add3A_453 : f32 to vector<16xf32>
        %add3A_455 = arith.addf %mul3A_452, %add3A_454 : vector<16xf32>
        %convert_element_type3A_456 = arith.fptosi %add3A_455 : vector<16xf32> to vector<16xi32>
        %min3A_457 = arith.constant 23 : i32
        %min3A_458 = vector.broadcast %min3A_457 : i32 to vector<16xi32>
        %min3A_459 = arith.minsi %convert_element_type3A_456, %min3A_458 : vector<16xi32>
        %convert_element_type3A_460 = arith.sitofp %min3A_459 : vector<16xi32> to vector<16xf32>
        %add3A_461 = arith.constant 5.000000e-01 : f32
        %add3A_462 = vector.broadcast %add3A_461 : f32 to vector<16xf32>
        %add3A_463 = arith.addf %convert_element_type3A_460, %add3A_462 : vector<16xf32>
        %mul3A_464 = arith.constant 0.261799395 : f32
        %mul3A_465 = vector.broadcast %mul3A_464 : f32 to vector<16xf32>
        %mul3A_466 = arith.mulf %add3A_463, %mul3A_465 : vector<16xf32>
        %sub3A_467 = arith.constant 3.14159274 : f32
        %sub3A_468 = vector.broadcast %sub3A_467 : f32 to vector<16xf32>
        %sub3A_469 = arith.subf %mul3A_466, %sub3A_468 : vector<16xf32>
        %and3A_470 = arith.constant 65536 : i32
        %and3A_471 = vector.broadcast %and3A_470 : i32 to vector<16xi32>
        %and3A_472 = arith.andi %get3A_345, %and3A_471 : vector<16xi32>
        %ne3A_473 = arith.constant 0 : i32
        %ne3A_474 = vector.broadcast %ne3A_473 : i32 to vector<16xi32>
        %ne3A_475 = arith.cmpi ne, %and3A_472, %ne3A_474 : vector<16xi32>
        %jit3A_476 = arith.constant 0.000000e+00 : f32
        %broadcast_in_dim3A_477 = vector.broadcast %jit3A_476 : f32 to vector<16xf32>
        %select_n3A_478 = arith.select %ne3A_475, %broadcast_in_dim3A_477, %sub3A_469 : vector<16xi1>, vector<16xf32>
        %jit3A_479 = arith.constant 24 : i32
        %broadcast_in_dim3A_480 = vector.broadcast %jit3A_479 : i32 to vector<16xi32>
        %select_n3A_481 = arith.select %ne3A_475, %broadcast_in_dim3A_480, %min3A_459 : vector<16xi1>, vector<16xi32>
        %swap3A_482 = arith.constant 1 : i32
        %swap3A_483 = arith.index_cast %swap3A_482 : i32 to index
        %swap3A_484 = arith.index_cast %add3A_445 : i32 to index
        %swap3A_485 = tpu.vector_load %arg8[%swap3A_483, %swap3A_484] {strides = array<i32>} : memref<2x8192xf32, #tpu.memory_space<vmem>>, vector<16xf32>,
        tpu.vector_store %arg8[%swap3A_483, %swap3A_484], %select_n3A_478 {strides = array<i32>} : memref<2x8192xf32, #tpu.memory_space<vmem>>, vector<16xf32>,
        %swap3A_486 = arith.constant 1 : i32
        %swap3A_487 = arith.index_cast %swap3A_486 : i32 to index
        %swap3A_488 = arith.index_cast %add3A_445 : i32 to index
        %swap3A_489 = tpu.vector_load %arg9[%swap3A_487, %swap3A_488] {strides = array<i32>} : memref<2x8192xi32, #tpu.memory_space<vmem>>, vector<16xi32>,
        tpu.vector_store %arg9[%swap3A_487, %swap3A_488], %select_n3A_481 {strides = array<i32>} : memref<2x8192xi32, #tpu.memory_space<vmem>>, vector<16xi32>,
        %mul3A_490 = arith.constant 128 : i32
        %mul3A_491 = arith.muli %scan3A_340, %mul3A_490 : i32
        %add3A_492 = arith.constant 48 : i32
        %add3A_493 = arith.addi %mul3A_491, %add3A_492 : i32
        %get3A_494 = arith.constant 1 : i32
        %get3A_495 = arith.index_cast %get3A_494 : i32 to index
        %get3A_496 = arith.index_cast %add3A_493 : i32 to index
        %get3A_497 = tpu.vector_load %arg6[%get3A_495, %get3A_496] {strides = array<i32>} : memref<2x8192xf32, #tpu.memory_space<vmem>>, vector<16xf32>,
        %mul3A_498 = arith.constant 3.8197186 : f32
        %mul3A_499 = vector.broadcast %mul3A_498 : f32 to vector<16xf32>
        %mul3A_500 = arith.mulf %get3A_497, %mul3A_499 : vector<16xf32>
        %add3A_501 = arith.constant 1.200000e+01 : f32
        %add3A_502 = vector.broadcast %add3A_501 : f32 to vector<16xf32>
        %add3A_503 = arith.addf %mul3A_500, %add3A_502 : vector<16xf32>
        %convert_element_type3A_504 = arith.fptosi %add3A_503 : vector<16xf32> to vector<16xi32>
        %min3A_505 = arith.constant 23 : i32
        %min3A_506 = vector.broadcast %min3A_505 : i32 to vector<16xi32>
        %min3A_507 = arith.minsi %convert_element_type3A_504, %min3A_506 : vector<16xi32>
        %convert_element_type3A_508 = arith.sitofp %min3A_507 : vector<16xi32> to vector<16xf32>
        %add3A_509 = arith.constant 5.000000e-01 : f32
        %add3A_510 = vector.broadcast %add3A_509 : f32 to vector<16xf32>
        %add3A_511 = arith.addf %convert_element_type3A_508, %add3A_510 : vector<16xf32>
        %mul3A_512 = arith.constant 0.261799395 : f32
        %mul3A_513 = vector.broadcast %mul3A_512 : f32 to vector<16xf32>
        %mul3A_514 = arith.mulf %add3A_511, %mul3A_513 : vector<16xf32>
        %sub3A_515 = arith.constant 3.14159274 : f32
        %sub3A_516 = vector.broadcast %sub3A_515 : f32 to vector<16xf32>
        %sub3A_517 = arith.subf %mul3A_514, %sub3A_516 : vector<16xf32>
        %and3A_518 = arith.constant 16777216 : i32
        %and3A_519 = vector.broadcast %and3A_518 : i32 to vector<16xi32>
        %and3A_520 = arith.andi %get3A_345, %and3A_519 : vector<16xi32>
        %ne3A_521 = arith.constant 0 : i32
        %ne3A_522 = vector.broadcast %ne3A_521 : i32 to vector<16xi32>
        %ne3A_523 = arith.cmpi ne, %and3A_520, %ne3A_522 : vector<16xi32>
        %jit3A_524 = arith.constant 0.000000e+00 : f32
        %broadcast_in_dim3A_525 = vector.broadcast %jit3A_524 : f32 to vector<16xf32>
        %select_n3A_526 = arith.select %ne3A_523, %broadcast_in_dim3A_525, %sub3A_517 : vector<16xi1>, vector<16xf32>
        %jit3A_527 = arith.constant 24 : i32
        %broadcast_in_dim3A_528 = vector.broadcast %jit3A_527 : i32 to vector<16xi32>
        %select_n3A_529 = arith.select %ne3A_523, %broadcast_in_dim3A_528, %min3A_507 : vector<16xi1>, vector<16xi32>
        %swap3A_530 = arith.constant 1 : i32
        %swap3A_531 = arith.index_cast %swap3A_530 : i32 to index
        %swap3A_532 = arith.index_cast %add3A_493 : i32 to index
        %swap3A_533 = tpu.vector_load %arg8[%swap3A_531, %swap3A_532] {strides = array<i32>} : memref<2x8192xf32, #tpu.memory_space<vmem>>, vector<16xf32>,
        tpu.vector_store %arg8[%swap3A_531, %swap3A_532], %select_n3A_526 {strides = array<i32>} : memref<2x8192xf32, #tpu.memory_space<vmem>>, vector<16xf32>,
        %swap3A_534 = arith.constant 1 : i32
        %swap3A_535 = arith.index_cast %swap3A_534 : i32 to index
        %swap3A_536 = arith.index_cast %add3A_493 : i32 to index
        %swap3A_537 = tpu.vector_load %arg9[%swap3A_535, %swap3A_536] {strides = array<i32>} : memref<2x8192xi32, #tpu.memory_space<vmem>>, vector<16xi32>,
        tpu.vector_store %arg9[%swap3A_535, %swap3A_536], %select_n3A_529 {strides = array<i32>} : memref<2x8192xi32, #tpu.memory_space<vmem>>, vector<16xi32>,
        %mul3A_538 = arith.constant 128 : i32
        %mul3A_539 = arith.muli %scan3A_340, %mul3A_538 : i32
        %add3A_540 = arith.constant 64 : i32
        %add3A_541 = arith.addi %mul3A_539, %add3A_540 : i32
        %get3A_542 = arith.constant 1 : i32
        %get3A_543 = arith.index_cast %get3A_542 : i32 to index
        %get3A_544 = arith.index_cast %add3A_541 : i32 to index
        %get3A_545 = tpu.vector_load %arg6[%get3A_543, %get3A_544] {strides = array<i32>} : memref<2x8192xf32, #tpu.memory_space<vmem>>, vector<16xf32>,
        %mul3A_546 = arith.constant 3.8197186 : f32
        %mul3A_547 = vector.broadcast %mul3A_546 : f32 to vector<16xf32>
        %mul3A_548 = arith.mulf %get3A_545, %mul3A_547 : vector<16xf32>
        %add3A_549 = arith.constant 1.200000e+01 : f32
        %add3A_550 = vector.broadcast %add3A_549 : f32 to vector<16xf32>
        %add3A_551 = arith.addf %mul3A_548, %add3A_550 : vector<16xf32>
        %convert_element_type3A_552 = arith.fptosi %add3A_551 : vector<16xf32> to vector<16xi32>
        %min3A_553 = arith.constant 23 : i32
        %min3A_554 = vector.broadcast %min3A_553 : i32 to vector<16xi32>
        %min3A_555 = arith.minsi %convert_element_type3A_552, %min3A_554 : vector<16xi32>
        %convert_element_type3A_556 = arith.sitofp %min3A_555 : vector<16xi32> to vector<16xf32>
        %add3A_557 = arith.constant 5.000000e-01 : f32
        %add3A_558 = vector.broadcast %add3A_557 : f32 to vector<16xf32>
        %add3A_559 = arith.addf %convert_element_type3A_556, %add3A_558 : vector<16xf32>
        %mul3A_560 = arith.constant 0.261799395 : f32
        %mul3A_561 = vector.broadcast %mul3A_560 : f32 to vector<16xf32>
        %mul3A_562 = arith.mulf %add3A_559, %mul3A_561 : vector<16xf32>
        %sub3A_563 = arith.constant 3.14159274 : f32
        %sub3A_564 = vector.broadcast %sub3A_563 : f32 to vector<16xf32>
        %sub3A_565 = arith.subf %mul3A_562, %sub3A_564 : vector<16xf32>
        %and3A_566 = arith.constant 1 : i32
        %and3A_567 = vector.broadcast %and3A_566 : i32 to vector<16xi32>
        %and3A_568 = arith.andi %get3A_353, %and3A_567 : vector<16xi32>
        %ne3A_569 = arith.constant 0 : i32
        %ne3A_570 = vector.broadcast %ne3A_569 : i32 to vector<16xi32>
        %ne3A_571 = arith.cmpi ne, %and3A_568, %ne3A_570 : vector<16xi32>
        %jit3A_572 = arith.constant 0.000000e+00 : f32
        %broadcast_in_dim3A_573 = vector.broadcast %jit3A_572 : f32 to vector<16xf32>
        %select_n3A_574 = arith.select %ne3A_571, %broadcast_in_dim3A_573, %sub3A_565 : vector<16xi1>, vector<16xf32>
        %jit3A_575 = arith.constant 24 : i32
        %broadcast_in_dim3A_576 = vector.broadcast %jit3A_575 : i32 to vector<16xi32>
        %select_n3A_577 = arith.select %ne3A_571, %broadcast_in_dim3A_576, %min3A_555 : vector<16xi1>, vector<16xi32>
        %swap3A_578 = arith.constant 1 : i32
        %swap3A_579 = arith.index_cast %swap3A_578 : i32 to index
        %swap3A_580 = arith.index_cast %add3A_541 : i32 to index
        %swap3A_581 = tpu.vector_load %arg8[%swap3A_579, %swap3A_580] {strides = array<i32>} : memref<2x8192xf32, #tpu.memory_space<vmem>>, vector<16xf32>,
        tpu.vector_store %arg8[%swap3A_579, %swap3A_580], %select_n3A_574 {strides = array<i32>} : memref<2x8192xf32, #tpu.memory_space<vmem>>, vector<16xf32>,
        %swap3A_582 = arith.constant 1 : i32
        %swap3A_583 = arith.index_cast %swap3A_582 : i32 to index
        %swap3A_584 = arith.index_cast %add3A_541 : i32 to index
        %swap3A_585 = tpu.vector_load %arg9[%swap3A_583, %swap3A_584] {strides = array<i32>} : memref<2x8192xi32, #tpu.memory_space<vmem>>, vector<16xi32>,
        tpu.vector_store %arg9[%swap3A_583, %swap3A_584], %select_n3A_577 {strides = array<i32>} : memref<2x8192xi32, #tpu.memory_space<vmem>>, vector<16xi32>,
        %mul3A_586 = arith.constant 128 : i32
        %mul3A_587 = arith.muli %scan3A_340, %mul3A_586 : i32
        %add3A_588 = arith.constant 80 : i32
        %add3A_589 = arith.addi %mul3A_587, %add3A_588 : i32
        %get3A_590 = arith.constant 1 : i32
        %get3A_591 = arith.index_cast %get3A_590 : i32 to index
        %get3A_592 = arith.index_cast %add3A_589 : i32 to index
        %get3A_593 = tpu.vector_load %arg6[%get3A_591, %get3A_592] {strides = array<i32>} : memref<2x8192xf32, #tpu.memory_space<vmem>>, vector<16xf32>,
        %mul3A_594 = arith.constant 3.8197186 : f32
        %mul3A_595 = vector.broadcast %mul3A_594 : f32 to vector<16xf32>
        %mul3A_596 = arith.mulf %get3A_593, %mul3A_595 : vector<16xf32>
        %add3A_597 = arith.constant 1.200000e+01 : f32
        %add3A_598 = vector.broadcast %add3A_597 : f32 to vector<16xf32>
        %add3A_599 = arith.addf %mul3A_596, %add3A_598 : vector<16xf32>
        %convert_element_type3A_600 = arith.fptosi %add3A_599 : vector<16xf32> to vector<16xi32>
        %min3A_601 = arith.constant 23 : i32
        %min3A_602 = vector.broadcast %min3A_601 : i32 to vector<16xi32>
        %min3A_603 = arith.minsi %convert_element_type3A_600, %min3A_602 : vector<16xi32>
        %convert_element_type3A_604 = arith.sitofp %min3A_603 : vector<16xi32> to vector<16xf32>
        %add3A_605 = arith.constant 5.000000e-01 : f32
        %add3A_606 = vector.broadcast %add3A_605 : f32 to vector<16xf32>
        %add3A_607 = arith.addf %convert_element_type3A_604, %add3A_606 : vector<16xf32>
        %mul3A_608 = arith.constant 0.261799395 : f32
        %mul3A_609 = vector.broadcast %mul3A_608 : f32 to vector<16xf32>
        %mul3A_610 = arith.mulf %add3A_607, %mul3A_609 : vector<16xf32>
        %sub3A_611 = arith.constant 3.14159274 : f32
        %sub3A_612 = vector.broadcast %sub3A_611 : f32 to vector<16xf32>
        %sub3A_613 = arith.subf %mul3A_610, %sub3A_612 : vector<16xf32>
        %and3A_614 = arith.constant 256 : i32
        %and3A_615 = vector.broadcast %and3A_614 : i32 to vector<16xi32>
        %and3A_616 = arith.andi %get3A_353, %and3A_615 : vector<16xi32>
        %ne3A_617 = arith.constant 0 : i32
        %ne3A_618 = vector.broadcast %ne3A_617 : i32 to vector<16xi32>
        %ne3A_619 = arith.cmpi ne, %and3A_616, %ne3A_618 : vector<16xi32>
        %jit3A_620 = arith.constant 0.000000e+00 : f32
        %broadcast_in_dim3A_621 = vector.broadcast %jit3A_620 : f32 to vector<16xf32>
        %select_n3A_622 = arith.select %ne3A_619, %broadcast_in_dim3A_621, %sub3A_613 : vector<16xi1>, vector<16xf32>
        %jit3A_623 = arith.constant 24 : i32
        %broadcast_in_dim3A_624 = vector.broadcast %jit3A_623 : i32 to vector<16xi32>
        %select_n3A_625 = arith.select %ne3A_619, %broadcast_in_dim3A_624, %min3A_603 : vector<16xi1>, vector<16xi32>
        %swap3A_626 = arith.constant 1 : i32
        %swap3A_627 = arith.index_cast %swap3A_626 : i32 to index
        %swap3A_628 = arith.index_cast %add3A_589 : i32 to index
        %swap3A_629 = tpu.vector_load %arg8[%swap3A_627, %swap3A_628] {strides = array<i32>} : memref<2x8192xf32, #tpu.memory_space<vmem>>, vector<16xf32>,
        tpu.vector_store %arg8[%swap3A_627, %swap3A_628], %select_n3A_622 {strides = array<i32>} : memref<2x8192xf32, #tpu.memory_space<vmem>>, vector<16xf32>,
        %swap3A_630 = arith.constant 1 : i32
        %swap3A_631 = arith.index_cast %swap3A_630 : i32 to index
        %swap3A_632 = arith.index_cast %add3A_589 : i32 to index
        %swap3A_633 = tpu.vector_load %arg9[%swap3A_631, %swap3A_632] {strides = array<i32>} : memref<2x8192xi32, #tpu.memory_space<vmem>>, vector<16xi32>,
        tpu.vector_store %arg9[%swap3A_631, %swap3A_632], %select_n3A_625 {strides = array<i32>} : memref<2x8192xi32, #tpu.memory_space<vmem>>, vector<16xi32>,
        %mul3A_634 = arith.constant 128 : i32
        %mul3A_635 = arith.muli %scan3A_340, %mul3A_634 : i32
        %add3A_636 = arith.constant 96 : i32
        %add3A_637 = arith.addi %mul3A_635, %add3A_636 : i32
        %get3A_638 = arith.constant 1 : i32
        %get3A_639 = arith.index_cast %get3A_638 : i32 to index
        %get3A_640 = arith.index_cast %add3A_637 : i32 to index
        %get3A_641 = tpu.vector_load %arg6[%get3A_639, %get3A_640] {strides = array<i32>} : memref<2x8192xf32, #tpu.memory_space<vmem>>, vector<16xf32>,
        %mul3A_642 = arith.constant 3.8197186 : f32
        %mul3A_643 = vector.broadcast %mul3A_642 : f32 to vector<16xf32>
        %mul3A_644 = arith.mulf %get3A_641, %mul3A_643 : vector<16xf32>
        %add3A_645 = arith.constant 1.200000e+01 : f32
        %add3A_646 = vector.broadcast %add3A_645 : f32 to vector<16xf32>
        %add3A_647 = arith.addf %mul3A_644, %add3A_646 : vector<16xf32>
        %convert_element_type3A_648 = arith.fptosi %add3A_647 : vector<16xf32> to vector<16xi32>
        %min3A_649 = arith.constant 23 : i32
        %min3A_650 = vector.broadcast %min3A_649 : i32 to vector<16xi32>
        %min3A_651 = arith.minsi %convert_element_type3A_648, %min3A_650 : vector<16xi32>
        %convert_element_type3A_652 = arith.sitofp %min3A_651 : vector<16xi32> to vector<16xf32>
        %add3A_653 = arith.constant 5.000000e-01 : f32
        %add3A_654 = vector.broadcast %add3A_653 : f32 to vector<16xf32>
        %add3A_655 = arith.addf %convert_element_type3A_652, %add3A_654 : vector<16xf32>
        %mul3A_656 = arith.constant 0.261799395 : f32
        %mul3A_657 = vector.broadcast %mul3A_656 : f32 to vector<16xf32>
        %mul3A_658 = arith.mulf %add3A_655, %mul3A_657 : vector<16xf32>
        %sub3A_659 = arith.constant 3.14159274 : f32
        %sub3A_660 = vector.broadcast %sub3A_659 : f32 to vector<16xf32>
        %sub3A_661 = arith.subf %mul3A_658, %sub3A_660 : vector<16xf32>
        %and3A_662 = arith.constant 65536 : i32
        %and3A_663 = vector.broadcast %and3A_662 : i32 to vector<16xi32>
        %and3A_664 = arith.andi %get3A_353, %and3A_663 : vector<16xi32>
        %ne3A_665 = arith.constant 0 : i32
        %ne3A_666 = vector.broadcast %ne3A_665 : i32 to vector<16xi32>
        %ne3A_667 = arith.cmpi ne, %and3A_664, %ne3A_666 : vector<16xi32>
        %jit3A_668 = arith.constant 0.000000e+00 : f32
        %broadcast_in_dim3A_669 = vector.broadcast %jit3A_668 : f32 to vector<16xf32>
        %select_n3A_670 = arith.select %ne3A_667, %broadcast_in_dim3A_669, %sub3A_661 : vector<16xi1>, vector<16xf32>
        %jit3A_671 = arith.constant 24 : i32
        %broadcast_in_dim3A_672 = vector.broadcast %jit3A_671 : i32 to vector<16xi32>
        %select_n3A_673 = arith.select %ne3A_667, %broadcast_in_dim3A_672, %min3A_651 : vector<16xi1>, vector<16xi32>
        %swap3A_674 = arith.constant 1 : i32
        %swap3A_675 = arith.index_cast %swap3A_674 : i32 to index
        %swap3A_676 = arith.index_cast %add3A_637 : i32 to index
        %swap3A_677 = tpu.vector_load %arg8[%swap3A_675, %swap3A_676] {strides = array<i32>} : memref<2x8192xf32, #tpu.memory_space<vmem>>, vector<16xf32>,
        tpu.vector_store %arg8[%swap3A_675, %swap3A_676], %select_n3A_670 {strides = array<i32>} : memref<2x8192xf32, #tpu.memory_space<vmem>>, vector<16xf32>,
        %swap3A_678 = arith.constant 1 : i32
        %swap3A_679 = arith.index_cast %swap3A_678 : i32 to index
        %swap3A_680 = arith.index_cast %add3A_637 : i32 to index
        %swap3A_681 = tpu.vector_load %arg9[%swap3A_679, %swap3A_680] {strides = array<i32>} : memref<2x8192xi32, #tpu.memory_space<vmem>>, vector<16xi32>,
        tpu.vector_store %arg9[%swap3A_679, %swap3A_680], %select_n3A_673 {strides = array<i32>} : memref<2x8192xi32, #tpu.memory_space<vmem>>, vector<16xi32>,
        %mul3A_682 = arith.constant 128 : i32
        %mul3A_683 = arith.muli %scan3A_340, %mul3A_682 : i32
        %add3A_684 = arith.constant 112 : i32
        %add3A_685 = arith.addi %mul3A_683, %add3A_684 : i32
        %get3A_686 = arith.constant 1 : i32
        %get3A_687 = arith.index_cast %get3A_686 : i32 to index
        %get3A_688 = arith.index_cast %add3A_685 : i32 to index
        %get3A_689 = tpu.vector_load %arg6[%get3A_687, %get3A_688] {strides = array<i32>} : memref<2x8192xf32, #tpu.memory_space<vmem>>, vector<16xf32>,
        %mul3A_690 = arith.constant 3.8197186 : f32
        %mul3A_691 = vector.broadcast %mul3A_690 : f32 to vector<16xf32>
        %mul3A_692 = arith.mulf %get3A_689, %mul3A_691 : vector<16xf32>
        %add3A_693 = arith.constant 1.200000e+01 : f32
        %add3A_694 = vector.broadcast %add3A_693 : f32 to vector<16xf32>
        %add3A_695 = arith.addf %mul3A_692, %add3A_694 : vector<16xf32>
        %convert_element_type3A_696 = arith.fptosi %add3A_695 : vector<16xf32> to vector<16xi32>
        %min3A_697 = arith.constant 23 : i32
        %min3A_698 = vector.broadcast %min3A_697 : i32 to vector<16xi32>
        %min3A_699 = arith.minsi %convert_element_type3A_696, %min3A_698 : vector<16xi32>
        %convert_element_type3A_700 = arith.sitofp %min3A_699 : vector<16xi32> to vector<16xf32>
        %add3A_701 = arith.constant 5.000000e-01 : f32
        %add3A_702 = vector.broadcast %add3A_701 : f32 to vector<16xf32>
        %add3A_703 = arith.addf %convert_element_type3A_700, %add3A_702 : vector<16xf32>
        %mul3A_704 = arith.constant 0.261799395 : f32
        %mul3A_705 = vector.broadcast %mul3A_704 : f32 to vector<16xf32>
        %mul3A_706 = arith.mulf %add3A_703, %mul3A_705 : vector<16xf32>
        %sub3A_707 = arith.constant 3.14159274 : f32
        %sub3A_708 = vector.broadcast %sub3A_707 : f32 to vector<16xf32>
        %sub3A_709 = arith.subf %mul3A_706, %sub3A_708 : vector<16xf32>
        %and3A_710 = arith.constant 16777216 : i32
        %and3A_711 = vector.broadcast %and3A_710 : i32 to vector<16xi32>
        %and3A_712 = arith.andi %get3A_353, %and3A_711 : vector<16xi32>
        %ne3A_713 = arith.constant 0 : i32
        %ne3A_714 = vector.broadcast %ne3A_713 : i32 to vector<16xi32>
        %ne3A_715 = arith.cmpi ne, %and3A_712, %ne3A_714 : vector<16xi32>
        %jit3A_716 = arith.constant 0.000000e+00 : f32
        %broadcast_in_dim3A_717 = vector.broadcast %jit3A_716 : f32 to vector<16xf32>
        %select_n3A_718 = arith.select %ne3A_715, %broadcast_in_dim3A_717, %sub3A_709 : vector<16xi1>, vector<16xf32>
        %jit3A_719 = arith.constant 24 : i32
        %broadcast_in_dim3A_720 = vector.broadcast %jit3A_719 : i32 to vector<16xi32>
        %select_n3A_721 = arith.select %ne3A_715, %broadcast_in_dim3A_720, %min3A_699 : vector<16xi1>, vector<16xi32>
        %swap3A_722 = arith.constant 1 : i32
        %swap3A_723 = arith.index_cast %swap3A_722 : i32 to index
        %swap3A_724 = arith.index_cast %add3A_685 : i32 to index
        %swap3A_725 = tpu.vector_load %arg8[%swap3A_723, %swap3A_724] {strides = array<i32>} : memref<2x8192xf32, #tpu.memory_space<vmem>>, vector<16xf32>,
        tpu.vector_store %arg8[%swap3A_723, %swap3A_724], %select_n3A_718 {strides = array<i32>} : memref<2x8192xf32, #tpu.memory_space<vmem>>, vector<16xf32>,
        %swap3A_726 = arith.constant 1 : i32
        %swap3A_727 = arith.index_cast %swap3A_726 : i32 to index
        %swap3A_728 = arith.index_cast %add3A_685 : i32 to index
        %swap3A_729 = tpu.vector_load %arg9[%swap3A_727, %swap3A_728] {strides = array<i32>} : memref<2x8192xi32, #tpu.memory_space<vmem>>, vector<16xi32>,
        tpu.vector_store %arg9[%swap3A_727, %swap3A_728], %select_n3A_721 {strides = array<i32>} : memref<2x8192xi32, #tpu.memory_space<vmem>>, vector<16xi32>,
      }
      %scan3A_318 = arith.constant 64 : i32
      %mul3A_319 = arith.constant 8192 : i32
      %mul3A_320 = arith.muli %add3A_276, %mul3A_319 : i32
      %add3A_321 = arith.addi %add3A_4, %mul3A_320 : i32
      %dma_start3A_322 = arith.constant 1 : i32
      %dma_start3A_323 = arith.constant 0 : i32
      %dma_start3A_324 = tpu.memref_slice %arg8[%dma_start3A_322, %dma_start3A_323] : memref<2x8192xf32, #tpu.memory_space<vmem>> -> memref<1x8192xf32, #tpu.memory_space<vmem>>
      %dma_start3A_325 = tpu.memref_squeeze %dma_start3A_324 : memref<1x8192xf32, #tpu.memory_space<vmem>> -> memref<8192xf32, #tpu.memory_space<vmem>>
      %dma_start3A_326 = tpu.memref_slice %arg4[%add3A_321] : memref<25165824xf32, #tpu.memory_space<hbm>> -> memref<8192xf32, #tpu.memory_space<hbm>>
      %dma_start3A_327 = tpu.memref_slice %arg4[%add3A_321] : memref<25165824xf32, #tpu.memory_space<hbm>> -> memref<8192xf32, #tpu.memory_space<hbm>>
      %dma_start3A_328 = arith.constant 0 : i32
      %dma_start3A_329 = tpu.memref_slice %arg8[%dma_start3A_322, %dma_start3A_328] : memref<2x8192xf32, #tpu.memory_space<vmem>> -> memref<1x8192xf32, #tpu.memory_space<vmem>>
      %dma_start3A_330 = tpu.memref_squeeze %dma_start3A_329 : memref<1x8192xf32, #tpu.memory_space<vmem>> -> memref<8192xf32, #tpu.memory_space<vmem>>
      tpu.enqueue_dma source(%dma_start3A_330 : memref<8192xf32, #tpu.memory_space<vmem>>) target(%dma_start3A_327 : memref<8192xf32, #tpu.memory_space<hbm>>) target_semaphore(%arg15 : memref<!tpu.dma_semaphore, #tpu.memory_space<semaphore_mem>>)
      %dma_start3A_331 = arith.constant 1 : i32
      %dma_start3A_332 = arith.constant 0 : i32
      %dma_start3A_333 = tpu.memref_slice %arg9[%dma_start3A_331, %dma_start3A_332] : memref<2x8192xi32, #tpu.memory_space<vmem>> -> memref<1x8192xi32, #tpu.memory_space<vmem>>
      %dma_start3A_334 = tpu.memref_squeeze %dma_start3A_333 : memref<1x8192xi32, #tpu.memory_space<vmem>> -> memref<8192xi32, #tpu.memory_space<vmem>>
      %dma_start3A_335 = tpu.memref_slice %arg5[%add3A_321] : memref<25165824xi32, #tpu.memory_space<hbm>> -> memref<8192xi32, #tpu.memory_space<hbm>>
      %dma_start3A_336 = tpu.memref_slice %arg5[%add3A_321] : memref<25165824xi32, #tpu.memory_space<hbm>> -> memref<8192xi32, #tpu.memory_space<hbm>>
      %dma_start3A_337 = arith.constant 0 : i32
      %dma_start3A_338 = tpu.memref_slice %arg9[%dma_start3A_331, %dma_start3A_337] : memref<2x8192xi32, #tpu.memory_space<vmem>> -> memref<1x8192xi32, #tpu.memory_space<vmem>>
      %dma_start3A_339 = tpu.memref_squeeze %dma_start3A_338 : memref<1x8192xi32, #tpu.memory_space<vmem>> -> memref<8192xi32, #tpu.memory_space<vmem>>
      tpu.enqueue_dma source(%dma_start3A_339 : memref<8192xi32, #tpu.memory_space<vmem>>) target(%dma_start3A_336 : memref<8192xi32, #tpu.memory_space<hbm>>) target_semaphore(%arg17 : memref<!tpu.dma_semaphore, #tpu.memory_space<semaphore_mem>>)
    }
    %scan3A_34 = arith.constant 16 : i32
    %add3A_35 = arith.constant 245760 : i32
    %add3A_36 = arith.addi %add3A_4, %add3A_35 : i32
    %dma_wait3A = arith.constant 0 : i32
    %dma_wait3A_37 = arith.constant 0 : i32
    %dma_wait3A_38 = tpu.memref_slice %arg8[%dma_wait3A, %dma_wait3A_37] : memref<2x8192xf32, #tpu.memory_space<vmem>> -> memref<1x8192xf32, #tpu.memory_space<vmem>>
    %dma_wait3A_39 = tpu.memref_squeeze %dma_wait3A_38 : memref<1x8192xf32, #tpu.memory_space<vmem>> -> memref<8192xf32, #tpu.memory_space<vmem>>
    %dma_wait3A_40 = tpu.memref_slice %arg4[%add3A_36] : memref<25165824xf32, #tpu.memory_space<hbm>> -> memref<8192xf32, #tpu.memory_space<hbm>>
    %dma_wait3A_41 = tpu.memref_slice %arg4[%add3A_36] : memref<25165824xf32, #tpu.memory_space<hbm>> -> memref<8192xf32, #tpu.memory_space<hbm>>
    %dma_wait3A_42 = arith.constant 0 : i32
    %dma_wait3A_43 = tpu.memref_slice %arg8[%dma_wait3A, %dma_wait3A_42] : memref<2x8192xf32, #tpu.memory_space<vmem>> -> memref<1x8192xf32, #tpu.memory_space<vmem>>
    %dma_wait3A_44 = tpu.memref_squeeze %dma_wait3A_43 : memref<1x8192xf32, #tpu.memory_space<vmem>> -> memref<8192xf32, #tpu.memory_space<vmem>>
    tpu.wait_dma2 semaphore(%arg14 : memref<!tpu.dma_semaphore, #tpu.memory_space<semaphore_mem>>) src(%dma_wait3A_44 : memref<8192xf32, #tpu.memory_space<vmem>>) dst(%dma_wait3A_41 : memref<8192xf32, #tpu.memory_space<hbm>>)
    %dma_wait3A_45 = arith.constant 0 : i32
    %dma_wait3A_46 = arith.constant 0 : i32
    %dma_wait3A_47 = tpu.memref_slice %arg9[%dma_wait3A_45, %dma_wait3A_46] : memref<2x8192xi32, #tpu.memory_space<vmem>> -> memref<1x8192xi32, #tpu.memory_space<vmem>>
    %dma_wait3A_48 = tpu.memref_squeeze %dma_wait3A_47 : memref<1x8192xi32, #tpu.memory_space<vmem>> -> memref<8192xi32, #tpu.memory_space<vmem>>
    %dma_wait3A_49 = tpu.memref_slice %arg5[%add3A_36] : memref<25165824xi32, #tpu.memory_space<hbm>> -> memref<8192xi32, #tpu.memory_space<hbm>>
    %dma_wait3A_50 = tpu.memref_slice %arg5[%add3A_36] : memref<25165824xi32, #tpu.memory_space<hbm>> -> memref<8192xi32, #tpu.memory_space<hbm>>
    %dma_wait3A_51 = arith.constant 0 : i32
    %dma_wait3A_52 = tpu.memref_slice %arg9[%dma_wait3A_45, %dma_wait3A_51] : memref<2x8192xi32, #tpu.memory_space<vmem>> -> memref<1x8192xi32, #tpu.memory_space<vmem>>
    %dma_wait3A_53 = tpu.memref_squeeze %dma_wait3A_52 : memref<1x8192xi32, #tpu.memory_space<vmem>> -> memref<8192xi32, #tpu.memory_space<vmem>>
    tpu.wait_dma2 semaphore(%arg16 : memref<!tpu.dma_semaphore, #tpu.memory_space<semaphore_mem>>) src(%dma_wait3A_53 : memref<8192xi32, #tpu.memory_space<vmem>>) dst(%dma_wait3A_50 : memref<8192xi32, #tpu.memory_space<hbm>>)
    %add3A_54 = arith.constant 253952 : i32
    %add3A_55 = arith.addi %add3A_4, %add3A_54 : i32
    %dma_wait3A_56 = arith.constant 1 : i32
    %dma_wait3A_57 = arith.constant 0 : i32
    %dma_wait3A_58 = tpu.memref_slice %arg8[%dma_wait3A_56, %dma_wait3A_57] : memref<2x8192xf32, #tpu.memory_space<vmem>> -> memref<1x8192xf32, #tpu.memory_space<vmem>>
    %dma_wait3A_59 = tpu.memref_squeeze %dma_wait3A_58 : memref<1x8192xf32, #tpu.memory_space<vmem>> -> memref<8192xf32, #tpu.memory_space<vmem>>
    %dma_wait3A_60 = tpu.memref_slice %arg4[%add3A_55] : memref<25165824xf32, #tpu.memory_space<hbm>> -> memref<8192xf32, #tpu.memory_space<hbm>>
    %dma_wait3A_61 = tpu.memref_slice %arg4[%add3A_55] : memref<25165824xf32, #tpu.memory_space<hbm>> -> memref<8192xf32, #tpu.memory_space<hbm>>
    %dma_wait3A_62 = arith.constant 0 : i32
    %dma_wait3A_63 = tpu.memref_slice %arg8[%dma_wait3A_56, %dma_wait3A_62] : memref<2x8192xf32, #tpu.memory_space<vmem>> -> memref<1x8192xf32, #tpu.memory_space<vmem>>
    %dma_wait3A_64 = tpu.memref_squeeze %dma_wait3A_63 : memref<1x8192xf32, #tpu.memory_space<vmem>> -> memref<8192xf32, #tpu.memory_space<vmem>>
    tpu.wait_dma2 semaphore(%arg15 : memref<!tpu.dma_semaphore, #tpu.memory_space<semaphore_mem>>) src(%dma_wait3A_64 : memref<8192xf32, #tpu.memory_space<vmem>>) dst(%dma_wait3A_61 : memref<8192xf32, #tpu.memory_space<hbm>>)
    %dma_wait3A_65 = arith.constant 1 : i32
    %dma_wait3A_66 = arith.constant 0 : i32
    %dma_wait3A_67 = tpu.memref_slice %arg9[%dma_wait3A_65, %dma_wait3A_66] : memref<2x8192xi32, #tpu.memory_space<vmem>> -> memref<1x8192xi32, #tpu.memory_space<vmem>>
    %dma_wait3A_68 = tpu.memref_squeeze %dma_wait3A_67 : memref<1x8192xi32, #tpu.memory_space<vmem>> -> memref<8192xi32, #tpu.memory_space<vmem>>
    %dma_wait3A_69 = tpu.memref_slice %arg5[%add3A_55] : memref<25165824xi32, #tpu.memory_space<hbm>> -> memref<8192xi32, #tpu.memory_space<hbm>>
    %dma_wait3A_70 = tpu.memref_slice %arg5[%add3A_55] : memref<25165824xi32, #tpu.memory_space<hbm>> -> memref<8192xi32, #tpu.memory_space<hbm>>
    %dma_wait3A_71 = arith.constant 0 : i32
    %dma_wait3A_72 = tpu.memref_slice %arg9[%dma_wait3A_65, %dma_wait3A_71] : memref<2x8192xi32, #tpu.memory_space<vmem>> -> memref<1x8192xi32, #tpu.memory_space<vmem>>
    %dma_wait3A_73 = tpu.memref_squeeze %dma_wait3A_72 : memref<1x8192xi32, #tpu.memory_space<vmem>> -> memref<8192xi32, #tpu.memory_space<vmem>>
    tpu.wait_dma2 semaphore(%arg17 : memref<!tpu.dma_semaphore, #tpu.memory_space<semaphore_mem>>) src(%dma_wait3A_73 : memref<8192xi32, #tpu.memory_space<vmem>>) dst(%dma_wait3A_70 : memref<8192xi32, #tpu.memory_space<hbm>>)
    %add3A_74 = arith.constant 8388608 : i32
    %add3A_75 = arith.addi %add3A_74, %mul3A_2 : i32
    %mul3A_76 = arith.constant 65536 : i32
    %mul3A_77 = arith.muli %add3A, %mul3A_76 : i32
    %add3A_78 = arith.constant 2097152 : i32
    %add3A_79 = arith.addi %add3A_78, %mul3A_77 : i32
    %add3A_80 = arith.constant 0 : i32
    %add3A_81 = arith.addi %add3A_75, %add3A_80 : i32
    %dma_start3A_82 = arith.constant 0 : i32
    %dma_start3A_83 = arith.constant 0 : i32
    %dma_start3A_84 = tpu.memref_slice %arg6[%dma_start3A_82, %dma_start3A_83] : memref<2x8192xf32, #tpu.memory_space<vmem>> -> memref<1x8192xf32, #tpu.memory_space<vmem>>
    %dma_start3A_85 = tpu.memref_squeeze %dma_start3A_84 : memref<1x8192xf32, #tpu.memory_space<vmem>> -> memref<8192xf32, #tpu.memory_space<vmem>>
    %dma_start3A_86 = tpu.memref_slice %arg2[%add3A_81] : memref<25165824xf32, #tpu.memory_space<hbm>> -> memref<8192xf32, #tpu.memory_space<hbm>>
    %dma_start3A_87 = arith.constant 0 : i32
    %dma_start3A_88 = tpu.memref_slice %arg6[%dma_start3A_82, %dma_start3A_87] : memref<2x8192xf32, #tpu.memory_space<vmem>> -> memref<1x8192xf32, #tpu.memory_space<vmem>>
    %dma_start3A_89 = tpu.memref_squeeze %dma_start3A_88 : memref<1x8192xf32, #tpu.memory_space<vmem>> -> memref<8192xf32, #tpu.memory_space<vmem>>
    %dma_start3A_90 = tpu.memref_slice %arg2[%add3A_81] : memref<25165824xf32, #tpu.memory_space<hbm>> -> memref<8192xf32, #tpu.memory_space<hbm>>
    tpu.enqueue_dma source(%dma_start3A_90 : memref<8192xf32, #tpu.memory_space<hbm>>) target(%dma_start3A_89 : memref<8192xf32, #tpu.memory_space<vmem>>) target_semaphore(%arg10 : memref<!tpu.dma_semaphore, #tpu.memory_space<semaphore_mem>>)
    %add3A_91 = arith.constant 0 : i32
    %add3A_92 = arith.addi %add3A_79, %add3A_91 : i32
    %dma_start3A_93 = arith.constant 0 : i32
    %dma_start3A_94 = arith.constant 0 : i32
    %dma_start3A_95 = tpu.memref_slice %arg7[%dma_start3A_93, %dma_start3A_94] : memref<2x2048xi32, #tpu.memory_space<vmem>> -> memref<1x2048xi32, #tpu.memory_space<vmem>>
    %dma_start3A_96 = tpu.memref_squeeze %dma_start3A_95 : memref<1x2048xi32, #tpu.memory_space<vmem>> -> memref<2048xi32, #tpu.memory_space<vmem>>
    %dma_start3A_97 = tpu.memref_slice %arg3[%add3A_92] : memref<4194304xi32, #tpu.memory_space<hbm>> -> memref<2048xi32, #tpu.memory_space<hbm>>
    %dma_start3A_98 = arith.constant 0 : i32
    %dma_start3A_99 = tpu.memref_slice %arg7[%dma_start3A_93, %dma_start3A_98] : memref<2x2048xi32, #tpu.memory_space<vmem>> -> memref<1x2048xi32, #tpu.memory_space<vmem>>
    %dma_start3A_100 = tpu.memref_squeeze %dma_start3A_99 : memref<1x2048xi32, #tpu.memory_space<vmem>> -> memref<2048xi32, #tpu.memory_space<vmem>>
    %dma_start3A_101 = tpu.memref_slice %arg3[%add3A_92] : memref<4194304xi32, #tpu.memory_space<hbm>> -> memref<2048xi32, #tpu.memory_space<hbm>>
    tpu.enqueue_dma source(%dma_start3A_101 : memref<2048xi32, #tpu.memory_space<hbm>>) target(%dma_start3A_100 : memref<2048xi32, #tpu.memory_space<vmem>>) target_semaphore(%arg12 : memref<!tpu.dma_semaphore, #tpu.memory_space<semaphore_mem>>)
    %scan3A_102 = arith.constant 0 : i32
    %scan3A_103 = arith.constant 0 : i32
    %scan3A_104 = arith.constant 16 : i32
    %scan3A_105 = arith.addi %scan3A_103, %scan3A_104 : i32
    %scan3A_106 = arith.constant 1 : i32
    scf.for %scan3A_211 = %scan3A_103 to %scan3A_105 step %scan3A_106  : i32 {
      %mul3A_212 = arith.constant 2 : i32
      %mul3A_213 = arith.muli %scan3A_211, %mul3A_212 : i32
      %add3A_214 = arith.constant 0 : i32
      %add3A_215 = arith.addi %mul3A_213, %add3A_214 : i32
      %add3A_216 = arith.constant 1 : i32
      %add3A_217 = arith.addi %add3A_215, %add3A_216 : i32
      %lt3A = arith.constant 32 : i32
      %lt3A_218 = arith.cmpi slt, %add3A_217, %lt3A : i32
      %convert_element_type3A = arith.extui %lt3A_218 : i1 to i32
      %cond3A = arith.constant 0 : i32
      %cond3A_219 = arith.cmpi ne, %convert_element_type3A, %cond3A : i32
      scf.if %cond3A_219 {
        %mul3A_340 = arith.constant 8192 : i32
        %mul3A_341 = arith.muli %add3A_217, %mul3A_340 : i32
        %add3A_342 = arith.addi %add3A_75, %mul3A_341 : i32
        %dma_start3A_343 = arith.constant 1 : i32
        %dma_start3A_344 = arith.constant 0 : i32
        %dma_start3A_345 = tpu.memref_slice %arg6[%dma_start3A_343, %dma_start3A_344] : memref<2x8192xf32, #tpu.memory_space<vmem>> -> memref<1x8192xf32, #tpu.memory_space<vmem>>
        %dma_start3A_346 = tpu.memref_squeeze %dma_start3A_345 : memref<1x8192xf32, #tpu.memory_space<vmem>> -> memref<8192xf32, #tpu.memory_space<vmem>>
        %dma_start3A_347 = tpu.memref_slice %arg2[%add3A_342] : memref<25165824xf32, #tpu.memory_space<hbm>> -> memref<8192xf32, #tpu.memory_space<hbm>>
        %dma_start3A_348 = arith.constant 0 : i32
        %dma_start3A_349 = tpu.memref_slice %arg6[%dma_start3A_343, %dma_start3A_348] : memref<2x8192xf32, #tpu.memory_space<vmem>> -> memref<1x8192xf32, #tpu.memory_space<vmem>>
        %dma_start3A_350 = tpu.memref_squeeze %dma_start3A_349 : memref<1x8192xf32, #tpu.memory_space<vmem>> -> memref<8192xf32, #tpu.memory_space<vmem>>
        %dma_start3A_351 = tpu.memref_slice %arg2[%add3A_342] : memref<25165824xf32, #tpu.memory_space<hbm>> -> memref<8192xf32, #tpu.memory_space<hbm>>
        tpu.enqueue_dma source(%dma_start3A_351 : memref<8192xf32, #tpu.memory_space<hbm>>) target(%dma_start3A_350 : memref<8192xf32, #tpu.memory_space<vmem>>) target_semaphore(%arg11 : memref<!tpu.dma_semaphore, #tpu.memory_space<semaphore_mem>>)
        %mul3A_352 = arith.constant 2048 : i32
        %mul3A_353 = arith.muli %add3A_217, %mul3A_352 : i32
        %add3A_354 = arith.addi %add3A_79, %mul3A_353 : i32
        %dma_start3A_355 = arith.constant 1 : i32
        %dma_start3A_356 = arith.constant 0 : i32
        %dma_start3A_357 = tpu.memref_slice %arg7[%dma_start3A_355, %dma_start3A_356] : memref<2x2048xi32, #tpu.memory_space<vmem>> -> memref<1x2048xi32, #tpu.memory_space<vmem>>
        %dma_start3A_358 = tpu.memref_squeeze %dma_start3A_357 : memref<1x2048xi32, #tpu.memory_space<vmem>> -> memref<2048xi32, #tpu.memory_space<vmem>>
        %dma_start3A_359 = tpu.memref_slice %arg3[%add3A_354] : memref<4194304xi32, #tpu.memory_space<hbm>> -> memref<2048xi32, #tpu.memory_space<hbm>>
        %dma_start3A_360 = arith.constant 0 : i32
        %dma_start3A_361 = tpu.memref_slice %arg7[%dma_start3A_355, %dma_start3A_360] : memref<2x2048xi32, #tpu.memory_space<vmem>> -> memref<1x2048xi32, #tpu.memory_space<vmem>>
        %dma_start3A_362 = tpu.memref_squeeze %dma_start3A_361 : memref<1x2048xi32, #tpu.memory_space<vmem>> -> memref<2048xi32, #tpu.memory_space<vmem>>
        %dma_start3A_363 = tpu.memref_slice %arg3[%add3A_354] : memref<4194304xi32, #tpu.memory_space<hbm>> -> memref<2048xi32, #tpu.memory_space<hbm>>
        tpu.enqueue_dma source(%dma_start3A_363 : memref<2048xi32, #tpu.memory_space<hbm>>) target(%dma_start3A_362 : memref<2048xi32, #tpu.memory_space<vmem>>) target_semaphore(%arg13 : memref<!tpu.dma_semaphore, #tpu.memory_space<semaphore_mem>>)
      } else {
      }
      %mul3A_220 = arith.constant 8192 : i32
      %mul3A_221 = arith.muli %add3A_215, %mul3A_220 : i32
      %add3A_222 = arith.addi %add3A_75, %mul3A_221 : i32
      %dma_wait3A_223 = arith.constant 0 : i32
      %dma_wait3A_224 = arith.constant 0 : i32
      %dma_wait3A_225 = tpu.memref_slice %arg6[%dma_wait3A_223, %dma_wait3A_224] : memref<2x8192xf32, #tpu.memory_space<vmem>> -> memref<1x8192xf32, #tpu.memory_space<vmem>>
      %dma_wait3A_226 = tpu.memref_squeeze %dma_wait3A_225 : memref<1x8192xf32, #tpu.memory_space<vmem>> -> memref<8192xf32, #tpu.memory_space<vmem>>
      %dma_wait3A_227 = tpu.memref_slice %arg2[%add3A_222] : memref<25165824xf32, #tpu.memory_space<hbm>> -> memref<8192xf32, #tpu.memory_space<hbm>>
      %dma_wait3A_228 = arith.constant 0 : i32
      %dma_wait3A_229 = tpu.memref_slice %arg6[%dma_wait3A_223, %dma_wait3A_228] : memref<2x8192xf32, #tpu.memory_space<vmem>> -> memref<1x8192xf32, #tpu.memory_space<vmem>>
      %dma_wait3A_230 = tpu.memref_squeeze %dma_wait3A_229 : memref<1x8192xf32, #tpu.memory_space<vmem>> -> memref<8192xf32, #tpu.memory_space<vmem>>
      %dma_wait3A_231 = tpu.memref_slice %arg2[%add3A_222] : memref<25165824xf32, #tpu.memory_space<hbm>> -> memref<8192xf32, #tpu.memory_space<hbm>>
      tpu.wait_dma2 semaphore(%arg10 : memref<!tpu.dma_semaphore, #tpu.memory_space<semaphore_mem>>) src(%dma_wait3A_231 : memref<8192xf32, #tpu.memory_space<hbm>>) dst(%dma_wait3A_230 : memref<8192xf32, #tpu.memory_space<vmem>>)
      %mul3A_232 = arith.constant 2048 : i32
      %mul3A_233 = arith.muli %add3A_215, %mul3A_232 : i32
      %add3A_234 = arith.addi %add3A_79, %mul3A_233 : i32
      %dma_wait3A_235 = arith.constant 0 : i32
      %dma_wait3A_236 = arith.constant 0 : i32
      %dma_wait3A_237 = tpu.memref_slice %arg7[%dma_wait3A_235, %dma_wait3A_236] : memref<2x2048xi32, #tpu.memory_space<vmem>> -> memref<1x2048xi32, #tpu.memory_space<vmem>>
      %dma_wait3A_238 = tpu.memref_squeeze %dma_wait3A_237 : memref<1x2048xi32, #tpu.memory_space<vmem>> -> memref<2048xi32, #tpu.memory_space<vmem>>
      %dma_wait3A_239 = tpu.memref_slice %arg3[%add3A_234] : memref<4194304xi32, #tpu.memory_space<hbm>> -> memref<2048xi32, #tpu.memory_space<hbm>>
      %dma_wait3A_240 = arith.constant 0 : i32
      %dma_wait3A_241 = tpu.memref_slice %arg7[%dma_wait3A_235, %dma_wait3A_240] : memref<2x2048xi32, #tpu.memory_space<vmem>> -> memref<1x2048xi32, #tpu.memory_space<vmem>>
      %dma_wait3A_242 = tpu.memref_squeeze %dma_wait3A_241 : memref<1x2048xi32, #tpu.memory_space<vmem>> -> memref<2048xi32, #tpu.memory_space<vmem>>
      %dma_wait3A_243 = tpu.memref_slice %arg3[%add3A_234] : memref<4194304xi32, #tpu.memory_space<hbm>> -> memref<2048xi32, #tpu.memory_space<hbm>>
      tpu.wait_dma2 semaphore(%arg12 : memref<!tpu.dma_semaphore, #tpu.memory_space<semaphore_mem>>) src(%dma_wait3A_243 : memref<2048xi32, #tpu.memory_space<hbm>>) dst(%dma_wait3A_242 : memref<2048xi32, #tpu.memory_space<vmem>>)
      %ge3A = arith.constant 2 : i32
      %ge3A_244 = arith.cmpi sge, %add3A_215, %ge3A : i32
      %convert_element_type3A_245 = arith.extui %ge3A_244 : i1 to i32
      %cond3A_246 = arith.constant 0 : i32
      %cond3A_247 = arith.cmpi ne, %convert_element_type3A_245, %cond3A_246 : i32
      scf.if %cond3A_247 {
        %sub3A = arith.constant 2 : i32
        %sub3A_340 = arith.subi %add3A_215, %sub3A : i32
        %mul3A_341 = arith.constant 8192 : i32
        %mul3A_342 = arith.muli %sub3A_340, %mul3A_341 : i32
        %add3A_343 = arith.addi %add3A_75, %mul3A_342 : i32
        %dma_wait3A_344 = arith.constant 0 : i32
        %dma_wait3A_345 = arith.constant 0 : i32
        %dma_wait3A_346 = tpu.memref_slice %arg8[%dma_wait3A_344, %dma_wait3A_345] : memref<2x8192xf32, #tpu.memory_space<vmem>> -> memref<1x8192xf32, #tpu.memory_space<vmem>>
        %dma_wait3A_347 = tpu.memref_squeeze %dma_wait3A_346 : memref<1x8192xf32, #tpu.memory_space<vmem>> -> memref<8192xf32, #tpu.memory_space<vmem>>
        %dma_wait3A_348 = tpu.memref_slice %arg4[%add3A_343] : memref<25165824xf32, #tpu.memory_space<hbm>> -> memref<8192xf32, #tpu.memory_space<hbm>>
        %dma_wait3A_349 = tpu.memref_slice %arg4[%add3A_343] : memref<25165824xf32, #tpu.memory_space<hbm>> -> memref<8192xf32, #tpu.memory_space<hbm>>
        %dma_wait3A_350 = arith.constant 0 : i32
        %dma_wait3A_351 = tpu.memref_slice %arg8[%dma_wait3A_344, %dma_wait3A_350] : memref<2x8192xf32, #tpu.memory_space<vmem>> -> memref<1x8192xf32, #tpu.memory_space<vmem>>
        %dma_wait3A_352 = tpu.memref_squeeze %dma_wait3A_351 : memref<1x8192xf32, #tpu.memory_space<vmem>> -> memref<8192xf32, #tpu.memory_space<vmem>>
        tpu.wait_dma2 semaphore(%arg14 : memref<!tpu.dma_semaphore, #tpu.memory_space<semaphore_mem>>) src(%dma_wait3A_352 : memref<8192xf32, #tpu.memory_space<vmem>>) dst(%dma_wait3A_349 : memref<8192xf32, #tpu.memory_space<hbm>>)
        %dma_wait3A_353 = arith.constant 0 : i32
        %dma_wait3A_354 = arith.constant 0 : i32
        %dma_wait3A_355 = tpu.memref_slice %arg9[%dma_wait3A_353, %dma_wait3A_354] : memref<2x8192xi32, #tpu.memory_space<vmem>> -> memref<1x8192xi32, #tpu.memory_space<vmem>>
        %dma_wait3A_356 = tpu.memref_squeeze %dma_wait3A_355 : memref<1x8192xi32, #tpu.memory_space<vmem>> -> memref<8192xi32, #tpu.memory_space<vmem>>
        %dma_wait3A_357 = tpu.memref_slice %arg5[%add3A_343] : memref<25165824xi32, #tpu.memory_space<hbm>> -> memref<8192xi32, #tpu.memory_space<hbm>>
        %dma_wait3A_358 = tpu.memref_slice %arg5[%add3A_343] : memref<25165824xi32, #tpu.memory_space<hbm>> -> memref<8192xi32, #tpu.memory_space<hbm>>
        %dma_wait3A_359 = arith.constant 0 : i32
        %dma_wait3A_360 = tpu.memref_slice %arg9[%dma_wait3A_353, %dma_wait3A_359] : memref<2x8192xi32, #tpu.memory_space<vmem>> -> memref<1x8192xi32, #tpu.memory_space<vmem>>
        %dma_wait3A_361 = tpu.memref_squeeze %dma_wait3A_360 : memref<1x8192xi32, #tpu.memory_space<vmem>> -> memref<8192xi32, #tpu.memory_space<vmem>>
        tpu.wait_dma2 semaphore(%arg16 : memref<!tpu.dma_semaphore, #tpu.memory_space<semaphore_mem>>) src(%dma_wait3A_361 : memref<8192xi32, #tpu.memory_space<vmem>>) dst(%dma_wait3A_358 : memref<8192xi32, #tpu.memory_space<hbm>>)
      } else {
      }
      %scan3A_248 = arith.constant 0 : i32
      %scan3A_249 = arith.constant 0 : i32
      %scan3A_250 = arith.constant 64 : i32
      %scan3A_251 = arith.addi %scan3A_249, %scan3A_250 : i32
      %scan3A_252 = arith.constant 1 : i32
      scf.for %scan3A_340 = %scan3A_249 to %scan3A_251 step %scan3A_252  : i32 {
        %mul3A_341 = arith.constant 32 : i32
        %mul3A_342 = arith.muli %scan3A_340, %mul3A_341 : i32
        %get3A = arith.constant 0 : i32
        %get3A_343 = arith.index_cast %get3A : i32 to index
        %get3A_344 = arith.index_cast %mul3A_342 : i32 to index
        %get3A_345 = tpu.vector_load %arg7[%get3A_343, %get3A_344] {strides = array<i32>} : memref<2x2048xi32, #tpu.memory_space<vmem>>, vector<16xi32>,
        %mul3A_346 = arith.constant 32 : i32
        %mul3A_347 = arith.muli %scan3A_340, %mul3A_346 : i32
        %add3A_348 = arith.constant 16 : i32
        %add3A_349 = arith.addi %mul3A_347, %add3A_348 : i32
        %get3A_350 = arith.constant 0 : i32
        %get3A_351 = arith.index_cast %get3A_350 : i32 to index
        %get3A_352 = arith.index_cast %add3A_349 : i32 to index
        %get3A_353 = tpu.vector_load %arg7[%get3A_351, %get3A_352] {strides = array<i32>} : memref<2x2048xi32, #tpu.memory_space<vmem>>, vector<16xi32>,
        %mul3A_354 = arith.constant 128 : i32
        %mul3A_355 = arith.muli %scan3A_340, %mul3A_354 : i32
        %add3A_356 = arith.constant 0 : i32
        %add3A_357 = arith.addi %mul3A_355, %add3A_356 : i32
        %get3A_358 = arith.constant 0 : i32
        %get3A_359 = arith.index_cast %get3A_358 : i32 to index
        %get3A_360 = arith.index_cast %add3A_357 : i32 to index
        %get3A_361 = tpu.vector_load %arg6[%get3A_359, %get3A_360] {strides = array<i32>} : memref<2x8192xf32, #tpu.memory_space<vmem>>, vector<16xf32>,
        %mul3A_362 = arith.constant 1.9098593 : f32
        %mul3A_363 = vector.broadcast %mul3A_362 : f32 to vector<16xf32>
        %mul3A_364 = arith.mulf %get3A_361, %mul3A_363 : vector<16xf32>
        %add3A_365 = arith.constant 6.000000e+00 : f32
        %add3A_366 = vector.broadcast %add3A_365 : f32 to vector<16xf32>
        %add3A_367 = arith.addf %mul3A_364, %add3A_366 : vector<16xf32>
        %convert_element_type3A_368 = arith.fptosi %add3A_367 : vector<16xf32> to vector<16xi32>
        %min3A = arith.constant 11 : i32
        %min3A_369 = vector.broadcast %min3A : i32 to vector<16xi32>
        %min3A_370 = arith.minsi %convert_element_type3A_368, %min3A_369 : vector<16xi32>
        %convert_element_type3A_371 = arith.sitofp %min3A_370 : vector<16xi32> to vector<16xf32>
        %add3A_372 = arith.constant 5.000000e-01 : f32
        %add3A_373 = vector.broadcast %add3A_372 : f32 to vector<16xf32>
        %add3A_374 = arith.addf %convert_element_type3A_371, %add3A_373 : vector<16xf32>
        %mul3A_375 = arith.constant 0.52359879 : f32
        %mul3A_376 = vector.broadcast %mul3A_375 : f32 to vector<16xf32>
        %mul3A_377 = arith.mulf %add3A_374, %mul3A_376 : vector<16xf32>
        %sub3A = arith.constant 3.14159274 : f32
        %sub3A_378 = vector.broadcast %sub3A : f32 to vector<16xf32>
        %sub3A_379 = arith.subf %mul3A_377, %sub3A_378 : vector<16xf32>
        %and3A = arith.constant 1 : i32
        %and3A_380 = vector.broadcast %and3A : i32 to vector<16xi32>
        %and3A_381 = arith.andi %get3A_345, %and3A_380 : vector<16xi32>
        %ne3A = arith.constant 0 : i32
        %ne3A_382 = vector.broadcast %ne3A : i32 to vector<16xi32>
        %ne3A_383 = arith.cmpi ne, %and3A_381, %ne3A_382 : vector<16xi32>
        %jit3A = arith.constant 0.000000e+00 : f32
        %broadcast_in_dim3A = vector.broadcast %jit3A : f32 to vector<16xf32>
        %select_n3A = arith.select %ne3A_383, %broadcast_in_dim3A, %sub3A_379 : vector<16xi1>, vector<16xf32>
        %jit3A_384 = arith.constant 12 : i32
        %broadcast_in_dim3A_385 = vector.broadcast %jit3A_384 : i32 to vector<16xi32>
        %select_n3A_386 = arith.select %ne3A_383, %broadcast_in_dim3A_385, %min3A_370 : vector<16xi1>, vector<16xi32>
        %swap3A = arith.constant 0 : i32
        %swap3A_387 = arith.index_cast %swap3A : i32 to index
        %swap3A_388 = arith.index_cast %add3A_357 : i32 to index
        %swap3A_389 = tpu.vector_load %arg8[%swap3A_387, %swap3A_388] {strides = array<i32>} : memref<2x8192xf32, #tpu.memory_space<vmem>>, vector<16xf32>,
        tpu.vector_store %arg8[%swap3A_387, %swap3A_388], %select_n3A {strides = array<i32>} : memref<2x8192xf32, #tpu.memory_space<vmem>>, vector<16xf32>,
        %swap3A_390 = arith.constant 0 : i32
        %swap3A_391 = arith.index_cast %swap3A_390 : i32 to index
        %swap3A_392 = arith.index_cast %add3A_357 : i32 to index
        %swap3A_393 = tpu.vector_load %arg9[%swap3A_391, %swap3A_392] {strides = array<i32>} : memref<2x8192xi32, #tpu.memory_space<vmem>>, vector<16xi32>,
        tpu.vector_store %arg9[%swap3A_391, %swap3A_392], %select_n3A_386 {strides = array<i32>} : memref<2x8192xi32, #tpu.memory_space<vmem>>, vector<16xi32>,
        %mul3A_394 = arith.constant 128 : i32
        %mul3A_395 = arith.muli %scan3A_340, %mul3A_394 : i32
        %add3A_396 = arith.constant 16 : i32
        %add3A_397 = arith.addi %mul3A_395, %add3A_396 : i32
        %get3A_398 = arith.constant 0 : i32
        %get3A_399 = arith.index_cast %get3A_398 : i32 to index
        %get3A_400 = arith.index_cast %add3A_397 : i32 to index
        %get3A_401 = tpu.vector_load %arg6[%get3A_399, %get3A_400] {strides = array<i32>} : memref<2x8192xf32, #tpu.memory_space<vmem>>, vector<16xf32>,
        %mul3A_402 = arith.constant 1.9098593 : f32
        %mul3A_403 = vector.broadcast %mul3A_402 : f32 to vector<16xf32>
        %mul3A_404 = arith.mulf %get3A_401, %mul3A_403 : vector<16xf32>
        %add3A_405 = arith.constant 6.000000e+00 : f32
        %add3A_406 = vector.broadcast %add3A_405 : f32 to vector<16xf32>
        %add3A_407 = arith.addf %mul3A_404, %add3A_406 : vector<16xf32>
        %convert_element_type3A_408 = arith.fptosi %add3A_407 : vector<16xf32> to vector<16xi32>
        %min3A_409 = arith.constant 11 : i32
        %min3A_410 = vector.broadcast %min3A_409 : i32 to vector<16xi32>
        %min3A_411 = arith.minsi %convert_element_type3A_408, %min3A_410 : vector<16xi32>
        %convert_element_type3A_412 = arith.sitofp %min3A_411 : vector<16xi32> to vector<16xf32>
        %add3A_413 = arith.constant 5.000000e-01 : f32
        %add3A_414 = vector.broadcast %add3A_413 : f32 to vector<16xf32>
        %add3A_415 = arith.addf %convert_element_type3A_412, %add3A_414 : vector<16xf32>
        %mul3A_416 = arith.constant 0.52359879 : f32
        %mul3A_417 = vector.broadcast %mul3A_416 : f32 to vector<16xf32>
        %mul3A_418 = arith.mulf %add3A_415, %mul3A_417 : vector<16xf32>
        %sub3A_419 = arith.constant 3.14159274 : f32
        %sub3A_420 = vector.broadcast %sub3A_419 : f32 to vector<16xf32>
        %sub3A_421 = arith.subf %mul3A_418, %sub3A_420 : vector<16xf32>
        %and3A_422 = arith.constant 256 : i32
        %and3A_423 = vector.broadcast %and3A_422 : i32 to vector<16xi32>
        %and3A_424 = arith.andi %get3A_345, %and3A_423 : vector<16xi32>
        %ne3A_425 = arith.constant 0 : i32
        %ne3A_426 = vector.broadcast %ne3A_425 : i32 to vector<16xi32>
        %ne3A_427 = arith.cmpi ne, %and3A_424, %ne3A_426 : vector<16xi32>
        %jit3A_428 = arith.constant 0.000000e+00 : f32
        %broadcast_in_dim3A_429 = vector.broadcast %jit3A_428 : f32 to vector<16xf32>
        %select_n3A_430 = arith.select %ne3A_427, %broadcast_in_dim3A_429, %sub3A_421 : vector<16xi1>, vector<16xf32>
        %jit3A_431 = arith.constant 12 : i32
        %broadcast_in_dim3A_432 = vector.broadcast %jit3A_431 : i32 to vector<16xi32>
        %select_n3A_433 = arith.select %ne3A_427, %broadcast_in_dim3A_432, %min3A_411 : vector<16xi1>, vector<16xi32>
        %swap3A_434 = arith.constant 0 : i32
        %swap3A_435 = arith.index_cast %swap3A_434 : i32 to index
        %swap3A_436 = arith.index_cast %add3A_397 : i32 to index
        %swap3A_437 = tpu.vector_load %arg8[%swap3A_435, %swap3A_436] {strides = array<i32>} : memref<2x8192xf32, #tpu.memory_space<vmem>>, vector<16xf32>,
        tpu.vector_store %arg8[%swap3A_435, %swap3A_436], %select_n3A_430 {strides = array<i32>} : memref<2x8192xf32, #tpu.memory_space<vmem>>, vector<16xf32>,
        %swap3A_438 = arith.constant 0 : i32
        %swap3A_439 = arith.index_cast %swap3A_438 : i32 to index
        %swap3A_440 = arith.index_cast %add3A_397 : i32 to index
        %swap3A_441 = tpu.vector_load %arg9[%swap3A_439, %swap3A_440] {strides = array<i32>} : memref<2x8192xi32, #tpu.memory_space<vmem>>, vector<16xi32>,
        tpu.vector_store %arg9[%swap3A_439, %swap3A_440], %select_n3A_433 {strides = array<i32>} : memref<2x8192xi32, #tpu.memory_space<vmem>>, vector<16xi32>,
        %mul3A_442 = arith.constant 128 : i32
        %mul3A_443 = arith.muli %scan3A_340, %mul3A_442 : i32
        %add3A_444 = arith.constant 32 : i32
        %add3A_445 = arith.addi %mul3A_443, %add3A_444 : i32
        %get3A_446 = arith.constant 0 : i32
        %get3A_447 = arith.index_cast %get3A_446 : i32 to index
        %get3A_448 = arith.index_cast %add3A_445 : i32 to index
        %get3A_449 = tpu.vector_load %arg6[%get3A_447, %get3A_448] {strides = array<i32>} : memref<2x8192xf32, #tpu.memory_space<vmem>>, vector<16xf32>,
        %mul3A_450 = arith.constant 1.9098593 : f32
        %mul3A_451 = vector.broadcast %mul3A_450 : f32 to vector<16xf32>
        %mul3A_452 = arith.mulf %get3A_449, %mul3A_451 : vector<16xf32>
        %add3A_453 = arith.constant 6.000000e+00 : f32
        %add3A_454 = vector.broadcast %add3A_453 : f32 to vector<16xf32>
        %add3A_455 = arith.addf %mul3A_452, %add3A_454 : vector<16xf32>
        %convert_element_type3A_456 = arith.fptosi %add3A_455 : vector<16xf32> to vector<16xi32>
        %min3A_457 = arith.constant 11 : i32
        %min3A_458 = vector.broadcast %min3A_457 : i32 to vector<16xi32>
        %min3A_459 = arith.minsi %convert_element_type3A_456, %min3A_458 : vector<16xi32>
        %convert_element_type3A_460 = arith.sitofp %min3A_459 : vector<16xi32> to vector<16xf32>
        %add3A_461 = arith.constant 5.000000e-01 : f32
        %add3A_462 = vector.broadcast %add3A_461 : f32 to vector<16xf32>
        %add3A_463 = arith.addf %convert_element_type3A_460, %add3A_462 : vector<16xf32>
        %mul3A_464 = arith.constant 0.52359879 : f32
        %mul3A_465 = vector.broadcast %mul3A_464 : f32 to vector<16xf32>
        %mul3A_466 = arith.mulf %add3A_463, %mul3A_465 : vector<16xf32>
        %sub3A_467 = arith.constant 3.14159274 : f32
        %sub3A_468 = vector.broadcast %sub3A_467 : f32 to vector<16xf32>
        %sub3A_469 = arith.subf %mul3A_466, %sub3A_468 : vector<16xf32>
        %and3A_470 = arith.constant 65536 : i32
        %and3A_471 = vector.broadcast %and3A_470 : i32 to vector<16xi32>
        %and3A_472 = arith.andi %get3A_345, %and3A_471 : vector<16xi32>
        %ne3A_473 = arith.constant 0 : i32
        %ne3A_474 = vector.broadcast %ne3A_473 : i32 to vector<16xi32>
        %ne3A_475 = arith.cmpi ne, %and3A_472, %ne3A_474 : vector<16xi32>
        %jit3A_476 = arith.constant 0.000000e+00 : f32
        %broadcast_in_dim3A_477 = vector.broadcast %jit3A_476 : f32 to vector<16xf32>
        %select_n3A_478 = arith.select %ne3A_475, %broadcast_in_dim3A_477, %sub3A_469 : vector<16xi1>, vector<16xf32>
        %jit3A_479 = arith.constant 12 : i32
        %broadcast_in_dim3A_480 = vector.broadcast %jit3A_479 : i32 to vector<16xi32>
        %select_n3A_481 = arith.select %ne3A_475, %broadcast_in_dim3A_480, %min3A_459 : vector<16xi1>, vector<16xi32>
        %swap3A_482 = arith.constant 0 : i32
        %swap3A_483 = arith.index_cast %swap3A_482 : i32 to index
        %swap3A_484 = arith.index_cast %add3A_445 : i32 to index
        %swap3A_485 = tpu.vector_load %arg8[%swap3A_483, %swap3A_484] {strides = array<i32>} : memref<2x8192xf32, #tpu.memory_space<vmem>>, vector<16xf32>,
        tpu.vector_store %arg8[%swap3A_483, %swap3A_484], %select_n3A_478 {strides = array<i32>} : memref<2x8192xf32, #tpu.memory_space<vmem>>, vector<16xf32>,
        %swap3A_486 = arith.constant 0 : i32
        %swap3A_487 = arith.index_cast %swap3A_486 : i32 to index
        %swap3A_488 = arith.index_cast %add3A_445 : i32 to index
        %swap3A_489 = tpu.vector_load %arg9[%swap3A_487, %swap3A_488] {strides = array<i32>} : memref<2x8192xi32, #tpu.memory_space<vmem>>, vector<16xi32>,
        tpu.vector_store %arg9[%swap3A_487, %swap3A_488], %select_n3A_481 {strides = array<i32>} : memref<2x8192xi32, #tpu.memory_space<vmem>>, vector<16xi32>,
        %mul3A_490 = arith.constant 128 : i32
        %mul3A_491 = arith.muli %scan3A_340, %mul3A_490 : i32
        %add3A_492 = arith.constant 48 : i32
        %add3A_493 = arith.addi %mul3A_491, %add3A_492 : i32
        %get3A_494 = arith.constant 0 : i32
        %get3A_495 = arith.index_cast %get3A_494 : i32 to index
        %get3A_496 = arith.index_cast %add3A_493 : i32 to index
        %get3A_497 = tpu.vector_load %arg6[%get3A_495, %get3A_496] {strides = array<i32>} : memref<2x8192xf32, #tpu.memory_space<vmem>>, vector<16xf32>,
        %mul3A_498 = arith.constant 1.9098593 : f32
        %mul3A_499 = vector.broadcast %mul3A_498 : f32 to vector<16xf32>
        %mul3A_500 = arith.mulf %get3A_497, %mul3A_499 : vector<16xf32>
        %add3A_501 = arith.constant 6.000000e+00 : f32
        %add3A_502 = vector.broadcast %add3A_501 : f32 to vector<16xf32>
        %add3A_503 = arith.addf %mul3A_500, %add3A_502 : vector<16xf32>
        %convert_element_type3A_504 = arith.fptosi %add3A_503 : vector<16xf32> to vector<16xi32>
        %min3A_505 = arith.constant 11 : i32
        %min3A_506 = vector.broadcast %min3A_505 : i32 to vector<16xi32>
        %min3A_507 = arith.minsi %convert_element_type3A_504, %min3A_506 : vector<16xi32>
        %convert_element_type3A_508 = arith.sitofp %min3A_507 : vector<16xi32> to vector<16xf32>
        %add3A_509 = arith.constant 5.000000e-01 : f32
        %add3A_510 = vector.broadcast %add3A_509 : f32 to vector<16xf32>
        %add3A_511 = arith.addf %convert_element_type3A_508, %add3A_510 : vector<16xf32>
        %mul3A_512 = arith.constant 0.52359879 : f32
        %mul3A_513 = vector.broadcast %mul3A_512 : f32 to vector<16xf32>
        %mul3A_514 = arith.mulf %add3A_511, %mul3A_513 : vector<16xf32>
        %sub3A_515 = arith.constant 3.14159274 : f32
        %sub3A_516 = vector.broadcast %sub3A_515 : f32 to vector<16xf32>
        %sub3A_517 = arith.subf %mul3A_514, %sub3A_516 : vector<16xf32>
        %and3A_518 = arith.constant 16777216 : i32
        %and3A_519 = vector.broadcast %and3A_518 : i32 to vector<16xi32>
        %and3A_520 = arith.andi %get3A_345, %and3A_519 : vector<16xi32>
        %ne3A_521 = arith.constant 0 : i32
        %ne3A_522 = vector.broadcast %ne3A_521 : i32 to vector<16xi32>
        %ne3A_523 = arith.cmpi ne, %and3A_520, %ne3A_522 : vector<16xi32>
        %jit3A_524 = arith.constant 0.000000e+00 : f32
        %broadcast_in_dim3A_525 = vector.broadcast %jit3A_524 : f32 to vector<16xf32>
        %select_n3A_526 = arith.select %ne3A_523, %broadcast_in_dim3A_525, %sub3A_517 : vector<16xi1>, vector<16xf32>
        %jit3A_527 = arith.constant 12 : i32
        %broadcast_in_dim3A_528 = vector.broadcast %jit3A_527 : i32 to vector<16xi32>
        %select_n3A_529 = arith.select %ne3A_523, %broadcast_in_dim3A_528, %min3A_507 : vector<16xi1>, vector<16xi32>
        %swap3A_530 = arith.constant 0 : i32
        %swap3A_531 = arith.index_cast %swap3A_530 : i32 to index
        %swap3A_532 = arith.index_cast %add3A_493 : i32 to index
        %swap3A_533 = tpu.vector_load %arg8[%swap3A_531, %swap3A_532] {strides = array<i32>} : memref<2x8192xf32, #tpu.memory_space<vmem>>, vector<16xf32>,
        tpu.vector_store %arg8[%swap3A_531, %swap3A_532], %select_n3A_526 {strides = array<i32>} : memref<2x8192xf32, #tpu.memory_space<vmem>>, vector<16xf32>,
        %swap3A_534 = arith.constant 0 : i32
        %swap3A_535 = arith.index_cast %swap3A_534 : i32 to index
        %swap3A_536 = arith.index_cast %add3A_493 : i32 to index
        %swap3A_537 = tpu.vector_load %arg9[%swap3A_535, %swap3A_536] {strides = array<i32>} : memref<2x8192xi32, #tpu.memory_space<vmem>>, vector<16xi32>,
        tpu.vector_store %arg9[%swap3A_535, %swap3A_536], %select_n3A_529 {strides = array<i32>} : memref<2x8192xi32, #tpu.memory_space<vmem>>, vector<16xi32>,
        %mul3A_538 = arith.constant 128 : i32
        %mul3A_539 = arith.muli %scan3A_340, %mul3A_538 : i32
        %add3A_540 = arith.constant 64 : i32
        %add3A_541 = arith.addi %mul3A_539, %add3A_540 : i32
        %get3A_542 = arith.constant 0 : i32
        %get3A_543 = arith.index_cast %get3A_542 : i32 to index
        %get3A_544 = arith.index_cast %add3A_541 : i32 to index
        %get3A_545 = tpu.vector_load %arg6[%get3A_543, %get3A_544] {strides = array<i32>} : memref<2x8192xf32, #tpu.memory_space<vmem>>, vector<16xf32>,
        %mul3A_546 = arith.constant 1.9098593 : f32
        %mul3A_547 = vector.broadcast %mul3A_546 : f32 to vector<16xf32>
        %mul3A_548 = arith.mulf %get3A_545, %mul3A_547 : vector<16xf32>
        %add3A_549 = arith.constant 6.000000e+00 : f32
        %add3A_550 = vector.broadcast %add3A_549 : f32 to vector<16xf32>
        %add3A_551 = arith.addf %mul3A_548, %add3A_550 : vector<16xf32>
        %convert_element_type3A_552 = arith.fptosi %add3A_551 : vector<16xf32> to vector<16xi32>
        %min3A_553 = arith.constant 11 : i32
        %min3A_554 = vector.broadcast %min3A_553 : i32 to vector<16xi32>
        %min3A_555 = arith.minsi %convert_element_type3A_552, %min3A_554 : vector<16xi32>
        %convert_element_type3A_556 = arith.sitofp %min3A_555 : vector<16xi32> to vector<16xf32>
        %add3A_557 = arith.constant 5.000000e-01 : f32
        %add3A_558 = vector.broadcast %add3A_557 : f32 to vector<16xf32>
        %add3A_559 = arith.addf %convert_element_type3A_556, %add3A_558 : vector<16xf32>
        %mul3A_560 = arith.constant 0.52359879 : f32
        %mul3A_561 = vector.broadcast %mul3A_560 : f32 to vector<16xf32>
        %mul3A_562 = arith.mulf %add3A_559, %mul3A_561 : vector<16xf32>
        %sub3A_563 = arith.constant 3.14159274 : f32
        %sub3A_564 = vector.broadcast %sub3A_563 : f32 to vector<16xf32>
        %sub3A_565 = arith.subf %mul3A_562, %sub3A_564 : vector<16xf32>
        %and3A_566 = arith.constant 1 : i32
        %and3A_567 = vector.broadcast %and3A_566 : i32 to vector<16xi32>
        %and3A_568 = arith.andi %get3A_353, %and3A_567 : vector<16xi32>
        %ne3A_569 = arith.constant 0 : i32
        %ne3A_570 = vector.broadcast %ne3A_569 : i32 to vector<16xi32>
        %ne3A_571 = arith.cmpi ne, %and3A_568, %ne3A_570 : vector<16xi32>
        %jit3A_572 = arith.constant 0.000000e+00 : f32
        %broadcast_in_dim3A_573 = vector.broadcast %jit3A_572 : f32 to vector<16xf32>
        %select_n3A_574 = arith.select %ne3A_571, %broadcast_in_dim3A_573, %sub3A_565 : vector<16xi1>, vector<16xf32>
        %jit3A_575 = arith.constant 12 : i32
        %broadcast_in_dim3A_576 = vector.broadcast %jit3A_575 : i32 to vector<16xi32>
        %select_n3A_577 = arith.select %ne3A_571, %broadcast_in_dim3A_576, %min3A_555 : vector<16xi1>, vector<16xi32>
        %swap3A_578 = arith.constant 0 : i32
        %swap3A_579 = arith.index_cast %swap3A_578 : i32 to index
        %swap3A_580 = arith.index_cast %add3A_541 : i32 to index
        %swap3A_581 = tpu.vector_load %arg8[%swap3A_579, %swap3A_580] {strides = array<i32>} : memref<2x8192xf32, #tpu.memory_space<vmem>>, vector<16xf32>,
        tpu.vector_store %arg8[%swap3A_579, %swap3A_580], %select_n3A_574 {strides = array<i32>} : memref<2x8192xf32, #tpu.memory_space<vmem>>, vector<16xf32>,
        %swap3A_582 = arith.constant 0 : i32
        %swap3A_583 = arith.index_cast %swap3A_582 : i32 to index
        %swap3A_584 = arith.index_cast %add3A_541 : i32 to index
        %swap3A_585 = tpu.vector_load %arg9[%swap3A_583, %swap3A_584] {strides = array<i32>} : memref<2x8192xi32, #tpu.memory_space<vmem>>, vector<16xi32>,
        tpu.vector_store %arg9[%swap3A_583, %swap3A_584], %select_n3A_577 {strides = array<i32>} : memref<2x8192xi32, #tpu.memory_space<vmem>>, vector<16xi32>,
        %mul3A_586 = arith.constant 128 : i32
        %mul3A_587 = arith.muli %scan3A_340, %mul3A_586 : i32
        %add3A_588 = arith.constant 80 : i32
        %add3A_589 = arith.addi %mul3A_587, %add3A_588 : i32
        %get3A_590 = arith.constant 0 : i32
        %get3A_591 = arith.index_cast %get3A_590 : i32 to index
        %get3A_592 = arith.index_cast %add3A_589 : i32 to index
        %get3A_593 = tpu.vector_load %arg6[%get3A_591, %get3A_592] {strides = array<i32>} : memref<2x8192xf32, #tpu.memory_space<vmem>>, vector<16xf32>,
        %mul3A_594 = arith.constant 1.9098593 : f32
        %mul3A_595 = vector.broadcast %mul3A_594 : f32 to vector<16xf32>
        %mul3A_596 = arith.mulf %get3A_593, %mul3A_595 : vector<16xf32>
        %add3A_597 = arith.constant 6.000000e+00 : f32
        %add3A_598 = vector.broadcast %add3A_597 : f32 to vector<16xf32>
        %add3A_599 = arith.addf %mul3A_596, %add3A_598 : vector<16xf32>
        %convert_element_type3A_600 = arith.fptosi %add3A_599 : vector<16xf32> to vector<16xi32>
        %min3A_601 = arith.constant 11 : i32
        %min3A_602 = vector.broadcast %min3A_601 : i32 to vector<16xi32>
        %min3A_603 = arith.minsi %convert_element_type3A_600, %min3A_602 : vector<16xi32>
        %convert_element_type3A_604 = arith.sitofp %min3A_603 : vector<16xi32> to vector<16xf32>
        %add3A_605 = arith.constant 5.000000e-01 : f32
        %add3A_606 = vector.broadcast %add3A_605 : f32 to vector<16xf32>
        %add3A_607 = arith.addf %convert_element_type3A_604, %add3A_606 : vector<16xf32>
        %mul3A_608 = arith.constant 0.52359879 : f32
        %mul3A_609 = vector.broadcast %mul3A_608 : f32 to vector<16xf32>
        %mul3A_610 = arith.mulf %add3A_607, %mul3A_609 : vector<16xf32>
        %sub3A_611 = arith.constant 3.14159274 : f32
        %sub3A_612 = vector.broadcast %sub3A_611 : f32 to vector<16xf32>
        %sub3A_613 = arith.subf %mul3A_610, %sub3A_612 : vector<16xf32>
        %and3A_614 = arith.constant 256 : i32
        %and3A_615 = vector.broadcast %and3A_614 : i32 to vector<16xi32>
        %and3A_616 = arith.andi %get3A_353, %and3A_615 : vector<16xi32>
        %ne3A_617 = arith.constant 0 : i32
        %ne3A_618 = vector.broadcast %ne3A_617 : i32 to vector<16xi32>
        %ne3A_619 = arith.cmpi ne, %and3A_616, %ne3A_618 : vector<16xi32>
        %jit3A_620 = arith.constant 0.000000e+00 : f32
        %broadcast_in_dim3A_621 = vector.broadcast %jit3A_620 : f32 to vector<16xf32>
        %select_n3A_622 = arith.select %ne3A_619, %broadcast_in_dim3A_621, %sub3A_613 : vector<16xi1>, vector<16xf32>
        %jit3A_623 = arith.constant 12 : i32
        %broadcast_in_dim3A_624 = vector.broadcast %jit3A_623 : i32 to vector<16xi32>
        %select_n3A_625 = arith.select %ne3A_619, %broadcast_in_dim3A_624, %min3A_603 : vector<16xi1>, vector<16xi32>
        %swap3A_626 = arith.constant 0 : i32
        %swap3A_627 = arith.index_cast %swap3A_626 : i32 to index
        %swap3A_628 = arith.index_cast %add3A_589 : i32 to index
        %swap3A_629 = tpu.vector_load %arg8[%swap3A_627, %swap3A_628] {strides = array<i32>} : memref<2x8192xf32, #tpu.memory_space<vmem>>, vector<16xf32>,
        tpu.vector_store %arg8[%swap3A_627, %swap3A_628], %select_n3A_622 {strides = array<i32>} : memref<2x8192xf32, #tpu.memory_space<vmem>>, vector<16xf32>,
        %swap3A_630 = arith.constant 0 : i32
        %swap3A_631 = arith.index_cast %swap3A_630 : i32 to index
        %swap3A_632 = arith.index_cast %add3A_589 : i32 to index
        %swap3A_633 = tpu.vector_load %arg9[%swap3A_631, %swap3A_632] {strides = array<i32>} : memref<2x8192xi32, #tpu.memory_space<vmem>>, vector<16xi32>,
        tpu.vector_store %arg9[%swap3A_631, %swap3A_632], %select_n3A_625 {strides = array<i32>} : memref<2x8192xi32, #tpu.memory_space<vmem>>, vector<16xi32>,
        %mul3A_634 = arith.constant 128 : i32
        %mul3A_635 = arith.muli %scan3A_340, %mul3A_634 : i32
        %add3A_636 = arith.constant 96 : i32
        %add3A_637 = arith.addi %mul3A_635, %add3A_636 : i32
        %get3A_638 = arith.constant 0 : i32
        %get3A_639 = arith.index_cast %get3A_638 : i32 to index
        %get3A_640 = arith.index_cast %add3A_637 : i32 to index
        %get3A_641 = tpu.vector_load %arg6[%get3A_639, %get3A_640] {strides = array<i32>} : memref<2x8192xf32, #tpu.memory_space<vmem>>, vector<16xf32>,
        %mul3A_642 = arith.constant 1.9098593 : f32
        %mul3A_643 = vector.broadcast %mul3A_642 : f32 to vector<16xf32>
        %mul3A_644 = arith.mulf %get3A_641, %mul3A_643 : vector<16xf32>
        %add3A_645 = arith.constant 6.000000e+00 : f32
        %add3A_646 = vector.broadcast %add3A_645 : f32 to vector<16xf32>
        %add3A_647 = arith.addf %mul3A_644, %add3A_646 : vector<16xf32>
        %convert_element_type3A_648 = arith.fptosi %add3A_647 : vector<16xf32> to vector<16xi32>
        %min3A_649 = arith.constant 11 : i32
        %min3A_650 = vector.broadcast %min3A_649 : i32 to vector<16xi32>
        %min3A_651 = arith.minsi %convert_element_type3A_648, %min3A_650 : vector<16xi32>
        %convert_element_type3A_652 = arith.sitofp %min3A_651 : vector<16xi32> to vector<16xf32>
        %add3A_653 = arith.constant 5.000000e-01 : f32
        %add3A_654 = vector.broadcast %add3A_653 : f32 to vector<16xf32>
        %add3A_655 = arith.addf %convert_element_type3A_652, %add3A_654 : vector<16xf32>
        %mul3A_656 = arith.constant 0.52359879 : f32
        %mul3A_657 = vector.broadcast %mul3A_656 : f32 to vector<16xf32>
        %mul3A_658 = arith.mulf %add3A_655, %mul3A_657 : vector<16xf32>
        %sub3A_659 = arith.constant 3.14159274 : f32
        %sub3A_660 = vector.broadcast %sub3A_659 : f32 to vector<16xf32>
        %sub3A_661 = arith.subf %mul3A_658, %sub3A_660 : vector<16xf32>
        %and3A_662 = arith.constant 65536 : i32
        %and3A_663 = vector.broadcast %and3A_662 : i32 to vector<16xi32>
        %and3A_664 = arith.andi %get3A_353, %and3A_663 : vector<16xi32>
        %ne3A_665 = arith.constant 0 : i32
        %ne3A_666 = vector.broadcast %ne3A_665 : i32 to vector<16xi32>
        %ne3A_667 = arith.cmpi ne, %and3A_664, %ne3A_666 : vector<16xi32>
        %jit3A_668 = arith.constant 0.000000e+00 : f32
        %broadcast_in_dim3A_669 = vector.broadcast %jit3A_668 : f32 to vector<16xf32>
        %select_n3A_670 = arith.select %ne3A_667, %broadcast_in_dim3A_669, %sub3A_661 : vector<16xi1>, vector<16xf32>
        %jit3A_671 = arith.constant 12 : i32
        %broadcast_in_dim3A_672 = vector.broadcast %jit3A_671 : i32 to vector<16xi32>
        %select_n3A_673 = arith.select %ne3A_667, %broadcast_in_dim3A_672, %min3A_651 : vector<16xi1>, vector<16xi32>
        %swap3A_674 = arith.constant 0 : i32
        %swap3A_675 = arith.index_cast %swap3A_674 : i32 to index
        %swap3A_676 = arith.index_cast %add3A_637 : i32 to index
        %swap3A_677 = tpu.vector_load %arg8[%swap3A_675, %swap3A_676] {strides = array<i32>} : memref<2x8192xf32, #tpu.memory_space<vmem>>, vector<16xf32>,
        tpu.vector_store %arg8[%swap3A_675, %swap3A_676], %select_n3A_670 {strides = array<i32>} : memref<2x8192xf32, #tpu.memory_space<vmem>>, vector<16xf32>,
        %swap3A_678 = arith.constant 0 : i32
        %swap3A_679 = arith.index_cast %swap3A_678 : i32 to index
        %swap3A_680 = arith.index_cast %add3A_637 : i32 to index
        %swap3A_681 = tpu.vector_load %arg9[%swap3A_679, %swap3A_680] {strides = array<i32>} : memref<2x8192xi32, #tpu.memory_space<vmem>>, vector<16xi32>,
        tpu.vector_store %arg9[%swap3A_679, %swap3A_680], %select_n3A_673 {strides = array<i32>} : memref<2x8192xi32, #tpu.memory_space<vmem>>, vector<16xi32>,
        %mul3A_682 = arith.constant 128 : i32
        %mul3A_683 = arith.muli %scan3A_340, %mul3A_682 : i32
        %add3A_684 = arith.constant 112 : i32
        %add3A_685 = arith.addi %mul3A_683, %add3A_684 : i32
        %get3A_686 = arith.constant 0 : i32
        %get3A_687 = arith.index_cast %get3A_686 : i32 to index
        %get3A_688 = arith.index_cast %add3A_685 : i32 to index
        %get3A_689 = tpu.vector_load %arg6[%get3A_687, %get3A_688] {strides = array<i32>} : memref<2x8192xf32, #tpu.memory_space<vmem>>, vector<16xf32>,
        %mul3A_690 = arith.constant 1.9098593 : f32
        %mul3A_691 = vector.broadcast %mul3A_690 : f32 to vector<16xf32>
        %mul3A_692 = arith.mulf %get3A_689, %mul3A_691 : vector<16xf32>
        %add3A_693 = arith.constant 6.000000e+00 : f32
        %add3A_694 = vector.broadcast %add3A_693 : f32 to vector<16xf32>
        %add3A_695 = arith.addf %mul3A_692, %add3A_694 : vector<16xf32>
        %convert_element_type3A_696 = arith.fptosi %add3A_695 : vector<16xf32> to vector<16xi32>
        %min3A_697 = arith.constant 11 : i32
        %min3A_698 = vector.broadcast %min3A_697 : i32 to vector<16xi32>
        %min3A_699 = arith.minsi %convert_element_type3A_696, %min3A_698 : vector<16xi32>
        %convert_element_type3A_700 = arith.sitofp %min3A_699 : vector<16xi32> to vector<16xf32>
        %add3A_701 = arith.constant 5.000000e-01 : f32
        %add3A_702 = vector.broadcast %add3A_701 : f32 to vector<16xf32>
        %add3A_703 = arith.addf %convert_element_type3A_700, %add3A_702 : vector<16xf32>
        %mul3A_704 = arith.constant 0.52359879 : f32
        %mul3A_705 = vector.broadcast %mul3A_704 : f32 to vector<16xf32>
        %mul3A_706 = arith.mulf %add3A_703, %mul3A_705 : vector<16xf32>
        %sub3A_707 = arith.constant 3.14159274 : f32
        %sub3A_708 = vector.broadcast %sub3A_707 : f32 to vector<16xf32>
        %sub3A_709 = arith.subf %mul3A_706, %sub3A_708 : vector<16xf32>
        %and3A_710 = arith.constant 16777216 : i32
        %and3A_711 = vector.broadcast %and3A_710 : i32 to vector<16xi32>
        %and3A_712 = arith.andi %get3A_353, %and3A_711 : vector<16xi32>
        %ne3A_713 = arith.constant 0 : i32
        %ne3A_714 = vector.broadcast %ne3A_713 : i32 to vector<16xi32>
        %ne3A_715 = arith.cmpi ne, %and3A_712, %ne3A_714 : vector<16xi32>
        %jit3A_716 = arith.constant 0.000000e+00 : f32
        %broadcast_in_dim3A_717 = vector.broadcast %jit3A_716 : f32 to vector<16xf32>
        %select_n3A_718 = arith.select %ne3A_715, %broadcast_in_dim3A_717, %sub3A_709 : vector<16xi1>, vector<16xf32>
        %jit3A_719 = arith.constant 12 : i32
        %broadcast_in_dim3A_720 = vector.broadcast %jit3A_719 : i32 to vector<16xi32>
        %select_n3A_721 = arith.select %ne3A_715, %broadcast_in_dim3A_720, %min3A_699 : vector<16xi1>, vector<16xi32>
        %swap3A_722 = arith.constant 0 : i32
        %swap3A_723 = arith.index_cast %swap3A_722 : i32 to index
        %swap3A_724 = arith.index_cast %add3A_685 : i32 to index
        %swap3A_725 = tpu.vector_load %arg8[%swap3A_723, %swap3A_724] {strides = array<i32>} : memref<2x8192xf32, #tpu.memory_space<vmem>>, vector<16xf32>,
        tpu.vector_store %arg8[%swap3A_723, %swap3A_724], %select_n3A_718 {strides = array<i32>} : memref<2x8192xf32, #tpu.memory_space<vmem>>, vector<16xf32>,
        %swap3A_726 = arith.constant 0 : i32
        %swap3A_727 = arith.index_cast %swap3A_726 : i32 to index
        %swap3A_728 = arith.index_cast %add3A_685 : i32 to index
        %swap3A_729 = tpu.vector_load %arg9[%swap3A_727, %swap3A_728] {strides = array<i32>} : memref<2x8192xi32, #tpu.memory_space<vmem>>, vector<16xi32>,
        tpu.vector_store %arg9[%swap3A_727, %swap3A_728], %select_n3A_721 {strides = array<i32>} : memref<2x8192xi32, #tpu.memory_space<vmem>>, vector<16xi32>,
      }
      %scan3A_253 = arith.constant 64 : i32
      %mul3A_254 = arith.constant 8192 : i32
      %mul3A_255 = arith.muli %add3A_215, %mul3A_254 : i32
      %add3A_256 = arith.addi %add3A_75, %mul3A_255 : i32
      %dma_start3A_257 = arith.constant 0 : i32
      %dma_start3A_258 = arith.constant 0 : i32
      %dma_start3A_259 = tpu.memref_slice %arg8[%dma_start3A_257, %dma_start3A_258] : memref<2x8192xf32, #tpu.memory_space<vmem>> -> memref<1x8192xf32, #tpu.memory_space<vmem>>
      %dma_start3A_260 = tpu.memref_squeeze %dma_start3A_259 : memref<1x8192xf32, #tpu.memory_space<vmem>> -> memref<8192xf32, #tpu.memory_space<vmem>>
      %dma_start3A_261 = tpu.memref_slice %arg4[%add3A_256] : memref<25165824xf32, #tpu.memory_space<hbm>> -> memref<8192xf32, #tpu.memory_space<hbm>>
      %dma_start3A_262 = tpu.memref_slice %arg4[%add3A_256] : memref<25165824xf32, #tpu.memory_space<hbm>> -> memref<8192xf32, #tpu.memory_space<hbm>>
      %dma_start3A_263 = arith.constant 0 : i32
      %dma_start3A_264 = tpu.memref_slice %arg8[%dma_start3A_257, %dma_start3A_263] : memref<2x8192xf32, #tpu.memory_space<vmem>> -> memref<1x8192xf32, #tpu.memory_space<vmem>>
      %dma_start3A_265 = tpu.memref_squeeze %dma_start3A_264 : memref<1x8192xf32, #tpu.memory_space<vmem>> -> memref<8192xf32, #tpu.memory_space<vmem>>
      tpu.enqueue_dma source(%dma_start3A_265 : memref<8192xf32, #tpu.memory_space<vmem>>) target(%dma_start3A_262 : memref<8192xf32, #tpu.memory_space<hbm>>) target_semaphore(%arg14 : memref<!tpu.dma_semaphore, #tpu.memory_space<semaphore_mem>>)
      %dma_start3A_266 = arith.constant 0 : i32
      %dma_start3A_267 = arith.constant 0 : i32
      %dma_start3A_268 = tpu.memref_slice %arg9[%dma_start3A_266, %dma_start3A_267] : memref<2x8192xi32, #tpu.memory_space<vmem>> -> memref<1x8192xi32, #tpu.memory_space<vmem>>
      %dma_start3A_269 = tpu.memref_squeeze %dma_start3A_268 : memref<1x8192xi32, #tpu.memory_space<vmem>> -> memref<8192xi32, #tpu.memory_space<vmem>>
      %dma_start3A_270 = tpu.memref_slice %arg5[%add3A_256] : memref<25165824xi32, #tpu.memory_space<hbm>> -> memref<8192xi32, #tpu.memory_space<hbm>>
      %dma_start3A_271 = tpu.memref_slice %arg5[%add3A_256] : memref<25165824xi32, #tpu.memory_space<hbm>> -> memref<8192xi32, #tpu.memory_space<hbm>>
      %dma_start3A_272 = arith.constant 0 : i32
      %dma_start3A_273 = tpu.memref_slice %arg9[%dma_start3A_266, %dma_start3A_272] : memref<2x8192xi32, #tpu.memory_space<vmem>> -> memref<1x8192xi32, #tpu.memory_space<vmem>>
      %dma_start3A_274 = tpu.memref_squeeze %dma_start3A_273 : memref<1x8192xi32, #tpu.memory_space<vmem>> -> memref<8192xi32, #tpu.memory_space<vmem>>
      tpu.enqueue_dma source(%dma_start3A_274 : memref<8192xi32, #tpu.memory_space<vmem>>) target(%dma_start3A_271 : memref<8192xi32, #tpu.memory_space<hbm>>) target_semaphore(%arg16 : memref<!tpu.dma_semaphore, #tpu.memory_space<semaphore_mem>>)
      %add3A_275 = arith.constant 1 : i32
      %add3A_276 = arith.addi %mul3A_213, %add3A_275 : i32
      %add3A_277 = arith.constant 1 : i32
      %add3A_278 = arith.addi %add3A_276, %add3A_277 : i32
      %lt3A_279 = arith.constant 32 : i32
      %lt3A_280 = arith.cmpi slt, %add3A_278, %lt3A_279 : i32
      %convert_element_type3A_281 = arith.extui %lt3A_280 : i1 to i32
      %cond3A_282 = arith.constant 0 : i32
      %cond3A_283 = arith.cmpi ne, %convert_element_type3A_281, %cond3A_282 : i32
      scf.if %cond3A_283 {
        %mul3A_340 = arith.constant 8192 : i32
        %mul3A_341 = arith.muli %add3A_278, %mul3A_340 : i32
        %add3A_342 = arith.addi %add3A_75, %mul3A_341 : i32
        %dma_start3A_343 = arith.constant 0 : i32
        %dma_start3A_344 = arith.constant 0 : i32
        %dma_start3A_345 = tpu.memref_slice %arg6[%dma_start3A_343, %dma_start3A_344] : memref<2x8192xf32, #tpu.memory_space<vmem>> -> memref<1x8192xf32, #tpu.memory_space<vmem>>
        %dma_start3A_346 = tpu.memref_squeeze %dma_start3A_345 : memref<1x8192xf32, #tpu.memory_space<vmem>> -> memref<8192xf32, #tpu.memory_space<vmem>>
        %dma_start3A_347 = tpu.memref_slice %arg2[%add3A_342] : memref<25165824xf32, #tpu.memory_space<hbm>> -> memref<8192xf32, #tpu.memory_space<hbm>>
        %dma_start3A_348 = arith.constant 0 : i32
        %dma_start3A_349 = tpu.memref_slice %arg6[%dma_start3A_343, %dma_start3A_348] : memref<2x8192xf32, #tpu.memory_space<vmem>> -> memref<1x8192xf32, #tpu.memory_space<vmem>>
        %dma_start3A_350 = tpu.memref_squeeze %dma_start3A_349 : memref<1x8192xf32, #tpu.memory_space<vmem>> -> memref<8192xf32, #tpu.memory_space<vmem>>
        %dma_start3A_351 = tpu.memref_slice %arg2[%add3A_342] : memref<25165824xf32, #tpu.memory_space<hbm>> -> memref<8192xf32, #tpu.memory_space<hbm>>
        tpu.enqueue_dma source(%dma_start3A_351 : memref<8192xf32, #tpu.memory_space<hbm>>) target(%dma_start3A_350 : memref<8192xf32, #tpu.memory_space<vmem>>) target_semaphore(%arg10 : memref<!tpu.dma_semaphore, #tpu.memory_space<semaphore_mem>>)
        %mul3A_352 = arith.constant 2048 : i32
        %mul3A_353 = arith.muli %add3A_278, %mul3A_352 : i32
        %add3A_354 = arith.addi %add3A_79, %mul3A_353 : i32
        %dma_start3A_355 = arith.constant 0 : i32
        %dma_start3A_356 = arith.constant 0 : i32
        %dma_start3A_357 = tpu.memref_slice %arg7[%dma_start3A_355, %dma_start3A_356] : memref<2x2048xi32, #tpu.memory_space<vmem>> -> memref<1x2048xi32, #tpu.memory_space<vmem>>
        %dma_start3A_358 = tpu.memref_squeeze %dma_start3A_357 : memref<1x2048xi32, #tpu.memory_space<vmem>> -> memref<2048xi32, #tpu.memory_space<vmem>>
        %dma_start3A_359 = tpu.memref_slice %arg3[%add3A_354] : memref<4194304xi32, #tpu.memory_space<hbm>> -> memref<2048xi32, #tpu.memory_space<hbm>>
        %dma_start3A_360 = arith.constant 0 : i32
        %dma_start3A_361 = tpu.memref_slice %arg7[%dma_start3A_355, %dma_start3A_360] : memref<2x2048xi32, #tpu.memory_space<vmem>> -> memref<1x2048xi32, #tpu.memory_space<vmem>>
        %dma_start3A_362 = tpu.memref_squeeze %dma_start3A_361 : memref<1x2048xi32, #tpu.memory_space<vmem>> -> memref<2048xi32, #tpu.memory_space<vmem>>
        %dma_start3A_363 = tpu.memref_slice %arg3[%add3A_354] : memref<4194304xi32, #tpu.memory_space<hbm>> -> memref<2048xi32, #tpu.memory_space<hbm>>
        tpu.enqueue_dma source(%dma_start3A_363 : memref<2048xi32, #tpu.memory_space<hbm>>) target(%dma_start3A_362 : memref<2048xi32, #tpu.memory_space<vmem>>) target_semaphore(%arg12 : memref<!tpu.dma_semaphore, #tpu.memory_space<semaphore_mem>>)
      } else {
      }
      %mul3A_284 = arith.constant 8192 : i32
      %mul3A_285 = arith.muli %add3A_276, %mul3A_284 : i32
      %add3A_286 = arith.addi %add3A_75, %mul3A_285 : i32
      %dma_wait3A_287 = arith.constant 1 : i32
      %dma_wait3A_288 = arith.constant 0 : i32
      %dma_wait3A_289 = tpu.memref_slice %arg6[%dma_wait3A_287, %dma_wait3A_288] : memref<2x8192xf32, #tpu.memory_space<vmem>> -> memref<1x8192xf32, #tpu.memory_space<vmem>>
      %dma_wait3A_290 = tpu.memref_squeeze %dma_wait3A_289 : memref<1x8192xf32, #tpu.memory_space<vmem>> -> memref<8192xf32, #tpu.memory_space<vmem>>
      %dma_wait3A_291 = tpu.memref_slice %arg2[%add3A_286] : memref<25165824xf32, #tpu.memory_space<hbm>> -> memref<8192xf32, #tpu.memory_space<hbm>>
      %dma_wait3A_292 = arith.constant 0 : i32
      %dma_wait3A_293 = tpu.memref_slice %arg6[%dma_wait3A_287, %dma_wait3A_292] : memref<2x8192xf32, #tpu.memory_space<vmem>> -> memref<1x8192xf32, #tpu.memory_space<vmem>>
      %dma_wait3A_294 = tpu.memref_squeeze %dma_wait3A_293 : memref<1x8192xf32, #tpu.memory_space<vmem>> -> memref<8192xf32, #tpu.memory_space<vmem>>
      %dma_wait3A_295 = tpu.memref_slice %arg2[%add3A_286] : memref<25165824xf32, #tpu.memory_space<hbm>> -> memref<8192xf32, #tpu.memory_space<hbm>>
      tpu.wait_dma2 semaphore(%arg11 : memref<!tpu.dma_semaphore, #tpu.memory_space<semaphore_mem>>) src(%dma_wait3A_295 : memref<8192xf32, #tpu.memory_space<hbm>>) dst(%dma_wait3A_294 : memref<8192xf32, #tpu.memory_space<vmem>>)
      %mul3A_296 = arith.constant 2048 : i32
      %mul3A_297 = arith.muli %add3A_276, %mul3A_296 : i32
      %add3A_298 = arith.addi %add3A_79, %mul3A_297 : i32
      %dma_wait3A_299 = arith.constant 1 : i32
      %dma_wait3A_300 = arith.constant 0 : i32
      %dma_wait3A_301 = tpu.memref_slice %arg7[%dma_wait3A_299, %dma_wait3A_300] : memref<2x2048xi32, #tpu.memory_space<vmem>> -> memref<1x2048xi32, #tpu.memory_space<vmem>>
      %dma_wait3A_302 = tpu.memref_squeeze %dma_wait3A_301 : memref<1x2048xi32, #tpu.memory_space<vmem>> -> memref<2048xi32, #tpu.memory_space<vmem>>
      %dma_wait3A_303 = tpu.memref_slice %arg3[%add3A_298] : memref<4194304xi32, #tpu.memory_space<hbm>> -> memref<2048xi32, #tpu.memory_space<hbm>>
      %dma_wait3A_304 = arith.constant 0 : i32
      %dma_wait3A_305 = tpu.memref_slice %arg7[%dma_wait3A_299, %dma_wait3A_304] : memref<2x2048xi32, #tpu.memory_space<vmem>> -> memref<1x2048xi32, #tpu.memory_space<vmem>>
      %dma_wait3A_306 = tpu.memref_squeeze %dma_wait3A_305 : memref<1x2048xi32, #tpu.memory_space<vmem>> -> memref<2048xi32, #tpu.memory_space<vmem>>
      %dma_wait3A_307 = tpu.memref_slice %arg3[%add3A_298] : memref<4194304xi32, #tpu.memory_space<hbm>> -> memref<2048xi32, #tpu.memory_space<hbm>>
      tpu.wait_dma2 semaphore(%arg13 : memref<!tpu.dma_semaphore, #tpu.memory_space<semaphore_mem>>) src(%dma_wait3A_307 : memref<2048xi32, #tpu.memory_space<hbm>>) dst(%dma_wait3A_306 : memref<2048xi32, #tpu.memory_space<vmem>>)
      %ge3A_308 = arith.constant 2 : i32
      %ge3A_309 = arith.cmpi sge, %add3A_276, %ge3A_308 : i32
      %convert_element_type3A_310 = arith.extui %ge3A_309 : i1 to i32
      %cond3A_311 = arith.constant 0 : i32
      %cond3A_312 = arith.cmpi ne, %convert_element_type3A_310, %cond3A_311 : i32
      scf.if %cond3A_312 {
        %sub3A = arith.constant 2 : i32
        %sub3A_340 = arith.subi %add3A_276, %sub3A : i32
        %mul3A_341 = arith.constant 8192 : i32
        %mul3A_342 = arith.muli %sub3A_340, %mul3A_341 : i32
        %add3A_343 = arith.addi %add3A_75, %mul3A_342 : i32
        %dma_wait3A_344 = arith.constant 1 : i32
        %dma_wait3A_345 = arith.constant 0 : i32
        %dma_wait3A_346 = tpu.memref_slice %arg8[%dma_wait3A_344, %dma_wait3A_345] : memref<2x8192xf32, #tpu.memory_space<vmem>> -> memref<1x8192xf32, #tpu.memory_space<vmem>>
        %dma_wait3A_347 = tpu.memref_squeeze %dma_wait3A_346 : memref<1x8192xf32, #tpu.memory_space<vmem>> -> memref<8192xf32, #tpu.memory_space<vmem>>
        %dma_wait3A_348 = tpu.memref_slice %arg4[%add3A_343] : memref<25165824xf32, #tpu.memory_space<hbm>> -> memref<8192xf32, #tpu.memory_space<hbm>>
        %dma_wait3A_349 = tpu.memref_slice %arg4[%add3A_343] : memref<25165824xf32, #tpu.memory_space<hbm>> -> memref<8192xf32, #tpu.memory_space<hbm>>
        %dma_wait3A_350 = arith.constant 0 : i32
        %dma_wait3A_351 = tpu.memref_slice %arg8[%dma_wait3A_344, %dma_wait3A_350] : memref<2x8192xf32, #tpu.memory_space<vmem>> -> memref<1x8192xf32, #tpu.memory_space<vmem>>
        %dma_wait3A_352 = tpu.memref_squeeze %dma_wait3A_351 : memref<1x8192xf32, #tpu.memory_space<vmem>> -> memref<8192xf32, #tpu.memory_space<vmem>>
        tpu.wait_dma2 semaphore(%arg15 : memref<!tpu.dma_semaphore, #tpu.memory_space<semaphore_mem>>) src(%dma_wait3A_352 : memref<8192xf32, #tpu.memory_space<vmem>>) dst(%dma_wait3A_349 : memref<8192xf32, #tpu.memory_space<hbm>>)
        %dma_wait3A_353 = arith.constant 1 : i32
        %dma_wait3A_354 = arith.constant 0 : i32
        %dma_wait3A_355 = tpu.memref_slice %arg9[%dma_wait3A_353, %dma_wait3A_354] : memref<2x8192xi32, #tpu.memory_space<vmem>> -> memref<1x8192xi32, #tpu.memory_space<vmem>>
        %dma_wait3A_356 = tpu.memref_squeeze %dma_wait3A_355 : memref<1x8192xi32, #tpu.memory_space<vmem>> -> memref<8192xi32, #tpu.memory_space<vmem>>
        %dma_wait3A_357 = tpu.memref_slice %arg5[%add3A_343] : memref<25165824xi32, #tpu.memory_space<hbm>> -> memref<8192xi32, #tpu.memory_space<hbm>>
        %dma_wait3A_358 = tpu.memref_slice %arg5[%add3A_343] : memref<25165824xi32, #tpu.memory_space<hbm>> -> memref<8192xi32, #tpu.memory_space<hbm>>
        %dma_wait3A_359 = arith.constant 0 : i32
        %dma_wait3A_360 = tpu.memref_slice %arg9[%dma_wait3A_353, %dma_wait3A_359] : memref<2x8192xi32, #tpu.memory_space<vmem>> -> memref<1x8192xi32, #tpu.memory_space<vmem>>
        %dma_wait3A_361 = tpu.memref_squeeze %dma_wait3A_360 : memref<1x8192xi32, #tpu.memory_space<vmem>> -> memref<8192xi32, #tpu.memory_space<vmem>>
        tpu.wait_dma2 semaphore(%arg17 : memref<!tpu.dma_semaphore, #tpu.memory_space<semaphore_mem>>) src(%dma_wait3A_361 : memref<8192xi32, #tpu.memory_space<vmem>>) dst(%dma_wait3A_358 : memref<8192xi32, #tpu.memory_space<hbm>>)
      } else {
      }
      %scan3A_313 = arith.constant 0 : i32
      %scan3A_314 = arith.constant 0 : i32
      %scan3A_315 = arith.constant 64 : i32
      %scan3A_316 = arith.addi %scan3A_314, %scan3A_315 : i32
      %scan3A_317 = arith.constant 1 : i32
      scf.for %scan3A_340 = %scan3A_314 to %scan3A_316 step %scan3A_317  : i32 {
        %mul3A_341 = arith.constant 32 : i32
        %mul3A_342 = arith.muli %scan3A_340, %mul3A_341 : i32
        %get3A = arith.constant 1 : i32
        %get3A_343 = arith.index_cast %get3A : i32 to index
        %get3A_344 = arith.index_cast %mul3A_342 : i32 to index
        %get3A_345 = tpu.vector_load %arg7[%get3A_343, %get3A_344] {strides = array<i32>} : memref<2x2048xi32, #tpu.memory_space<vmem>>, vector<16xi32>,
        %mul3A_346 = arith.constant 32 : i32
        %mul3A_347 = arith.muli %scan3A_340, %mul3A_346 : i32
        %add3A_348 = arith.constant 16 : i32
        %add3A_349 = arith.addi %mul3A_347, %add3A_348 : i32
        %get3A_350 = arith.constant 1 : i32
        %get3A_351 = arith.index_cast %get3A_350 : i32 to index
        %get3A_352 = arith.index_cast %add3A_349 : i32 to index
        %get3A_353 = tpu.vector_load %arg7[%get3A_351, %get3A_352] {strides = array<i32>} : memref<2x2048xi32, #tpu.memory_space<vmem>>, vector<16xi32>,
        %mul3A_354 = arith.constant 128 : i32
        %mul3A_355 = arith.muli %scan3A_340, %mul3A_354 : i32
        %add3A_356 = arith.constant 0 : i32
        %add3A_357 = arith.addi %mul3A_355, %add3A_356 : i32
        %get3A_358 = arith.constant 1 : i32
        %get3A_359 = arith.index_cast %get3A_358 : i32 to index
        %get3A_360 = arith.index_cast %add3A_357 : i32 to index
        %get3A_361 = tpu.vector_load %arg6[%get3A_359, %get3A_360] {strides = array<i32>} : memref<2x8192xf32, #tpu.memory_space<vmem>>, vector<16xf32>,
        %mul3A_362 = arith.constant 1.9098593 : f32
        %mul3A_363 = vector.broadcast %mul3A_362 : f32 to vector<16xf32>
        %mul3A_364 = arith.mulf %get3A_361, %mul3A_363 : vector<16xf32>
        %add3A_365 = arith.constant 6.000000e+00 : f32
        %add3A_366 = vector.broadcast %add3A_365 : f32 to vector<16xf32>
        %add3A_367 = arith.addf %mul3A_364, %add3A_366 : vector<16xf32>
        %convert_element_type3A_368 = arith.fptosi %add3A_367 : vector<16xf32> to vector<16xi32>
        %min3A = arith.constant 11 : i32
        %min3A_369 = vector.broadcast %min3A : i32 to vector<16xi32>
        %min3A_370 = arith.minsi %convert_element_type3A_368, %min3A_369 : vector<16xi32>
        %convert_element_type3A_371 = arith.sitofp %min3A_370 : vector<16xi32> to vector<16xf32>
        %add3A_372 = arith.constant 5.000000e-01 : f32
        %add3A_373 = vector.broadcast %add3A_372 : f32 to vector<16xf32>
        %add3A_374 = arith.addf %convert_element_type3A_371, %add3A_373 : vector<16xf32>
        %mul3A_375 = arith.constant 0.52359879 : f32
        %mul3A_376 = vector.broadcast %mul3A_375 : f32 to vector<16xf32>
        %mul3A_377 = arith.mulf %add3A_374, %mul3A_376 : vector<16xf32>
        %sub3A = arith.constant 3.14159274 : f32
        %sub3A_378 = vector.broadcast %sub3A : f32 to vector<16xf32>
        %sub3A_379 = arith.subf %mul3A_377, %sub3A_378 : vector<16xf32>
        %and3A = arith.constant 1 : i32
        %and3A_380 = vector.broadcast %and3A : i32 to vector<16xi32>
        %and3A_381 = arith.andi %get3A_345, %and3A_380 : vector<16xi32>
        %ne3A = arith.constant 0 : i32
        %ne3A_382 = vector.broadcast %ne3A : i32 to vector<16xi32>
        %ne3A_383 = arith.cmpi ne, %and3A_381, %ne3A_382 : vector<16xi32>
        %jit3A = arith.constant 0.000000e+00 : f32
        %broadcast_in_dim3A = vector.broadcast %jit3A : f32 to vector<16xf32>
        %select_n3A = arith.select %ne3A_383, %broadcast_in_dim3A, %sub3A_379 : vector<16xi1>, vector<16xf32>
        %jit3A_384 = arith.constant 12 : i32
        %broadcast_in_dim3A_385 = vector.broadcast %jit3A_384 : i32 to vector<16xi32>
        %select_n3A_386 = arith.select %ne3A_383, %broadcast_in_dim3A_385, %min3A_370 : vector<16xi1>, vector<16xi32>
        %swap3A = arith.constant 1 : i32
        %swap3A_387 = arith.index_cast %swap3A : i32 to index
        %swap3A_388 = arith.index_cast %add3A_357 : i32 to index
        %swap3A_389 = tpu.vector_load %arg8[%swap3A_387, %swap3A_388] {strides = array<i32>} : memref<2x8192xf32, #tpu.memory_space<vmem>>, vector<16xf32>,
        tpu.vector_store %arg8[%swap3A_387, %swap3A_388], %select_n3A {strides = array<i32>} : memref<2x8192xf32, #tpu.memory_space<vmem>>, vector<16xf32>,
        %swap3A_390 = arith.constant 1 : i32
        %swap3A_391 = arith.index_cast %swap3A_390 : i32 to index
        %swap3A_392 = arith.index_cast %add3A_357 : i32 to index
        %swap3A_393 = tpu.vector_load %arg9[%swap3A_391, %swap3A_392] {strides = array<i32>} : memref<2x8192xi32, #tpu.memory_space<vmem>>, vector<16xi32>,
        tpu.vector_store %arg9[%swap3A_391, %swap3A_392], %select_n3A_386 {strides = array<i32>} : memref<2x8192xi32, #tpu.memory_space<vmem>>, vector<16xi32>,
        %mul3A_394 = arith.constant 128 : i32
        %mul3A_395 = arith.muli %scan3A_340, %mul3A_394 : i32
        %add3A_396 = arith.constant 16 : i32
        %add3A_397 = arith.addi %mul3A_395, %add3A_396 : i32
        %get3A_398 = arith.constant 1 : i32
        %get3A_399 = arith.index_cast %get3A_398 : i32 to index
        %get3A_400 = arith.index_cast %add3A_397 : i32 to index
        %get3A_401 = tpu.vector_load %arg6[%get3A_399, %get3A_400] {strides = array<i32>} : memref<2x8192xf32, #tpu.memory_space<vmem>>, vector<16xf32>,
        %mul3A_402 = arith.constant 1.9098593 : f32
        %mul3A_403 = vector.broadcast %mul3A_402 : f32 to vector<16xf32>
        %mul3A_404 = arith.mulf %get3A_401, %mul3A_403 : vector<16xf32>
        %add3A_405 = arith.constant 6.000000e+00 : f32
        %add3A_406 = vector.broadcast %add3A_405 : f32 to vector<16xf32>
        %add3A_407 = arith.addf %mul3A_404, %add3A_406 : vector<16xf32>
        %convert_element_type3A_408 = arith.fptosi %add3A_407 : vector<16xf32> to vector<16xi32>
        %min3A_409 = arith.constant 11 : i32
        %min3A_410 = vector.broadcast %min3A_409 : i32 to vector<16xi32>
        %min3A_411 = arith.minsi %convert_element_type3A_408, %min3A_410 : vector<16xi32>
        %convert_element_type3A_412 = arith.sitofp %min3A_411 : vector<16xi32> to vector<16xf32>
        %add3A_413 = arith.constant 5.000000e-01 : f32
        %add3A_414 = vector.broadcast %add3A_413 : f32 to vector<16xf32>
        %add3A_415 = arith.addf %convert_element_type3A_412, %add3A_414 : vector<16xf32>
        %mul3A_416 = arith.constant 0.52359879 : f32
        %mul3A_417 = vector.broadcast %mul3A_416 : f32 to vector<16xf32>
        %mul3A_418 = arith.mulf %add3A_415, %mul3A_417 : vector<16xf32>
        %sub3A_419 = arith.constant 3.14159274 : f32
        %sub3A_420 = vector.broadcast %sub3A_419 : f32 to vector<16xf32>
        %sub3A_421 = arith.subf %mul3A_418, %sub3A_420 : vector<16xf32>
        %and3A_422 = arith.constant 256 : i32
        %and3A_423 = vector.broadcast %and3A_422 : i32 to vector<16xi32>
        %and3A_424 = arith.andi %get3A_345, %and3A_423 : vector<16xi32>
        %ne3A_425 = arith.constant 0 : i32
        %ne3A_426 = vector.broadcast %ne3A_425 : i32 to vector<16xi32>
        %ne3A_427 = arith.cmpi ne, %and3A_424, %ne3A_426 : vector<16xi32>
        %jit3A_428 = arith.constant 0.000000e+00 : f32
        %broadcast_in_dim3A_429 = vector.broadcast %jit3A_428 : f32 to vector<16xf32>
        %select_n3A_430 = arith.select %ne3A_427, %broadcast_in_dim3A_429, %sub3A_421 : vector<16xi1>, vector<16xf32>
        %jit3A_431 = arith.constant 12 : i32
        %broadcast_in_dim3A_432 = vector.broadcast %jit3A_431 : i32 to vector<16xi32>
        %select_n3A_433 = arith.select %ne3A_427, %broadcast_in_dim3A_432, %min3A_411 : vector<16xi1>, vector<16xi32>
        %swap3A_434 = arith.constant 1 : i32
        %swap3A_435 = arith.index_cast %swap3A_434 : i32 to index
        %swap3A_436 = arith.index_cast %add3A_397 : i32 to index
        %swap3A_437 = tpu.vector_load %arg8[%swap3A_435, %swap3A_436] {strides = array<i32>} : memref<2x8192xf32, #tpu.memory_space<vmem>>, vector<16xf32>,
        tpu.vector_store %arg8[%swap3A_435, %swap3A_436], %select_n3A_430 {strides = array<i32>} : memref<2x8192xf32, #tpu.memory_space<vmem>>, vector<16xf32>,
        %swap3A_438 = arith.constant 1 : i32
        %swap3A_439 = arith.index_cast %swap3A_438 : i32 to index
        %swap3A_440 = arith.index_cast %add3A_397 : i32 to index
        %swap3A_441 = tpu.vector_load %arg9[%swap3A_439, %swap3A_440] {strides = array<i32>} : memref<2x8192xi32, #tpu.memory_space<vmem>>, vector<16xi32>,
        tpu.vector_store %arg9[%swap3A_439, %swap3A_440], %select_n3A_433 {strides = array<i32>} : memref<2x8192xi32, #tpu.memory_space<vmem>>, vector<16xi32>,
        %mul3A_442 = arith.constant 128 : i32
        %mul3A_443 = arith.muli %scan3A_340, %mul3A_442 : i32
        %add3A_444 = arith.constant 32 : i32
        %add3A_445 = arith.addi %mul3A_443, %add3A_444 : i32
        %get3A_446 = arith.constant 1 : i32
        %get3A_447 = arith.index_cast %get3A_446 : i32 to index
        %get3A_448 = arith.index_cast %add3A_445 : i32 to index
        %get3A_449 = tpu.vector_load %arg6[%get3A_447, %get3A_448] {strides = array<i32>} : memref<2x8192xf32, #tpu.memory_space<vmem>>, vector<16xf32>,
        %mul3A_450 = arith.constant 1.9098593 : f32
        %mul3A_451 = vector.broadcast %mul3A_450 : f32 to vector<16xf32>
        %mul3A_452 = arith.mulf %get3A_449, %mul3A_451 : vector<16xf32>
        %add3A_453 = arith.constant 6.000000e+00 : f32
        %add3A_454 = vector.broadcast %add3A_453 : f32 to vector<16xf32>
        %add3A_455 = arith.addf %mul3A_452, %add3A_454 : vector<16xf32>
        %convert_element_type3A_456 = arith.fptosi %add3A_455 : vector<16xf32> to vector<16xi32>
        %min3A_457 = arith.constant 11 : i32
        %min3A_458 = vector.broadcast %min3A_457 : i32 to vector<16xi32>
        %min3A_459 = arith.minsi %convert_element_type3A_456, %min3A_458 : vector<16xi32>
        %convert_element_type3A_460 = arith.sitofp %min3A_459 : vector<16xi32> to vector<16xf32>
        %add3A_461 = arith.constant 5.000000e-01 : f32
        %add3A_462 = vector.broadcast %add3A_461 : f32 to vector<16xf32>
        %add3A_463 = arith.addf %convert_element_type3A_460, %add3A_462 : vector<16xf32>
        %mul3A_464 = arith.constant 0.52359879 : f32
        %mul3A_465 = vector.broadcast %mul3A_464 : f32 to vector<16xf32>
        %mul3A_466 = arith.mulf %add3A_463, %mul3A_465 : vector<16xf32>
        %sub3A_467 = arith.constant 3.14159274 : f32
        %sub3A_468 = vector.broadcast %sub3A_467 : f32 to vector<16xf32>
        %sub3A_469 = arith.subf %mul3A_466, %sub3A_468 : vector<16xf32>
        %and3A_470 = arith.constant 65536 : i32
        %and3A_471 = vector.broadcast %and3A_470 : i32 to vector<16xi32>
        %and3A_472 = arith.andi %get3A_345, %and3A_471 : vector<16xi32>
        %ne3A_473 = arith.constant 0 : i32
        %ne3A_474 = vector.broadcast %ne3A_473 : i32 to vector<16xi32>
        %ne3A_475 = arith.cmpi ne, %and3A_472, %ne3A_474 : vector<16xi32>
        %jit3A_476 = arith.constant 0.000000e+00 : f32
        %broadcast_in_dim3A_477 = vector.broadcast %jit3A_476 : f32 to vector<16xf32>
        %select_n3A_478 = arith.select %ne3A_475, %broadcast_in_dim3A_477, %sub3A_469 : vector<16xi1>, vector<16xf32>
        %jit3A_479 = arith.constant 12 : i32
        %broadcast_in_dim3A_480 = vector.broadcast %jit3A_479 : i32 to vector<16xi32>
        %select_n3A_481 = arith.select %ne3A_475, %broadcast_in_dim3A_480, %min3A_459 : vector<16xi1>, vector<16xi32>
        %swap3A_482 = arith.constant 1 : i32
        %swap3A_483 = arith.index_cast %swap3A_482 : i32 to index
        %swap3A_484 = arith.index_cast %add3A_445 : i32 to index
        %swap3A_485 = tpu.vector_load %arg8[%swap3A_483, %swap3A_484] {strides = array<i32>} : memref<2x8192xf32, #tpu.memory_space<vmem>>, vector<16xf32>,
        tpu.vector_store %arg8[%swap3A_483, %swap3A_484], %select_n3A_478 {strides = array<i32>} : memref<2x8192xf32, #tpu.memory_space<vmem>>, vector<16xf32>,
        %swap3A_486 = arith.constant 1 : i32
        %swap3A_487 = arith.index_cast %swap3A_486 : i32 to index
        %swap3A_488 = arith.index_cast %add3A_445 : i32 to index
        %swap3A_489 = tpu.vector_load %arg9[%swap3A_487, %swap3A_488] {strides = array<i32>} : memref<2x8192xi32, #tpu.memory_space<vmem>>, vector<16xi32>,
        tpu.vector_store %arg9[%swap3A_487, %swap3A_488], %select_n3A_481 {strides = array<i32>} : memref<2x8192xi32, #tpu.memory_space<vmem>>, vector<16xi32>,
        %mul3A_490 = arith.constant 128 : i32
        %mul3A_491 = arith.muli %scan3A_340, %mul3A_490 : i32
        %add3A_492 = arith.constant 48 : i32
        %add3A_493 = arith.addi %mul3A_491, %add3A_492 : i32
        %get3A_494 = arith.constant 1 : i32
        %get3A_495 = arith.index_cast %get3A_494 : i32 to index
        %get3A_496 = arith.index_cast %add3A_493 : i32 to index
        %get3A_497 = tpu.vector_load %arg6[%get3A_495, %get3A_496] {strides = array<i32>} : memref<2x8192xf32, #tpu.memory_space<vmem>>, vector<16xf32>,
        %mul3A_498 = arith.constant 1.9098593 : f32
        %mul3A_499 = vector.broadcast %mul3A_498 : f32 to vector<16xf32>
        %mul3A_500 = arith.mulf %get3A_497, %mul3A_499 : vector<16xf32>
        %add3A_501 = arith.constant 6.000000e+00 : f32
        %add3A_502 = vector.broadcast %add3A_501 : f32 to vector<16xf32>
        %add3A_503 = arith.addf %mul3A_500, %add3A_502 : vector<16xf32>
        %convert_element_type3A_504 = arith.fptosi %add3A_503 : vector<16xf32> to vector<16xi32>
        %min3A_505 = arith.constant 11 : i32
        %min3A_506 = vector.broadcast %min3A_505 : i32 to vector<16xi32>
        %min3A_507 = arith.minsi %convert_element_type3A_504, %min3A_506 : vector<16xi32>
        %convert_element_type3A_508 = arith.sitofp %min3A_507 : vector<16xi32> to vector<16xf32>
        %add3A_509 = arith.constant 5.000000e-01 : f32
        %add3A_510 = vector.broadcast %add3A_509 : f32 to vector<16xf32>
        %add3A_511 = arith.addf %convert_element_type3A_508, %add3A_510 : vector<16xf32>
        %mul3A_512 = arith.constant 0.52359879 : f32
        %mul3A_513 = vector.broadcast %mul3A_512 : f32 to vector<16xf32>
        %mul3A_514 = arith.mulf %add3A_511, %mul3A_513 : vector<16xf32>
        %sub3A_515 = arith.constant 3.14159274 : f32
        %sub3A_516 = vector.broadcast %sub3A_515 : f32 to vector<16xf32>
        %sub3A_517 = arith.subf %mul3A_514, %sub3A_516 : vector<16xf32>
        %and3A_518 = arith.constant 16777216 : i32
        %and3A_519 = vector.broadcast %and3A_518 : i32 to vector<16xi32>
        %and3A_520 = arith.andi %get3A_345, %and3A_519 : vector<16xi32>
        %ne3A_521 = arith.constant 0 : i32
        %ne3A_522 = vector.broadcast %ne3A_521 : i32 to vector<16xi32>
        %ne3A_523 = arith.cmpi ne, %and3A_520, %ne3A_522 : vector<16xi32>
        %jit3A_524 = arith.constant 0.000000e+00 : f32
        %broadcast_in_dim3A_525 = vector.broadcast %jit3A_524 : f32 to vector<16xf32>
        %select_n3A_526 = arith.select %ne3A_523, %broadcast_in_dim3A_525, %sub3A_517 : vector<16xi1>, vector<16xf32>
        %jit3A_527 = arith.constant 12 : i32
        %broadcast_in_dim3A_528 = vector.broadcast %jit3A_527 : i32 to vector<16xi32>
        %select_n3A_529 = arith.select %ne3A_523, %broadcast_in_dim3A_528, %min3A_507 : vector<16xi1>, vector<16xi32>
        %swap3A_530 = arith.constant 1 : i32
        %swap3A_531 = arith.index_cast %swap3A_530 : i32 to index
        %swap3A_532 = arith.index_cast %add3A_493 : i32 to index
        %swap3A_533 = tpu.vector_load %arg8[%swap3A_531, %swap3A_532] {strides = array<i32>} : memref<2x8192xf32, #tpu.memory_space<vmem>>, vector<16xf32>,
        tpu.vector_store %arg8[%swap3A_531, %swap3A_532], %select_n3A_526 {strides = array<i32>} : memref<2x8192xf32, #tpu.memory_space<vmem>>, vector<16xf32>,
        %swap3A_534 = arith.constant 1 : i32
        %swap3A_535 = arith.index_cast %swap3A_534 : i32 to index
        %swap3A_536 = arith.index_cast %add3A_493 : i32 to index
        %swap3A_537 = tpu.vector_load %arg9[%swap3A_535, %swap3A_536] {strides = array<i32>} : memref<2x8192xi32, #tpu.memory_space<vmem>>, vector<16xi32>,
        tpu.vector_store %arg9[%swap3A_535, %swap3A_536], %select_n3A_529 {strides = array<i32>} : memref<2x8192xi32, #tpu.memory_space<vmem>>, vector<16xi32>,
        %mul3A_538 = arith.constant 128 : i32
        %mul3A_539 = arith.muli %scan3A_340, %mul3A_538 : i32
        %add3A_540 = arith.constant 64 : i32
        %add3A_541 = arith.addi %mul3A_539, %add3A_540 : i32
        %get3A_542 = arith.constant 1 : i32
        %get3A_543 = arith.index_cast %get3A_542 : i32 to index
        %get3A_544 = arith.index_cast %add3A_541 : i32 to index
        %get3A_545 = tpu.vector_load %arg6[%get3A_543, %get3A_544] {strides = array<i32>} : memref<2x8192xf32, #tpu.memory_space<vmem>>, vector<16xf32>,
        %mul3A_546 = arith.constant 1.9098593 : f32
        %mul3A_547 = vector.broadcast %mul3A_546 : f32 to vector<16xf32>
        %mul3A_548 = arith.mulf %get3A_545, %mul3A_547 : vector<16xf32>
        %add3A_549 = arith.constant 6.000000e+00 : f32
        %add3A_550 = vector.broadcast %add3A_549 : f32 to vector<16xf32>
        %add3A_551 = arith.addf %mul3A_548, %add3A_550 : vector<16xf32>
        %convert_element_type3A_552 = arith.fptosi %add3A_551 : vector<16xf32> to vector<16xi32>
        %min3A_553 = arith.constant 11 : i32
        %min3A_554 = vector.broadcast %min3A_553 : i32 to vector<16xi32>
        %min3A_555 = arith.minsi %convert_element_type3A_552, %min3A_554 : vector<16xi32>
        %convert_element_type3A_556 = arith.sitofp %min3A_555 : vector<16xi32> to vector<16xf32>
        %add3A_557 = arith.constant 5.000000e-01 : f32
        %add3A_558 = vector.broadcast %add3A_557 : f32 to vector<16xf32>
        %add3A_559 = arith.addf %convert_element_type3A_556, %add3A_558 : vector<16xf32>
        %mul3A_560 = arith.constant 0.52359879 : f32
        %mul3A_561 = vector.broadcast %mul3A_560 : f32 to vector<16xf32>
        %mul3A_562 = arith.mulf %add3A_559, %mul3A_561 : vector<16xf32>
        %sub3A_563 = arith.constant 3.14159274 : f32
        %sub3A_564 = vector.broadcast %sub3A_563 : f32 to vector<16xf32>
        %sub3A_565 = arith.subf %mul3A_562, %sub3A_564 : vector<16xf32>
        %and3A_566 = arith.constant 1 : i32
        %and3A_567 = vector.broadcast %and3A_566 : i32 to vector<16xi32>
        %and3A_568 = arith.andi %get3A_353, %and3A_567 : vector<16xi32>
        %ne3A_569 = arith.constant 0 : i32
        %ne3A_570 = vector.broadcast %ne3A_569 : i32 to vector<16xi32>
        %ne3A_571 = arith.cmpi ne, %and3A_568, %ne3A_570 : vector<16xi32>
        %jit3A_572 = arith.constant 0.000000e+00 : f32
        %broadcast_in_dim3A_573 = vector.broadcast %jit3A_572 : f32 to vector<16xf32>
        %select_n3A_574 = arith.select %ne3A_571, %broadcast_in_dim3A_573, %sub3A_565 : vector<16xi1>, vector<16xf32>
        %jit3A_575 = arith.constant 12 : i32
        %broadcast_in_dim3A_576 = vector.broadcast %jit3A_575 : i32 to vector<16xi32>
        %select_n3A_577 = arith.select %ne3A_571, %broadcast_in_dim3A_576, %min3A_555 : vector<16xi1>, vector<16xi32>
        %swap3A_578 = arith.constant 1 : i32
        %swap3A_579 = arith.index_cast %swap3A_578 : i32 to index
        %swap3A_580 = arith.index_cast %add3A_541 : i32 to index
        %swap3A_581 = tpu.vector_load %arg8[%swap3A_579, %swap3A_580] {strides = array<i32>} : memref<2x8192xf32, #tpu.memory_space<vmem>>, vector<16xf32>,
        tpu.vector_store %arg8[%swap3A_579, %swap3A_580], %select_n3A_574 {strides = array<i32>} : memref<2x8192xf32, #tpu.memory_space<vmem>>, vector<16xf32>,
        %swap3A_582 = arith.constant 1 : i32
        %swap3A_583 = arith.index_cast %swap3A_582 : i32 to index
        %swap3A_584 = arith.index_cast %add3A_541 : i32 to index
        %swap3A_585 = tpu.vector_load %arg9[%swap3A_583, %swap3A_584] {strides = array<i32>} : memref<2x8192xi32, #tpu.memory_space<vmem>>, vector<16xi32>,
        tpu.vector_store %arg9[%swap3A_583, %swap3A_584], %select_n3A_577 {strides = array<i32>} : memref<2x8192xi32, #tpu.memory_space<vmem>>, vector<16xi32>,
        %mul3A_586 = arith.constant 128 : i32
        %mul3A_587 = arith.muli %scan3A_340, %mul3A_586 : i32
        %add3A_588 = arith.constant 80 : i32
        %add3A_589 = arith.addi %mul3A_587, %add3A_588 : i32
        %get3A_590 = arith.constant 1 : i32
        %get3A_591 = arith.index_cast %get3A_590 : i32 to index
        %get3A_592 = arith.index_cast %add3A_589 : i32 to index
        %get3A_593 = tpu.vector_load %arg6[%get3A_591, %get3A_592] {strides = array<i32>} : memref<2x8192xf32, #tpu.memory_space<vmem>>, vector<16xf32>,
        %mul3A_594 = arith.constant 1.9098593 : f32
        %mul3A_595 = vector.broadcast %mul3A_594 : f32 to vector<16xf32>
        %mul3A_596 = arith.mulf %get3A_593, %mul3A_595 : vector<16xf32>
        %add3A_597 = arith.constant 6.000000e+00 : f32
        %add3A_598 = vector.broadcast %add3A_597 : f32 to vector<16xf32>
        %add3A_599 = arith.addf %mul3A_596, %add3A_598 : vector<16xf32>
        %convert_element_type3A_600 = arith.fptosi %add3A_599 : vector<16xf32> to vector<16xi32>
        %min3A_601 = arith.constant 11 : i32
        %min3A_602 = vector.broadcast %min3A_601 : i32 to vector<16xi32>
        %min3A_603 = arith.minsi %convert_element_type3A_600, %min3A_602 : vector<16xi32>
        %convert_element_type3A_604 = arith.sitofp %min3A_603 : vector<16xi32> to vector<16xf32>
        %add3A_605 = arith.constant 5.000000e-01 : f32
        %add3A_606 = vector.broadcast %add3A_605 : f32 to vector<16xf32>
        %add3A_607 = arith.addf %convert_element_type3A_604, %add3A_606 : vector<16xf32>
        %mul3A_608 = arith.constant 0.52359879 : f32
        %mul3A_609 = vector.broadcast %mul3A_608 : f32 to vector<16xf32>
        %mul3A_610 = arith.mulf %add3A_607, %mul3A_609 : vector<16xf32>
        %sub3A_611 = arith.constant 3.14159274 : f32
        %sub3A_612 = vector.broadcast %sub3A_611 : f32 to vector<16xf32>
        %sub3A_613 = arith.subf %mul3A_610, %sub3A_612 : vector<16xf32>
        %and3A_614 = arith.constant 256 : i32
        %and3A_615 = vector.broadcast %and3A_614 : i32 to vector<16xi32>
        %and3A_616 = arith.andi %get3A_353, %and3A_615 : vector<16xi32>
        %ne3A_617 = arith.constant 0 : i32
        %ne3A_618 = vector.broadcast %ne3A_617 : i32 to vector<16xi32>
        %ne3A_619 = arith.cmpi ne, %and3A_616, %ne3A_618 : vector<16xi32>
        %jit3A_620 = arith.constant 0.000000e+00 : f32
        %broadcast_in_dim3A_621 = vector.broadcast %jit3A_620 : f32 to vector<16xf32>
        %select_n3A_622 = arith.select %ne3A_619, %broadcast_in_dim3A_621, %sub3A_613 : vector<16xi1>, vector<16xf32>
        %jit3A_623 = arith.constant 12 : i32
        %broadcast_in_dim3A_624 = vector.broadcast %jit3A_623 : i32 to vector<16xi32>
        %select_n3A_625 = arith.select %ne3A_619, %broadcast_in_dim3A_624, %min3A_603 : vector<16xi1>, vector<16xi32>
        %swap3A_626 = arith.constant 1 : i32
        %swap3A_627 = arith.index_cast %swap3A_626 : i32 to index
        %swap3A_628 = arith.index_cast %add3A_589 : i32 to index
        %swap3A_629 = tpu.vector_load %arg8[%swap3A_627, %swap3A_628] {strides = array<i32>} : memref<2x8192xf32, #tpu.memory_space<vmem>>, vector<16xf32>,
        tpu.vector_store %arg8[%swap3A_627, %swap3A_628], %select_n3A_622 {strides = array<i32>} : memref<2x8192xf32, #tpu.memory_space<vmem>>, vector<16xf32>,
        %swap3A_630 = arith.constant 1 : i32
        %swap3A_631 = arith.index_cast %swap3A_630 : i32 to index
        %swap3A_632 = arith.index_cast %add3A_589 : i32 to index
        %swap3A_633 = tpu.vector_load %arg9[%swap3A_631, %swap3A_632] {strides = array<i32>} : memref<2x8192xi32, #tpu.memory_space<vmem>>, vector<16xi32>,
        tpu.vector_store %arg9[%swap3A_631, %swap3A_632], %select_n3A_625 {strides = array<i32>} : memref<2x8192xi32, #tpu.memory_space<vmem>>, vector<16xi32>,
        %mul3A_634 = arith.constant 128 : i32
        %mul3A_635 = arith.muli %scan3A_340, %mul3A_634 : i32
        %add3A_636 = arith.constant 96 : i32
        %add3A_637 = arith.addi %mul3A_635, %add3A_636 : i32
        %get3A_638 = arith.constant 1 : i32
        %get3A_639 = arith.index_cast %get3A_638 : i32 to index
        %get3A_640 = arith.index_cast %add3A_637 : i32 to index
        %get3A_641 = tpu.vector_load %arg6[%get3A_639, %get3A_640] {strides = array<i32>} : memref<2x8192xf32, #tpu.memory_space<vmem>>, vector<16xf32>,
        %mul3A_642 = arith.constant 1.9098593 : f32
        %mul3A_643 = vector.broadcast %mul3A_642 : f32 to vector<16xf32>
        %mul3A_644 = arith.mulf %get3A_641, %mul3A_643 : vector<16xf32>
        %add3A_645 = arith.constant 6.000000e+00 : f32
        %add3A_646 = vector.broadcast %add3A_645 : f32 to vector<16xf32>
        %add3A_647 = arith.addf %mul3A_644, %add3A_646 : vector<16xf32>
        %convert_element_type3A_648 = arith.fptosi %add3A_647 : vector<16xf32> to vector<16xi32>
        %min3A_649 = arith.constant 11 : i32
        %min3A_650 = vector.broadcast %min3A_649 : i32 to vector<16xi32>
        %min3A_651 = arith.minsi %convert_element_type3A_648, %min3A_650 : vector<16xi32>
        %convert_element_type3A_652 = arith.sitofp %min3A_651 : vector<16xi32> to vector<16xf32>
        %add3A_653 = arith.constant 5.000000e-01 : f32
        %add3A_654 = vector.broadcast %add3A_653 : f32 to vector<16xf32>
        %add3A_655 = arith.addf %convert_element_type3A_652, %add3A_654 : vector<16xf32>
        %mul3A_656 = arith.constant 0.52359879 : f32
        %mul3A_657 = vector.broadcast %mul3A_656 : f32 to vector<16xf32>
        %mul3A_658 = arith.mulf %add3A_655, %mul3A_657 : vector<16xf32>
        %sub3A_659 = arith.constant 3.14159274 : f32
        %sub3A_660 = vector.broadcast %sub3A_659 : f32 to vector<16xf32>
        %sub3A_661 = arith.subf %mul3A_658, %sub3A_660 : vector<16xf32>
        %and3A_662 = arith.constant 65536 : i32
        %and3A_663 = vector.broadcast %and3A_662 : i32 to vector<16xi32>
        %and3A_664 = arith.andi %get3A_353, %and3A_663 : vector<16xi32>
        %ne3A_665 = arith.constant 0 : i32
        %ne3A_666 = vector.broadcast %ne3A_665 : i32 to vector<16xi32>
        %ne3A_667 = arith.cmpi ne, %and3A_664, %ne3A_666 : vector<16xi32>
        %jit3A_668 = arith.constant 0.000000e+00 : f32
        %broadcast_in_dim3A_669 = vector.broadcast %jit3A_668 : f32 to vector<16xf32>
        %select_n3A_670 = arith.select %ne3A_667, %broadcast_in_dim3A_669, %sub3A_661 : vector<16xi1>, vector<16xf32>
        %jit3A_671 = arith.constant 12 : i32
        %broadcast_in_dim3A_672 = vector.broadcast %jit3A_671 : i32 to vector<16xi32>
        %select_n3A_673 = arith.select %ne3A_667, %broadcast_in_dim3A_672, %min3A_651 : vector<16xi1>, vector<16xi32>
        %swap3A_674 = arith.constant 1 : i32
        %swap3A_675 = arith.index_cast %swap3A_674 : i32 to index
        %swap3A_676 = arith.index_cast %add3A_637 : i32 to index
        %swap3A_677 = tpu.vector_load %arg8[%swap3A_675, %swap3A_676] {strides = array<i32>} : memref<2x8192xf32, #tpu.memory_space<vmem>>, vector<16xf32>,
        tpu.vector_store %arg8[%swap3A_675, %swap3A_676], %select_n3A_670 {strides = array<i32>} : memref<2x8192xf32, #tpu.memory_space<vmem>>, vector<16xf32>,
        %swap3A_678 = arith.constant 1 : i32
        %swap3A_679 = arith.index_cast %swap3A_678 : i32 to index
        %swap3A_680 = arith.index_cast %add3A_637 : i32 to index
        %swap3A_681 = tpu.vector_load %arg9[%swap3A_679, %swap3A_680] {strides = array<i32>} : memref<2x8192xi32, #tpu.memory_space<vmem>>, vector<16xi32>,
        tpu.vector_store %arg9[%swap3A_679, %swap3A_680], %select_n3A_673 {strides = array<i32>} : memref<2x8192xi32, #tpu.memory_space<vmem>>, vector<16xi32>,
        %mul3A_682 = arith.constant 128 : i32
        %mul3A_683 = arith.muli %scan3A_340, %mul3A_682 : i32
        %add3A_684 = arith.constant 112 : i32
        %add3A_685 = arith.addi %mul3A_683, %add3A_684 : i32
        %get3A_686 = arith.constant 1 : i32
        %get3A_687 = arith.index_cast %get3A_686 : i32 to index
        %get3A_688 = arith.index_cast %add3A_685 : i32 to index
        %get3A_689 = tpu.vector_load %arg6[%get3A_687, %get3A_688] {strides = array<i32>} : memref<2x8192xf32, #tpu.memory_space<vmem>>, vector<16xf32>,
        %mul3A_690 = arith.constant 1.9098593 : f32
        %mul3A_691 = vector.broadcast %mul3A_690 : f32 to vector<16xf32>
        %mul3A_692 = arith.mulf %get3A_689, %mul3A_691 : vector<16xf32>
        %add3A_693 = arith.constant 6.000000e+00 : f32
        %add3A_694 = vector.broadcast %add3A_693 : f32 to vector<16xf32>
        %add3A_695 = arith.addf %mul3A_692, %add3A_694 : vector<16xf32>
        %convert_element_type3A_696 = arith.fptosi %add3A_695 : vector<16xf32> to vector<16xi32>
        %min3A_697 = arith.constant 11 : i32
        %min3A_698 = vector.broadcast %min3A_697 : i32 to vector<16xi32>
        %min3A_699 = arith.minsi %convert_element_type3A_696, %min3A_698 : vector<16xi32>
        %convert_element_type3A_700 = arith.sitofp %min3A_699 : vector<16xi32> to vector<16xf32>
        %add3A_701 = arith.constant 5.000000e-01 : f32
        %add3A_702 = vector.broadcast %add3A_701 : f32 to vector<16xf32>
        %add3A_703 = arith.addf %convert_element_type3A_700, %add3A_702 : vector<16xf32>
        %mul3A_704 = arith.constant 0.52359879 : f32
        %mul3A_705 = vector.broadcast %mul3A_704 : f32 to vector<16xf32>
        %mul3A_706 = arith.mulf %add3A_703, %mul3A_705 : vector<16xf32>
        %sub3A_707 = arith.constant 3.14159274 : f32
        %sub3A_708 = vector.broadcast %sub3A_707 : f32 to vector<16xf32>
        %sub3A_709 = arith.subf %mul3A_706, %sub3A_708 : vector<16xf32>
        %and3A_710 = arith.constant 16777216 : i32
        %and3A_711 = vector.broadcast %and3A_710 : i32 to vector<16xi32>
        %and3A_712 = arith.andi %get3A_353, %and3A_711 : vector<16xi32>
        %ne3A_713 = arith.constant 0 : i32
        %ne3A_714 = vector.broadcast %ne3A_713 : i32 to vector<16xi32>
        %ne3A_715 = arith.cmpi ne, %and3A_712, %ne3A_714 : vector<16xi32>
        %jit3A_716 = arith.constant 0.000000e+00 : f32
        %broadcast_in_dim3A_717 = vector.broadcast %jit3A_716 : f32 to vector<16xf32>
        %select_n3A_718 = arith.select %ne3A_715, %broadcast_in_dim3A_717, %sub3A_709 : vector<16xi1>, vector<16xf32>
        %jit3A_719 = arith.constant 12 : i32
        %broadcast_in_dim3A_720 = vector.broadcast %jit3A_719 : i32 to vector<16xi32>
        %select_n3A_721 = arith.select %ne3A_715, %broadcast_in_dim3A_720, %min3A_699 : vector<16xi1>, vector<16xi32>
        %swap3A_722 = arith.constant 1 : i32
        %swap3A_723 = arith.index_cast %swap3A_722 : i32 to index
        %swap3A_724 = arith.index_cast %add3A_685 : i32 to index
        %swap3A_725 = tpu.vector_load %arg8[%swap3A_723, %swap3A_724] {strides = array<i32>} : memref<2x8192xf32, #tpu.memory_space<vmem>>, vector<16xf32>,
        tpu.vector_store %arg8[%swap3A_723, %swap3A_724], %select_n3A_718 {strides = array<i32>} : memref<2x8192xf32, #tpu.memory_space<vmem>>, vector<16xf32>,
        %swap3A_726 = arith.constant 1 : i32
        %swap3A_727 = arith.index_cast %swap3A_726 : i32 to index
        %swap3A_728 = arith.index_cast %add3A_685 : i32 to index
        %swap3A_729 = tpu.vector_load %arg9[%swap3A_727, %swap3A_728] {strides = array<i32>} : memref<2x8192xi32, #tpu.memory_space<vmem>>, vector<16xi32>,
        tpu.vector_store %arg9[%swap3A_727, %swap3A_728], %select_n3A_721 {strides = array<i32>} : memref<2x8192xi32, #tpu.memory_space<vmem>>, vector<16xi32>,
      }
      %scan3A_318 = arith.constant 64 : i32
      %mul3A_319 = arith.constant 8192 : i32
      %mul3A_320 = arith.muli %add3A_276, %mul3A_319 : i32
      %add3A_321 = arith.addi %add3A_75, %mul3A_320 : i32
      %dma_start3A_322 = arith.constant 1 : i32
      %dma_start3A_323 = arith.constant 0 : i32
      %dma_start3A_324 = tpu.memref_slice %arg8[%dma_start3A_322, %dma_start3A_323] : memref<2x8192xf32, #tpu.memory_space<vmem>> -> memref<1x8192xf32, #tpu.memory_space<vmem>>
      %dma_start3A_325 = tpu.memref_squeeze %dma_start3A_324 : memref<1x8192xf32, #tpu.memory_space<vmem>> -> memref<8192xf32, #tpu.memory_space<vmem>>
      %dma_start3A_326 = tpu.memref_slice %arg4[%add3A_321] : memref<25165824xf32, #tpu.memory_space<hbm>> -> memref<8192xf32, #tpu.memory_space<hbm>>
      %dma_start3A_327 = tpu.memref_slice %arg4[%add3A_321] : memref<25165824xf32, #tpu.memory_space<hbm>> -> memref<8192xf32, #tpu.memory_space<hbm>>
      %dma_start3A_328 = arith.constant 0 : i32
      %dma_start3A_329 = tpu.memref_slice %arg8[%dma_start3A_322, %dma_start3A_328] : memref<2x8192xf32, #tpu.memory_space<vmem>> -> memref<1x8192xf32, #tpu.memory_space<vmem>>
      %dma_start3A_330 = tpu.memref_squeeze %dma_start3A_329 : memref<1x8192xf32, #tpu.memory_space<vmem>> -> memref<8192xf32, #tpu.memory_space<vmem>>
      tpu.enqueue_dma source(%dma_start3A_330 : memref<8192xf32, #tpu.memory_space<vmem>>) target(%dma_start3A_327 : memref<8192xf32, #tpu.memory_space<hbm>>) target_semaphore(%arg15 : memref<!tpu.dma_semaphore, #tpu.memory_space<semaphore_mem>>)
      %dma_start3A_331 = arith.constant 1 : i32
      %dma_start3A_332 = arith.constant 0 : i32
      %dma_start3A_333 = tpu.memref_slice %arg9[%dma_start3A_331, %dma_start3A_332] : memref<2x8192xi32, #tpu.memory_space<vmem>> -> memref<1x8192xi32, #tpu.memory_space<vmem>>
      %dma_start3A_334 = tpu.memref_squeeze %dma_start3A_333 : memref<1x8192xi32, #tpu.memory_space<vmem>> -> memref<8192xi32, #tpu.memory_space<vmem>>
      %dma_start3A_335 = tpu.memref_slice %arg5[%add3A_321] : memref<25165824xi32, #tpu.memory_space<hbm>> -> memref<8192xi32, #tpu.memory_space<hbm>>
      %dma_start3A_336 = tpu.memref_slice %arg5[%add3A_321] : memref<25165824xi32, #tpu.memory_space<hbm>> -> memref<8192xi32, #tpu.memory_space<hbm>>
      %dma_start3A_337 = arith.constant 0 : i32
      %dma_start3A_338 = tpu.memref_slice %arg9[%dma_start3A_331, %dma_start3A_337] : memref<2x8192xi32, #tpu.memory_space<vmem>> -> memref<1x8192xi32, #tpu.memory_space<vmem>>
      %dma_start3A_339 = tpu.memref_squeeze %dma_start3A_338 : memref<1x8192xi32, #tpu.memory_space<vmem>> -> memref<8192xi32, #tpu.memory_space<vmem>>
      tpu.enqueue_dma source(%dma_start3A_339 : memref<8192xi32, #tpu.memory_space<vmem>>) target(%dma_start3A_336 : memref<8192xi32, #tpu.memory_space<hbm>>) target_semaphore(%arg17 : memref<!tpu.dma_semaphore, #tpu.memory_space<semaphore_mem>>)
    }
    %scan3A_107 = arith.constant 16 : i32
    %add3A_108 = arith.constant 245760 : i32
    %add3A_109 = arith.addi %add3A_75, %add3A_108 : i32
    %dma_wait3A_110 = arith.constant 0 : i32
    %dma_wait3A_111 = arith.constant 0 : i32
    %dma_wait3A_112 = tpu.memref_slice %arg8[%dma_wait3A_110, %dma_wait3A_111] : memref<2x8192xf32, #tpu.memory_space<vmem>> -> memref<1x8192xf32, #tpu.memory_space<vmem>>
    %dma_wait3A_113 = tpu.memref_squeeze %dma_wait3A_112 : memref<1x8192xf32, #tpu.memory_space<vmem>> -> memref<8192xf32, #tpu.memory_space<vmem>>
    %dma_wait3A_114 = tpu.memref_slice %arg4[%add3A_109] : memref<25165824xf32, #tpu.memory_space<hbm>> -> memref<8192xf32, #tpu.memory_space<hbm>>
    %dma_wait3A_115 = tpu.memref_slice %arg4[%add3A_109] : memref<25165824xf32, #tpu.memory_space<hbm>> -> memref<8192xf32, #tpu.memory_space<hbm>>
    %dma_wait3A_116 = arith.constant 0 : i32
    %dma_wait3A_117 = tpu.memref_slice %arg8[%dma_wait3A_110, %dma_wait3A_116] : memref<2x8192xf32, #tpu.memory_space<vmem>> -> memref<1x8192xf32, #tpu.memory_space<vmem>>
    %dma_wait3A_118 = tpu.memref_squeeze %dma_wait3A_117 : memref<1x8192xf32, #tpu.memory_space<vmem>> -> memref<8192xf32, #tpu.memory_space<vmem>>
    tpu.wait_dma2 semaphore(%arg14 : memref<!tpu.dma_semaphore, #tpu.memory_space<semaphore_mem>>) src(%dma_wait3A_118 : memref<8192xf32, #tpu.memory_space<vmem>>) dst(%dma_wait3A_115 : memref<8192xf32, #tpu.memory_space<hbm>>)
    %dma_wait3A_119 = arith.constant 0 : i32
    %dma_wait3A_120 = arith.constant 0 : i32
    %dma_wait3A_121 = tpu.memref_slice %arg9[%dma_wait3A_119, %dma_wait3A_120] : memref<2x8192xi32, #tpu.memory_space<vmem>> -> memref<1x8192xi32, #tpu.memory_space<vmem>>
    %dma_wait3A_122 = tpu.memref_squeeze %dma_wait3A_121 : memref<1x8192xi32, #tpu.memory_space<vmem>> -> memref<8192xi32, #tpu.memory_space<vmem>>
    %dma_wait3A_123 = tpu.memref_slice %arg5[%add3A_109] : memref<25165824xi32, #tpu.memory_space<hbm>> -> memref<8192xi32, #tpu.memory_space<hbm>>
    %dma_wait3A_124 = tpu.memref_slice %arg5[%add3A_109] : memref<25165824xi32, #tpu.memory_space<hbm>> -> memref<8192xi32, #tpu.memory_space<hbm>>
    %dma_wait3A_125 = arith.constant 0 : i32
    %dma_wait3A_126 = tpu.memref_slice %arg9[%dma_wait3A_119, %dma_wait3A_125] : memref<2x8192xi32, #tpu.memory_space<vmem>> -> memref<1x8192xi32, #tpu.memory_space<vmem>>
    %dma_wait3A_127 = tpu.memref_squeeze %dma_wait3A_126 : memref<1x8192xi32, #tpu.memory_space<vmem>> -> memref<8192xi32, #tpu.memory_space<vmem>>
    tpu.wait_dma2 semaphore(%arg16 : memref<!tpu.dma_semaphore, #tpu.memory_space<semaphore_mem>>) src(%dma_wait3A_127 : memref<8192xi32, #tpu.memory_space<vmem>>) dst(%dma_wait3A_124 : memref<8192xi32, #tpu.memory_space<hbm>>)
    %add3A_128 = arith.constant 253952 : i32
    %add3A_129 = arith.addi %add3A_75, %add3A_128 : i32
    %dma_wait3A_130 = arith.constant 1 : i32
    %dma_wait3A_131 = arith.constant 0 : i32
    %dma_wait3A_132 = tpu.memref_slice %arg8[%dma_wait3A_130, %dma_wait3A_131] : memref<2x8192xf32, #tpu.memory_space<vmem>> -> memref<1x8192xf32, #tpu.memory_space<vmem>>
    %dma_wait3A_133 = tpu.memref_squeeze %dma_wait3A_132 : memref<1x8192xf32, #tpu.memory_space<vmem>> -> memref<8192xf32, #tpu.memory_space<vmem>>
    %dma_wait3A_134 = tpu.memref_slice %arg4[%add3A_129] : memref<25165824xf32, #tpu.memory_space<hbm>> -> memref<8192xf32, #tpu.memory_space<hbm>>
    %dma_wait3A_135 = tpu.memref_slice %arg4[%add3A_129] : memref<25165824xf32, #tpu.memory_space<hbm>> -> memref<8192xf32, #tpu.memory_space<hbm>>
    %dma_wait3A_136 = arith.constant 0 : i32
    %dma_wait3A_137 = tpu.memref_slice %arg8[%dma_wait3A_130, %dma_wait3A_136] : memref<2x8192xf32, #tpu.memory_space<vmem>> -> memref<1x8192xf32, #tpu.memory_space<vmem>>
    %dma_wait3A_138 = tpu.memref_squeeze %dma_wait3A_137 : memref<1x8192xf32, #tpu.memory_space<vmem>> -> memref<8192xf32, #tpu.memory_space<vmem>>
    tpu.wait_dma2 semaphore(%arg15 : memref<!tpu.dma_semaphore, #tpu.memory_space<semaphore_mem>>) src(%dma_wait3A_138 : memref<8192xf32, #tpu.memory_space<vmem>>) dst(%dma_wait3A_135 : memref<8192xf32, #tpu.memory_space<hbm>>)
    %dma_wait3A_139 = arith.constant 1 : i32
    %dma_wait3A_140 = arith.constant 0 : i32
    %dma_wait3A_141 = tpu.memref_slice %arg9[%dma_wait3A_139, %dma_wait3A_140] : memref<2x8192xi32, #tpu.memory_space<vmem>> -> memref<1x8192xi32, #tpu.memory_space<vmem>>
    %dma_wait3A_142 = tpu.memref_squeeze %dma_wait3A_141 : memref<1x8192xi32, #tpu.memory_space<vmem>> -> memref<8192xi32, #tpu.memory_space<vmem>>
    %dma_wait3A_143 = tpu.memref_slice %arg5[%add3A_129] : memref<25165824xi32, #tpu.memory_space<hbm>> -> memref<8192xi32, #tpu.memory_space<hbm>>
    %dma_wait3A_144 = tpu.memref_slice %arg5[%add3A_129] : memref<25165824xi32, #tpu.memory_space<hbm>> -> memref<8192xi32, #tpu.memory_space<hbm>>
    %dma_wait3A_145 = arith.constant 0 : i32
    %dma_wait3A_146 = tpu.memref_slice %arg9[%dma_wait3A_139, %dma_wait3A_145] : memref<2x8192xi32, #tpu.memory_space<vmem>> -> memref<1x8192xi32, #tpu.memory_space<vmem>>
    %dma_wait3A_147 = tpu.memref_squeeze %dma_wait3A_146 : memref<1x8192xi32, #tpu.memory_space<vmem>> -> memref<8192xi32, #tpu.memory_space<vmem>>
    tpu.wait_dma2 semaphore(%arg17 : memref<!tpu.dma_semaphore, #tpu.memory_space<semaphore_mem>>) src(%dma_wait3A_147 : memref<8192xi32, #tpu.memory_space<vmem>>) dst(%dma_wait3A_144 : memref<8192xi32, #tpu.memory_space<hbm>>)
    %add3A_148 = arith.constant 16777216 : i32
    %add3A_149 = arith.addi %add3A_148, %mul3A_2 : i32
    %mul3A_150 = arith.constant 65536 : i32
    %mul3A_151 = arith.muli %add3A, %mul3A_150 : i32
    %add3A_152 = arith.constant 4194304 : i32
    %add3A_153 = arith.addi %add3A_152, %mul3A_151 : i32
    %add3A_154 = arith.constant 0 : i32
    %add3A_155 = arith.addi %add3A_149, %add3A_154 : i32
    %dma_start3A_156 = arith.constant 0 : i32
    %dma_start3A_157 = arith.constant 0 : i32
    %dma_start3A_158 = tpu.memref_slice %arg6[%dma_start3A_156, %dma_start3A_157] : memref<2x8192xf32, #tpu.memory_space<vmem>> -> memref<1x8192xf32, #tpu.memory_space<vmem>>
    %dma_start3A_159 = tpu.memref_squeeze %dma_start3A_158 : memref<1x8192xf32, #tpu.memory_space<vmem>> -> memref<8192xf32, #tpu.memory_space<vmem>>
    %dma_start3A_160 = tpu.memref_slice %arg2[%add3A_155] : memref<25165824xf32, #tpu.memory_space<hbm>> -> memref<8192xf32, #tpu.memory_space<hbm>>
    %dma_start3A_161 = arith.constant 0 : i32
    %dma_start3A_162 = tpu.memref_slice %arg6[%dma_start3A_156, %dma_start3A_161] : memref<2x8192xf32, #tpu.memory_space<vmem>> -> memref<1x8192xf32, #tpu.memory_space<vmem>>
    %dma_start3A_163 = tpu.memref_squeeze %dma_start3A_162 : memref<1x8192xf32, #tpu.memory_space<vmem>> -> memref<8192xf32, #tpu.memory_space<vmem>>
    %dma_start3A_164 = tpu.memref_slice %arg2[%add3A_155] : memref<25165824xf32, #tpu.memory_space<hbm>> -> memref<8192xf32, #tpu.memory_space<hbm>>
    tpu.enqueue_dma source(%dma_start3A_164 : memref<8192xf32, #tpu.memory_space<hbm>>) target(%dma_start3A_163 : memref<8192xf32, #tpu.memory_space<vmem>>) target_semaphore(%arg10 : memref<!tpu.dma_semaphore, #tpu.memory_space<semaphore_mem>>)
    %scan3A_165 = arith.constant 0 : i32
    %scan3A_166 = arith.constant 0 : i32
    %scan3A_167 = arith.constant 16 : i32
    %scan3A_168 = arith.addi %scan3A_166, %scan3A_167 : i32
    %scan3A_169 = arith.constant 1 : i32
    scf.for %scan3A_211 = %scan3A_166 to %scan3A_168 step %scan3A_169  : i32 {
      %mul3A_212 = arith.constant 2 : i32
      %mul3A_213 = arith.muli %scan3A_211, %mul3A_212 : i32
      %add3A_214 = arith.constant 0 : i32
      %add3A_215 = arith.addi %mul3A_213, %add3A_214 : i32
      %add3A_216 = arith.constant 1 : i32
      %add3A_217 = arith.addi %add3A_215, %add3A_216 : i32
      %lt3A = arith.constant 32 : i32
      %lt3A_218 = arith.cmpi slt, %add3A_217, %lt3A : i32
      %convert_element_type3A = arith.extui %lt3A_218 : i1 to i32
      %cond3A = arith.constant 0 : i32
      %cond3A_219 = arith.cmpi ne, %convert_element_type3A, %cond3A : i32
      scf.if %cond3A_219 {
        %mul3A_316 = arith.constant 8192 : i32
        %mul3A_317 = arith.muli %add3A_217, %mul3A_316 : i32
        %add3A_318 = arith.addi %add3A_149, %mul3A_317 : i32
        %dma_start3A_319 = arith.constant 1 : i32
        %dma_start3A_320 = arith.constant 0 : i32
        %dma_start3A_321 = tpu.memref_slice %arg6[%dma_start3A_319, %dma_start3A_320] : memref<2x8192xf32, #tpu.memory_space<vmem>> -> memref<1x8192xf32, #tpu.memory_space<vmem>>
        %dma_start3A_322 = tpu.memref_squeeze %dma_start3A_321 : memref<1x8192xf32, #tpu.memory_space<vmem>> -> memref<8192xf32, #tpu.memory_space<vmem>>
        %dma_start3A_323 = tpu.memref_slice %arg2[%add3A_318] : memref<25165824xf32, #tpu.memory_space<hbm>> -> memref<8192xf32, #tpu.memory_space<hbm>>
        %dma_start3A_324 = arith.constant 0 : i32
        %dma_start3A_325 = tpu.memref_slice %arg6[%dma_start3A_319, %dma_start3A_324] : memref<2x8192xf32, #tpu.memory_space<vmem>> -> memref<1x8192xf32, #tpu.memory_space<vmem>>
        %dma_start3A_326 = tpu.memref_squeeze %dma_start3A_325 : memref<1x8192xf32, #tpu.memory_space<vmem>> -> memref<8192xf32, #tpu.memory_space<vmem>>
        %dma_start3A_327 = tpu.memref_slice %arg2[%add3A_318] : memref<25165824xf32, #tpu.memory_space<hbm>> -> memref<8192xf32, #tpu.memory_space<hbm>>
        tpu.enqueue_dma source(%dma_start3A_327 : memref<8192xf32, #tpu.memory_space<hbm>>) target(%dma_start3A_326 : memref<8192xf32, #tpu.memory_space<vmem>>) target_semaphore(%arg11 : memref<!tpu.dma_semaphore, #tpu.memory_space<semaphore_mem>>)
      } else {
      }
      %mul3A_220 = arith.constant 8192 : i32
      %mul3A_221 = arith.muli %add3A_215, %mul3A_220 : i32
      %add3A_222 = arith.addi %add3A_149, %mul3A_221 : i32
      %dma_wait3A_223 = arith.constant 0 : i32
      %dma_wait3A_224 = arith.constant 0 : i32
      %dma_wait3A_225 = tpu.memref_slice %arg6[%dma_wait3A_223, %dma_wait3A_224] : memref<2x8192xf32, #tpu.memory_space<vmem>> -> memref<1x8192xf32, #tpu.memory_space<vmem>>
      %dma_wait3A_226 = tpu.memref_squeeze %dma_wait3A_225 : memref<1x8192xf32, #tpu.memory_space<vmem>> -> memref<8192xf32, #tpu.memory_space<vmem>>
      %dma_wait3A_227 = tpu.memref_slice %arg2[%add3A_222] : memref<25165824xf32, #tpu.memory_space<hbm>> -> memref<8192xf32, #tpu.memory_space<hbm>>
      %dma_wait3A_228 = arith.constant 0 : i32
      %dma_wait3A_229 = tpu.memref_slice %arg6[%dma_wait3A_223, %dma_wait3A_228] : memref<2x8192xf32, #tpu.memory_space<vmem>> -> memref<1x8192xf32, #tpu.memory_space<vmem>>
      %dma_wait3A_230 = tpu.memref_squeeze %dma_wait3A_229 : memref<1x8192xf32, #tpu.memory_space<vmem>> -> memref<8192xf32, #tpu.memory_space<vmem>>
      %dma_wait3A_231 = tpu.memref_slice %arg2[%add3A_222] : memref<25165824xf32, #tpu.memory_space<hbm>> -> memref<8192xf32, #tpu.memory_space<hbm>>
      tpu.wait_dma2 semaphore(%arg10 : memref<!tpu.dma_semaphore, #tpu.memory_space<semaphore_mem>>) src(%dma_wait3A_231 : memref<8192xf32, #tpu.memory_space<hbm>>) dst(%dma_wait3A_230 : memref<8192xf32, #tpu.memory_space<vmem>>)
      %ge3A = arith.constant 2 : i32
      %ge3A_232 = arith.cmpi sge, %add3A_215, %ge3A : i32
      %convert_element_type3A_233 = arith.extui %ge3A_232 : i1 to i32
      %cond3A_234 = arith.constant 0 : i32
      %cond3A_235 = arith.cmpi ne, %convert_element_type3A_233, %cond3A_234 : i32
      scf.if %cond3A_235 {
        %sub3A = arith.constant 2 : i32
        %sub3A_316 = arith.subi %add3A_215, %sub3A : i32
        %mul3A_317 = arith.constant 8192 : i32
        %mul3A_318 = arith.muli %sub3A_316, %mul3A_317 : i32
        %add3A_319 = arith.addi %add3A_149, %mul3A_318 : i32
        %dma_wait3A_320 = arith.constant 0 : i32
        %dma_wait3A_321 = arith.constant 0 : i32
        %dma_wait3A_322 = tpu.memref_slice %arg8[%dma_wait3A_320, %dma_wait3A_321] : memref<2x8192xf32, #tpu.memory_space<vmem>> -> memref<1x8192xf32, #tpu.memory_space<vmem>>
        %dma_wait3A_323 = tpu.memref_squeeze %dma_wait3A_322 : memref<1x8192xf32, #tpu.memory_space<vmem>> -> memref<8192xf32, #tpu.memory_space<vmem>>
        %dma_wait3A_324 = tpu.memref_slice %arg4[%add3A_319] : memref<25165824xf32, #tpu.memory_space<hbm>> -> memref<8192xf32, #tpu.memory_space<hbm>>
        %dma_wait3A_325 = tpu.memref_slice %arg4[%add3A_319] : memref<25165824xf32, #tpu.memory_space<hbm>> -> memref<8192xf32, #tpu.memory_space<hbm>>
        %dma_wait3A_326 = arith.constant 0 : i32
        %dma_wait3A_327 = tpu.memref_slice %arg8[%dma_wait3A_320, %dma_wait3A_326] : memref<2x8192xf32, #tpu.memory_space<vmem>> -> memref<1x8192xf32, #tpu.memory_space<vmem>>
        %dma_wait3A_328 = tpu.memref_squeeze %dma_wait3A_327 : memref<1x8192xf32, #tpu.memory_space<vmem>> -> memref<8192xf32, #tpu.memory_space<vmem>>
        tpu.wait_dma2 semaphore(%arg14 : memref<!tpu.dma_semaphore, #tpu.memory_space<semaphore_mem>>) src(%dma_wait3A_328 : memref<8192xf32, #tpu.memory_space<vmem>>) dst(%dma_wait3A_325 : memref<8192xf32, #tpu.memory_space<hbm>>)
        %dma_wait3A_329 = arith.constant 0 : i32
        %dma_wait3A_330 = arith.constant 0 : i32
        %dma_wait3A_331 = tpu.memref_slice %arg9[%dma_wait3A_329, %dma_wait3A_330] : memref<2x8192xi32, #tpu.memory_space<vmem>> -> memref<1x8192xi32, #tpu.memory_space<vmem>>
        %dma_wait3A_332 = tpu.memref_squeeze %dma_wait3A_331 : memref<1x8192xi32, #tpu.memory_space<vmem>> -> memref<8192xi32, #tpu.memory_space<vmem>>
        %dma_wait3A_333 = tpu.memref_slice %arg5[%add3A_319] : memref<25165824xi32, #tpu.memory_space<hbm>> -> memref<8192xi32, #tpu.memory_space<hbm>>
        %dma_wait3A_334 = tpu.memref_slice %arg5[%add3A_319] : memref<25165824xi32, #tpu.memory_space<hbm>> -> memref<8192xi32, #tpu.memory_space<hbm>>
        %dma_wait3A_335 = arith.constant 0 : i32
        %dma_wait3A_336 = tpu.memref_slice %arg9[%dma_wait3A_329, %dma_wait3A_335] : memref<2x8192xi32, #tpu.memory_space<vmem>> -> memref<1x8192xi32, #tpu.memory_space<vmem>>
        %dma_wait3A_337 = tpu.memref_squeeze %dma_wait3A_336 : memref<1x8192xi32, #tpu.memory_space<vmem>> -> memref<8192xi32, #tpu.memory_space<vmem>>
        tpu.wait_dma2 semaphore(%arg16 : memref<!tpu.dma_semaphore, #tpu.memory_space<semaphore_mem>>) src(%dma_wait3A_337 : memref<8192xi32, #tpu.memory_space<vmem>>) dst(%dma_wait3A_334 : memref<8192xi32, #tpu.memory_space<hbm>>)
      } else {
      }
      %scan3A_236 = arith.constant 0 : i32
      %scan3A_237 = arith.constant 0 : i32
      %scan3A_238 = arith.constant 64 : i32
      %scan3A_239 = arith.addi %scan3A_237, %scan3A_238 : i32
      %scan3A_240 = arith.constant 1 : i32
      scf.for %scan3A_316 = %scan3A_237 to %scan3A_239 step %scan3A_240  : i32 {
        %mul3A_317 = arith.constant 128 : i32
        %mul3A_318 = arith.muli %scan3A_316, %mul3A_317 : i32
        %add3A_319 = arith.constant 0 : i32
        %add3A_320 = arith.addi %mul3A_318, %add3A_319 : i32
        %get3A = arith.constant 0 : i32
        %get3A_321 = arith.index_cast %get3A : i32 to index
        %get3A_322 = arith.index_cast %add3A_320 : i32 to index
        %get3A_323 = tpu.vector_load %arg6[%get3A_321, %get3A_322] {strides = array<i32>} : memref<2x8192xf32, #tpu.memory_space<vmem>>, vector<16xf32>,
        %mul3A_324 = arith.constant 2.54647899 : f32
        %mul3A_325 = vector.broadcast %mul3A_324 : f32 to vector<16xf32>
        %mul3A_326 = arith.mulf %get3A_323, %mul3A_325 : vector<16xf32>
        %add3A_327 = arith.constant 8.000000e+00 : f32
        %add3A_328 = vector.broadcast %add3A_327 : f32 to vector<16xf32>
        %add3A_329 = arith.addf %mul3A_326, %add3A_328 : vector<16xf32>
        %convert_element_type3A_330 = arith.fptosi %add3A_329 : vector<16xf32> to vector<16xi32>
        %min3A = arith.constant 15 : i32
        %min3A_331 = vector.broadcast %min3A : i32 to vector<16xi32>
        %min3A_332 = arith.minsi %convert_element_type3A_330, %min3A_331 : vector<16xi32>
        %convert_element_type3A_333 = arith.sitofp %min3A_332 : vector<16xi32> to vector<16xf32>
        %add3A_334 = arith.constant 5.000000e-01 : f32
        %add3A_335 = vector.broadcast %add3A_334 : f32 to vector<16xf32>
        %add3A_336 = arith.addf %convert_element_type3A_333, %add3A_335 : vector<16xf32>
        %mul3A_337 = arith.constant 0.392699093 : f32
        %mul3A_338 = vector.broadcast %mul3A_337 : f32 to vector<16xf32>
        %mul3A_339 = arith.mulf %add3A_336, %mul3A_338 : vector<16xf32>
        %sub3A = arith.constant 3.14159274 : f32
        %sub3A_340 = vector.broadcast %sub3A : f32 to vector<16xf32>
        %sub3A_341 = arith.subf %mul3A_339, %sub3A_340 : vector<16xf32>
        %swap3A = arith.constant 0 : i32
        %swap3A_342 = arith.index_cast %swap3A : i32 to index
        %swap3A_343 = arith.index_cast %add3A_320 : i32 to index
        %swap3A_344 = tpu.vector_load %arg8[%swap3A_342, %swap3A_343] {strides = array<i32>} : memref<2x8192xf32, #tpu.memory_space<vmem>>, vector<16xf32>,
        tpu.vector_store %arg8[%swap3A_342, %swap3A_343], %sub3A_341 {strides = array<i32>} : memref<2x8192xf32, #tpu.memory_space<vmem>>, vector<16xf32>,
        %swap3A_345 = arith.constant 0 : i32
        %swap3A_346 = arith.index_cast %swap3A_345 : i32 to index
        %swap3A_347 = arith.index_cast %add3A_320 : i32 to index
        %swap3A_348 = tpu.vector_load %arg9[%swap3A_346, %swap3A_347] {strides = array<i32>} : memref<2x8192xi32, #tpu.memory_space<vmem>>, vector<16xi32>,
        tpu.vector_store %arg9[%swap3A_346, %swap3A_347], %min3A_332 {strides = array<i32>} : memref<2x8192xi32, #tpu.memory_space<vmem>>, vector<16xi32>,
        %mul3A_349 = arith.constant 128 : i32
        %mul3A_350 = arith.muli %scan3A_316, %mul3A_349 : i32
        %add3A_351 = arith.constant 16 : i32
        %add3A_352 = arith.addi %mul3A_350, %add3A_351 : i32
        %get3A_353 = arith.constant 0 : i32
        %get3A_354 = arith.index_cast %get3A_353 : i32 to index
        %get3A_355 = arith.index_cast %add3A_352 : i32 to index
        %get3A_356 = tpu.vector_load %arg6[%get3A_354, %get3A_355] {strides = array<i32>} : memref<2x8192xf32, #tpu.memory_space<vmem>>, vector<16xf32>,
        %mul3A_357 = arith.constant 2.54647899 : f32
        %mul3A_358 = vector.broadcast %mul3A_357 : f32 to vector<16xf32>
        %mul3A_359 = arith.mulf %get3A_356, %mul3A_358 : vector<16xf32>
        %add3A_360 = arith.constant 8.000000e+00 : f32
        %add3A_361 = vector.broadcast %add3A_360 : f32 to vector<16xf32>
        %add3A_362 = arith.addf %mul3A_359, %add3A_361 : vector<16xf32>
        %convert_element_type3A_363 = arith.fptosi %add3A_362 : vector<16xf32> to vector<16xi32>
        %min3A_364 = arith.constant 15 : i32
        %min3A_365 = vector.broadcast %min3A_364 : i32 to vector<16xi32>
        %min3A_366 = arith.minsi %convert_element_type3A_363, %min3A_365 : vector<16xi32>
        %convert_element_type3A_367 = arith.sitofp %min3A_366 : vector<16xi32> to vector<16xf32>
        %add3A_368 = arith.constant 5.000000e-01 : f32
        %add3A_369 = vector.broadcast %add3A_368 : f32 to vector<16xf32>
        %add3A_370 = arith.addf %convert_element_type3A_367, %add3A_369 : vector<16xf32>
        %mul3A_371 = arith.constant 0.392699093 : f32
        %mul3A_372 = vector.broadcast %mul3A_371 : f32 to vector<16xf32>
        %mul3A_373 = arith.mulf %add3A_370, %mul3A_372 : vector<16xf32>
        %sub3A_374 = arith.constant 3.14159274 : f32
        %sub3A_375 = vector.broadcast %sub3A_374 : f32 to vector<16xf32>
        %sub3A_376 = arith.subf %mul3A_373, %sub3A_375 : vector<16xf32>
        %swap3A_377 = arith.constant 0 : i32
        %swap3A_378 = arith.index_cast %swap3A_377 : i32 to index
        %swap3A_379 = arith.index_cast %add3A_352 : i32 to index
        %swap3A_380 = tpu.vector_load %arg8[%swap3A_378, %swap3A_379] {strides = array<i32>} : memref<2x8192xf32, #tpu.memory_space<vmem>>, vector<16xf32>,
        tpu.vector_store %arg8[%swap3A_378, %swap3A_379], %sub3A_376 {strides = array<i32>} : memref<2x8192xf32, #tpu.memory_space<vmem>>, vector<16xf32>,
        %swap3A_381 = arith.constant 0 : i32
        %swap3A_382 = arith.index_cast %swap3A_381 : i32 to index
        %swap3A_383 = arith.index_cast %add3A_352 : i32 to index
        %swap3A_384 = tpu.vector_load %arg9[%swap3A_382, %swap3A_383] {strides = array<i32>} : memref<2x8192xi32, #tpu.memory_space<vmem>>, vector<16xi32>,
        tpu.vector_store %arg9[%swap3A_382, %swap3A_383], %min3A_366 {strides = array<i32>} : memref<2x8192xi32, #tpu.memory_space<vmem>>, vector<16xi32>,
        %mul3A_385 = arith.constant 128 : i32
        %mul3A_386 = arith.muli %scan3A_316, %mul3A_385 : i32
        %add3A_387 = arith.constant 32 : i32
        %add3A_388 = arith.addi %mul3A_386, %add3A_387 : i32
        %get3A_389 = arith.constant 0 : i32
        %get3A_390 = arith.index_cast %get3A_389 : i32 to index
        %get3A_391 = arith.index_cast %add3A_388 : i32 to index
        %get3A_392 = tpu.vector_load %arg6[%get3A_390, %get3A_391] {strides = array<i32>} : memref<2x8192xf32, #tpu.memory_space<vmem>>, vector<16xf32>,
        %mul3A_393 = arith.constant 2.54647899 : f32
        %mul3A_394 = vector.broadcast %mul3A_393 : f32 to vector<16xf32>
        %mul3A_395 = arith.mulf %get3A_392, %mul3A_394 : vector<16xf32>
        %add3A_396 = arith.constant 8.000000e+00 : f32
        %add3A_397 = vector.broadcast %add3A_396 : f32 to vector<16xf32>
        %add3A_398 = arith.addf %mul3A_395, %add3A_397 : vector<16xf32>
        %convert_element_type3A_399 = arith.fptosi %add3A_398 : vector<16xf32> to vector<16xi32>
        %min3A_400 = arith.constant 15 : i32
        %min3A_401 = vector.broadcast %min3A_400 : i32 to vector<16xi32>
        %min3A_402 = arith.minsi %convert_element_type3A_399, %min3A_401 : vector<16xi32>
        %convert_element_type3A_403 = arith.sitofp %min3A_402 : vector<16xi32> to vector<16xf32>
        %add3A_404 = arith.constant 5.000000e-01 : f32
        %add3A_405 = vector.broadcast %add3A_404 : f32 to vector<16xf32>
        %add3A_406 = arith.addf %convert_element_type3A_403, %add3A_405 : vector<16xf32>
        %mul3A_407 = arith.constant 0.392699093 : f32
        %mul3A_408 = vector.broadcast %mul3A_407 : f32 to vector<16xf32>
        %mul3A_409 = arith.mulf %add3A_406, %mul3A_408 : vector<16xf32>
        %sub3A_410 = arith.constant 3.14159274 : f32
        %sub3A_411 = vector.broadcast %sub3A_410 : f32 to vector<16xf32>
        %sub3A_412 = arith.subf %mul3A_409, %sub3A_411 : vector<16xf32>
        %swap3A_413 = arith.constant 0 : i32
        %swap3A_414 = arith.index_cast %swap3A_413 : i32 to index
        %swap3A_415 = arith.index_cast %add3A_388 : i32 to index
        %swap3A_416 = tpu.vector_load %arg8[%swap3A_414, %swap3A_415] {strides = array<i32>} : memref<2x8192xf32, #tpu.memory_space<vmem>>, vector<16xf32>,
        tpu.vector_store %arg8[%swap3A_414, %swap3A_415], %sub3A_412 {strides = array<i32>} : memref<2x8192xf32, #tpu.memory_space<vmem>>, vector<16xf32>,
        %swap3A_417 = arith.constant 0 : i32
        %swap3A_418 = arith.index_cast %swap3A_417 : i32 to index
        %swap3A_419 = arith.index_cast %add3A_388 : i32 to index
        %swap3A_420 = tpu.vector_load %arg9[%swap3A_418, %swap3A_419] {strides = array<i32>} : memref<2x8192xi32, #tpu.memory_space<vmem>>, vector<16xi32>,
        tpu.vector_store %arg9[%swap3A_418, %swap3A_419], %min3A_402 {strides = array<i32>} : memref<2x8192xi32, #tpu.memory_space<vmem>>, vector<16xi32>,
        %mul3A_421 = arith.constant 128 : i32
        %mul3A_422 = arith.muli %scan3A_316, %mul3A_421 : i32
        %add3A_423 = arith.constant 48 : i32
        %add3A_424 = arith.addi %mul3A_422, %add3A_423 : i32
        %get3A_425 = arith.constant 0 : i32
        %get3A_426 = arith.index_cast %get3A_425 : i32 to index
        %get3A_427 = arith.index_cast %add3A_424 : i32 to index
        %get3A_428 = tpu.vector_load %arg6[%get3A_426, %get3A_427] {strides = array<i32>} : memref<2x8192xf32, #tpu.memory_space<vmem>>, vector<16xf32>,
        %mul3A_429 = arith.constant 2.54647899 : f32
        %mul3A_430 = vector.broadcast %mul3A_429 : f32 to vector<16xf32>
        %mul3A_431 = arith.mulf %get3A_428, %mul3A_430 : vector<16xf32>
        %add3A_432 = arith.constant 8.000000e+00 : f32
        %add3A_433 = vector.broadcast %add3A_432 : f32 to vector<16xf32>
        %add3A_434 = arith.addf %mul3A_431, %add3A_433 : vector<16xf32>
        %convert_element_type3A_435 = arith.fptosi %add3A_434 : vector<16xf32> to vector<16xi32>
        %min3A_436 = arith.constant 15 : i32
        %min3A_437 = vector.broadcast %min3A_436 : i32 to vector<16xi32>
        %min3A_438 = arith.minsi %convert_element_type3A_435, %min3A_437 : vector<16xi32>
        %convert_element_type3A_439 = arith.sitofp %min3A_438 : vector<16xi32> to vector<16xf32>
        %add3A_440 = arith.constant 5.000000e-01 : f32
        %add3A_441 = vector.broadcast %add3A_440 : f32 to vector<16xf32>
        %add3A_442 = arith.addf %convert_element_type3A_439, %add3A_441 : vector<16xf32>
        %mul3A_443 = arith.constant 0.392699093 : f32
        %mul3A_444 = vector.broadcast %mul3A_443 : f32 to vector<16xf32>
        %mul3A_445 = arith.mulf %add3A_442, %mul3A_444 : vector<16xf32>
        %sub3A_446 = arith.constant 3.14159274 : f32
        %sub3A_447 = vector.broadcast %sub3A_446 : f32 to vector<16xf32>
        %sub3A_448 = arith.subf %mul3A_445, %sub3A_447 : vector<16xf32>
        %swap3A_449 = arith.constant 0 : i32
        %swap3A_450 = arith.index_cast %swap3A_449 : i32 to index
        %swap3A_451 = arith.index_cast %add3A_424 : i32 to index
        %swap3A_452 = tpu.vector_load %arg8[%swap3A_450, %swap3A_451] {strides = array<i32>} : memref<2x8192xf32, #tpu.memory_space<vmem>>, vector<16xf32>,
        tpu.vector_store %arg8[%swap3A_450, %swap3A_451], %sub3A_448 {strides = array<i32>} : memref<2x8192xf32, #tpu.memory_space<vmem>>, vector<16xf32>,
        %swap3A_453 = arith.constant 0 : i32
        %swap3A_454 = arith.index_cast %swap3A_453 : i32 to index
        %swap3A_455 = arith.index_cast %add3A_424 : i32 to index
        %swap3A_456 = tpu.vector_load %arg9[%swap3A_454, %swap3A_455] {strides = array<i32>} : memref<2x8192xi32, #tpu.memory_space<vmem>>, vector<16xi32>,
        tpu.vector_store %arg9[%swap3A_454, %swap3A_455], %min3A_438 {strides = array<i32>} : memref<2x8192xi32, #tpu.memory_space<vmem>>, vector<16xi32>,
        %mul3A_457 = arith.constant 128 : i32
        %mul3A_458 = arith.muli %scan3A_316, %mul3A_457 : i32
        %add3A_459 = arith.constant 64 : i32
        %add3A_460 = arith.addi %mul3A_458, %add3A_459 : i32
        %get3A_461 = arith.constant 0 : i32
        %get3A_462 = arith.index_cast %get3A_461 : i32 to index
        %get3A_463 = arith.index_cast %add3A_460 : i32 to index
        %get3A_464 = tpu.vector_load %arg6[%get3A_462, %get3A_463] {strides = array<i32>} : memref<2x8192xf32, #tpu.memory_space<vmem>>, vector<16xf32>,
        %mul3A_465 = arith.constant 2.54647899 : f32
        %mul3A_466 = vector.broadcast %mul3A_465 : f32 to vector<16xf32>
        %mul3A_467 = arith.mulf %get3A_464, %mul3A_466 : vector<16xf32>
        %add3A_468 = arith.constant 8.000000e+00 : f32
        %add3A_469 = vector.broadcast %add3A_468 : f32 to vector<16xf32>
        %add3A_470 = arith.addf %mul3A_467, %add3A_469 : vector<16xf32>
        %convert_element_type3A_471 = arith.fptosi %add3A_470 : vector<16xf32> to vector<16xi32>
        %min3A_472 = arith.constant 15 : i32
        %min3A_473 = vector.broadcast %min3A_472 : i32 to vector<16xi32>
        %min3A_474 = arith.minsi %convert_element_type3A_471, %min3A_473 : vector<16xi32>
        %convert_element_type3A_475 = arith.sitofp %min3A_474 : vector<16xi32> to vector<16xf32>
        %add3A_476 = arith.constant 5.000000e-01 : f32
        %add3A_477 = vector.broadcast %add3A_476 : f32 to vector<16xf32>
        %add3A_478 = arith.addf %convert_element_type3A_475, %add3A_477 : vector<16xf32>
        %mul3A_479 = arith.constant 0.392699093 : f32
        %mul3A_480 = vector.broadcast %mul3A_479 : f32 to vector<16xf32>
        %mul3A_481 = arith.mulf %add3A_478, %mul3A_480 : vector<16xf32>
        %sub3A_482 = arith.constant 3.14159274 : f32
        %sub3A_483 = vector.broadcast %sub3A_482 : f32 to vector<16xf32>
        %sub3A_484 = arith.subf %mul3A_481, %sub3A_483 : vector<16xf32>
        %swap3A_485 = arith.constant 0 : i32
        %swap3A_486 = arith.index_cast %swap3A_485 : i32 to index
        %swap3A_487 = arith.index_cast %add3A_460 : i32 to index
        %swap3A_488 = tpu.vector_load %arg8[%swap3A_486, %swap3A_487] {strides = array<i32>} : memref<2x8192xf32, #tpu.memory_space<vmem>>, vector<16xf32>,
        tpu.vector_store %arg8[%swap3A_486, %swap3A_487], %sub3A_484 {strides = array<i32>} : memref<2x8192xf32, #tpu.memory_space<vmem>>, vector<16xf32>,
        %swap3A_489 = arith.constant 0 : i32
        %swap3A_490 = arith.index_cast %swap3A_489 : i32 to index
        %swap3A_491 = arith.index_cast %add3A_460 : i32 to index
        %swap3A_492 = tpu.vector_load %arg9[%swap3A_490, %swap3A_491] {strides = array<i32>} : memref<2x8192xi32, #tpu.memory_space<vmem>>, vector<16xi32>,
        tpu.vector_store %arg9[%swap3A_490, %swap3A_491], %min3A_474 {strides = array<i32>} : memref<2x8192xi32, #tpu.memory_space<vmem>>, vector<16xi32>,
        %mul3A_493 = arith.constant 128 : i32
        %mul3A_494 = arith.muli %scan3A_316, %mul3A_493 : i32
        %add3A_495 = arith.constant 80 : i32
        %add3A_496 = arith.addi %mul3A_494, %add3A_495 : i32
        %get3A_497 = arith.constant 0 : i32
        %get3A_498 = arith.index_cast %get3A_497 : i32 to index
        %get3A_499 = arith.index_cast %add3A_496 : i32 to index
        %get3A_500 = tpu.vector_load %arg6[%get3A_498, %get3A_499] {strides = array<i32>} : memref<2x8192xf32, #tpu.memory_space<vmem>>, vector<16xf32>,
        %mul3A_501 = arith.constant 2.54647899 : f32
        %mul3A_502 = vector.broadcast %mul3A_501 : f32 to vector<16xf32>
        %mul3A_503 = arith.mulf %get3A_500, %mul3A_502 : vector<16xf32>
        %add3A_504 = arith.constant 8.000000e+00 : f32
        %add3A_505 = vector.broadcast %add3A_504 : f32 to vector<16xf32>
        %add3A_506 = arith.addf %mul3A_503, %add3A_505 : vector<16xf32>
        %convert_element_type3A_507 = arith.fptosi %add3A_506 : vector<16xf32> to vector<16xi32>
        %min3A_508 = arith.constant 15 : i32
        %min3A_509 = vector.broadcast %min3A_508 : i32 to vector<16xi32>
        %min3A_510 = arith.minsi %convert_element_type3A_507, %min3A_509 : vector<16xi32>
        %convert_element_type3A_511 = arith.sitofp %min3A_510 : vector<16xi32> to vector<16xf32>
        %add3A_512 = arith.constant 5.000000e-01 : f32
        %add3A_513 = vector.broadcast %add3A_512 : f32 to vector<16xf32>
        %add3A_514 = arith.addf %convert_element_type3A_511, %add3A_513 : vector<16xf32>
        %mul3A_515 = arith.constant 0.392699093 : f32
        %mul3A_516 = vector.broadcast %mul3A_515 : f32 to vector<16xf32>
        %mul3A_517 = arith.mulf %add3A_514, %mul3A_516 : vector<16xf32>
        %sub3A_518 = arith.constant 3.14159274 : f32
        %sub3A_519 = vector.broadcast %sub3A_518 : f32 to vector<16xf32>
        %sub3A_520 = arith.subf %mul3A_517, %sub3A_519 : vector<16xf32>
        %swap3A_521 = arith.constant 0 : i32
        %swap3A_522 = arith.index_cast %swap3A_521 : i32 to index
        %swap3A_523 = arith.index_cast %add3A_496 : i32 to index
        %swap3A_524 = tpu.vector_load %arg8[%swap3A_522, %swap3A_523] {strides = array<i32>} : memref<2x8192xf32, #tpu.memory_space<vmem>>, vector<16xf32>,
        tpu.vector_store %arg8[%swap3A_522, %swap3A_523], %sub3A_520 {strides = array<i32>} : memref<2x8192xf32, #tpu.memory_space<vmem>>, vector<16xf32>,
        %swap3A_525 = arith.constant 0 : i32
        %swap3A_526 = arith.index_cast %swap3A_525 : i32 to index
        %swap3A_527 = arith.index_cast %add3A_496 : i32 to index
        %swap3A_528 = tpu.vector_load %arg9[%swap3A_526, %swap3A_527] {strides = array<i32>} : memref<2x8192xi32, #tpu.memory_space<vmem>>, vector<16xi32>,
        tpu.vector_store %arg9[%swap3A_526, %swap3A_527], %min3A_510 {strides = array<i32>} : memref<2x8192xi32, #tpu.memory_space<vmem>>, vector<16xi32>,
        %mul3A_529 = arith.constant 128 : i32
        %mul3A_530 = arith.muli %scan3A_316, %mul3A_529 : i32
        %add3A_531 = arith.constant 96 : i32
        %add3A_532 = arith.addi %mul3A_530, %add3A_531 : i32
        %get3A_533 = arith.constant 0 : i32
        %get3A_534 = arith.index_cast %get3A_533 : i32 to index
        %get3A_535 = arith.index_cast %add3A_532 : i32 to index
        %get3A_536 = tpu.vector_load %arg6[%get3A_534, %get3A_535] {strides = array<i32>} : memref<2x8192xf32, #tpu.memory_space<vmem>>, vector<16xf32>,
        %mul3A_537 = arith.constant 2.54647899 : f32
        %mul3A_538 = vector.broadcast %mul3A_537 : f32 to vector<16xf32>
        %mul3A_539 = arith.mulf %get3A_536, %mul3A_538 : vector<16xf32>
        %add3A_540 = arith.constant 8.000000e+00 : f32
        %add3A_541 = vector.broadcast %add3A_540 : f32 to vector<16xf32>
        %add3A_542 = arith.addf %mul3A_539, %add3A_541 : vector<16xf32>
        %convert_element_type3A_543 = arith.fptosi %add3A_542 : vector<16xf32> to vector<16xi32>
        %min3A_544 = arith.constant 15 : i32
        %min3A_545 = vector.broadcast %min3A_544 : i32 to vector<16xi32>
        %min3A_546 = arith.minsi %convert_element_type3A_543, %min3A_545 : vector<16xi32>
        %convert_element_type3A_547 = arith.sitofp %min3A_546 : vector<16xi32> to vector<16xf32>
        %add3A_548 = arith.constant 5.000000e-01 : f32
        %add3A_549 = vector.broadcast %add3A_548 : f32 to vector<16xf32>
        %add3A_550 = arith.addf %convert_element_type3A_547, %add3A_549 : vector<16xf32>
        %mul3A_551 = arith.constant 0.392699093 : f32
        %mul3A_552 = vector.broadcast %mul3A_551 : f32 to vector<16xf32>
        %mul3A_553 = arith.mulf %add3A_550, %mul3A_552 : vector<16xf32>
        %sub3A_554 = arith.constant 3.14159274 : f32
        %sub3A_555 = vector.broadcast %sub3A_554 : f32 to vector<16xf32>
        %sub3A_556 = arith.subf %mul3A_553, %sub3A_555 : vector<16xf32>
        %swap3A_557 = arith.constant 0 : i32
        %swap3A_558 = arith.index_cast %swap3A_557 : i32 to index
        %swap3A_559 = arith.index_cast %add3A_532 : i32 to index
        %swap3A_560 = tpu.vector_load %arg8[%swap3A_558, %swap3A_559] {strides = array<i32>} : memref<2x8192xf32, #tpu.memory_space<vmem>>, vector<16xf32>,
        tpu.vector_store %arg8[%swap3A_558, %swap3A_559], %sub3A_556 {strides = array<i32>} : memref<2x8192xf32, #tpu.memory_space<vmem>>, vector<16xf32>,
        %swap3A_561 = arith.constant 0 : i32
        %swap3A_562 = arith.index_cast %swap3A_561 : i32 to index
        %swap3A_563 = arith.index_cast %add3A_532 : i32 to index
        %swap3A_564 = tpu.vector_load %arg9[%swap3A_562, %swap3A_563] {strides = array<i32>} : memref<2x8192xi32, #tpu.memory_space<vmem>>, vector<16xi32>,
        tpu.vector_store %arg9[%swap3A_562, %swap3A_563], %min3A_546 {strides = array<i32>} : memref<2x8192xi32, #tpu.memory_space<vmem>>, vector<16xi32>,
        %mul3A_565 = arith.constant 128 : i32
        %mul3A_566 = arith.muli %scan3A_316, %mul3A_565 : i32
        %add3A_567 = arith.constant 112 : i32
        %add3A_568 = arith.addi %mul3A_566, %add3A_567 : i32
        %get3A_569 = arith.constant 0 : i32
        %get3A_570 = arith.index_cast %get3A_569 : i32 to index
        %get3A_571 = arith.index_cast %add3A_568 : i32 to index
        %get3A_572 = tpu.vector_load %arg6[%get3A_570, %get3A_571] {strides = array<i32>} : memref<2x8192xf32, #tpu.memory_space<vmem>>, vector<16xf32>,
        %mul3A_573 = arith.constant 2.54647899 : f32
        %mul3A_574 = vector.broadcast %mul3A_573 : f32 to vector<16xf32>
        %mul3A_575 = arith.mulf %get3A_572, %mul3A_574 : vector<16xf32>
        %add3A_576 = arith.constant 8.000000e+00 : f32
        %add3A_577 = vector.broadcast %add3A_576 : f32 to vector<16xf32>
        %add3A_578 = arith.addf %mul3A_575, %add3A_577 : vector<16xf32>
        %convert_element_type3A_579 = arith.fptosi %add3A_578 : vector<16xf32> to vector<16xi32>
        %min3A_580 = arith.constant 15 : i32
        %min3A_581 = vector.broadcast %min3A_580 : i32 to vector<16xi32>
        %min3A_582 = arith.minsi %convert_element_type3A_579, %min3A_581 : vector<16xi32>
        %convert_element_type3A_583 = arith.sitofp %min3A_582 : vector<16xi32> to vector<16xf32>
        %add3A_584 = arith.constant 5.000000e-01 : f32
        %add3A_585 = vector.broadcast %add3A_584 : f32 to vector<16xf32>
        %add3A_586 = arith.addf %convert_element_type3A_583, %add3A_585 : vector<16xf32>
        %mul3A_587 = arith.constant 0.392699093 : f32
        %mul3A_588 = vector.broadcast %mul3A_587 : f32 to vector<16xf32>
        %mul3A_589 = arith.mulf %add3A_586, %mul3A_588 : vector<16xf32>
        %sub3A_590 = arith.constant 3.14159274 : f32
        %sub3A_591 = vector.broadcast %sub3A_590 : f32 to vector<16xf32>
        %sub3A_592 = arith.subf %mul3A_589, %sub3A_591 : vector<16xf32>
        %swap3A_593 = arith.constant 0 : i32
        %swap3A_594 = arith.index_cast %swap3A_593 : i32 to index
        %swap3A_595 = arith.index_cast %add3A_568 : i32 to index
        %swap3A_596 = tpu.vector_load %arg8[%swap3A_594, %swap3A_595] {strides = array<i32>} : memref<2x8192xf32, #tpu.memory_space<vmem>>, vector<16xf32>,
        tpu.vector_store %arg8[%swap3A_594, %swap3A_595], %sub3A_592 {strides = array<i32>} : memref<2x8192xf32, #tpu.memory_space<vmem>>, vector<16xf32>,
        %swap3A_597 = arith.constant 0 : i32
        %swap3A_598 = arith.index_cast %swap3A_597 : i32 to index
        %swap3A_599 = arith.index_cast %add3A_568 : i32 to index
        %swap3A_600 = tpu.vector_load %arg9[%swap3A_598, %swap3A_599] {strides = array<i32>} : memref<2x8192xi32, #tpu.memory_space<vmem>>, vector<16xi32>,
        tpu.vector_store %arg9[%swap3A_598, %swap3A_599], %min3A_582 {strides = array<i32>} : memref<2x8192xi32, #tpu.memory_space<vmem>>, vector<16xi32>,
      }
      %scan3A_241 = arith.constant 64 : i32
      %mul3A_242 = arith.constant 8192 : i32
      %mul3A_243 = arith.muli %add3A_215, %mul3A_242 : i32
      %add3A_244 = arith.addi %add3A_149, %mul3A_243 : i32
      %dma_start3A_245 = arith.constant 0 : i32
      %dma_start3A_246 = arith.constant 0 : i32
      %dma_start3A_247 = tpu.memref_slice %arg8[%dma_start3A_245, %dma_start3A_246] : memref<2x8192xf32, #tpu.memory_space<vmem>> -> memref<1x8192xf32, #tpu.memory_space<vmem>>
      %dma_start3A_248 = tpu.memref_squeeze %dma_start3A_247 : memref<1x8192xf32, #tpu.memory_space<vmem>> -> memref<8192xf32, #tpu.memory_space<vmem>>
      %dma_start3A_249 = tpu.memref_slice %arg4[%add3A_244] : memref<25165824xf32, #tpu.memory_space<hbm>> -> memref<8192xf32, #tpu.memory_space<hbm>>
      %dma_start3A_250 = tpu.memref_slice %arg4[%add3A_244] : memref<25165824xf32, #tpu.memory_space<hbm>> -> memref<8192xf32, #tpu.memory_space<hbm>>
      %dma_start3A_251 = arith.constant 0 : i32
      %dma_start3A_252 = tpu.memref_slice %arg8[%dma_start3A_245, %dma_start3A_251] : memref<2x8192xf32, #tpu.memory_space<vmem>> -> memref<1x8192xf32, #tpu.memory_space<vmem>>
      %dma_start3A_253 = tpu.memref_squeeze %dma_start3A_252 : memref<1x8192xf32, #tpu.memory_space<vmem>> -> memref<8192xf32, #tpu.memory_space<vmem>>
      tpu.enqueue_dma source(%dma_start3A_253 : memref<8192xf32, #tpu.memory_space<vmem>>) target(%dma_start3A_250 : memref<8192xf32, #tpu.memory_space<hbm>>) target_semaphore(%arg14 : memref<!tpu.dma_semaphore, #tpu.memory_space<semaphore_mem>>)
      %dma_start3A_254 = arith.constant 0 : i32
      %dma_start3A_255 = arith.constant 0 : i32
      %dma_start3A_256 = tpu.memref_slice %arg9[%dma_start3A_254, %dma_start3A_255] : memref<2x8192xi32, #tpu.memory_space<vmem>> -> memref<1x8192xi32, #tpu.memory_space<vmem>>
      %dma_start3A_257 = tpu.memref_squeeze %dma_start3A_256 : memref<1x8192xi32, #tpu.memory_space<vmem>> -> memref<8192xi32, #tpu.memory_space<vmem>>
      %dma_start3A_258 = tpu.memref_slice %arg5[%add3A_244] : memref<25165824xi32, #tpu.memory_space<hbm>> -> memref<8192xi32, #tpu.memory_space<hbm>>
      %dma_start3A_259 = tpu.memref_slice %arg5[%add3A_244] : memref<25165824xi32, #tpu.memory_space<hbm>> -> memref<8192xi32, #tpu.memory_space<hbm>>
      %dma_start3A_260 = arith.constant 0 : i32
      %dma_start3A_261 = tpu.memref_slice %arg9[%dma_start3A_254, %dma_start3A_260] : memref<2x8192xi32, #tpu.memory_space<vmem>> -> memref<1x8192xi32, #tpu.memory_space<vmem>>
      %dma_start3A_262 = tpu.memref_squeeze %dma_start3A_261 : memref<1x8192xi32, #tpu.memory_space<vmem>> -> memref<8192xi32, #tpu.memory_space<vmem>>
      tpu.enqueue_dma source(%dma_start3A_262 : memref<8192xi32, #tpu.memory_space<vmem>>) target(%dma_start3A_259 : memref<8192xi32, #tpu.memory_space<hbm>>) target_semaphore(%arg16 : memref<!tpu.dma_semaphore, #tpu.memory_space<semaphore_mem>>)
      %add3A_263 = arith.constant 1 : i32
      %add3A_264 = arith.addi %mul3A_213, %add3A_263 : i32
      %add3A_265 = arith.constant 1 : i32
      %add3A_266 = arith.addi %add3A_264, %add3A_265 : i32
      %lt3A_267 = arith.constant 32 : i32
      %lt3A_268 = arith.cmpi slt, %add3A_266, %lt3A_267 : i32
      %convert_element_type3A_269 = arith.extui %lt3A_268 : i1 to i32
      %cond3A_270 = arith.constant 0 : i32
      %cond3A_271 = arith.cmpi ne, %convert_element_type3A_269, %cond3A_270 : i32
      scf.if %cond3A_271 {
        %mul3A_316 = arith.constant 8192 : i32
        %mul3A_317 = arith.muli %add3A_266, %mul3A_316 : i32
        %add3A_318 = arith.addi %add3A_149, %mul3A_317 : i32
        %dma_start3A_319 = arith.constant 0 : i32
        %dma_start3A_320 = arith.constant 0 : i32
        %dma_start3A_321 = tpu.memref_slice %arg6[%dma_start3A_319, %dma_start3A_320] : memref<2x8192xf32, #tpu.memory_space<vmem>> -> memref<1x8192xf32, #tpu.memory_space<vmem>>
        %dma_start3A_322 = tpu.memref_squeeze %dma_start3A_321 : memref<1x8192xf32, #tpu.memory_space<vmem>> -> memref<8192xf32, #tpu.memory_space<vmem>>
        %dma_start3A_323 = tpu.memref_slice %arg2[%add3A_318] : memref<25165824xf32, #tpu.memory_space<hbm>> -> memref<8192xf32, #tpu.memory_space<hbm>>
        %dma_start3A_324 = arith.constant 0 : i32
        %dma_start3A_325 = tpu.memref_slice %arg6[%dma_start3A_319, %dma_start3A_324] : memref<2x8192xf32, #tpu.memory_space<vmem>> -> memref<1x8192xf32, #tpu.memory_space<vmem>>
        %dma_start3A_326 = tpu.memref_squeeze %dma_start3A_325 : memref<1x8192xf32, #tpu.memory_space<vmem>> -> memref<8192xf32, #tpu.memory_space<vmem>>
        %dma_start3A_327 = tpu.memref_slice %arg2[%add3A_318] : memref<25165824xf32, #tpu.memory_space<hbm>> -> memref<8192xf32, #tpu.memory_space<hbm>>
        tpu.enqueue_dma source(%dma_start3A_327 : memref<8192xf32, #tpu.memory_space<hbm>>) target(%dma_start3A_326 : memref<8192xf32, #tpu.memory_space<vmem>>) target_semaphore(%arg10 : memref<!tpu.dma_semaphore, #tpu.memory_space<semaphore_mem>>)
      } else {
      }
      %mul3A_272 = arith.constant 8192 : i32
      %mul3A_273 = arith.muli %add3A_264, %mul3A_272 : i32
      %add3A_274 = arith.addi %add3A_149, %mul3A_273 : i32
      %dma_wait3A_275 = arith.constant 1 : i32
      %dma_wait3A_276 = arith.constant 0 : i32
      %dma_wait3A_277 = tpu.memref_slice %arg6[%dma_wait3A_275, %dma_wait3A_276] : memref<2x8192xf32, #tpu.memory_space<vmem>> -> memref<1x8192xf32, #tpu.memory_space<vmem>>
      %dma_wait3A_278 = tpu.memref_squeeze %dma_wait3A_277 : memref<1x8192xf32, #tpu.memory_space<vmem>> -> memref<8192xf32, #tpu.memory_space<vmem>>
      %dma_wait3A_279 = tpu.memref_slice %arg2[%add3A_274] : memref<25165824xf32, #tpu.memory_space<hbm>> -> memref<8192xf32, #tpu.memory_space<hbm>>
      %dma_wait3A_280 = arith.constant 0 : i32
      %dma_wait3A_281 = tpu.memref_slice %arg6[%dma_wait3A_275, %dma_wait3A_280] : memref<2x8192xf32, #tpu.memory_space<vmem>> -> memref<1x8192xf32, #tpu.memory_space<vmem>>
      %dma_wait3A_282 = tpu.memref_squeeze %dma_wait3A_281 : memref<1x8192xf32, #tpu.memory_space<vmem>> -> memref<8192xf32, #tpu.memory_space<vmem>>
      %dma_wait3A_283 = tpu.memref_slice %arg2[%add3A_274] : memref<25165824xf32, #tpu.memory_space<hbm>> -> memref<8192xf32, #tpu.memory_space<hbm>>
      tpu.wait_dma2 semaphore(%arg11 : memref<!tpu.dma_semaphore, #tpu.memory_space<semaphore_mem>>) src(%dma_wait3A_283 : memref<8192xf32, #tpu.memory_space<hbm>>) dst(%dma_wait3A_282 : memref<8192xf32, #tpu.memory_space<vmem>>)
      %ge3A_284 = arith.constant 2 : i32
      %ge3A_285 = arith.cmpi sge, %add3A_264, %ge3A_284 : i32
      %convert_element_type3A_286 = arith.extui %ge3A_285 : i1 to i32
      %cond3A_287 = arith.constant 0 : i32
      %cond3A_288 = arith.cmpi ne, %convert_element_type3A_286, %cond3A_287 : i32
      scf.if %cond3A_288 {
        %sub3A = arith.constant 2 : i32
        %sub3A_316 = arith.subi %add3A_264, %sub3A : i32
        %mul3A_317 = arith.constant 8192 : i32
        %mul3A_318 = arith.muli %sub3A_316, %mul3A_317 : i32
        %add3A_319 = arith.addi %add3A_149, %mul3A_318 : i32
        %dma_wait3A_320 = arith.constant 1 : i32
        %dma_wait3A_321 = arith.constant 0 : i32
        %dma_wait3A_322 = tpu.memref_slice %arg8[%dma_wait3A_320, %dma_wait3A_321] : memref<2x8192xf32, #tpu.memory_space<vmem>> -> memref<1x8192xf32, #tpu.memory_space<vmem>>
        %dma_wait3A_323 = tpu.memref_squeeze %dma_wait3A_322 : memref<1x8192xf32, #tpu.memory_space<vmem>> -> memref<8192xf32, #tpu.memory_space<vmem>>
        %dma_wait3A_324 = tpu.memref_slice %arg4[%add3A_319] : memref<25165824xf32, #tpu.memory_space<hbm>> -> memref<8192xf32, #tpu.memory_space<hbm>>
        %dma_wait3A_325 = tpu.memref_slice %arg4[%add3A_319] : memref<25165824xf32, #tpu.memory_space<hbm>> -> memref<8192xf32, #tpu.memory_space<hbm>>
        %dma_wait3A_326 = arith.constant 0 : i32
        %dma_wait3A_327 = tpu.memref_slice %arg8[%dma_wait3A_320, %dma_wait3A_326] : memref<2x8192xf32, #tpu.memory_space<vmem>> -> memref<1x8192xf32, #tpu.memory_space<vmem>>
        %dma_wait3A_328 = tpu.memref_squeeze %dma_wait3A_327 : memref<1x8192xf32, #tpu.memory_space<vmem>> -> memref<8192xf32, #tpu.memory_space<vmem>>
        tpu.wait_dma2 semaphore(%arg15 : memref<!tpu.dma_semaphore, #tpu.memory_space<semaphore_mem>>) src(%dma_wait3A_328 : memref<8192xf32, #tpu.memory_space<vmem>>) dst(%dma_wait3A_325 : memref<8192xf32, #tpu.memory_space<hbm>>)
        %dma_wait3A_329 = arith.constant 1 : i32
        %dma_wait3A_330 = arith.constant 0 : i32
        %dma_wait3A_331 = tpu.memref_slice %arg9[%dma_wait3A_329, %dma_wait3A_330] : memref<2x8192xi32, #tpu.memory_space<vmem>> -> memref<1x8192xi32, #tpu.memory_space<vmem>>
        %dma_wait3A_332 = tpu.memref_squeeze %dma_wait3A_331 : memref<1x8192xi32, #tpu.memory_space<vmem>> -> memref<8192xi32, #tpu.memory_space<vmem>>
        %dma_wait3A_333 = tpu.memref_slice %arg5[%add3A_319] : memref<25165824xi32, #tpu.memory_space<hbm>> -> memref<8192xi32, #tpu.memory_space<hbm>>
        %dma_wait3A_334 = tpu.memref_slice %arg5[%add3A_319] : memref<25165824xi32, #tpu.memory_space<hbm>> -> memref<8192xi32, #tpu.memory_space<hbm>>
        %dma_wait3A_335 = arith.constant 0 : i32
        %dma_wait3A_336 = tpu.memref_slice %arg9[%dma_wait3A_329, %dma_wait3A_335] : memref<2x8192xi32, #tpu.memory_space<vmem>> -> memref<1x8192xi32, #tpu.memory_space<vmem>>
        %dma_wait3A_337 = tpu.memref_squeeze %dma_wait3A_336 : memref<1x8192xi32, #tpu.memory_space<vmem>> -> memref<8192xi32, #tpu.memory_space<vmem>>
        tpu.wait_dma2 semaphore(%arg17 : memref<!tpu.dma_semaphore, #tpu.memory_space<semaphore_mem>>) src(%dma_wait3A_337 : memref<8192xi32, #tpu.memory_space<vmem>>) dst(%dma_wait3A_334 : memref<8192xi32, #tpu.memory_space<hbm>>)
      } else {
      }
      %scan3A_289 = arith.constant 0 : i32
      %scan3A_290 = arith.constant 0 : i32
      %scan3A_291 = arith.constant 64 : i32
      %scan3A_292 = arith.addi %scan3A_290, %scan3A_291 : i32
      %scan3A_293 = arith.constant 1 : i32
      scf.for %scan3A_316 = %scan3A_290 to %scan3A_292 step %scan3A_293  : i32 {
        %mul3A_317 = arith.constant 128 : i32
        %mul3A_318 = arith.muli %scan3A_316, %mul3A_317 : i32
        %add3A_319 = arith.constant 0 : i32
        %add3A_320 = arith.addi %mul3A_318, %add3A_319 : i32
        %get3A = arith.constant 1 : i32
        %get3A_321 = arith.index_cast %get3A : i32 to index
        %get3A_322 = arith.index_cast %add3A_320 : i32 to index
        %get3A_323 = tpu.vector_load %arg6[%get3A_321, %get3A_322] {strides = array<i32>} : memref<2x8192xf32, #tpu.memory_space<vmem>>, vector<16xf32>,
        %mul3A_324 = arith.constant 2.54647899 : f32
        %mul3A_325 = vector.broadcast %mul3A_324 : f32 to vector<16xf32>
        %mul3A_326 = arith.mulf %get3A_323, %mul3A_325 : vector<16xf32>
        %add3A_327 = arith.constant 8.000000e+00 : f32
        %add3A_328 = vector.broadcast %add3A_327 : f32 to vector<16xf32>
        %add3A_329 = arith.addf %mul3A_326, %add3A_328 : vector<16xf32>
        %convert_element_type3A_330 = arith.fptosi %add3A_329 : vector<16xf32> to vector<16xi32>
        %min3A = arith.constant 15 : i32
        %min3A_331 = vector.broadcast %min3A : i32 to vector<16xi32>
        %min3A_332 = arith.minsi %convert_element_type3A_330, %min3A_331 : vector<16xi32>
        %convert_element_type3A_333 = arith.sitofp %min3A_332 : vector<16xi32> to vector<16xf32>
        %add3A_334 = arith.constant 5.000000e-01 : f32
        %add3A_335 = vector.broadcast %add3A_334 : f32 to vector<16xf32>
        %add3A_336 = arith.addf %convert_element_type3A_333, %add3A_335 : vector<16xf32>
        %mul3A_337 = arith.constant 0.392699093 : f32
        %mul3A_338 = vector.broadcast %mul3A_337 : f32 to vector<16xf32>
        %mul3A_339 = arith.mulf %add3A_336, %mul3A_338 : vector<16xf32>
        %sub3A = arith.constant 3.14159274 : f32
        %sub3A_340 = vector.broadcast %sub3A : f32 to vector<16xf32>
        %sub3A_341 = arith.subf %mul3A_339, %sub3A_340 : vector<16xf32>
        %swap3A = arith.constant 1 : i32
        %swap3A_342 = arith.index_cast %swap3A : i32 to index
        %swap3A_343 = arith.index_cast %add3A_320 : i32 to index
        %swap3A_344 = tpu.vector_load %arg8[%swap3A_342, %swap3A_343] {strides = array<i32>} : memref<2x8192xf32, #tpu.memory_space<vmem>>, vector<16xf32>,
        tpu.vector_store %arg8[%swap3A_342, %swap3A_343], %sub3A_341 {strides = array<i32>} : memref<2x8192xf32, #tpu.memory_space<vmem>>, vector<16xf32>,
        %swap3A_345 = arith.constant 1 : i32
        %swap3A_346 = arith.index_cast %swap3A_345 : i32 to index
        %swap3A_347 = arith.index_cast %add3A_320 : i32 to index
        %swap3A_348 = tpu.vector_load %arg9[%swap3A_346, %swap3A_347] {strides = array<i32>} : memref<2x8192xi32, #tpu.memory_space<vmem>>, vector<16xi32>,
        tpu.vector_store %arg9[%swap3A_346, %swap3A_347], %min3A_332 {strides = array<i32>} : memref<2x8192xi32, #tpu.memory_space<vmem>>, vector<16xi32>,
        %mul3A_349 = arith.constant 128 : i32
        %mul3A_350 = arith.muli %scan3A_316, %mul3A_349 : i32
        %add3A_351 = arith.constant 16 : i32
        %add3A_352 = arith.addi %mul3A_350, %add3A_351 : i32
        %get3A_353 = arith.constant 1 : i32
        %get3A_354 = arith.index_cast %get3A_353 : i32 to index
        %get3A_355 = arith.index_cast %add3A_352 : i32 to index
        %get3A_356 = tpu.vector_load %arg6[%get3A_354, %get3A_355] {strides = array<i32>} : memref<2x8192xf32, #tpu.memory_space<vmem>>, vector<16xf32>,
        %mul3A_357 = arith.constant 2.54647899 : f32
        %mul3A_358 = vector.broadcast %mul3A_357 : f32 to vector<16xf32>
        %mul3A_359 = arith.mulf %get3A_356, %mul3A_358 : vector<16xf32>
        %add3A_360 = arith.constant 8.000000e+00 : f32
        %add3A_361 = vector.broadcast %add3A_360 : f32 to vector<16xf32>
        %add3A_362 = arith.addf %mul3A_359, %add3A_361 : vector<16xf32>
        %convert_element_type3A_363 = arith.fptosi %add3A_362 : vector<16xf32> to vector<16xi32>
        %min3A_364 = arith.constant 15 : i32
        %min3A_365 = vector.broadcast %min3A_364 : i32 to vector<16xi32>
        %min3A_366 = arith.minsi %convert_element_type3A_363, %min3A_365 : vector<16xi32>
        %convert_element_type3A_367 = arith.sitofp %min3A_366 : vector<16xi32> to vector<16xf32>
        %add3A_368 = arith.constant 5.000000e-01 : f32
        %add3A_369 = vector.broadcast %add3A_368 : f32 to vector<16xf32>
        %add3A_370 = arith.addf %convert_element_type3A_367, %add3A_369 : vector<16xf32>
        %mul3A_371 = arith.constant 0.392699093 : f32
        %mul3A_372 = vector.broadcast %mul3A_371 : f32 to vector<16xf32>
        %mul3A_373 = arith.mulf %add3A_370, %mul3A_372 : vector<16xf32>
        %sub3A_374 = arith.constant 3.14159274 : f32
        %sub3A_375 = vector.broadcast %sub3A_374 : f32 to vector<16xf32>
        %sub3A_376 = arith.subf %mul3A_373, %sub3A_375 : vector<16xf32>
        %swap3A_377 = arith.constant 1 : i32
        %swap3A_378 = arith.index_cast %swap3A_377 : i32 to index
        %swap3A_379 = arith.index_cast %add3A_352 : i32 to index
        %swap3A_380 = tpu.vector_load %arg8[%swap3A_378, %swap3A_379] {strides = array<i32>} : memref<2x8192xf32, #tpu.memory_space<vmem>>, vector<16xf32>,
        tpu.vector_store %arg8[%swap3A_378, %swap3A_379], %sub3A_376 {strides = array<i32>} : memref<2x8192xf32, #tpu.memory_space<vmem>>, vector<16xf32>,
        %swap3A_381 = arith.constant 1 : i32
        %swap3A_382 = arith.index_cast %swap3A_381 : i32 to index
        %swap3A_383 = arith.index_cast %add3A_352 : i32 to index
        %swap3A_384 = tpu.vector_load %arg9[%swap3A_382, %swap3A_383] {strides = array<i32>} : memref<2x8192xi32, #tpu.memory_space<vmem>>, vector<16xi32>,
        tpu.vector_store %arg9[%swap3A_382, %swap3A_383], %min3A_366 {strides = array<i32>} : memref<2x8192xi32, #tpu.memory_space<vmem>>, vector<16xi32>,
        %mul3A_385 = arith.constant 128 : i32
        %mul3A_386 = arith.muli %scan3A_316, %mul3A_385 : i32
        %add3A_387 = arith.constant 32 : i32
        %add3A_388 = arith.addi %mul3A_386, %add3A_387 : i32
        %get3A_389 = arith.constant 1 : i32
        %get3A_390 = arith.index_cast %get3A_389 : i32 to index
        %get3A_391 = arith.index_cast %add3A_388 : i32 to index
        %get3A_392 = tpu.vector_load %arg6[%get3A_390, %get3A_391] {strides = array<i32>} : memref<2x8192xf32, #tpu.memory_space<vmem>>, vector<16xf32>,
        %mul3A_393 = arith.constant 2.54647899 : f32
        %mul3A_394 = vector.broadcast %mul3A_393 : f32 to vector<16xf32>
        %mul3A_395 = arith.mulf %get3A_392, %mul3A_394 : vector<16xf32>
        %add3A_396 = arith.constant 8.000000e+00 : f32
        %add3A_397 = vector.broadcast %add3A_396 : f32 to vector<16xf32>
        %add3A_398 = arith.addf %mul3A_395, %add3A_397 : vector<16xf32>
        %convert_element_type3A_399 = arith.fptosi %add3A_398 : vector<16xf32> to vector<16xi32>
        %min3A_400 = arith.constant 15 : i32
        %min3A_401 = vector.broadcast %min3A_400 : i32 to vector<16xi32>
        %min3A_402 = arith.minsi %convert_element_type3A_399, %min3A_401 : vector<16xi32>
        %convert_element_type3A_403 = arith.sitofp %min3A_402 : vector<16xi32> to vector<16xf32>
        %add3A_404 = arith.constant 5.000000e-01 : f32
        %add3A_405 = vector.broadcast %add3A_404 : f32 to vector<16xf32>
        %add3A_406 = arith.addf %convert_element_type3A_403, %add3A_405 : vector<16xf32>
        %mul3A_407 = arith.constant 0.392699093 : f32
        %mul3A_408 = vector.broadcast %mul3A_407 : f32 to vector<16xf32>
        %mul3A_409 = arith.mulf %add3A_406, %mul3A_408 : vector<16xf32>
        %sub3A_410 = arith.constant 3.14159274 : f32
        %sub3A_411 = vector.broadcast %sub3A_410 : f32 to vector<16xf32>
        %sub3A_412 = arith.subf %mul3A_409, %sub3A_411 : vector<16xf32>
        %swap3A_413 = arith.constant 1 : i32
        %swap3A_414 = arith.index_cast %swap3A_413 : i32 to index
        %swap3A_415 = arith.index_cast %add3A_388 : i32 to index
        %swap3A_416 = tpu.vector_load %arg8[%swap3A_414, %swap3A_415] {strides = array<i32>} : memref<2x8192xf32, #tpu.memory_space<vmem>>, vector<16xf32>,
        tpu.vector_store %arg8[%swap3A_414, %swap3A_415], %sub3A_412 {strides = array<i32>} : memref<2x8192xf32, #tpu.memory_space<vmem>>, vector<16xf32>,
        %swap3A_417 = arith.constant 1 : i32
        %swap3A_418 = arith.index_cast %swap3A_417 : i32 to index
        %swap3A_419 = arith.index_cast %add3A_388 : i32 to index
        %swap3A_420 = tpu.vector_load %arg9[%swap3A_418, %swap3A_419] {strides = array<i32>} : memref<2x8192xi32, #tpu.memory_space<vmem>>, vector<16xi32>,
        tpu.vector_store %arg9[%swap3A_418, %swap3A_419], %min3A_402 {strides = array<i32>} : memref<2x8192xi32, #tpu.memory_space<vmem>>, vector<16xi32>,
        %mul3A_421 = arith.constant 128 : i32
        %mul3A_422 = arith.muli %scan3A_316, %mul3A_421 : i32
        %add3A_423 = arith.constant 48 : i32
        %add3A_424 = arith.addi %mul3A_422, %add3A_423 : i32
        %get3A_425 = arith.constant 1 : i32
        %get3A_426 = arith.index_cast %get3A_425 : i32 to index
        %get3A_427 = arith.index_cast %add3A_424 : i32 to index
        %get3A_428 = tpu.vector_load %arg6[%get3A_426, %get3A_427] {strides = array<i32>} : memref<2x8192xf32, #tpu.memory_space<vmem>>, vector<16xf32>,
        %mul3A_429 = arith.constant 2.54647899 : f32
        %mul3A_430 = vector.broadcast %mul3A_429 : f32 to vector<16xf32>
        %mul3A_431 = arith.mulf %get3A_428, %mul3A_430 : vector<16xf32>
        %add3A_432 = arith.constant 8.000000e+00 : f32
        %add3A_433 = vector.broadcast %add3A_432 : f32 to vector<16xf32>
        %add3A_434 = arith.addf %mul3A_431, %add3A_433 : vector<16xf32>
        %convert_element_type3A_435 = arith.fptosi %add3A_434 : vector<16xf32> to vector<16xi32>
        %min3A_436 = arith.constant 15 : i32
        %min3A_437 = vector.broadcast %min3A_436 : i32 to vector<16xi32>
        %min3A_438 = arith.minsi %convert_element_type3A_435, %min3A_437 : vector<16xi32>
        %convert_element_type3A_439 = arith.sitofp %min3A_438 : vector<16xi32> to vector<16xf32>
        %add3A_440 = arith.constant 5.000000e-01 : f32
        %add3A_441 = vector.broadcast %add3A_440 : f32 to vector<16xf32>
        %add3A_442 = arith.addf %convert_element_type3A_439, %add3A_441 : vector<16xf32>
        %mul3A_443 = arith.constant 0.392699093 : f32
        %mul3A_444 = vector.broadcast %mul3A_443 : f32 to vector<16xf32>
        %mul3A_445 = arith.mulf %add3A_442, %mul3A_444 : vector<16xf32>
        %sub3A_446 = arith.constant 3.14159274 : f32
        %sub3A_447 = vector.broadcast %sub3A_446 : f32 to vector<16xf32>
        %sub3A_448 = arith.subf %mul3A_445, %sub3A_447 : vector<16xf32>
        %swap3A_449 = arith.constant 1 : i32
        %swap3A_450 = arith.index_cast %swap3A_449 : i32 to index
        %swap3A_451 = arith.index_cast %add3A_424 : i32 to index
        %swap3A_452 = tpu.vector_load %arg8[%swap3A_450, %swap3A_451] {strides = array<i32>} : memref<2x8192xf32, #tpu.memory_space<vmem>>, vector<16xf32>,
        tpu.vector_store %arg8[%swap3A_450, %swap3A_451], %sub3A_448 {strides = array<i32>} : memref<2x8192xf32, #tpu.memory_space<vmem>>, vector<16xf32>,
        %swap3A_453 = arith.constant 1 : i32
        %swap3A_454 = arith.index_cast %swap3A_453 : i32 to index
        %swap3A_455 = arith.index_cast %add3A_424 : i32 to index
        %swap3A_456 = tpu.vector_load %arg9[%swap3A_454, %swap3A_455] {strides = array<i32>} : memref<2x8192xi32, #tpu.memory_space<vmem>>, vector<16xi32>,
        tpu.vector_store %arg9[%swap3A_454, %swap3A_455], %min3A_438 {strides = array<i32>} : memref<2x8192xi32, #tpu.memory_space<vmem>>, vector<16xi32>,
        %mul3A_457 = arith.constant 128 : i32
        %mul3A_458 = arith.muli %scan3A_316, %mul3A_457 : i32
        %add3A_459 = arith.constant 64 : i32
        %add3A_460 = arith.addi %mul3A_458, %add3A_459 : i32
        %get3A_461 = arith.constant 1 : i32
        %get3A_462 = arith.index_cast %get3A_461 : i32 to index
        %get3A_463 = arith.index_cast %add3A_460 : i32 to index
        %get3A_464 = tpu.vector_load %arg6[%get3A_462, %get3A_463] {strides = array<i32>} : memref<2x8192xf32, #tpu.memory_space<vmem>>, vector<16xf32>,
        %mul3A_465 = arith.constant 2.54647899 : f32
        %mul3A_466 = vector.broadcast %mul3A_465 : f32 to vector<16xf32>
        %mul3A_467 = arith.mulf %get3A_464, %mul3A_466 : vector<16xf32>
        %add3A_468 = arith.constant 8.000000e+00 : f32
        %add3A_469 = vector.broadcast %add3A_468 : f32 to vector<16xf32>
        %add3A_470 = arith.addf %mul3A_467, %add3A_469 : vector<16xf32>
        %convert_element_type3A_471 = arith.fptosi %add3A_470 : vector<16xf32> to vector<16xi32>
        %min3A_472 = arith.constant 15 : i32
        %min3A_473 = vector.broadcast %min3A_472 : i32 to vector<16xi32>
        %min3A_474 = arith.minsi %convert_element_type3A_471, %min3A_473 : vector<16xi32>
        %convert_element_type3A_475 = arith.sitofp %min3A_474 : vector<16xi32> to vector<16xf32>
        %add3A_476 = arith.constant 5.000000e-01 : f32
        %add3A_477 = vector.broadcast %add3A_476 : f32 to vector<16xf32>
        %add3A_478 = arith.addf %convert_element_type3A_475, %add3A_477 : vector<16xf32>
        %mul3A_479 = arith.constant 0.392699093 : f32
        %mul3A_480 = vector.broadcast %mul3A_479 : f32 to vector<16xf32>
        %mul3A_481 = arith.mulf %add3A_478, %mul3A_480 : vector<16xf32>
        %sub3A_482 = arith.constant 3.14159274 : f32
        %sub3A_483 = vector.broadcast %sub3A_482 : f32 to vector<16xf32>
        %sub3A_484 = arith.subf %mul3A_481, %sub3A_483 : vector<16xf32>
        %swap3A_485 = arith.constant 1 : i32
        %swap3A_486 = arith.index_cast %swap3A_485 : i32 to index
        %swap3A_487 = arith.index_cast %add3A_460 : i32 to index
        %swap3A_488 = tpu.vector_load %arg8[%swap3A_486, %swap3A_487] {strides = array<i32>} : memref<2x8192xf32, #tpu.memory_space<vmem>>, vector<16xf32>,
        tpu.vector_store %arg8[%swap3A_486, %swap3A_487], %sub3A_484 {strides = array<i32>} : memref<2x8192xf32, #tpu.memory_space<vmem>>, vector<16xf32>,
        %swap3A_489 = arith.constant 1 : i32
        %swap3A_490 = arith.index_cast %swap3A_489 : i32 to index
        %swap3A_491 = arith.index_cast %add3A_460 : i32 to index
        %swap3A_492 = tpu.vector_load %arg9[%swap3A_490, %swap3A_491] {strides = array<i32>} : memref<2x8192xi32, #tpu.memory_space<vmem>>, vector<16xi32>,
        tpu.vector_store %arg9[%swap3A_490, %swap3A_491], %min3A_474 {strides = array<i32>} : memref<2x8192xi32, #tpu.memory_space<vmem>>, vector<16xi32>,
        %mul3A_493 = arith.constant 128 : i32
        %mul3A_494 = arith.muli %scan3A_316, %mul3A_493 : i32
        %add3A_495 = arith.constant 80 : i32
        %add3A_496 = arith.addi %mul3A_494, %add3A_495 : i32
        %get3A_497 = arith.constant 1 : i32
        %get3A_498 = arith.index_cast %get3A_497 : i32 to index
        %get3A_499 = arith.index_cast %add3A_496 : i32 to index
        %get3A_500 = tpu.vector_load %arg6[%get3A_498, %get3A_499] {strides = array<i32>} : memref<2x8192xf32, #tpu.memory_space<vmem>>, vector<16xf32>,
        %mul3A_501 = arith.constant 2.54647899 : f32
        %mul3A_502 = vector.broadcast %mul3A_501 : f32 to vector<16xf32>
        %mul3A_503 = arith.mulf %get3A_500, %mul3A_502 : vector<16xf32>
        %add3A_504 = arith.constant 8.000000e+00 : f32
        %add3A_505 = vector.broadcast %add3A_504 : f32 to vector<16xf32>
        %add3A_506 = arith.addf %mul3A_503, %add3A_505 : vector<16xf32>
        %convert_element_type3A_507 = arith.fptosi %add3A_506 : vector<16xf32> to vector<16xi32>
        %min3A_508 = arith.constant 15 : i32
        %min3A_509 = vector.broadcast %min3A_508 : i32 to vector<16xi32>
        %min3A_510 = arith.minsi %convert_element_type3A_507, %min3A_509 : vector<16xi32>
        %convert_element_type3A_511 = arith.sitofp %min3A_510 : vector<16xi32> to vector<16xf32>
        %add3A_512 = arith.constant 5.000000e-01 : f32
        %add3A_513 = vector.broadcast %add3A_512 : f32 to vector<16xf32>
        %add3A_514 = arith.addf %convert_element_type3A_511, %add3A_513 : vector<16xf32>
        %mul3A_515 = arith.constant 0.392699093 : f32
        %mul3A_516 = vector.broadcast %mul3A_515 : f32 to vector<16xf32>
        %mul3A_517 = arith.mulf %add3A_514, %mul3A_516 : vector<16xf32>
        %sub3A_518 = arith.constant 3.14159274 : f32
        %sub3A_519 = vector.broadcast %sub3A_518 : f32 to vector<16xf32>
        %sub3A_520 = arith.subf %mul3A_517, %sub3A_519 : vector<16xf32>
        %swap3A_521 = arith.constant 1 : i32
        %swap3A_522 = arith.index_cast %swap3A_521 : i32 to index
        %swap3A_523 = arith.index_cast %add3A_496 : i32 to index
        %swap3A_524 = tpu.vector_load %arg8[%swap3A_522, %swap3A_523] {strides = array<i32>} : memref<2x8192xf32, #tpu.memory_space<vmem>>, vector<16xf32>,
        tpu.vector_store %arg8[%swap3A_522, %swap3A_523], %sub3A_520 {strides = array<i32>} : memref<2x8192xf32, #tpu.memory_space<vmem>>, vector<16xf32>,
        %swap3A_525 = arith.constant 1 : i32
        %swap3A_526 = arith.index_cast %swap3A_525 : i32 to index
        %swap3A_527 = arith.index_cast %add3A_496 : i32 to index
        %swap3A_528 = tpu.vector_load %arg9[%swap3A_526, %swap3A_527] {strides = array<i32>} : memref<2x8192xi32, #tpu.memory_space<vmem>>, vector<16xi32>,
        tpu.vector_store %arg9[%swap3A_526, %swap3A_527], %min3A_510 {strides = array<i32>} : memref<2x8192xi32, #tpu.memory_space<vmem>>, vector<16xi32>,
        %mul3A_529 = arith.constant 128 : i32
        %mul3A_530 = arith.muli %scan3A_316, %mul3A_529 : i32
        %add3A_531 = arith.constant 96 : i32
        %add3A_532 = arith.addi %mul3A_530, %add3A_531 : i32
        %get3A_533 = arith.constant 1 : i32
        %get3A_534 = arith.index_cast %get3A_533 : i32 to index
        %get3A_535 = arith.index_cast %add3A_532 : i32 to index
        %get3A_536 = tpu.vector_load %arg6[%get3A_534, %get3A_535] {strides = array<i32>} : memref<2x8192xf32, #tpu.memory_space<vmem>>, vector<16xf32>,
        %mul3A_537 = arith.constant 2.54647899 : f32
        %mul3A_538 = vector.broadcast %mul3A_537 : f32 to vector<16xf32>
        %mul3A_539 = arith.mulf %get3A_536, %mul3A_538 : vector<16xf32>
        %add3A_540 = arith.constant 8.000000e+00 : f32
        %add3A_541 = vector.broadcast %add3A_540 : f32 to vector<16xf32>
        %add3A_542 = arith.addf %mul3A_539, %add3A_541 : vector<16xf32>
        %convert_element_type3A_543 = arith.fptosi %add3A_542 : vector<16xf32> to vector<16xi32>
        %min3A_544 = arith.constant 15 : i32
        %min3A_545 = vector.broadcast %min3A_544 : i32 to vector<16xi32>
        %min3A_546 = arith.minsi %convert_element_type3A_543, %min3A_545 : vector<16xi32>
        %convert_element_type3A_547 = arith.sitofp %min3A_546 : vector<16xi32> to vector<16xf32>
        %add3A_548 = arith.constant 5.000000e-01 : f32
        %add3A_549 = vector.broadcast %add3A_548 : f32 to vector<16xf32>
        %add3A_550 = arith.addf %convert_element_type3A_547, %add3A_549 : vector<16xf32>
        %mul3A_551 = arith.constant 0.392699093 : f32
        %mul3A_552 = vector.broadcast %mul3A_551 : f32 to vector<16xf32>
        %mul3A_553 = arith.mulf %add3A_550, %mul3A_552 : vector<16xf32>
        %sub3A_554 = arith.constant 3.14159274 : f32
        %sub3A_555 = vector.broadcast %sub3A_554 : f32 to vector<16xf32>
        %sub3A_556 = arith.subf %mul3A_553, %sub3A_555 : vector<16xf32>
        %swap3A_557 = arith.constant 1 : i32
        %swap3A_558 = arith.index_cast %swap3A_557 : i32 to index
        %swap3A_559 = arith.index_cast %add3A_532 : i32 to index
        %swap3A_560 = tpu.vector_load %arg8[%swap3A_558, %swap3A_559] {strides = array<i32>} : memref<2x8192xf32, #tpu.memory_space<vmem>>, vector<16xf32>,
        tpu.vector_store %arg8[%swap3A_558, %swap3A_559], %sub3A_556 {strides = array<i32>} : memref<2x8192xf32, #tpu.memory_space<vmem>>, vector<16xf32>,
        %swap3A_561 = arith.constant 1 : i32
        %swap3A_562 = arith.index_cast %swap3A_561 : i32 to index
        %swap3A_563 = arith.index_cast %add3A_532 : i32 to index
        %swap3A_564 = tpu.vector_load %arg9[%swap3A_562, %swap3A_563] {strides = array<i32>} : memref<2x8192xi32, #tpu.memory_space<vmem>>, vector<16xi32>,
        tpu.vector_store %arg9[%swap3A_562, %swap3A_563], %min3A_546 {strides = array<i32>} : memref<2x8192xi32, #tpu.memory_space<vmem>>, vector<16xi32>,
        %mul3A_565 = arith.constant 128 : i32
        %mul3A_566 = arith.muli %scan3A_316, %mul3A_565 : i32
        %add3A_567 = arith.constant 112 : i32
        %add3A_568 = arith.addi %mul3A_566, %add3A_567 : i32
        %get3A_569 = arith.constant 1 : i32
        %get3A_570 = arith.index_cast %get3A_569 : i32 to index
        %get3A_571 = arith.index_cast %add3A_568 : i32 to index
        %get3A_572 = tpu.vector_load %arg6[%get3A_570, %get3A_571] {strides = array<i32>} : memref<2x8192xf32, #tpu.memory_space<vmem>>, vector<16xf32>,
        %mul3A_573 = arith.constant 2.54647899 : f32
        %mul3A_574 = vector.broadcast %mul3A_573 : f32 to vector<16xf32>
        %mul3A_575 = arith.mulf %get3A_572, %mul3A_574 : vector<16xf32>
        %add3A_576 = arith.constant 8.000000e+00 : f32
        %add3A_577 = vector.broadcast %add3A_576 : f32 to vector<16xf32>
        %add3A_578 = arith.addf %mul3A_575, %add3A_577 : vector<16xf32>
        %convert_element_type3A_579 = arith.fptosi %add3A_578 : vector<16xf32> to vector<16xi32>
        %min3A_580 = arith.constant 15 : i32
        %min3A_581 = vector.broadcast %min3A_580 : i32 to vector<16xi32>
        %min3A_582 = arith.minsi %convert_element_type3A_579, %min3A_581 : vector<16xi32>
        %convert_element_type3A_583 = arith.sitofp %min3A_582 : vector<16xi32> to vector<16xf32>
        %add3A_584 = arith.constant 5.000000e-01 : f32
        %add3A_585 = vector.broadcast %add3A_584 : f32 to vector<16xf32>
        %add3A_586 = arith.addf %convert_element_type3A_583, %add3A_585 : vector<16xf32>
        %mul3A_587 = arith.constant 0.392699093 : f32
        %mul3A_588 = vector.broadcast %mul3A_587 : f32 to vector<16xf32>
        %mul3A_589 = arith.mulf %add3A_586, %mul3A_588 : vector<16xf32>
        %sub3A_590 = arith.constant 3.14159274 : f32
        %sub3A_591 = vector.broadcast %sub3A_590 : f32 to vector<16xf32>
        %sub3A_592 = arith.subf %mul3A_589, %sub3A_591 : vector<16xf32>
        %swap3A_593 = arith.constant 1 : i32
        %swap3A_594 = arith.index_cast %swap3A_593 : i32 to index
        %swap3A_595 = arith.index_cast %add3A_568 : i32 to index
        %swap3A_596 = tpu.vector_load %arg8[%swap3A_594, %swap3A_595] {strides = array<i32>} : memref<2x8192xf32, #tpu.memory_space<vmem>>, vector<16xf32>,
        tpu.vector_store %arg8[%swap3A_594, %swap3A_595], %sub3A_592 {strides = array<i32>} : memref<2x8192xf32, #tpu.memory_space<vmem>>, vector<16xf32>,
        %swap3A_597 = arith.constant 1 : i32
        %swap3A_598 = arith.index_cast %swap3A_597 : i32 to index
        %swap3A_599 = arith.index_cast %add3A_568 : i32 to index
        %swap3A_600 = tpu.vector_load %arg9[%swap3A_598, %swap3A_599] {strides = array<i32>} : memref<2x8192xi32, #tpu.memory_space<vmem>>, vector<16xi32>,
        tpu.vector_store %arg9[%swap3A_598, %swap3A_599], %min3A_582 {strides = array<i32>} : memref<2x8192xi32, #tpu.memory_space<vmem>>, vector<16xi32>,
      }
      %scan3A_294 = arith.constant 64 : i32
      %mul3A_295 = arith.constant 8192 : i32
      %mul3A_296 = arith.muli %add3A_264, %mul3A_295 : i32
      %add3A_297 = arith.addi %add3A_149, %mul3A_296 : i32
      %dma_start3A_298 = arith.constant 1 : i32
      %dma_start3A_299 = arith.constant 0 : i32
      %dma_start3A_300 = tpu.memref_slice %arg8[%dma_start3A_298, %dma_start3A_299] : memref<2x8192xf32, #tpu.memory_space<vmem>> -> memref<1x8192xf32, #tpu.memory_space<vmem>>
      %dma_start3A_301 = tpu.memref_squeeze %dma_start3A_300 : memref<1x8192xf32, #tpu.memory_space<vmem>> -> memref<8192xf32, #tpu.memory_space<vmem>>
      %dma_start3A_302 = tpu.memref_slice %arg4[%add3A_297] : memref<25165824xf32, #tpu.memory_space<hbm>> -> memref<8192xf32, #tpu.memory_space<hbm>>
      %dma_start3A_303 = tpu.memref_slice %arg4[%add3A_297] : memref<25165824xf32, #tpu.memory_space<hbm>> -> memref<8192xf32, #tpu.memory_space<hbm>>
      %dma_start3A_304 = arith.constant 0 : i32
      %dma_start3A_305 = tpu.memref_slice %arg8[%dma_start3A_298, %dma_start3A_304] : memref<2x8192xf32, #tpu.memory_space<vmem>> -> memref<1x8192xf32, #tpu.memory_space<vmem>>
      %dma_start3A_306 = tpu.memref_squeeze %dma_start3A_305 : memref<1x8192xf32, #tpu.memory_space<vmem>> -> memref<8192xf32, #tpu.memory_space<vmem>>
      tpu.enqueue_dma source(%dma_start3A_306 : memref<8192xf32, #tpu.memory_space<vmem>>) target(%dma_start3A_303 : memref<8192xf32, #tpu.memory_space<hbm>>) target_semaphore(%arg15 : memref<!tpu.dma_semaphore, #tpu.memory_space<semaphore_mem>>)
      %dma_start3A_307 = arith.constant 1 : i32
      %dma_start3A_308 = arith.constant 0 : i32
      %dma_start3A_309 = tpu.memref_slice %arg9[%dma_start3A_307, %dma_start3A_308] : memref<2x8192xi32, #tpu.memory_space<vmem>> -> memref<1x8192xi32, #tpu.memory_space<vmem>>
      %dma_start3A_310 = tpu.memref_squeeze %dma_start3A_309 : memref<1x8192xi32, #tpu.memory_space<vmem>> -> memref<8192xi32, #tpu.memory_space<vmem>>
      %dma_start3A_311 = tpu.memref_slice %arg5[%add3A_297] : memref<25165824xi32, #tpu.memory_space<hbm>> -> memref<8192xi32, #tpu.memory_space<hbm>>
      %dma_start3A_312 = tpu.memref_slice %arg5[%add3A_297] : memref<25165824xi32, #tpu.memory_space<hbm>> -> memref<8192xi32, #tpu.memory_space<hbm>>
      %dma_start3A_313 = arith.constant 0 : i32
      %dma_start3A_314 = tpu.memref_slice %arg9[%dma_start3A_307, %dma_start3A_313] : memref<2x8192xi32, #tpu.memory_space<vmem>> -> memref<1x8192xi32, #tpu.memory_space<vmem>>
      %dma_start3A_315 = tpu.memref_squeeze %dma_start3A_314 : memref<1x8192xi32, #tpu.memory_space<vmem>> -> memref<8192xi32, #tpu.memory_space<vmem>>
      tpu.enqueue_dma source(%dma_start3A_315 : memref<8192xi32, #tpu.memory_space<vmem>>) target(%dma_start3A_312 : memref<8192xi32, #tpu.memory_space<hbm>>) target_semaphore(%arg17 : memref<!tpu.dma_semaphore, #tpu.memory_space<semaphore_mem>>)
    }
    %scan3A_170 = arith.constant 16 : i32
    %add3A_171 = arith.constant 245760 : i32
    %add3A_172 = arith.addi %add3A_149, %add3A_171 : i32
    %dma_wait3A_173 = arith.constant 0 : i32
    %dma_wait3A_174 = arith.constant 0 : i32
    %dma_wait3A_175 = tpu.memref_slice %arg8[%dma_wait3A_173, %dma_wait3A_174] : memref<2x8192xf32, #tpu.memory_space<vmem>> -> memref<1x8192xf32, #tpu.memory_space<vmem>>
    %dma_wait3A_176 = tpu.memref_squeeze %dma_wait3A_175 : memref<1x8192xf32, #tpu.memory_space<vmem>> -> memref<8192xf32, #tpu.memory_space<vmem>>
    %dma_wait3A_177 = tpu.memref_slice %arg4[%add3A_172] : memref<25165824xf32, #tpu.memory_space<hbm>> -> memref<8192xf32, #tpu.memory_space<hbm>>
    %dma_wait3A_178 = tpu.memref_slice %arg4[%add3A_172] : memref<25165824xf32, #tpu.memory_space<hbm>> -> memref<8192xf32, #tpu.memory_space<hbm>>
    %dma_wait3A_179 = arith.constant 0 : i32
    %dma_wait3A_180 = tpu.memref_slice %arg8[%dma_wait3A_173, %dma_wait3A_179] : memref<2x8192xf32, #tpu.memory_space<vmem>> -> memref<1x8192xf32, #tpu.memory_space<vmem>>
    %dma_wait3A_181 = tpu.memref_squeeze %dma_wait3A_180 : memref<1x8192xf32, #tpu.memory_space<vmem>> -> memref<8192xf32, #tpu.memory_space<vmem>>
    tpu.wait_dma2 semaphore(%arg14 : memref<!tpu.dma_semaphore, #tpu.memory_space<semaphore_mem>>) src(%dma_wait3A_181 : memref<8192xf32, #tpu.memory_space<vmem>>) dst(%dma_wait3A_178 : memref<8192xf32, #tpu.memory_space<hbm>>)
    %dma_wait3A_182 = arith.constant 0 : i32
    %dma_wait3A_183 = arith.constant 0 : i32
    %dma_wait3A_184 = tpu.memref_slice %arg9[%dma_wait3A_182, %dma_wait3A_183] : memref<2x8192xi32, #tpu.memory_space<vmem>> -> memref<1x8192xi32, #tpu.memory_space<vmem>>
    %dma_wait3A_185 = tpu.memref_squeeze %dma_wait3A_184 : memref<1x8192xi32, #tpu.memory_space<vmem>> -> memref<8192xi32, #tpu.memory_space<vmem>>
    %dma_wait3A_186 = tpu.memref_slice %arg5[%add3A_172] : memref<25165824xi32, #tpu.memory_space<hbm>> -> memref<8192xi32, #tpu.memory_space<hbm>>
    %dma_wait3A_187 = tpu.memref_slice %arg5[%add3A_172] : memref<25165824xi32, #tpu.memory_space<hbm>> -> memref<8192xi32, #tpu.memory_space<hbm>>
    %dma_wait3A_188 = arith.constant 0 : i32
    %dma_wait3A_189 = tpu.memref_slice %arg9[%dma_wait3A_182, %dma_wait3A_188] : memref<2x8192xi32, #tpu.memory_space<vmem>> -> memref<1x8192xi32, #tpu.memory_space<vmem>>
    %dma_wait3A_190 = tpu.memref_squeeze %dma_wait3A_189 : memref<1x8192xi32, #tpu.memory_space<vmem>> -> memref<8192xi32, #tpu.memory_space<vmem>>
    tpu.wait_dma2 semaphore(%arg16 : memref<!tpu.dma_semaphore, #tpu.memory_space<semaphore_mem>>) src(%dma_wait3A_190 : memref<8192xi32, #tpu.memory_space<vmem>>) dst(%dma_wait3A_187 : memref<8192xi32, #tpu.memory_space<hbm>>)
    %add3A_191 = arith.constant 253952 : i32
    %add3A_192 = arith.addi %add3A_149, %add3A_191 : i32
    %dma_wait3A_193 = arith.constant 1 : i32
    %dma_wait3A_194 = arith.constant 0 : i32
    %dma_wait3A_195 = tpu.memref_slice %arg8[%dma_wait3A_193, %dma_wait3A_194] : memref<2x8192xf32, #tpu.memory_space<vmem>> -> memref<1x8192xf32, #tpu.memory_space<vmem>>
    %dma_wait3A_196 = tpu.memref_squeeze %dma_wait3A_195 : memref<1x8192xf32, #tpu.memory_space<vmem>> -> memref<8192xf32, #tpu.memory_space<vmem>>
    %dma_wait3A_197 = tpu.memref_slice %arg4[%add3A_192] : memref<25165824xf32, #tpu.memory_space<hbm>> -> memref<8192xf32, #tpu.memory_space<hbm>>
    %dma_wait3A_198 = tpu.memref_slice %arg4[%add3A_192] : memref<25165824xf32, #tpu.memory_space<hbm>> -> memref<8192xf32, #tpu.memory_space<hbm>>
    %dma_wait3A_199 = arith.constant 0 : i32
    %dma_wait3A_200 = tpu.memref_slice %arg8[%dma_wait3A_193, %dma_wait3A_199] : memref<2x8192xf32, #tpu.memory_space<vmem>> -> memref<1x8192xf32, #tpu.memory_space<vmem>>
    %dma_wait3A_201 = tpu.memref_squeeze %dma_wait3A_200 : memref<1x8192xf32, #tpu.memory_space<vmem>> -> memref<8192xf32, #tpu.memory_space<vmem>>
    tpu.wait_dma2 semaphore(%arg15 : memref<!tpu.dma_semaphore, #tpu.memory_space<semaphore_mem>>) src(%dma_wait3A_201 : memref<8192xf32, #tpu.memory_space<vmem>>) dst(%dma_wait3A_198 : memref<8192xf32, #tpu.memory_space<hbm>>)
    %dma_wait3A_202 = arith.constant 1 : i32
    %dma_wait3A_203 = arith.constant 0 : i32
    %dma_wait3A_204 = tpu.memref_slice %arg9[%dma_wait3A_202, %dma_wait3A_203] : memref<2x8192xi32, #tpu.memory_space<vmem>> -> memref<1x8192xi32, #tpu.memory_space<vmem>>
    %dma_wait3A_205 = tpu.memref_squeeze %dma_wait3A_204 : memref<1x8192xi32, #tpu.memory_space<vmem>> -> memref<8192xi32, #tpu.memory_space<vmem>>
    %dma_wait3A_206 = tpu.memref_slice %arg5[%add3A_192] : memref<25165824xi32, #tpu.memory_space<hbm>> -> memref<8192xi32, #tpu.memory_space<hbm>>
    %dma_wait3A_207 = tpu.memref_slice %arg5[%add3A_192] : memref<25165824xi32, #tpu.memory_space<hbm>> -> memref<8192xi32, #tpu.memory_space<hbm>>
    %dma_wait3A_208 = arith.constant 0 : i32
    %dma_wait3A_209 = tpu.memref_slice %arg9[%dma_wait3A_202, %dma_wait3A_208] : memref<2x8192xi32, #tpu.memory_space<vmem>> -> memref<1x8192xi32, #tpu.memory_space<vmem>>
    %dma_wait3A_210 = tpu.memref_squeeze %dma_wait3A_209 : memref<1x8192xi32, #tpu.memory_space<vmem>> -> memref<8192xi32, #tpu.memory_space<vmem>>
    tpu.wait_dma2 semaphore(%arg17 : memref<!tpu.dma_semaphore, #tpu.memory_space<semaphore_mem>>) src(%dma_wait3A_210 : memref<8192xi32, #tpu.memory_space<vmem>>) dst(%dma_wait3A_207 : memref<8192xi32, #tpu.memory_space<hbm>>)
    return
  }
}

</mosaic_0001>

<sc_bundles>
// kernel: kernel.3.cloned.1.call-start
scs
__scs_entry_jumppad:
0x0: {  	(pc) =	sbr.rel $0x88, $3  }
0x1: {  	(tag) =	ssettag $0x0;
	lr =	simm.s32 $0x1  }
0x2: {  	[smem:$0x3F9F] =	sst lr;
	_ =	strace $0xD0000000  }
0x3: {  	_ = 	snop  }
0x4: {  	_ = 	snop  }
0x5: {  	_ = 	snop  }
0x6: {  	_ = 	snop  }
0x7: {  	_ = 	snop  }
__scs_overlays_trampoline_lowered:
0x8: {  	[smem:$0x3FAE] =	sst s0  }
0x9: {  	[smem:$0x3FAF] =	sst s1  }
0xa: {  	[smem:$0x3FB0] =	sst s2  }
0xb: {  	[smem:$0x3FB1] =	sst s3  }
0xc: {  	[smem:$0x3FB2] =	sst s4  }
0xd: {  	[smem:$0x3FB3] =	sst s5  }
0xe: {  	[smem:$0x3FB4] =	sst s6  }
0xf: {  	[smem:$0x3FB5] =	sst s7  }
0x10: {  	[smem:$0x3FB6] =	sst s8  }
0x11: {  	[smem:$0x3FB7] =	sst s9;
	s0 =	simm.s32 @!p0 $0x0  }
0x12: {  	s1 =	sld [smem:$0x3F9D];
	s0 =	simm.s32 @p0 $0x1  }
0x13: {  	[smem:$0x3FB8] =	sst s0;
	s0 =	simm.s32 @!p1 $0x0  }
0x14: {  	s2 =	sld [smem:$0x3F9C];
	s0 =	simm.s32 @p1 $0x1  }
0x15: {  	[smem:$0x3FB9] =	sst s0;
	s0 =	simm.s32 @!p2 $0x0  }
0x16: {  	s3 =	sld [smem:$0x3FDB];
	s0 =	simm.s32 @p2 $0x1  }
0x17: {  	s4 =	simm.s32 $0x1BF5;
	[smem:$0x3FBB] =	sst s0  }
0x18: {  	s0 =	sld [smem:$0x3F9E];
	_ =	swait.ge [sflag:s4], $0x0  }
0x19: {  	s7 =	sld [smem:$0x3F9F]  }
0x1a: {  	s8 =	sadd.s32 $0xFFFFE003, lr  }
0x1b: {  	s9 =	sadd.s32 $0xFFFFFEF7, lr;
	s5 =	simm.s32 $0xFFFFFFFF;
	p2 =	slt.u32 s8, $0xFFFFF086  }
0x1c: {  	p1 =	slt.u32 s9, $0xF7A;
	s5 =	simm.s32 @!p2 $0x0  }
0x1d: {  	s5 =	simm.s32 @p1 $0x1;
	p0 =	seq.s32 s7, s2  }
0x1e: {  	s7 =	smul.u32 @!p0 $0xF7A, s2;
	p2 =	seq.s32 @!p0 s5, $0x0  }
0x1f: {  	s9 =	smul.u32 $0xF7A, s1;
	s8 =	simm.s32 @!p0 $0x1BF5;
	p2 =	por !p2, p0  }
0x20: {  	[sflag:s8] =	ssyncset.s32 @!p0 $0xFFFFF086;
	s6 =	sadd.s32 @!p0 s3, s7;
	s7 =	simm.s32 @!p0 $0x108  }
0x21: {  	s3 =	sadd.s32 s3, s9;
	s6 =	sadd.s32 @!p0 $0x88, s6;
	s7 =	simm.s32 @p2 $0x1082  }
0x22: {  	[simem:s7], [sflag:s8] =	dma.local @!p0 [hbm:s6], $0xF7A  }
0x23: {  	s9 =	sor.u32 $0xD0000000, s2;
	s6 =	simm.s32 $0x108;
	_ =	swait.ge @!p0 [sflag:s8], $0x0  }
0x24: {  	s3 =	sadd.s32 $0x88, s3;
	s6 =	simm.s32 @!p1 $0x1082;
	[sflag:s4] =	ssyncset.s32 $0xFFFFF086  }
0x25: {  	[simem:s6], [sflag:s4] =	dma.local [hbm:s3], $0xF7A  }
0x26: {  	[smem:$0x3F9F] =	sst s1;
	(tag) =	ssettag s2;
	_ =	strace s9  }
0x27: {  	s1 =	sld [smem:$0x3FAF]  }
0x28: {  	s2 =	sld [smem:$0x3FB0]  }
0x29: {  	s4 =	sld [smem:$0x3FB2]  }
0x2a: {  	p0 =	seq.s32 s5, $0x0;
	s5 =	sld [smem:$0x3FB3]  }
0x2b: {  	s6 =	sld [smem:$0x3FB4]  }
0x2c: {  	s7 =	sld [smem:$0x3FB5]  }
0x2d: {  	s3 =	simm.s32 $0x108;
	s8 =	sld [smem:$0x3FB6]  }
0x2e: {  	s3 =	simm.s32 @!p0 $0x1082;
	s9 =	sld [smem:$0x3FB7]  }
0x2f: {  	lr =	sadd.s32 s0, s3;
	s0 =	sld [smem:$0x3FAE]  }
0x30: {  	s3 =	sld [smem:$0x3FB1]  }
0x31: {  	[smem:$0x3FBA] =	sst s10  }
0x32: {  	s10 =	sld [smem:$0x3FB8];
	_ =	sdelay $0x3  }
0x33: {  	p0 =	seq.s32 s10, $0x1;
	s10 =	sld [smem:$0x3FBA];
	_ =	sdelay $0x3  }
0x34: {  	[smem:$0x3FBA] =	sst s10  }
0x35: {  	s10 =	sld [smem:$0x3FB9];
	_ =	sdelay $0x3  }
0x36: {  	p1 =	seq.s32 s10, $0x1;
	s10 =	sld [smem:$0x3FBA];
	_ =	sdelay $0x3  }
0x37: {  	[smem:$0x3FBA] =	sst s10  }
0x38: {  	s10 =	sld [smem:$0x3FBB]  }
0x39: {  	_ = 	snop;
	(pc) =	sbr.ind lr, $3  }
0x3a: {  	_ = 	snop  }
0x3b: {  	_ = 	snop  }
0x3c: {  	p2 =	seq.s32 s10, $0x1;
	s10 =	sld [smem:$0x3FBA]  }
0x3d: {  	_ =	shalt  }
0x3e: {  	_ =	shalt  }
0x3f: {  	_ =	shalt  }
0x40: {  	_ =	shalt  }
0x41: {  	_ =	shalt  }
0x42: {  	_ =	shalt  }
0x43: {  	_ =	shalt  }
0x44: {  	_ =	shalt  }
0x45: {  	_ =	shalt  }
0x46: {  	_ =	shalt  }
0x47: {  	_ =	shalt  }
0x48: {  	_ =	shalt  }
0x49: {  	_ =	shalt  }
0x4a: {  	_ =	shalt  }
0x4b: {  	_ =	shalt  }
0x4c: {  	_ =	shalt  }
0x4d: {  	_ =	shalt  }
0x4e: {  	_ =	shalt  }
0x4f: {  	_ =	shalt  }
0x50: {  	_ =	shalt  }
0x51: {  	_ =	shalt  }
0x52: {  	_ =	shalt  }
0x53: {  	_ =	shalt  }
0x54: {  	_ =	shalt  }
0x55: {  	_ =	shalt  }
0x56: {  	_ =	shalt  }
0x57: {  	_ =	shalt  }
0x58: {  	_ =	shalt  }
0x59: {  	_ =	shalt  }
0x5a: {  	_ =	shalt  }
0x5b: {  	_ =	shalt  }
0x5c: {  	_ =	shalt  }
0x5d: {  	_ =	shalt  }
0x5e: {  	_ =	shalt  }
0x5f: {  	_ =	shalt  }
0x60: {  	_ =	shalt  }
0x61: {  	_ =	shalt  }
0x62: {  	_ =	shalt  }
0x63: {  	_ =	shalt  }
0x64: {  	_ =	shalt  }
0x65: {  	_ =	shalt  }
0x66: {  	_ =	shalt  }
0x67: {  	_ =	shalt  }
0x68: {  	_ =	shalt  }
0x69: {  	_ =	shalt  }
0x6a: {  	_ =	shalt  }
0x6b: {  	_ =	shalt  }
0x6c: {  	_ =	shalt  }
0x6d: {  	_ =	shalt  }
0x6e: {  	_ =	shalt  }
0x6f: {  	_ =	shalt  }
0x70: {  	_ =	shalt  }
0x71: {  	_ =	shalt  }
0x72: {  	_ =	shalt  }
0x73: {  	_ =	shalt  }
0x74: {  	_ =	shalt  }
0x75: {  	_ =	shalt  }
0x76: {  	_ =	shalt  }
0x77: {  	_ =	shalt  }
0x78: {  	_ =	shalt  }
0x79: {  	_ =	shalt  }
0x7a: {  	_ =	shalt  }
0x7b: {  	_ =	shalt  }
0x7c: {  	_ =	shalt  }
0x7d: {  	_ =	shalt  }
0x7e: {  	_ =	shalt  }
0x7f: {  	_ =	shalt  }
0x80: {  	_ =	shalt  }
0x81: {  	_ =	shalt  }
0x82: {  	_ =	shalt  }
0x83: {  	_ =	shalt  }
0x84: {  	_ =	shalt  }
0x85: {  	_ =	shalt  }
0x86: {  	_ =	shalt  }
0x87: {  	_ =	shalt  }
.Lfunc_end0:
.L_simem_size_0:
called_computation_lowered:
.L_overlay_start_0:
0x88: {  	s2 =	sld [smem:$0x3FD9]  }
0x89: {  	s3 =	sld [smem:$0x3FFE];
	_ =	sdelay $0x1  }
0x8a: {  	s1 =	srdreg.scid  }
0x8b: {  	s0 =	sand.u32 $0x1, s1  }
0x8c: {  	s14 =	sshll.u32 s0, $0xA;
	s2 =	sadd.s32 s3, s2  }
0x8d: {  	s2 =	sadd.s32 s2, s14  }
0x8e: {  	[smem:$0x3FC6] =	sst s2  }
0x8f: {  	_ = 	snop  }
0x90: {  	s2 =	sld [smem:$0x3FD0];
	_ =	sdelay $0x2  }
0x91: {  	s4 =	simm.s32 $0xA;
	s5 =	simm.s32 $0x10;
	s15 =	sld [smem:$0x3FC9]  }
0x92: {  	[smem:s5], [sflag:s4] =	dma.local [hbm:s2], $0x1  }
0x93: {  	_ =	swait.eq [sflag:s4], $0x1  }
0x94: {  	[sflag:s4] =	ssyncset.done $0x0  }
0x95: {  	s16 =	sld [smem:$0x10];
	[sflag:s4] =	ssyncadd.s32 $0xFFFFFFFF  }
0x96: {  	s17 =	sld [smem:$0x11];
	(tm) =	ssettm $0x1  }
0x97: {  	s18 =	sld [smem:$0x3FFB];
	_ =	sdelay $0x3  }
0x98: {  	_ =	strace s18  }
0x99: {  	s5 =	sld [smem:$0x3FFC];
	_ =	sdelay $0x3  }
0x9a: {  	_ =	strace s5  }
0x9b: {  	s5 =	sld [smem:$0x3FFD];
	_ =	sdelay $0x3  }
0x9c: {  	_ =	strace s5  }
0x9d: {  	_ =	strace $0x8FFFFFFF  }
0x9e: {  	s19 =	sld [smem:$0x3FDB];
	_ =	sdelay $0x1  }
0x9f: {  	s6 =	simm.s32 $_scs_section_size  }
0xa0: {  	s7 =	simm.s32 $_size__tile_overlayer_lowered;
	s8 =	simm.s32 $_tile_overlayer_lowered  }
0xa1: {  	s22 =	simm.s32 $0x1BFF;
	s21 =	sshll.u32 s8, $0x1;
	s5 =	sadd.s32 s6, s19  }
0xa2: {  	s9 =	simm.s32 $0x0;
	s20 =	sshll.u32 s7, $0x1;
	s7 =	sadd.s32 s21, s5  }
0xa3: {  	[timem:s9], [sflag:s22] =	dma.local [hbm:s7], s20  }
0xa4: {  	_ =	swait.ge [sflag:s22], s20  }
0xa5: {  	s6 =	ssub.s32 $0x0, s20;
	[sflag:s22] =	ssyncset.done $0x0  }
0xa6: {  	[sflag:s22] =	ssyncadd.s32 s6;
	_ =	sdelay $0x1  }
0xa7: {  	s23 =	simm.s32 $0x1B8B  }
0xa8: {  	_ =	swait.ge [sflag:s23], $0x1  }
0xa9: {  	[sflag:s23] =	ssyncset.done $0x0  }
0xaa: {  	s25 =	simm.s32 $0x1B8E;
	s24 =	sld [smem:$0x3FFE];
	[sflag:s23] =	ssyncadd.s32 $0xFFFFFFFF  }
0xab: {  	s26 =	simm.s32 $execute0_lowered;
	[smem:$0x3FD2] =	sst s25  }
0xac: {  	s7 =	sshll.u32 s26, $0x1;
	_ =	strace $0x80000046;
	[dreg:$0x1] =	wrdreg $0xFFFFFFFF  }
0xad: {  	s28 =	simm.s32 $_size_execute0_lowered;
	s5 =	sadd.s32 s5, s7;
	[dreg:$0x0] =	wrdreg $0x0  }
0xae: {  	s7 =	sshll.u32 s28, $0x1;
	[dreg:$0x2] =	wrdreg s5  }
0xaf: {  	[dreg:$0x3] =	wrdreg s7  }
0xb0: {  	[dreg:$0x4] =	wrdreg $0xC0  }
0xb1: {  	_ =	task [dreg:s9], $0x5FFFF  }
0xb2: {  	[dreg:$0x1] =	wrdreg $0xFFFFFFFF  }
0xb3: {  	[dreg:$0x0] =	wrdreg $0x60  }
0xb4: {  	[dreg:$0x2] =	wrdreg s15  }
0xb5: {  	[dreg:$0x3] =	wrdreg s24  }
0xb6: {  	[dreg:$0x4] =	wrdreg s16  }
0xb7: {  	[dreg:$0x5] =	wrdreg s17  }
0xb8: {  	[dreg:$0x6] =	wrdreg $0x9  }
0xb9: {  	_ =	task.clear_ibuf [dreg:s9], $0x7FFFF;
	_ =	strace $0x90000046  }
0xba: {  	s29 =	simm.s32 $0x9;
	_ =	strace $0x80000048  }
0xbb: {  	_ =	swait.ge [sflag:s29], $0x1  }
0xbc: {  	[sflag:s29] =	ssyncadd.s32 $0xFFFFFFFF  }
0xbd: {  	_ =	strace $0x90000048  }
0xbe: {  	_ =	sfence  }
0xbf: {  	s30 =	sld [smem:$0x0];
	_ =	sdelay $0x2  }
0xc0: {  	s31 =	sshll.u32 s1, $0xD;
	s1 =	sshrl.u32 s1, $0x2  }
0xc1: {  	s3 =	sand.u32 $0x4000, s31;
	s1 =	sadd.s32 s1, s30  }
0xc2: {  	s0 =	sor.u32 s3, s0;
	s1 =	sshll.u32 s1, $0x11  }
0xc3: {  	s0 =	sor.u32 s1, s0  }
0xc4: {  	s0 =	sadd.s32 $0x8F2B, s0  }
0xc5: {  	[sflag:s0] =	ssyncadd.remote.s32 $0x1  }
0xc6: {  	_ =	sfence.sel $0xFFFF  }
0xc7: {  	[dreg:$0x0] =	wrdreg $0xFFFFFFFF;
	(pc) =	sbr.abs _section_cstart, $3  }
0xc8: {  	[dreg:$0x1] =	wrdreg $0xFFFFFFFF  }
0xc9: {  	_ =	task.clear_ibuf [dreg:s9], $0x2FFFF;
	_ =	strace $0x9FFFFFFF  }
0xca: {  	(tm) =	ssettm $0x7FFFFFFF  }
0xcb: {  	_ =	shalt  }
tec
execute0_lowered:
.L_overlay_start_1:
0x0: {  	(tag) =	ssettag $0x1  }
0x1: {  	s1 =	rddreg [dreg:$0x0]  }
0x2: {  	s0 =	rddreg [dreg:$0x1]  }
0x3: {  	s2 =	rddreg [dreg:$0x2]  }
0x4: {  	s3 =	rddreg [dreg:$0x3];
	s4 =	srdreg.scid;
	s5 =	simm.s32 $0x0  }
0x5: {  	s6 =	stileid.u32;
	s21 =	simm.s32 $0x4E80;
	s17 =	simm.s32 $0x2  }
0x6: {  	s18 =	simm.s32 $0x4;
	s20 =	simm.s32 $0x6;
	s22 =	simm.s32 $0x8  }
0x7: {  	s4 =	sand.u32 $0x1, s4;
	[smem:$0x7FF] =	sst s5;
	s9 =	sshll.u32 s6, $0x1  }
0x8: {  	s6 =	sadd.s32 $0x400400, s0;
	s7 =	ssub.s32 $0x2, s4;
	s4 =	sor.u32 s4, s9  }
0x9: {  	_ =	strace $0x80000047;
	s8 =	sshrl.u32 s7, $0x1;
	s9 =	sshll.u32 s4, $0xF  }
0xa: {  	s10 =	sshll.u32 s4, $0xD;
	s24 =	ssub.s32 s7, s8;
	s7 =	sshll.u32 s4, $0x12  }
0xb: {  	s8 =	sshll.u32 s4, $0x10;
	s9 =	sadd.s32 s1, s9;
	s15 =	sadd.s32 s6, s10  }
0xc: {  	s10 =	simm.s32 $0x4F80;
	s4 =	simm.s32 $0x0;
	s11 =	sor.u32 $0x800000, s7  }
0xd: {  	s12 =	sor.u32 $0x200000, s8;
	s13 =	sor.u32 $0x1000000, s7;
	[dreg:$0x5] =	wrdreg s15  }
0xe: {  	s29 =	sor.u32 $0x1002000, s7;
	s30 =	sor.u32 $0x1004000, s7;
	[dreg:$0x6] =	wrdreg s13  }
0xf: {  	s0 =	smax.u32 s24, $0x1;
	s31 =	sadd.s32 $0x10, s15;
	[dreg:$0x8] =	wrdreg s29  }
0x10: {  	s15 =	simm.s32 $0x1;
	s25 =	sshrl.u32 s11, $0x3;
	[dreg:$0x9] =	wrdreg s30  }
0x11: {  	s26 =	sshrl.u32 s12, $0x3;
	s13 =	sshrl.u32 s13, $0x3;
	[dreg:$0xa] =	wrdreg s0  }
0x12: {  	[dreg:$0xb] =	wrdreg s31;
	s14 =	sadd.s32 s1, s25;
	s28 =	sadd.s32 s6, s26  }
0x13: {  	s16 =	sadd.s32 s1, s13;
	s13 =	simm.s32 $0x3;
	[dreg:$0x7] =	wrdreg s28  }
.LBB2_1:
0x14: {  	[dreg:$0xc] =	wrdreg s4;
	s0 =	simm.s32 $0x10  }
0x15: {  	s25 =	sadd.s32 $0x0, s9;
	s23 =	simm.s32 $0x100;
	s24 =	simm.s32 $0x0  }
.LBB2_2:
0x16: {  	[tilespmem:s24], [sflag:$0x1] =	stream.linear.gather [hbm4b:s25+s5], $0x80, $0x38;
	[tilespmem:$0xD000] =	vst v63  }
0x17: {  	s25 =	smov.u32 s0;
	s24 =	smov.u32 s23;
	p0 =	sne.s32 s0, $0x3F0  }
.Ltmp0:
0x18: {  	s0 =	sadd.s32 $0x10, s0;
	(pc) =	sbr.rel @p0 .LBB2_2-.Ltmp0, $2  }
0x19: {  	_ =	sdelay $0x2  }
0x1a: {  	s23 =	sadd.s32 $0x100, s23;
	s25 =	sadd.s32 s25, s9  }
0x1b: {  	[tilespmem:s24], [sflag:$0x1] =	stream.linear.gather [hbm4b:s25+s5], $0x80, $0x38;
	[tilespmem:$0xD000] =	vst v63  }
0x1c: {  	s23 =	simm.s32 $0x0;
	s4 =	rddreg [dreg:$0x5];
	s0 =	simm.s32 $0x4000  }
0x1d: {  	[tilespmem:s0], [sflag:$0x3] =	stream.linear.gather [hbm4b:s4+s23], $0x80, $0x38;
	[tilespmem:$0xD000] =	vst v63  }
0x1e: {  	s26 =	rddreg [dreg:$0xb];
	s19 =	simm.s32 $0x4100  }
0x1f: {  	[tilespmem:s19], [sflag:$0x3] =	stream.linear.gather [hbm4b:s26+s23], $0x80, $0x38;
	[tilespmem:$0xD000] =	vst v63  }
0x20: {  	s29 =	simm.s32 $0x4200;
	s28 =	sadd.s32 $0x20, s4  }
0x21: {  	[tilespmem:s29], [sflag:$0x3] =	stream.linear.gather [hbm4b:s28+s23], $0x80, $0x38;
	[tilespmem:$0xD000] =	vst v63  }
0x22: {  	s31 =	simm.s32 $0x4300;
	s30 =	sadd.s32 $0x30, s4  }
0x23: {  	[tilespmem:s31], [sflag:$0x3] =	stream.linear.gather [hbm4b:s30+s23], $0x80, $0x38;
	[tilespmem:$0xD000] =	vst v63  }
0x24: {  	s24 =	simm.s32 $0x4400;
	s19 =	sadd.s32 $0x40, s4  }
0x25: {  	[tilespmem:s24], [sflag:$0x3] =	stream.linear.gather [hbm4b:s19+s23], $0x80, $0x38;
	[tilespmem:$0xD000] =	vst v63  }
0x26: {  	s25 =	sadd.s32 $0x50, s4;
	s26 =	simm.s32 $0x4500  }
0x27: {  	[tilespmem:s26], [sflag:$0x3] =	stream.linear.gather [hbm4b:s25+s23], $0x80, $0x38;
	[tilespmem:$0xD000] =	vst v63  }
0x28: {  	s28 =	sadd.s32 $0x60, s4;
	s29 =	simm.s32 $0x4600  }
0x29: {  	[tilespmem:s29], [sflag:$0x3] =	stream.linear.gather [hbm4b:s28+s23], $0x80, $0x38;
	[tilespmem:$0xD000] =	vst v63  }
0x2a: {  	s30 =	sadd.s32 $0x70, s4;
	s31 =	simm.s32 $0x4700  }
0x2b: {  	[tilespmem:s31], [sflag:$0x3] =	stream.linear.gather [hbm4b:s30+s23], $0x80, $0x38;
	[tilespmem:$0xD000] =	vst v63  }
0x2c: {  	s19 =	sadd.s32 $0x80, s4;
	s24 =	simm.s32 $0x4800  }
0x2d: {  	[tilespmem:s24], [sflag:$0x3] =	stream.linear.gather [hbm4b:s19+s23], $0x80, $0x38;
	[tilespmem:$0xD000] =	vst v63  }
0x2e: {  	s25 =	sadd.s32 $0x90, s4;
	s26 =	simm.s32 $0x4900  }
0x2f: {  	[tilespmem:s26], [sflag:$0x3] =	stream.linear.gather [hbm4b:s25+s23], $0x80, $0x38;
	[tilespmem:$0xD000] =	vst v63  }
0x30: {  	s28 =	sadd.s32 $0xA0, s4;
	s29 =	simm.s32 $0x4A00  }
0x31: {  	[tilespmem:s29], [sflag:$0x3] =	stream.linear.gather [hbm4b:s28+s23], $0x80, $0x38;
	[tilespmem:$0xD000] =	vst v63  }
0x32: {  	s30 =	sadd.s32 $0xB0, s4;
	s31 =	simm.s32 $0x4B00  }
0x33: {  	[tilespmem:s31], [sflag:$0x3] =	stream.linear.gather [hbm4b:s30+s23], $0x80, $0x38;
	[tilespmem:$0xD000] =	vst v63  }
0x34: {  	s19 =	sadd.s32 $0xC0, s4;
	s24 =	simm.s32 $0x4C00  }
0x35: {  	[tilespmem:s24], [sflag:$0x3] =	stream.linear.gather [hbm4b:s19+s23], $0x80, $0x38;
	[tilespmem:$0xD000] =	vst v63  }
0x36: {  	s25 =	sadd.s32 $0xD0, s4;
	s26 =	simm.s32 $0x4D00  }
0x37: {  	[tilespmem:s26], [sflag:$0x3] =	stream.linear.gather [hbm4b:s25+s23], $0x80, $0x38;
	[tilespmem:$0xD000] =	vst v63  }
0x38: {  	s28 =	sadd.s32 $0xE0, s4;
	s29 =	simm.s32 $0x4E00  }
0x39: {  	[tilespmem:s29], [sflag:$0x3] =	stream.linear.gather [hbm4b:s28+s23], $0x80, $0x38;
	[tilespmem:$0xD000] =	vst v63  }
0x3a: {  	s30 =	sadd.s32 $0xF0, s4;
	s31 =	simm.s32 $0x4F00  }
0x3b: {  	[tilespmem:s31], [sflag:$0x3] =	stream.linear.gather [hbm4b:s30+s23], $0x80, $0x38;
	[tilespmem:$0xD000] =	vst v63  }
.LBB2_4:
0x3c: {  	s0 =	sshllo.u32 s23, $0x1  }
0x3d: {  	s24 =	sshll.u32 s0, $0xD  }
0x3e: {  	s24 =	sadd.s32 s7, s24  }
0x3f: {  	s24 =	sshrl.u32 s24, $0x3  }
0x40: {  	s25 =	sshll.u32 s23, $0x1;
	s28 =	simm.s32 $0x80;
	s26 =	sadd.s32 s1, s24  }
0x41: {  	s29 =	simm.s32 $0x10;
	s30 =	simm.s32 $0x180;
	s31 =	sadd.s32 $0x0, s26  }
.LBB2_5:
0x42: {  	[tilespmem:s28], [sflag:$0x2] =	stream.linear.gather [hbm4b:s31+s5], $0x80, $0x38;
	[tilespmem:$0xD000] =	vst v63  }
0x43: {  	s31 =	smov.u32 s29;
	s28 =	smov.u32 s30;
	p0 =	sne.s32 s29, $0x3F0  }
.Ltmp1:
0x44: {  	s29 =	sadd.s32 $0x10, s29;
	(pc) =	sbr.rel @p0 .LBB2_5-.Ltmp1, $2  }
0x45: {  	_ =	sdelay $0x2  }
0x46: {  	s30 =	sadd.s32 $0x100, s30;
	s31 =	sadd.s32 s31, s26  }
0x47: {  	[tilespmem:s28], [sflag:$0x2] =	stream.linear.gather [hbm4b:s31+s5], $0x80, $0x38;
	[tilespmem:$0xD000] =	vst v63  }
0x48: {  	s0 =	sshll.u32 s0, $0xB  }
0x49: {  	s0 =	sadd.s32 s8, s0  }
0x4a: {  	s0 =	sshrl.u32 s0, $0x3  }
0x4b: {  	s4 =	simm.s32 $0x4080;
	s0 =	sadd.s32 s6, s0  }
0x4c: {  	[tilespmem:s4], [sflag:$0x4] =	stream.linear.gather [hbm4b:s0+s5], $0x80, $0x38;
	[tilespmem:$0xD000] =	vst v63  }
0x4d: {  	s19 =	simm.s32 $0x4180;
	s26 =	sadd.s32 $0x10, s0  }
0x4e: {  	[tilespmem:s19], [sflag:$0x4] =	stream.linear.gather [hbm4b:s26+s5], $0x80, $0x38;
	[tilespmem:$0xD000] =	vst v63  }
0x4f: {  	s4 =	sadd.s32 $0x20, s0;
	s19 =	simm.s32 $0x4280  }
0x50: {  	[tilespmem:s19], [sflag:$0x4] =	stream.linear.gather [hbm4b:s4+s5], $0x80, $0x38;
	[tilespmem:$0xD000] =	vst v63  }
0x51: {  	s4 =	sadd.s32 $0x30, s0;
	s19 =	simm.s32 $0x4380  }
0x52: {  	[tilespmem:s19], [sflag:$0x4] =	stream.linear.gather [hbm4b:s4+s5], $0x80, $0x38;
	[tilespmem:$0xD000] =	vst v63  }
0x53: {  	s4 =	sadd.s32 $0x40, s0;
	s19 =	simm.s32 $0x4480  }
0x54: {  	[tilespmem:s19], [sflag:$0x4] =	stream.linear.gather [hbm4b:s4+s5], $0x80, $0x38;
	[tilespmem:$0xD000] =	vst v63  }
0x55: {  	s4 =	sadd.s32 $0x50, s0;
	s19 =	simm.s32 $0x4580  }
0x56: {  	[tilespmem:s19], [sflag:$0x4] =	stream.linear.gather [hbm4b:s4+s5], $0x80, $0x38;
	[tilespmem:$0xD000] =	vst v63  }
0x57: {  	s4 =	sadd.s32 $0x60, s0;
	s19 =	simm.s32 $0x4680  }
0x58: {  	[tilespmem:s19], [sflag:$0x4] =	stream.linear.gather [hbm4b:s4+s5], $0x80, $0x38;
	[tilespmem:$0xD000] =	vst v63  }
0x59: {  	s4 =	sadd.s32 $0x70, s0;
	s19 =	simm.s32 $0x4780  }
0x5a: {  	[tilespmem:s19], [sflag:$0x4] =	stream.linear.gather [hbm4b:s4+s5], $0x80, $0x38;
	[tilespmem:$0xD000] =	vst v63  }
0x5b: {  	s4 =	sadd.s32 $0x80, s0;
	s19 =	simm.s32 $0x4880  }
0x5c: {  	[tilespmem:s19], [sflag:$0x4] =	stream.linear.gather [hbm4b:s4+s5], $0x80, $0x38;
	[tilespmem:$0xD000] =	vst v63  }
0x5d: {  	s4 =	sadd.s32 $0x90, s0;
	s19 =	simm.s32 $0x4980  }
0x5e: {  	[tilespmem:s19], [sflag:$0x4] =	stream.linear.gather [hbm4b:s4+s5], $0x80, $0x38;
	[tilespmem:$0xD000] =	vst v63  }
0x5f: {  	s4 =	sadd.s32 $0xA0, s0;
	s19 =	simm.s32 $0x4A80  }
0x60: {  	[tilespmem:s19], [sflag:$0x4] =	stream.linear.gather [hbm4b:s4+s5], $0x80, $0x38;
	[tilespmem:$0xD000] =	vst v63  }
0x61: {  	s4 =	sadd.s32 $0xB0, s0;
	s19 =	simm.s32 $0x4B80  }
0x62: {  	[tilespmem:s19], [sflag:$0x4] =	stream.linear.gather [hbm4b:s4+s5], $0x80, $0x38;
	[tilespmem:$0xD000] =	vst v63  }
0x63: {  	s4 =	sadd.s32 $0xC0, s0;
	s19 =	simm.s32 $0x4C80  }
0x64: {  	[tilespmem:s19], [sflag:$0x4] =	stream.linear.gather [hbm4b:s4+s5], $0x80, $0x38;
	[tilespmem:$0xD000] =	vst v63  }
0x65: {  	s4 =	sadd.s32 $0xD0, s0;
	s19 =	simm.s32 $0x4D80  }
0x66: {  	[tilespmem:s19], [sflag:$0x4] =	stream.linear.gather [hbm4b:s4+s5], $0x80, $0x38;
	[tilespmem:$0xD000] =	vst v63  }
0x67: {  	s19 =	sadd.s32 $0xE0, s0  }
0x68: {  	[tilespmem:s21], [sflag:$0x4] =	stream.linear.gather [hbm4b:s19+s5], $0x80, $0x38;
	[tilespmem:$0xD000] =	vst v63  }
0x69: {  	s0 =	sadd.s32 $0xF0, s0  }
0x6a: {  	[tilespmem:s10], [sflag:$0x4] =	stream.linear.gather [hbm4b:s0+s5], $0x80, $0x38;
	[tilespmem:$0xD000] =	vst v63  }
0x6b: {  	_ =	swait.ge [sflag:s15], $0x2000  }
0x6c: {  	[sflag:s15] =	ssyncset.done $0x0  }
0x6d: {  	[sflag:s15] =	ssyncadd.s32 $0xFFFFE000  }
0x6e: {  	_ =	swait.ge [sflag:s13], $0x800  }
0x6f: {  	p0 =	seq.s32 s23, $0x0;
	[sflag:s13] =	ssyncset.done $0x0  }
0x70: {  	s0 =	simm.s32 @!p0 $0x5;
	[sflag:s13] =	ssyncadd.s32 $0xFFFFF800  }
0x71: {  	_ =	swait.ge @!p0 [sflag:s0], $0x2000  }
0x72: {  	[sflag:s0] =	ssyncset.done @!p0 $0x0  }
0x73: {  	[sflag:s0] =	ssyncadd.s32 @!p0 $0xFFFFE000;
	s0 =	simm.s32 @!p0 $0x7  }
0x74: {  	_ =	swait.ge @!p0 [sflag:s0], $0x2000  }
0x75: {  	[sflag:s0] =	ssyncset.done @!p0 $0x0  }
0x76: {  	s4 =	simm.s32 $0x40;
	[sflag:s0] =	ssyncadd.s32 @!p0 $0xFFFFE000  }
0x77: {  	v0 =	vld [tilespmem:s4+$0xFFFFFFC0];
	_ =	sdelay $0x4  }
0x78: {  	v0 =	vmul.f32 $3.819718600e+00, v0;
	_ =	sdelay $0x1  }
0x79: {  	v0 =	vadd.f32 $1.200000000e+01, v0;
	_ =	sdelay $0x1  }
0x7a: {  	v0 =	vtrunc.f32 v0  }
0x7b: {  	v0 =	vcvt.f32.s32 v0;
	_ =	sdelay $0x1  }
0x7c: {  	s26 =	simm.s32 $0x0;
	vm0 =	vlt.s32 v0, $0x17  }
0x7d: {  	s28 =	sand.u32 $0x60, s26;
	s29 =	sand.u32 $0xF00, s26;
	v0 =	vnsel vm0, $0x17, v0  }
0x7e: {  	s28 =	sor.u32 s28, s29;
	v1 =	vcvt.s32.f32 v0  }
0x7f: {  	v2 =	vld [tilespmem:s28+$0x4000]  }
0x80: {  	v1 =	vadd.f32 $5.000000000e-01, v1;
	_ =	sdelay $0x1  }
0x81: {  	v1 =	vmul.f32 $2.617993950e-01, v1;
	_ =	sdelay $0x1  }
0x82: {  	v3 =	vand.u32 $0x1, v2;
	v1 =	vadd.f32 $-3.141592740e+00, v1  }
0x83: {  	vm13 =	veq.s32 v3, $0x0  }
0x84: {  	s29 =	simm.s32 $0x5040;
	v1 =	vnsel vm13, $0x0, v1  }
0x85: {  	v3 =	vld [tilespmem:s28+$0x4010];
	s28 =	simm.s32 $0x9040;
	v0 =	vnsel vm13, $0x18, v0;
	[tilespmem:s29+$0xFFFFFFC0] =	vst v1  }
0x86: {  	[tilespmem:s28+$0xFFFFFFC0] =	vst v0  }
0x87: {  	v0 =	vld [tilespmem:s4+$0xFFFFFFD0];
	_ =	sdelay $0x4  }
0x88: {  	v0 =	vmul.f32 $3.819718600e+00, v0;
	_ =	sdelay $0x1  }
0x89: {  	v0 =	vadd.f32 $1.200000000e+01, v0;
	_ =	sdelay $0x1  }
0x8a: {  	v0 =	vtrunc.f32 v0  }
0x8b: {  	v0 =	vcvt.f32.s32 v0;
	_ =	sdelay $0x1  }
0x8c: {  	vm14 =	vlt.s32 v0, $0x17  }
0x8d: {  	v0 =	vnsel vm14, $0x17, v0  }
0x8e: {  	v1 =	vcvt.s32.f32 v0;
	_ =	sdelay $0x1  }
0x8f: {  	v1 =	vadd.f32 $5.000000000e-01, v1;
	_ =	sdelay $0x1  }
0x90: {  	v1 =	vmul.f32 $2.617993950e-01, v1;
	_ =	sdelay $0x1  }
0x91: {  	v4 =	vand.u32 $0x100, v2;
	v1 =	vadd.f32 $-3.141592740e+00, v1  }
0x92: {  	vm15 =	veq.s32 v4, $0x0  }
0x93: {  	v1 =	vnsel vm15, $0x0, v1  }
0x94: {  	v0 =	vnsel vm15, $0x18, v0;
	[tilespmem:s29+$0xFFFFFFD0] =	vst v1  }
0x95: {  	[tilespmem:s28+$0xFFFFFFD0] =	vst v0  }
0x96: {  	v0 =	vld [tilespmem:s4+$0xFFFFFFE0];
	_ =	sdelay $0x4  }
0x97: {  	v0 =	vmul.f32 $3.819718600e+00, v0;
	_ =	sdelay $0x1  }
0x98: {  	v0 =	vadd.f32 $1.200000000e+01, v0;
	_ =	sdelay $0x1  }
0x99: {  	v0 =	vtrunc.f32 v0  }
0x9a: {  	v0 =	vcvt.f32.s32 v0;
	_ =	sdelay $0x1  }
0x9b: {  	vm4 =	vlt.s32 v0, $0x17  }
0x9c: {  	v0 =	vnsel vm4, $0x17, v0  }
0x9d: {  	v1 =	vcvt.s32.f32 v0;
	_ =	sdelay $0x1  }
0x9e: {  	v1 =	vadd.f32 $5.000000000e-01, v1;
	_ =	sdelay $0x1  }
0x9f: {  	v1 =	vmul.f32 $2.617993950e-01, v1;
	_ =	sdelay $0x1  }
0xa0: {  	v63 =	vand.u32 $0x10000, v2;
	v1 =	vadd.f32 $-3.141592740e+00, v1  }
0xa1: {  	vm5 =	veq.s32 v63, $0x0  }
0xa2: {  	v1 =	vnsel vm5, $0x0, v1  }
0xa3: {  	v0 =	vnsel vm5, $0x18, v0;
	[tilespmem:s29+$0xFFFFFFE0] =	vst v1  }
0xa4: {  	[tilespmem:s28+$0xFFFFFFE0] =	vst v0  }
0xa5: {  	v0 =	vld [tilespmem:s4+$0xFFFFFFF0];
	_ =	sdelay $0x4  }
0xa6: {  	v0 =	vmul.f32 $3.819718600e+00, v0;
	_ =	sdelay $0x1  }
0xa7: {  	v0 =	vadd.f32 $1.200000000e+01, v0;
	_ =	sdelay $0x1  }
0xa8: {  	v0 =	vtrunc.f32 v0  }
0xa9: {  	v0 =	vcvt.f32.s32 v0;
	_ =	sdelay $0x1  }
0xaa: {  	vm6 =	vlt.s32 v0, $0x17  }
0xab: {  	v0 =	vnsel vm6, $0x17, v0  }
0xac: {  	v1 =	vcvt.s32.f32 v0;
	_ =	sdelay $0x1  }
0xad: {  	v1 =	vadd.f32 $5.000000000e-01, v1;
	_ =	sdelay $0x1  }
0xae: {  	v1 =	vmul.f32 $2.617993950e-01, v1;
	_ =	sdelay $0x1  }
0xaf: {  	v2 =	vand.u32 $0x1000000, v2;
	v1 =	vadd.f32 $-3.141592740e+00, v1  }
0xb0: {  	vm7 =	veq.s32 v2, $0x0  }
0xb1: {  	v1 =	vnsel vm7, $0x0, v1  }
0xb2: {  	v0 =	vnsel vm7, $0x18, v0;
	[tilespmem:s29+$0xFFFFFFF0] =	vst v1  }
0xb3: {  	[tilespmem:s28+$0xFFFFFFF0] =	vst v0  }
0xb4: {  	v0 =	vld [tilespmem:s4+$0x0];
	_ =	sdelay $0x4  }
0xb5: {  	v0 =	vmul.f32 $3.819718600e+00, v0;
	_ =	sdelay $0x1  }
0xb6: {  	v0 =	vadd.f32 $1.200000000e+01, v0;
	_ =	sdelay $0x1  }
0xb7: {  	v0 =	vtrunc.f32 v0  }
0xb8: {  	v0 =	vcvt.f32.s32 v0;
	_ =	sdelay $0x1  }
0xb9: {  	vm8 =	vlt.s32 v0, $0x17  }
0xba: {  	v0 =	vnsel vm8, $0x17, v0  }
0xbb: {  	v1 =	vcvt.s32.f32 v0;
	_ =	sdelay $0x1  }
0xbc: {  	v1 =	vadd.f32 $5.000000000e-01, v1;
	_ =	sdelay $0x1  }
0xbd: {  	v1 =	vmul.f32 $2.617993950e-01, v1;
	_ =	sdelay $0x1  }
0xbe: {  	v2 =	vand.u32 $0x1, v3;
	v1 =	vadd.f32 $-3.141592740e+00, v1  }
0xbf: {  	vm9 =	veq.s32 v2, $0x0  }
0xc0: {  	v1 =	vnsel vm9, $0x0, v1  }
0xc1: {  	v0 =	vnsel vm9, $0x18, v0;
	[tilespmem:s29+$0x0] =	vst v1  }
0xc2: {  	[tilespmem:s28+$0x0] =	vst v0  }
0xc3: {  	v0 =	vld [tilespmem:s4+$0x10];
	_ =	sdelay $0x4  }
0xc4: {  	v0 =	vmul.f32 $3.819718600e+00, v0;
	_ =	sdelay $0x1  }
0xc5: {  	v0 =	vadd.f32 $1.200000000e+01, v0;
	_ =	sdelay $0x1  }
0xc6: {  	v0 =	vtrunc.f32 v0  }
0xc7: {  	v0 =	vcvt.f32.s32 v0;
	_ =	sdelay $0x1  }
0xc8: {  	vm10 =	vlt.s32 v0, $0x17  }
0xc9: {  	v0 =	vnsel vm10, $0x17, v0  }
0xca: {  	v1 =	vcvt.s32.f32 v0;
	_ =	sdelay $0x1  }
0xcb: {  	v1 =	vadd.f32 $5.000000000e-01, v1;
	_ =	sdelay $0x1  }
0xcc: {  	v1 =	vmul.f32 $2.617993950e-01, v1;
	_ =	sdelay $0x1  }
0xcd: {  	v2 =	vand.u32 $0x100, v3;
	v1 =	vadd.f32 $-3.141592740e+00, v1  }
0xce: {  	vm11 =	veq.s32 v2, $0x0  }
0xcf: {  	v1 =	vnsel vm11, $0x0, v1  }
0xd0: {  	v0 =	vnsel vm11, $0x18, v0;
	[tilespmem:s29+$0x10] =	vst v1  }
0xd1: {  	[tilespmem:s28+$0x10] =	vst v0  }
0xd2: {  	v0 =	vld [tilespmem:s4+$0x20];
	_ =	sdelay $0x4  }
0xd3: {  	v0 =	vmul.f32 $3.819718600e+00, v0;
	_ =	sdelay $0x1  }
0xd4: {  	v0 =	vadd.f32 $1.200000000e+01, v0;
	_ =	sdelay $0x1  }
0xd5: {  	v0 =	vtrunc.f32 v0  }
0xd6: {  	v0 =	vcvt.f32.s32 v0;
	_ =	sdelay $0x1  }
0xd7: {  	vm12 =	vlt.s32 v0, $0x17  }
0xd8: {  	v0 =	vnsel vm12, $0x17, v0  }
0xd9: {  	v1 =	vcvt.s32.f32 v0;
	_ =	sdelay $0x1  }
0xda: {  	v1 =	vadd.f32 $5.000000000e-01, v1;
	_ =	sdelay $0x1  }
0xdb: {  	v1 =	vmul.f32 $2.617993950e-01, v1;
	_ =	sdelay $0x1  }
0xdc: {  	v2 =	vand.u32 $0x10000, v3;
	v1 =	vadd.f32 $-3.141592740e+00, v1  }
0xdd: {  	vm13 =	veq.s32 v2, $0x0  }
0xde: {  	v1 =	vnsel vm13, $0x0, v1  }
0xdf: {  	v0 =	vnsel vm13, $0x18, v0;
	[tilespmem:s29+$0x20] =	vst v1  }
0xe0: {  	[tilespmem:s28+$0x20] =	vst v0  }
0xe1: {  	v0 =	vld [tilespmem:s4+$0x30];
	_ =	sdelay $0x4  }
0xe2: {  	v0 =	vmul.f32 $3.819718600e+00, v0;
	_ =	sdelay $0x1  }
0xe3: {  	v0 =	vadd.f32 $1.200000000e+01, v0;
	_ =	sdelay $0x1  }
0xe4: {  	v0 =	vtrunc.f32 v0  }
0xe5: {  	v0 =	vcvt.f32.s32 v0;
	_ =	sdelay $0x1  }
0xe6: {  	vm14 =	vlt.s32 v0, $0x17  }
0xe7: {  	v0 =	vnsel vm14, $0x17, v0  }
0xe8: {  	v1 =	vcvt.s32.f32 v0;
	_ =	sdelay $0x1  }
0xe9: {  	v1 =	vadd.f32 $5.000000000e-01, v1;
	_ =	sdelay $0x1  }
0xea: {  	v1 =	vmul.f32 $2.617993950e-01, v1;
	_ =	sdelay $0x1  }
0xeb: {  	v2 =	vand.u32 $0x1000000, v3;
	v1 =	vadd.f32 $-3.141592740e+00, v1  }
0xec: {  	vm15 =	veq.s32 v2, $0x0  }
0xed: {  	s19 =	sshll.u32 s23, $0xE;
	v1 =	vnsel vm15, $0x0, v1  }
0xee: {  	s31 =	simm.s32 $0x20;
	s30 =	sadd.s32 s7, s19;
	s0 =	simm.s32 $0x140;
	v0 =	vnsel vm15, $0x18, v0;
	[tilespmem:s29+$0x30] =	vst v1  }
.LBB2_7:
0xef: {  	[tilespmem:s28+$0x30] =	vst v0;
	s26 =	sadd.s32 $0x40, s26;
	s28 =	sadd.s32 $0x100, s28;
	s29 =	sadd.s32 $0x100, s29  }
0xf0: {  	p1 =	sne.s32 s31, $0x7E0;
	s4 =	smov.u32 s31;
	s31 =	sadd.s32 $0x20, s31;
	v0 =	vld [tilespmem:s0+$0xFFFFFFC0]  }
0xf1: {  	_ =	sdelay $0x3  }
0xf2: {  	v0 =	vmul.f32 $3.819718600e+00, v0;
	_ =	sdelay $0x1  }
0xf3: {  	v0 =	vadd.f32 $1.200000000e+01, v0;
	_ =	sdelay $0x1  }
0xf4: {  	v0 =	vtrunc.f32 v0  }
0xf5: {  	v0 =	vcvt.f32.s32 v0;
	_ =	sdelay $0x1  }
0xf6: {  	vm0 =	vlt.s32 v0, $0x17  }
0xf7: {  	s4 =	sand.u32 $0x60, s4;
	s19 =	sand.u32 $0xF00, s26;
	v0 =	vnsel vm0, $0x17, v0  }
0xf8: {  	s4 =	sor.u32 s4, s19;
	v1 =	vcvt.s32.f32 v0  }
0xf9: {  	v2 =	vld [tilespmem:s4+$0x4000]  }
0xfa: {  	v1 =	vadd.f32 $5.000000000e-01, v1;
	_ =	sdelay $0x1  }
0xfb: {  	v1 =	vmul.f32 $2.617993950e-01, v1;
	_ =	sdelay $0x1  }
0xfc: {  	v1 =	vadd.f32 $-3.141592740e+00, v1;
	v3 =	vand.u32 $0x1, v2;
	v4 =	vand.u32 $0x100, v2  }
0xfd: {  	v5 =	vand.u32 $0x10000, v2;
	v6 =	vand.u32 $0x1000000, v2;
	vm0 =	veq.s32 v3, $0x0  }
0xfe: {  	v7 =	vld [tilespmem:s4+$0x4010];
	v1 =	vnsel vm0, $0x0, v1  }
0xff: {  	v0 =	vnsel vm0, $0x18, v0;
	[tilespmem:s29+$0xFFFFFFC0] =	vst v1  }
0x100: {  	[tilespmem:s28+$0xFFFFFFC0] =	vst v0  }
0x101: {  	v8 =	vld [tilespmem:s0+$0xFFFFFFD0];
	_ =	sdelay $0x1  }
0x102: {  	v3 =	vand.u32 $0x1, v7;
	v2 =	vand.u32 $0x100, v7;
	v1 =	vand.u32 $0x10000, v7  }
0x103: {  	v0 =	vand.u32 $0x1000000, v7;
	_ =	sdelay $0x1  }
0x104: {  	v7 =	vmul.f32 $3.819718600e+00, v8;
	_ =	sdelay $0x1  }
0x105: {  	v7 =	vadd.f32 $1.200000000e+01, v7;
	_ =	sdelay $0x1  }
0x106: {  	v7 =	vtrunc.f32 v7  }
0x107: {  	v7 =	vcvt.f32.s32 v7;
	_ =	sdelay $0x1  }
0x108: {  	vm0 =	vlt.s32 v7, $0x17  }
0x109: {  	v7 =	vnsel vm0, $0x17, v7  }
0x10a: {  	v8 =	vcvt.s32.f32 v7;
	_ =	sdelay $0x1  }
0x10b: {  	v8 =	vadd.f32 $5.000000000e-01, v8;
	_ =	sdelay $0x1  }
0x10c: {  	v8 =	vmul.f32 $2.617993950e-01, v8;
	_ =	sdelay $0x1  }
0x10d: {  	v8 =	vadd.f32 $-3.141592740e+00, v8  }
0x10e: {  	vm0 =	veq.s32 v4, $0x0  }
0x10f: {  	v4 =	vnsel vm0, $0x0, v8  }
0x110: {  	v7 =	vnsel vm0, $0x18, v7;
	[tilespmem:s29+$0xFFFFFFD0] =	vst v4  }
0x111: {  	[tilespmem:s28+$0xFFFFFFD0] =	vst v7  }
0x112: {  	v4 =	vld [tilespmem:s0+$0xFFFFFFE0];
	_ =	sdelay $0x4  }
0x113: {  	v4 =	vmul.f32 $3.819718600e+00, v4;
	_ =	sdelay $0x1  }
0x114: {  	v4 =	vadd.f32 $1.200000000e+01, v4;
	_ =	sdelay $0x1  }
0x115: {  	v4 =	vtrunc.f32 v4  }
0x116: {  	v4 =	vcvt.f32.s32 v4;
	_ =	sdelay $0x1  }
0x117: {  	vm0 =	vlt.s32 v4, $0x17  }
0x118: {  	v4 =	vnsel vm0, $0x17, v4  }
0x119: {  	v7 =	vcvt.s32.f32 v4;
	_ =	sdelay $0x1  }
0x11a: {  	v7 =	vadd.f32 $5.000000000e-01, v7;
	_ =	sdelay $0x1  }
0x11b: {  	v7 =	vmul.f32 $2.617993950e-01, v7;
	_ =	sdelay $0x1  }
0x11c: {  	v7 =	vadd.f32 $-3.141592740e+00, v7  }
0x11d: {  	vm0 =	veq.s32 v5, $0x0  }
0x11e: {  	v5 =	vnsel vm0, $0x0, v7  }
0x11f: {  	v4 =	vnsel vm0, $0x18, v4;
	[tilespmem:s29+$0xFFFFFFE0] =	vst v5  }
0x120: {  	[tilespmem:s28+$0xFFFFFFE0] =	vst v4  }
0x121: {  	v4 =	vld [tilespmem:s0+$0xFFFFFFF0];
	_ =	sdelay $0x4  }
0x122: {  	v4 =	vmul.f32 $3.819718600e+00, v4;
	_ =	sdelay $0x1  }
0x123: {  	v4 =	vadd.f32 $1.200000000e+01, v4;
	_ =	sdelay $0x1  }
0x124: {  	v4 =	vtrunc.f32 v4  }
0x125: {  	v4 =	vcvt.f32.s32 v4;
	_ =	sdelay $0x1  }
0x126: {  	vm0 =	vlt.s32 v4, $0x17  }
0x127: {  	v4 =	vnsel vm0, $0x17, v4  }
0x128: {  	v5 =	vcvt.s32.f32 v4;
	_ =	sdelay $0x1  }
0x129: {  	v5 =	vadd.f32 $5.000000000e-01, v5;
	_ =	sdelay $0x1  }
0x12a: {  	v5 =	vmul.f32 $2.617993950e-01, v5;
	_ =	sdelay $0x1  }
0x12b: {  	v5 =	vadd.f32 $-3.141592740e+00, v5  }
0x12c: {  	vm0 =	veq.s32 v6, $0x0  }
0x12d: {  	v5 =	vnsel vm0, $0x0, v5  }
0x12e: {  	v4 =	vnsel vm0, $0x18, v4;
	[tilespmem:s29+$0xFFFFFFF0] =	vst v5  }
0x12f: {  	[tilespmem:s28+$0xFFFFFFF0] =	vst v4  }
0x130: {  	v4 =	vld [tilespmem:s0+$0x0];
	_ =	sdelay $0x4  }
0x131: {  	v4 =	vmul.f32 $3.819718600e+00, v4;
	_ =	sdelay $0x1  }
0x132: {  	v4 =	vadd.f32 $1.200000000e+01, v4;
	_ =	sdelay $0x1  }
0x133: {  	v4 =	vtrunc.f32 v4  }
0x134: {  	v4 =	vcvt.f32.s32 v4;
	_ =	sdelay $0x1  }
0x135: {  	vm0 =	vlt.s32 v4, $0x17  }
0x136: {  	v4 =	vnsel vm0, $0x17, v4  }
0x137: {  	v5 =	vcvt.s32.f32 v4;
	_ =	sdelay $0x1  }
0x138: {  	v5 =	vadd.f32 $5.000000000e-01, v5;
	_ =	sdelay $0x1  }
0x139: {  	v5 =	vmul.f32 $2.617993950e-01, v5;
	_ =	sdelay $0x1  }
0x13a: {  	v5 =	vadd.f32 $-3.141592740e+00, v5  }
0x13b: {  	vm0 =	veq.s32 v3, $0x0  }
0x13c: {  	v3 =	vnsel vm0, $0x0, v5  }
0x13d: {  	v4 =	vnsel vm0, $0x18, v4;
	[tilespmem:s29+$0x0] =	vst v3  }
0x13e: {  	[tilespmem:s28+$0x0] =	vst v4  }
0x13f: {  	v3 =	vld [tilespmem:s0+$0x10];
	_ =	sdelay $0x4  }
0x140: {  	v3 =	vmul.f32 $3.819718600e+00, v3;
	_ =	sdelay $0x1  }
0x141: {  	v3 =	vadd.f32 $1.200000000e+01, v3;
	_ =	sdelay $0x1  }
0x142: {  	v3 =	vtrunc.f32 v3  }
0x143: {  	v3 =	vcvt.f32.s32 v3;
	_ =	sdelay $0x1  }
0x144: {  	vm0 =	vlt.s32 v3, $0x17  }
0x145: {  	v3 =	vnsel vm0, $0x17, v3  }
0x146: {  	v4 =	vcvt.s32.f32 v3;
	_ =	sdelay $0x1  }
0x147: {  	v4 =	vadd.f32 $5.000000000e-01, v4;
	_ =	sdelay $0x1  }
0x148: {  	v4 =	vmul.f32 $2.617993950e-01, v4;
	_ =	sdelay $0x1  }
0x149: {  	v4 =	vadd.f32 $-3.141592740e+00, v4  }
0x14a: {  	vm0 =	veq.s32 v2, $0x0  }
0x14b: {  	v2 =	vnsel vm0, $0x0, v4  }
0x14c: {  	v3 =	vnsel vm0, $0x18, v3;
	[tilespmem:s29+$0x10] =	vst v2  }
0x14d: {  	[tilespmem:s28+$0x10] =	vst v3  }
0x14e: {  	v2 =	vld [tilespmem:s0+$0x20];
	_ =	sdelay $0x4  }
0x14f: {  	v2 =	vmul.f32 $3.819718600e+00, v2;
	_ =	sdelay $0x1  }
0x150: {  	v2 =	vadd.f32 $1.200000000e+01, v2;
	_ =	sdelay $0x1  }
0x151: {  	v2 =	vtrunc.f32 v2  }
0x152: {  	v2 =	vcvt.f32.s32 v2;
	_ =	sdelay $0x1  }
0x153: {  	vm0 =	vlt.s32 v2, $0x17  }
0x154: {  	v2 =	vnsel vm0, $0x17, v2  }
0x155: {  	v3 =	vcvt.s32.f32 v2;
	_ =	sdelay $0x1  }
0x156: {  	v3 =	vadd.f32 $5.000000000e-01, v3;
	_ =	sdelay $0x1  }
0x157: {  	v3 =	vmul.f32 $2.617993950e-01, v3;
	_ =	sdelay $0x1  }
0x158: {  	v3 =	vadd.f32 $-3.141592740e+00, v3  }
0x159: {  	vm0 =	veq.s32 v1, $0x0  }
0x15a: {  	v1 =	vnsel vm0, $0x0, v3  }
0x15b: {  	v2 =	vnsel vm0, $0x18, v2;
	[tilespmem:s29+$0x20] =	vst v1  }
0x15c: {  	[tilespmem:s28+$0x20] =	vst v2  }
0x15d: {  	v1 =	vld [tilespmem:s0+$0x30];
	_ =	sdelay $0x4  }
0x15e: {  	v1 =	vmul.f32 $3.819718600e+00, v1;
	_ =	sdelay $0x1  }
0x15f: {  	v1 =	vadd.f32 $1.200000000e+01, v1;
	_ =	sdelay $0x1  }
0x160: {  	v1 =	vtrunc.f32 v1  }
0x161: {  	v1 =	vcvt.f32.s32 v1;
	_ =	sdelay $0x1  }
0x162: {  	vm0 =	vlt.s32 v1, $0x17  }
0x163: {  	v1 =	vnsel vm0, $0x17, v1  }
0x164: {  	v2 =	vcvt.s32.f32 v1;
	_ =	sdelay $0x1  }
0x165: {  	v2 =	vadd.f32 $5.000000000e-01, v2;
	_ =	sdelay $0x1  }
0x166: {  	v2 =	vmul.f32 $2.617993950e-01, v2  }
.Ltmp2:
0x167: {  	(pc) =	sbr.rel @p1 .LBB2_7-.Ltmp2, $4  }
0x168: {  	v2 =	vadd.f32 $-3.141592740e+00, v2  }
0x169: {  	vm0 =	veq.s32 v0, $0x0  }
0x16a: {  	v2 =	vnsel vm0, $0x0, v2  }
0x16b: {  	s0 =	sadd.s32 $0x100, s0;
	v0 =	vnsel vm0, $0x18, v1;
	[tilespmem:s29+$0x30] =	vst v2  }
0x16c: {  	s0 =	sshrl.u32 s30, $0x3  }
0x16d: {  	s29 =	simm.s32 $0x5000;
	s26 =	sadd.s32 s2, s0  }
0x16e: {  	[tilespmem:s28+$0x30] =	vst v0;
	s28 =	simm.s32 $0x10;
	s30 =	simm.s32 $0x5100;
	s31 =	sadd.s32 $0x0, s26  }
.LBB2_9:
0x16f: {  	[hbm4b:s31+s5] =	stream.linear.scatter [tilespmem:s29], [sflag:$0x5], $0x80, $0x38;
	[tilespmem:$0xD000] =	vst v63  }
0x170: {  	s4 =	smov.u32 s28;
	s29 =	smov.u32 s30;
	p1 =	sne.s32 s28, $0x3F0  }
.Ltmp3:
0x171: {  	s28 =	sadd.s32 $0x10, s28;
	(pc) =	sbr.rel @p1 .LBB2_9-.Ltmp3, $2  }
0x172: {  	_ =	sdelay $0x2  }
0x173: {  	s30 =	sadd.s32 $0x100, s30;
	s31 =	sadd.s32 s4, s26  }
0x174: {  	[hbm4b:s31+s5] =	stream.linear.scatter [tilespmem:s29], [sflag:$0x5], $0x80, $0x38;
	[tilespmem:$0xD000] =	vst v63  }
0x175: {  	s0 =	sadd.s32 s3, s0;
	s26 =	simm.s32 $0x9000  }
0x176: {  	s28 =	simm.s32 $0x10;
	s29 =	simm.s32 $0x9100;
	s30 =	sadd.s32 $0x0, s0  }
.LBB2_11:
0x177: {  	[hbm4b:s30+s5] =	stream.linear.scatter [tilespmem:s26], [sflag:$0x7], $0x80, $0x38;
	[tilespmem:$0xD000] =	vst v63  }
0x178: {  	s4 =	smov.u32 s28;
	s26 =	smov.u32 s29;
	p1 =	sne.s32 s28, $0x3F0  }
.Ltmp4:
0x179: {  	s28 =	sadd.s32 $0x10, s28;
	(pc) =	sbr.rel @p1 .LBB2_11-.Ltmp4, $2  }
0x17a: {  	_ =	sdelay $0x2  }
0x17b: {  	s29 =	sadd.s32 $0x100, s29;
	s30 =	sadd.s32 s4, s0  }
0x17c: {  	p1 =	seq.s32 s23, $0xF  }
.Ltmp5:
0x17d: {  	_ = 	snop;
	(pc) =	sbr.rel @p1 .LBB2_16-.Ltmp5, $2  }
0x17e: {  	_ =	sdelay $0x2  }
0x17f: {  	[hbm4b:s30+s5] =	stream.linear.scatter [tilespmem:s26], [sflag:$0x7], $0x80, $0x38;
	[tilespmem:$0xD000] =	vst v63  }
0x180: {  	s0 =	sadd.s32 $0x2, s25  }
0x181: {  	s4 =	sshll.u32 s0, $0xD  }
0x182: {  	s4 =	sadd.s32 s7, s4  }
0x183: {  	s4 =	sshrl.u32 s4, $0x3  }
0x184: {  	s26 =	simm.s32 $0x0;
	s25 =	sadd.s32 s1, s4  }
0x185: {  	s28 =	simm.s32 $0x10;
	s29 =	simm.s32 $0x100;
	s30 =	sadd.s32 $0x0, s25  }
.LBB2_14:
0x186: {  	[tilespmem:s26], [sflag:$0x1] =	stream.linear.gather [hbm4b:s30+s5], $0x80, $0x38;
	[tilespmem:$0xD000] =	vst v63  }
0x187: {  	s4 =	smov.u32 s28;
	s26 =	smov.u32 s29;
	p1 =	sne.s32 s28, $0x3F0  }
.Ltmp6:
0x188: {  	s28 =	sadd.s32 $0x10, s28;
	(pc) =	sbr.rel @p1 .LBB2_14-.Ltmp6, $2  }
0x189: {  	_ =	sdelay $0x2  }
0x18a: {  	s29 =	sadd.s32 $0x100, s29;
	s30 =	sadd.s32 s4, s25  }
0x18b: {  	[tilespmem:s26], [sflag:$0x1] =	stream.linear.gather [hbm4b:s30+s5], $0x80, $0x38;
	[tilespmem:$0xD000] =	vst v63  }
0x18c: {  	s0 =	sshll.u32 s0, $0xB  }
0x18d: {  	s0 =	sadd.s32 s8, s0  }
0x18e: {  	s0 =	sshrl.u32 s0, $0x3  }
0x18f: {  	s4 =	simm.s32 $0x4000;
	s0 =	sadd.s32 s6, s0  }
0x190: {  	[tilespmem:s4], [sflag:$0x3] =	stream.linear.gather [hbm4b:s0+s5], $0x80, $0x38;
	[tilespmem:$0xD000] =	vst v63  }
0x191: {  	s19 =	simm.s32 $0x4100;
	s29 =	sadd.s32 $0x10, s0  }
0x192: {  	[tilespmem:s19], [sflag:$0x3] =	stream.linear.gather [hbm4b:s29+s5], $0x80, $0x38;
	[tilespmem:$0xD000] =	vst v63  }
0x193: {  	s31 =	simm.s32 $0x4200;
	s30 =	sadd.s32 $0x20, s0  }
0x194: {  	[tilespmem:s31], [sflag:$0x3] =	stream.linear.gather [hbm4b:s30+s5], $0x80, $0x38;
	[tilespmem:$0xD000] =	vst v63  }
0x195: {  	s26 =	simm.s32 $0x4300;
	s25 =	sadd.s32 $0x30, s0  }
0x196: {  	[tilespmem:s26], [sflag:$0x3] =	stream.linear.gather [hbm4b:s25+s5], $0x80, $0x38;
	[tilespmem:$0xD000] =	vst v63  }
0x197: {  	s28 =	sadd.s32 $0x40, s0;
	s29 =	simm.s32 $0x4400  }
0x198: {  	[tilespmem:s29], [sflag:$0x3] =	stream.linear.gather [hbm4b:s28+s5], $0x80, $0x38;
	[tilespmem:$0xD000] =	vst v63  }
0x199: {  	s30 =	sadd.s32 $0x50, s0;
	s31 =	simm.s32 $0x4500  }
0x19a: {  	[tilespmem:s31], [sflag:$0x3] =	stream.linear.gather [hbm4b:s30+s5], $0x80, $0x38;
	[tilespmem:$0xD000] =	vst v63  }
0x19b: {  	s25 =	sadd.s32 $0x60, s0;
	s26 =	simm.s32 $0x4600  }
0x19c: {  	[tilespmem:s26], [sflag:$0x3] =	stream.linear.gather [hbm4b:s25+s5], $0x80, $0x38;
	[tilespmem:$0xD000] =	vst v63  }
0x19d: {  	s28 =	sadd.s32 $0x70, s0;
	s29 =	simm.s32 $0x4700  }
0x19e: {  	[tilespmem:s29], [sflag:$0x3] =	stream.linear.gather [hbm4b:s28+s5], $0x80, $0x38;
	[tilespmem:$0xD000] =	vst v63  }
0x19f: {  	s30 =	sadd.s32 $0x80, s0;
	s31 =	simm.s32 $0x4800  }
0x1a0: {  	[tilespmem:s31], [sflag:$0x3] =	stream.linear.gather [hbm4b:s30+s5], $0x80, $0x38;
	[tilespmem:$0xD000] =	vst v63  }
0x1a1: {  	s25 =	sadd.s32 $0x90, s0;
	s26 =	simm.s32 $0x4900  }
0x1a2: {  	[tilespmem:s26], [sflag:$0x3] =	stream.linear.gather [hbm4b:s25+s5], $0x80, $0x38;
	[tilespmem:$0xD000] =	vst v63  }
0x1a3: {  	s28 =	sadd.s32 $0xA0, s0;
	s29 =	simm.s32 $0x4A00  }
0x1a4: {  	[tilespmem:s29], [sflag:$0x3] =	stream.linear.gather [hbm4b:s28+s5], $0x80, $0x38;
	[tilespmem:$0xD000] =	vst v63  }
0x1a5: {  	s30 =	sadd.s32 $0xB0, s0;
	s31 =	simm.s32 $0x4B00  }
0x1a6: {  	[tilespmem:s31], [sflag:$0x3] =	stream.linear.gather [hbm4b:s30+s5], $0x80, $0x38;
	[tilespmem:$0xD000] =	vst v63  }
0x1a7: {  	s19 =	sadd.s32 $0xC0, s0;
	s25 =	simm.s32 $0x4C00  }
0x1a8: {  	[tilespmem:s25], [sflag:$0x3] =	stream.linear.gather [hbm4b:s19+s5], $0x80, $0x38;
	[tilespmem:$0xD000] =	vst v63  }
0x1a9: {  	s26 =	sadd.s32 $0xD0, s0;
	s28 =	simm.s32 $0x4D00  }
0x1aa: {  	[tilespmem:s28], [sflag:$0x3] =	stream.linear.gather [hbm4b:s26+s5], $0x80, $0x38;
	[tilespmem:$0xD000] =	vst v63  }
0x1ab: {  	s29 =	sadd.s32 $0xE0, s0;
	s30 =	simm.s32 $0x4E00  }
0x1ac: {  	[tilespmem:s30], [sflag:$0x3] =	stream.linear.gather [hbm4b:s29+s5], $0x80, $0x38;
	[tilespmem:$0xD000] =	vst v63  }
0x1ad: {  	s0 =	sadd.s32 $0xF0, s0;
	s31 =	simm.s32 $0x4F00  }
0x1ae: {  	[tilespmem:s31], [sflag:$0x3] =	stream.linear.gather [hbm4b:s0+s5], $0x80, $0x38;
	[tilespmem:$0xD000] =	vst v63  }
.LBB2_16:
0x1af: {  	_ =	swait.ge [sflag:s17], $0x2000  }
0x1b0: {  	[sflag:s17] =	ssyncset.done $0x0  }
0x1b1: {  	[sflag:s17] =	ssyncadd.s32 $0xFFFFE000  }
0x1b2: {  	_ =	swait.ge [sflag:s18], $0x800  }
0x1b3: {  	[sflag:s18] =	ssyncset.done $0x0  }
0x1b4: {  	s0 =	simm.s32 @!p0 $0x6;
	[sflag:s18] =	ssyncadd.s32 $0xFFFFF800  }
0x1b5: {  	_ =	swait.ge @!p0 [sflag:s0], $0x2000  }
0x1b6: {  	[sflag:s0] =	ssyncset.done @!p0 $0x0  }
0x1b7: {  	[sflag:s0] =	ssyncadd.s32 @!p0 $0xFFFFE000;
	s0 =	simm.s32 @!p0 $0x8  }
0x1b8: {  	_ =	swait.ge @!p0 [sflag:s0], $0x2000  }
0x1b9: {  	[sflag:s0] =	ssyncset.done @!p0 $0x0  }
0x1ba: {  	s31 =	simm.s32 $0xF0;
	[sflag:s0] =	ssyncadd.s32 @!p0 $0xFFFFE000  }
0x1bb: {  	v0 =	vld [tilespmem:s31+$0xFFFFFF90];
	_ =	sdelay $0x4  }
0x1bc: {  	v0 =	vmul.f32 $3.819718600e+00, v0;
	_ =	sdelay $0x1  }
0x1bd: {  	v0 =	vadd.f32 $1.200000000e+01, v0;
	_ =	sdelay $0x1  }
0x1be: {  	v0 =	vtrunc.f32 v0  }
0x1bf: {  	v0 =	vcvt.f32.s32 v0;
	_ =	sdelay $0x1  }
0x1c0: {  	s25 =	simm.s32 $0x0;
	vm0 =	vlt.s32 v0, $0x17  }
0x1c1: {  	s4 =	sand.u32 $0x60, s25;
	s19 =	sand.u32 $0xF00, s25;
	v0 =	vnsel vm0, $0x17, v0  }
0x1c2: {  	s4 =	sor.u32 s4, s19;
	v1 =	vcvt.s32.f32 v0  }
0x1c3: {  	v2 =	vld [tilespmem:s4+$0x4080]  }
0x1c4: {  	v1 =	vadd.f32 $5.000000000e-01, v1;
	_ =	sdelay $0x1  }
0x1c5: {  	v1 =	vmul.f32 $2.617993950e-01, v1;
	_ =	sdelay $0x1  }
0x1c6: {  	v3 =	vand.u32 $0x1, v2;
	v1 =	vadd.f32 $-3.141592740e+00, v1  }
0x1c7: {  	vm13 =	veq.s32 v3, $0x0  }
0x1c8: {  	s28 =	simm.s32 $0x50F0;
	v1 =	vnsel vm13, $0x0, v1  }
0x1c9: {  	s26 =	simm.s32 $0x90F0;
	v3 =	vld [tilespmem:s4+$0x4090];
	v0 =	vnsel vm13, $0x18, v0;
	[tilespmem:s28+$0xFFFFFF90] =	vst v1  }
0x1ca: {  	[tilespmem:s26+$0xFFFFFF90] =	vst v0  }
0x1cb: {  	v0 =	vld [tilespmem:s31+$0xFFFFFFA0];
	_ =	sdelay $0x4  }
0x1cc: {  	v0 =	vmul.f32 $3.819718600e+00, v0;
	_ =	sdelay $0x1  }
0x1cd: {  	v0 =	vadd.f32 $1.200000000e+01, v0;
	_ =	sdelay $0x1  }
0x1ce: {  	v0 =	vtrunc.f32 v0  }
0x1cf: {  	v0 =	vcvt.f32.s32 v0;
	_ =	sdelay $0x1  }
0x1d0: {  	vm14 =	vlt.s32 v0, $0x17  }
0x1d1: {  	v0 =	vnsel vm14, $0x17, v0  }
0x1d2: {  	v1 =	vcvt.s32.f32 v0;
	_ =	sdelay $0x1  }
0x1d3: {  	v1 =	vadd.f32 $5.000000000e-01, v1;
	_ =	sdelay $0x1  }
0x1d4: {  	v1 =	vmul.f32 $2.617993950e-01, v1;
	_ =	sdelay $0x1  }
0x1d5: {  	v4 =	vand.u32 $0x100, v2;
	v1 =	vadd.f32 $-3.141592740e+00, v1  }
0x1d6: {  	vm15 =	veq.s32 v4, $0x0  }
0x1d7: {  	v1 =	vnsel vm15, $0x0, v1  }
0x1d8: {  	v0 =	vnsel vm15, $0x18, v0;
	[tilespmem:s28+$0xFFFFFFA0] =	vst v1  }
0x1d9: {  	[tilespmem:s26+$0xFFFFFFA0] =	vst v0  }
0x1da: {  	v0 =	vld [tilespmem:s31+$0xFFFFFFB0];
	_ =	sdelay $0x4  }
0x1db: {  	v0 =	vmul.f32 $3.819718600e+00, v0;
	_ =	sdelay $0x1  }
0x1dc: {  	v0 =	vadd.f32 $1.200000000e+01, v0;
	_ =	sdelay $0x1  }
0x1dd: {  	v0 =	vtrunc.f32 v0  }
0x1de: {  	v0 =	vcvt.f32.s32 v0;
	_ =	sdelay $0x1  }
0x1df: {  	vm4 =	vlt.s32 v0, $0x17  }
0x1e0: {  	v0 =	vnsel vm4, $0x17, v0  }
0x1e1: {  	v1 =	vcvt.s32.f32 v0;
	_ =	sdelay $0x1  }
0x1e2: {  	v1 =	vadd.f32 $5.000000000e-01, v1;
	_ =	sdelay $0x1  }
0x1e3: {  	v1 =	vmul.f32 $2.617993950e-01, v1;
	_ =	sdelay $0x1  }
0x1e4: {  	v63 =	vand.u32 $0x10000, v2;
	v1 =	vadd.f32 $-3.141592740e+00, v1  }
0x1e5: {  	vm5 =	veq.s32 v63, $0x0  }
0x1e6: {  	v1 =	vnsel vm5, $0x0, v1  }
0x1e7: {  	v0 =	vnsel vm5, $0x18, v0;
	[tilespmem:s28+$0xFFFFFFB0] =	vst v1  }
0x1e8: {  	[tilespmem:s26+$0xFFFFFFB0] =	vst v0  }
0x1e9: {  	v0 =	vld [tilespmem:s31+$0xFFFFFFC0];
	_ =	sdelay $0x4  }
0x1ea: {  	v0 =	vmul.f32 $3.819718600e+00, v0;
	_ =	sdelay $0x1  }
0x1eb: {  	v0 =	vadd.f32 $1.200000000e+01, v0;
	_ =	sdelay $0x1  }
0x1ec: {  	v0 =	vtrunc.f32 v0  }
0x1ed: {  	v0 =	vcvt.f32.s32 v0;
	_ =	sdelay $0x1  }
0x1ee: {  	vm6 =	vlt.s32 v0, $0x17  }
0x1ef: {  	v0 =	vnsel vm6, $0x17, v0  }
0x1f0: {  	v1 =	vcvt.s32.f32 v0;
	_ =	sdelay $0x1  }
0x1f1: {  	v1 =	vadd.f32 $5.000000000e-01, v1;
	_ =	sdelay $0x1  }
0x1f2: {  	v1 =	vmul.f32 $2.617993950e-01, v1;
	_ =	sdelay $0x1  }
0x1f3: {  	v2 =	vand.u32 $0x1000000, v2;
	v1 =	vadd.f32 $-3.141592740e+00, v1  }
0x1f4: {  	vm7 =	veq.s32 v2, $0x0  }
0x1f5: {  	v1 =	vnsel vm7, $0x0, v1  }
0x1f6: {  	v0 =	vnsel vm7, $0x18, v0;
	[tilespmem:s28+$0xFFFFFFC0] =	vst v1  }
0x1f7: {  	[tilespmem:s26+$0xFFFFFFC0] =	vst v0  }
0x1f8: {  	v0 =	vld [tilespmem:s31+$0xFFFFFFD0];
	_ =	sdelay $0x4  }
0x1f9: {  	v0 =	vmul.f32 $3.819718600e+00, v0;
	_ =	sdelay $0x1  }
0x1fa: {  	v0 =	vadd.f32 $1.200000000e+01, v0;
	_ =	sdelay $0x1  }
0x1fb: {  	v0 =	vtrunc.f32 v0  }
0x1fc: {  	v0 =	vcvt.f32.s32 v0;
	_ =	sdelay $0x1  }
0x1fd: {  	vm8 =	vlt.s32 v0, $0x17  }
0x1fe: {  	v0 =	vnsel vm8, $0x17, v0  }
0x1ff: {  	v1 =	vcvt.s32.f32 v0;
	_ =	sdelay $0x1  }
0x200: {  	v1 =	vadd.f32 $5.000000000e-01, v1;
	_ =	sdelay $0x1  }
0x201: {  	v1 =	vmul.f32 $2.617993950e-01, v1;
	_ =	sdelay $0x1  }
0x202: {  	v2 =	vand.u32 $0x1, v3;
	v1 =	vadd.f32 $-3.141592740e+00, v1  }
0x203: {  	vm9 =	veq.s32 v2, $0x0  }
0x204: {  	v1 =	vnsel vm9, $0x0, v1  }
0x205: {  	v0 =	vnsel vm9, $0x18, v0;
	[tilespmem:s28+$0xFFFFFFD0] =	vst v1  }
0x206: {  	[tilespmem:s26+$0xFFFFFFD0] =	vst v0  }
0x207: {  	v0 =	vld [tilespmem:s31+$0xFFFFFFE0];
	_ =	sdelay $0x4  }
0x208: {  	v0 =	vmul.f32 $3.819718600e+00, v0;
	_ =	sdelay $0x1  }
0x209: {  	v0 =	vadd.f32 $1.200000000e+01, v0;
	_ =	sdelay $0x1  }
0x20a: {  	v0 =	vtrunc.f32 v0  }
0x20b: {  	v0 =	vcvt.f32.s32 v0;
	_ =	sdelay $0x1  }
0x20c: {  	vm10 =	vlt.s32 v0, $0x17  }
0x20d: {  	v0 =	vnsel vm10, $0x17, v0  }
0x20e: {  	v1 =	vcvt.s32.f32 v0;
	_ =	sdelay $0x1  }
0x20f: {  	v1 =	vadd.f32 $5.000000000e-01, v1;
	_ =	sdelay $0x1  }
0x210: {  	v1 =	vmul.f32 $2.617993950e-01, v1;
	_ =	sdelay $0x1  }
0x211: {  	v2 =	vand.u32 $0x100, v3;
	v1 =	vadd.f32 $-3.141592740e+00, v1  }
0x212: {  	vm11 =	veq.s32 v2, $0x0  }
0x213: {  	v1 =	vnsel vm11, $0x0, v1  }
0x214: {  	v0 =	vnsel vm11, $0x18, v0;
	[tilespmem:s28+$0xFFFFFFE0] =	vst v1  }
0x215: {  	[tilespmem:s26+$0xFFFFFFE0] =	vst v0  }
0x216: {  	v0 =	vld [tilespmem:s31+$0xFFFFFFF0];
	_ =	sdelay $0x4  }
0x217: {  	v0 =	vmul.f32 $3.819718600e+00, v0;
	_ =	sdelay $0x1  }
0x218: {  	v0 =	vadd.f32 $1.200000000e+01, v0;
	_ =	sdelay $0x1  }
0x219: {  	v0 =	vtrunc.f32 v0  }
0x21a: {  	v0 =	vcvt.f32.s32 v0;
	_ =	sdelay $0x1  }
0x21b: {  	vm12 =	vlt.s32 v0, $0x17  }
0x21c: {  	v0 =	vnsel vm12, $0x17, v0  }
0x21d: {  	v1 =	vcvt.s32.f32 v0;
	_ =	sdelay $0x1  }
0x21e: {  	v1 =	vadd.f32 $5.000000000e-01, v1;
	_ =	sdelay $0x1  }
0x21f: {  	v1 =	vmul.f32 $2.617993950e-01, v1;
	_ =	sdelay $0x1  }
0x220: {  	v2 =	vand.u32 $0x10000, v3;
	v1 =	vadd.f32 $-3.141592740e+00, v1  }
0x221: {  	vm13 =	veq.s32 v2, $0x0  }
0x222: {  	v1 =	vnsel vm13, $0x0, v1  }
0x223: {  	v0 =	vnsel vm13, $0x18, v0;
	[tilespmem:s28+$0xFFFFFFF0] =	vst v1  }
0x224: {  	[tilespmem:s26+$0xFFFFFFF0] =	vst v0  }
0x225: {  	v0 =	vld [tilespmem:s31+$0x0];
	_ =	sdelay $0x4  }
0x226: {  	v0 =	vmul.f32 $3.819718600e+00, v0;
	_ =	sdelay $0x1  }
0x227: {  	v0 =	vadd.f32 $1.200000000e+01, v0;
	_ =	sdelay $0x1  }
0x228: {  	v0 =	vtrunc.f32 v0  }
0x229: {  	v0 =	vcvt.f32.s32 v0;
	_ =	sdelay $0x1  }
0x22a: {  	vm14 =	vlt.s32 v0, $0x17  }
0x22b: {  	v0 =	vnsel vm14, $0x17, v0  }
0x22c: {  	v1 =	vcvt.s32.f32 v0;
	_ =	sdelay $0x1  }
0x22d: {  	v1 =	vadd.f32 $5.000000000e-01, v1;
	_ =	sdelay $0x1  }
0x22e: {  	v1 =	vmul.f32 $2.617993950e-01, v1;
	_ =	sdelay $0x1  }
0x22f: {  	v2 =	vand.u32 $0x1000000, v3;
	v1 =	vadd.f32 $-3.141592740e+00, v1  }
0x230: {  	vm15 =	veq.s32 v2, $0x0  }
0x231: {  	v1 =	vnsel vm15, $0x0, v1  }
0x232: {  	s29 =	simm.s32 $0x20;
	s0 =	simm.s32 $0x1F0;
	v0 =	vnsel vm15, $0x18, v0;
	[tilespmem:s28+$0x0] =	vst v1  }
.LBB2_17:
0x233: {  	[tilespmem:s26+$0x0] =	vst v0;
	s25 =	sadd.s32 $0x40, s25;
	s26 =	sadd.s32 $0x100, s26;
	s28 =	sadd.s32 $0x100, s28  }
0x234: {  	p0 =	sne.s32 s29, $0x7E0;
	s4 =	smov.u32 s29;
	s29 =	sadd.s32 $0x20, s29;
	v0 =	vld [tilespmem:s0+$0xFFFFFF90]  }
0x235: {  	_ =	sdelay $0x3  }
0x236: {  	v0 =	vmul.f32 $3.819718600e+00, v0;
	_ =	sdelay $0x1  }
0x237: {  	v0 =	vadd.f32 $1.200000000e+01, v0;
	_ =	sdelay $0x1  }
0x238: {  	v0 =	vtrunc.f32 v0  }
0x239: {  	v0 =	vcvt.f32.s32 v0;
	_ =	sdelay $0x1  }
0x23a: {  	vm0 =	vlt.s32 v0, $0x17  }
0x23b: {  	s4 =	sand.u32 $0x60, s4;
	s19 =	sand.u32 $0xF00, s25;
	v0 =	vnsel vm0, $0x17, v0  }
0x23c: {  	s4 =	sor.u32 s4, s19;
	v1 =	vcvt.s32.f32 v0  }
0x23d: {  	v2 =	vld [tilespmem:s4+$0x4080]  }
0x23e: {  	v1 =	vadd.f32 $5.000000000e-01, v1;
	_ =	sdelay $0x1  }
0x23f: {  	v1 =	vmul.f32 $2.617993950e-01, v1;
	_ =	sdelay $0x1  }
0x240: {  	v1 =	vadd.f32 $-3.141592740e+00, v1;
	v3 =	vand.u32 $0x1, v2;
	v4 =	vand.u32 $0x100, v2  }
0x241: {  	v5 =	vand.u32 $0x10000, v2;
	v6 =	vand.u32 $0x1000000, v2;
	vm0 =	veq.s32 v3, $0x0  }
0x242: {  	v7 =	vld [tilespmem:s4+$0x4090];
	v1 =	vnsel vm0, $0x0, v1  }
0x243: {  	v0 =	vnsel vm0, $0x18, v0;
	[tilespmem:s28+$0xFFFFFF90] =	vst v1  }
0x244: {  	[tilespmem:s26+$0xFFFFFF90] =	vst v0  }
0x245: {  	v8 =	vld [tilespmem:s0+$0xFFFFFFA0];
	_ =	sdelay $0x1  }
0x246: {  	v3 =	vand.u32 $0x1, v7;
	v2 =	vand.u32 $0x100, v7;
	v1 =	vand.u32 $0x10000, v7  }
0x247: {  	v0 =	vand.u32 $0x1000000, v7;
	_ =	sdelay $0x1  }
0x248: {  	v7 =	vmul.f32 $3.819718600e+00, v8;
	_ =	sdelay $0x1  }
0x249: {  	v7 =	vadd.f32 $1.200000000e+01, v7;
	_ =	sdelay $0x1  }
0x24a: {  	v7 =	vtrunc.f32 v7  }
0x24b: {  	v7 =	vcvt.f32.s32 v7;
	_ =	sdelay $0x1  }
0x24c: {  	vm0 =	vlt.s32 v7, $0x17  }
0x24d: {  	v7 =	vnsel vm0, $0x17, v7  }
0x24e: {  	v8 =	vcvt.s32.f32 v7;
	_ =	sdelay $0x1  }
0x24f: {  	v8 =	vadd.f32 $5.000000000e-01, v8;
	_ =	sdelay $0x1  }
0x250: {  	v8 =	vmul.f32 $2.617993950e-01, v8;
	_ =	sdelay $0x1  }
0x251: {  	v8 =	vadd.f32 $-3.141592740e+00, v8  }
0x252: {  	vm0 =	veq.s32 v4, $0x0  }
0x253: {  	v4 =	vnsel vm0, $0x0, v8  }
0x254: {  	v7 =	vnsel vm0, $0x18, v7;
	[tilespmem:s28+$0xFFFFFFA0] =	vst v4  }
0x255: {  	[tilespmem:s26+$0xFFFFFFA0] =	vst v7  }
0x256: {  	v4 =	vld [tilespmem:s0+$0xFFFFFFB0];
	_ =	sdelay $0x4  }
0x257: {  	v4 =	vmul.f32 $3.819718600e+00, v4;
	_ =	sdelay $0x1  }
0x258: {  	v4 =	vadd.f32 $1.200000000e+01, v4;
	_ =	sdelay $0x1  }
0x259: {  	v4 =	vtrunc.f32 v4  }
0x25a: {  	v4 =	vcvt.f32.s32 v4;
	_ =	sdelay $0x1  }
0x25b: {  	vm0 =	vlt.s32 v4, $0x17  }
0x25c: {  	v4 =	vnsel vm0, $0x17, v4  }
0x25d: {  	v7 =	vcvt.s32.f32 v4;
	_ =	sdelay $0x1  }
0x25e: {  	v7 =	vadd.f32 $5.000000000e-01, v7;
	_ =	sdelay $0x1  }
0x25f: {  	v7 =	vmul.f32 $2.617993950e-01, v7;
	_ =	sdelay $0x1  }
0x260: {  	v7 =	vadd.f32 $-3.141592740e+00, v7  }
0x261: {  	vm0 =	veq.s32 v5, $0x0  }
0x262: {  	v5 =	vnsel vm0, $0x0, v7  }
0x263: {  	v4 =	vnsel vm0, $0x18, v4;
	[tilespmem:s28+$0xFFFFFFB0] =	vst v5  }
0x264: {  	[tilespmem:s26+$0xFFFFFFB0] =	vst v4  }
0x265: {  	v4 =	vld [tilespmem:s0+$0xFFFFFFC0];
	_ =	sdelay $0x4  }
0x266: {  	v4 =	vmul.f32 $3.819718600e+00, v4;
	_ =	sdelay $0x1  }
0x267: {  	v4 =	vadd.f32 $1.200000000e+01, v4;
	_ =	sdelay $0x1  }
0x268: {  	v4 =	vtrunc.f32 v4  }
0x269: {  	v4 =	vcvt.f32.s32 v4;
	_ =	sdelay $0x1  }
0x26a: {  	vm0 =	vlt.s32 v4, $0x17  }
0x26b: {  	v4 =	vnsel vm0, $0x17, v4  }
0x26c: {  	v5 =	vcvt.s32.f32 v4;
	_ =	sdelay $0x1  }
0x26d: {  	v5 =	vadd.f32 $5.000000000e-01, v5;
	_ =	sdelay $0x1  }
0x26e: {  	v5 =	vmul.f32 $2.617993950e-01, v5;
	_ =	sdelay $0x1  }
0x26f: {  	v5 =	vadd.f32 $-3.141592740e+00, v5  }
0x270: {  	vm0 =	veq.s32 v6, $0x0  }
0x271: {  	v5 =	vnsel vm0, $0x0, v5  }
0x272: {  	v4 =	vnsel vm0, $0x18, v4;
	[tilespmem:s28+$0xFFFFFFC0] =	vst v5  }
0x273: {  	[tilespmem:s26+$0xFFFFFFC0] =	vst v4  }
0x274: {  	v4 =	vld [tilespmem:s0+$0xFFFFFFD0];
	_ =	sdelay $0x4  }
0x275: {  	v4 =	vmul.f32 $3.819718600e+00, v4;
	_ =	sdelay $0x1  }
0x276: {  	v4 =	vadd.f32 $1.200000000e+01, v4;
	_ =	sdelay $0x1  }
0x277: {  	v4 =	vtrunc.f32 v4  }
0x278: {  	v4 =	vcvt.f32.s32 v4;
	_ =	sdelay $0x1  }
0x279: {  	vm0 =	vlt.s32 v4, $0x17  }
0x27a: {  	v4 =	vnsel vm0, $0x17, v4  }
0x27b: {  	v5 =	vcvt.s32.f32 v4;
	_ =	sdelay $0x1  }
0x27c: {  	v5 =	vadd.f32 $5.000000000e-01, v5;
	_ =	sdelay $0x1  }
0x27d: {  	v5 =	vmul.f32 $2.617993950e-01, v5;
	_ =	sdelay $0x1  }
0x27e: {  	v5 =	vadd.f32 $-3.141592740e+00, v5  }
0x27f: {  	vm0 =	veq.s32 v3, $0x0  }
0x280: {  	v3 =	vnsel vm0, $0x0, v5  }
0x281: {  	v4 =	vnsel vm0, $0x18, v4;
	[tilespmem:s28+$0xFFFFFFD0] =	vst v3  }
0x282: {  	[tilespmem:s26+$0xFFFFFFD0] =	vst v4  }
0x283: {  	v3 =	vld [tilespmem:s0+$0xFFFFFFE0];
	_ =	sdelay $0x4  }
0x284: {  	v3 =	vmul.f32 $3.819718600e+00, v3;
	_ =	sdelay $0x1  }
0x285: {  	v3 =	vadd.f32 $1.200000000e+01, v3;
	_ =	sdelay $0x1  }
0x286: {  	v3 =	vtrunc.f32 v3  }
0x287: {  	v3 =	vcvt.f32.s32 v3;
	_ =	sdelay $0x1  }
0x288: {  	vm0 =	vlt.s32 v3, $0x17  }
0x289: {  	v3 =	vnsel vm0, $0x17, v3  }
0x28a: {  	v4 =	vcvt.s32.f32 v3;
	_ =	sdelay $0x1  }
0x28b: {  	v4 =	vadd.f32 $5.000000000e-01, v4;
	_ =	sdelay $0x1  }
0x28c: {  	v4 =	vmul.f32 $2.617993950e-01, v4;
	_ =	sdelay $0x1  }
0x28d: {  	v4 =	vadd.f32 $-3.141592740e+00, v4  }
0x28e: {  	vm0 =	veq.s32 v2, $0x0  }
0x28f: {  	v2 =	vnsel vm0, $0x0, v4  }
0x290: {  	v3 =	vnsel vm0, $0x18, v3;
	[tilespmem:s28+$0xFFFFFFE0] =	vst v2  }
0x291: {  	[tilespmem:s26+$0xFFFFFFE0] =	vst v3  }
0x292: {  	v2 =	vld [tilespmem:s0+$0xFFFFFFF0];
	_ =	sdelay $0x4  }
0x293: {  	v2 =	vmul.f32 $3.819718600e+00, v2;
	_ =	sdelay $0x1  }
0x294: {  	v2 =	vadd.f32 $1.200000000e+01, v2;
	_ =	sdelay $0x1  }
0x295: {  	v2 =	vtrunc.f32 v2  }
0x296: {  	v2 =	vcvt.f32.s32 v2;
	_ =	sdelay $0x1  }
0x297: {  	vm0 =	vlt.s32 v2, $0x17  }
0x298: {  	v2 =	vnsel vm0, $0x17, v2  }
0x299: {  	v3 =	vcvt.s32.f32 v2;
	_ =	sdelay $0x1  }
0x29a: {  	v3 =	vadd.f32 $5.000000000e-01, v3;
	_ =	sdelay $0x1  }
0x29b: {  	v3 =	vmul.f32 $2.617993950e-01, v3;
	_ =	sdelay $0x1  }
0x29c: {  	v3 =	vadd.f32 $-3.141592740e+00, v3  }
0x29d: {  	vm0 =	veq.s32 v1, $0x0  }
0x29e: {  	v1 =	vnsel vm0, $0x0, v3  }
0x29f: {  	v2 =	vnsel vm0, $0x18, v2;
	[tilespmem:s28+$0xFFFFFFF0] =	vst v1  }
0x2a0: {  	[tilespmem:s26+$0xFFFFFFF0] =	vst v2  }
0x2a1: {  	v1 =	vld [tilespmem:s0+$0x0];
	_ =	sdelay $0x4  }
0x2a2: {  	v1 =	vmul.f32 $3.819718600e+00, v1;
	_ =	sdelay $0x1  }
0x2a3: {  	v1 =	vadd.f32 $1.200000000e+01, v1;
	_ =	sdelay $0x1  }
0x2a4: {  	v1 =	vtrunc.f32 v1  }
0x2a5: {  	v1 =	vcvt.f32.s32 v1;
	_ =	sdelay $0x1  }
0x2a6: {  	vm0 =	vlt.s32 v1, $0x17  }
0x2a7: {  	v1 =	vnsel vm0, $0x17, v1  }
0x2a8: {  	v2 =	vcvt.s32.f32 v1;
	_ =	sdelay $0x1  }
0x2a9: {  	v2 =	vadd.f32 $5.000000000e-01, v2;
	_ =	sdelay $0x1  }
0x2aa: {  	v2 =	vmul.f32 $2.617993950e-01, v2  }
.Ltmp7:
0x2ab: {  	(pc) =	sbr.rel @p0 .LBB2_17-.Ltmp7, $4  }
0x2ac: {  	v2 =	vadd.f32 $-3.141592740e+00, v2  }
0x2ad: {  	vm0 =	veq.s32 v0, $0x0  }
0x2ae: {  	v2 =	vnsel vm0, $0x0, v2  }
0x2af: {  	s0 =	sadd.s32 $0x100, s0;
	v0 =	vnsel vm0, $0x18, v1;
	[tilespmem:s28+$0x0] =	vst v2  }
0x2b0: {  	s0 =	sadd.s32 s2, s24;
	s25 =	simm.s32 $0x5080  }
0x2b1: {  	[tilespmem:s26+$0x0] =	vst v0;
	s26 =	simm.s32 $0x10;
	s28 =	simm.s32 $0x5180;
	s29 =	sadd.s32 $0x0, s0  }
.LBB2_19:
0x2b2: {  	[hbm4b:s29+s5] =	stream.linear.scatter [tilespmem:s25], [sflag:$0x6], $0x80, $0x38;
	[tilespmem:$0xD000] =	vst v63  }
0x2b3: {  	s4 =	smov.u32 s26;
	s25 =	smov.u32 s28;
	p0 =	sne.s32 s26, $0x3F0  }
.Ltmp8:
0x2b4: {  	s26 =	sadd.s32 $0x10, s26;
	(pc) =	sbr.rel @p0 .LBB2_19-.Ltmp8, $2  }
0x2b5: {  	_ =	sdelay $0x2  }
0x2b6: {  	s28 =	sadd.s32 $0x100, s28;
	s29 =	sadd.s32 s4, s0  }
0x2b7: {  	[hbm4b:s29+s5] =	stream.linear.scatter [tilespmem:s25], [sflag:$0x6], $0x80, $0x38;
	[tilespmem:$0xD000] =	vst v63  }
0x2b8: {  	s0 =	sadd.s32 s3, s24;
	s24 =	simm.s32 $0x9080  }
0x2b9: {  	s25 =	simm.s32 $0x10;
	s26 =	simm.s32 $0x9180;
	s28 =	sadd.s32 $0x0, s0  }
.LBB2_21:
0x2ba: {  	[hbm4b:s28+s5] =	stream.linear.scatter [tilespmem:s24], [sflag:$0x8], $0x80, $0x38;
	[tilespmem:$0xD000] =	vst v63  }
0x2bb: {  	s4 =	smov.u32 s25;
	s24 =	smov.u32 s26;
	p0 =	sne.s32 s25, $0x3F0  }
.Ltmp9:
0x2bc: {  	s25 =	sadd.s32 $0x10, s25;
	(pc) =	sbr.rel @p0 .LBB2_21-.Ltmp9, $2  }
0x2bd: {  	_ =	sdelay $0x2  }
0x2be: {  	s26 =	sadd.s32 $0x100, s26;
	s28 =	sadd.s32 s4, s0  }
0x2bf: {  	s23 =	sadd.s32 $0x1, s23  }
0x2c0: {  	p0 =	sne.s32 s23, $0x10  }
.Ltmp10:
0x2c1: {  	_ = 	snop;
	(pc) =	sbr.rel @p0 .LBB2_4-.Ltmp10, $2  }
0x2c2: {  	_ =	sdelay $0x2  }
0x2c3: {  	[hbm4b:s28+s5] =	stream.linear.scatter [tilespmem:s24], [sflag:$0x8], $0x80, $0x38;
	[tilespmem:$0xD000] =	vst v63  }
0x2c4: {  	s0 =	simm.s32 $0x5  }
0x2c5: {  	_ =	swait.ge [sflag:s0], $0x2000  }
0x2c6: {  	[sflag:s0] =	ssyncset.done $0x0  }
0x2c7: {  	s31 =	simm.s32 $0x7;
	[sflag:s0] =	ssyncadd.s32 $0xFFFFE000  }
0x2c8: {  	_ =	swait.ge [sflag:s31], $0x2000  }
0x2c9: {  	[sflag:s31] =	ssyncset.done $0x0  }
0x2ca: {  	[sflag:s31] =	ssyncadd.s32 $0xFFFFE000  }
0x2cb: {  	_ =	swait.ge [sflag:s20], $0x2000  }
0x2cc: {  	[sflag:s20] =	ssyncset.done $0x0  }
0x2cd: {  	[sflag:s20] =	ssyncadd.s32 $0xFFFFE000  }
0x2ce: {  	_ =	swait.ge [sflag:s22], $0x2000  }
0x2cf: {  	s23 =	simm.s32 $0x10;
	s25 =	sadd.s32 $0x0, s14;
	[sflag:s22] =	ssyncset.done $0x0  }
0x2d0: {  	s24 =	simm.s32 $0x100;
	s0 =	simm.s32 $0x0;
	[sflag:s22] =	ssyncadd.s32 $0xFFFFE000  }
.LBB2_24:
0x2d1: {  	[tilespmem:s0], [sflag:$0x1] =	stream.linear.gather [hbm4b:s25+s5], $0x80, $0x38;
	[tilespmem:$0xD000] =	vst v63  }
0x2d2: {  	s4 =	smov.u32 s23;
	s0 =	smov.u32 s24;
	p0 =	sne.s32 s23, $0x3F0  }
.Ltmp11:
0x2d3: {  	s23 =	sadd.s32 $0x10, s23;
	(pc) =	sbr.rel @p0 .LBB2_24-.Ltmp11, $2  }
0x2d4: {  	_ =	sdelay $0x2  }
0x2d5: {  	s24 =	sadd.s32 $0x100, s24;
	s25 =	sadd.s32 s4, s14  }
0x2d6: {  	[tilespmem:s0], [sflag:$0x1] =	stream.linear.gather [hbm4b:s25+s5], $0x80, $0x38;
	[tilespmem:$0xD000] =	vst v63  }
0x2d7: {  	s23 =	simm.s32 $0x0;
	s4 =	rddreg [dreg:$0x7];
	s25 =	simm.s32 $0x4000  }
0x2d8: {  	[tilespmem:s25], [sflag:$0x3] =	stream.linear.gather [hbm4b:s4+s23], $0x80, $0x38;
	[tilespmem:$0xD000] =	vst v63  }
0x2d9: {  	s19 =	simm.s32 $0x4100;
	s26 =	sadd.s32 $0x10, s4  }
0x2da: {  	[tilespmem:s19], [sflag:$0x3] =	stream.linear.gather [hbm4b:s26+s23], $0x80, $0x38;
	[tilespmem:$0xD000] =	vst v63  }
0x2db: {  	s29 =	simm.s32 $0x4200;
	s28 =	sadd.s32 $0x20, s4  }
0x2dc: {  	[tilespmem:s29], [sflag:$0x3] =	stream.linear.gather [hbm4b:s28+s23], $0x80, $0x38;
	[tilespmem:$0xD000] =	vst v63  }
0x2dd: {  	s31 =	simm.s32 $0x4300;
	s30 =	sadd.s32 $0x30, s4  }
0x2de: {  	[tilespmem:s31], [sflag:$0x3] =	stream.linear.gather [hbm4b:s30+s23], $0x80, $0x38;
	[tilespmem:$0xD000] =	vst v63  }
0x2df: {  	s24 =	simm.s32 $0x4400;
	s19 =	sadd.s32 $0x40, s4  }
0x2e0: {  	[tilespmem:s24], [sflag:$0x3] =	stream.linear.gather [hbm4b:s19+s23], $0x80, $0x38;
	[tilespmem:$0xD000] =	vst v63  }
0x2e1: {  	s25 =	sadd.s32 $0x50, s4;
	s26 =	simm.s32 $0x4500  }
0x2e2: {  	[tilespmem:s26], [sflag:$0x3] =	stream.linear.gather [hbm4b:s25+s23], $0x80, $0x38;
	[tilespmem:$0xD000] =	vst v63  }
0x2e3: {  	s28 =	sadd.s32 $0x60, s4;
	s29 =	simm.s32 $0x4600  }
0x2e4: {  	[tilespmem:s29], [sflag:$0x3] =	stream.linear.gather [hbm4b:s28+s23], $0x80, $0x38;
	[tilespmem:$0xD000] =	vst v63  }
0x2e5: {  	s30 =	sadd.s32 $0x70, s4;
	s31 =	simm.s32 $0x4700  }
0x2e6: {  	[tilespmem:s31], [sflag:$0x3] =	stream.linear.gather [hbm4b:s30+s23], $0x80, $0x38;
	[tilespmem:$0xD000] =	vst v63  }
0x2e7: {  	s19 =	sadd.s32 $0x80, s4;
	s24 =	simm.s32 $0x4800  }
0x2e8: {  	[tilespmem:s24], [sflag:$0x3] =	stream.linear.gather [hbm4b:s19+s23], $0x80, $0x38;
	[tilespmem:$0xD000] =	vst v63  }
0x2e9: {  	s25 =	sadd.s32 $0x90, s4;
	s26 =	simm.s32 $0x4900  }
0x2ea: {  	[tilespmem:s26], [sflag:$0x3] =	stream.linear.gather [hbm4b:s25+s23], $0x80, $0x38;
	[tilespmem:$0xD000] =	vst v63  }
0x2eb: {  	s28 =	sadd.s32 $0xA0, s4;
	s29 =	simm.s32 $0x4A00  }
0x2ec: {  	[tilespmem:s29], [sflag:$0x3] =	stream.linear.gather [hbm4b:s28+s23], $0x80, $0x38;
	[tilespmem:$0xD000] =	vst v63  }
0x2ed: {  	s30 =	sadd.s32 $0xB0, s4;
	s31 =	simm.s32 $0x4B00  }
0x2ee: {  	[tilespmem:s31], [sflag:$0x3] =	stream.linear.gather [hbm4b:s30+s23], $0x80, $0x38;
	[tilespmem:$0xD000] =	vst v63  }
0x2ef: {  	s19 =	sadd.s32 $0xC0, s4;
	s24 =	simm.s32 $0x4C00  }
0x2f0: {  	[tilespmem:s24], [sflag:$0x3] =	stream.linear.gather [hbm4b:s19+s23], $0x80, $0x38;
	[tilespmem:$0xD000] =	vst v63  }
0x2f1: {  	s25 =	sadd.s32 $0xD0, s4;
	s26 =	simm.s32 $0x4D00  }
0x2f2: {  	[tilespmem:s26], [sflag:$0x3] =	stream.linear.gather [hbm4b:s25+s23], $0x80, $0x38;
	[tilespmem:$0xD000] =	vst v63  }
0x2f3: {  	s28 =	sadd.s32 $0xE0, s4;
	s29 =	simm.s32 $0x4E00  }
0x2f4: {  	[tilespmem:s29], [sflag:$0x3] =	stream.linear.gather [hbm4b:s28+s23], $0x80, $0x38;
	[tilespmem:$0xD000] =	vst v63  }
0x2f5: {  	s30 =	sadd.s32 $0xF0, s4;
	s31 =	simm.s32 $0x4F00  }
0x2f6: {  	[tilespmem:s31], [sflag:$0x3] =	stream.linear.gather [hbm4b:s30+s23], $0x80, $0x38;
	[tilespmem:$0xD000] =	vst v63  }
.LBB2_26:
0x2f7: {  	s0 =	sshllo.u32 s23, $0x1  }
0x2f8: {  	s4 =	sshll.u32 s0, $0xD  }
0x2f9: {  	s4 =	sadd.s32 s11, s4  }
0x2fa: {  	s24 =	sshrl.u32 s4, $0x3  }
0x2fb: {  	s25 =	sshll.u32 s23, $0x1;
	s28 =	simm.s32 $0x80;
	s26 =	sadd.s32 s1, s24  }
0x2fc: {  	s29 =	simm.s32 $0x10;
	s30 =	simm.s32 $0x180;
	s31 =	sadd.s32 $0x0, s26  }
.LBB2_27:
0x2fd: {  	[tilespmem:s28], [sflag:$0x2] =	stream.linear.gather [hbm4b:s31+s5], $0x80, $0x38;
	[tilespmem:$0xD000] =	vst v63  }
0x2fe: {  	s4 =	smov.u32 s29;
	s28 =	smov.u32 s30;
	p0 =	sne.s32 s29, $0x3F0  }
.Ltmp12:
0x2ff: {  	s29 =	sadd.s32 $0x10, s29;
	(pc) =	sbr.rel @p0 .LBB2_27-.Ltmp12, $2  }
0x300: {  	_ =	sdelay $0x2  }
0x301: {  	s30 =	sadd.s32 $0x100, s30;
	s31 =	sadd.s32 s4, s26  }
0x302: {  	[tilespmem:s28], [sflag:$0x2] =	stream.linear.gather [hbm4b:s31+s5], $0x80, $0x38;
	[tilespmem:$0xD000] =	vst v63  }
0x303: {  	s0 =	sshll.u32 s0, $0xB  }
0x304: {  	s0 =	sadd.s32 s12, s0  }
0x305: {  	s0 =	sshrl.u32 s0, $0x3  }
0x306: {  	s4 =	simm.s32 $0x4080;
	s0 =	sadd.s32 s6, s0  }
0x307: {  	[tilespmem:s4], [sflag:$0x4] =	stream.linear.gather [hbm4b:s0+s5], $0x80, $0x38;
	[tilespmem:$0xD000] =	vst v63  }
0x308: {  	s19 =	simm.s32 $0x4180;
	s26 =	sadd.s32 $0x10, s0  }
0x309: {  	[tilespmem:s19], [sflag:$0x4] =	stream.linear.gather [hbm4b:s26+s5], $0x80, $0x38;
	[tilespmem:$0xD000] =	vst v63  }
0x30a: {  	s19 =	sadd.s32 $0x20, s0;
	s26 =	simm.s32 $0x4280  }
0x30b: {  	[tilespmem:s26], [sflag:$0x4] =	stream.linear.gather [hbm4b:s19+s5], $0x80, $0x38;
	[tilespmem:$0xD000] =	vst v63  }
0x30c: {  	s19 =	sadd.s32 $0x30, s0;
	s26 =	simm.s32 $0x4380  }
0x30d: {  	[tilespmem:s26], [sflag:$0x4] =	stream.linear.gather [hbm4b:s19+s5], $0x80, $0x38;
	[tilespmem:$0xD000] =	vst v63  }
0x30e: {  	s19 =	sadd.s32 $0x40, s0;
	s26 =	simm.s32 $0x4480  }
0x30f: {  	[tilespmem:s26], [sflag:$0x4] =	stream.linear.gather [hbm4b:s19+s5], $0x80, $0x38;
	[tilespmem:$0xD000] =	vst v63  }
0x310: {  	s19 =	sadd.s32 $0x50, s0;
	s26 =	simm.s32 $0x4580  }
0x311: {  	[tilespmem:s26], [sflag:$0x4] =	stream.linear.gather [hbm4b:s19+s5], $0x80, $0x38;
	[tilespmem:$0xD000] =	vst v63  }
0x312: {  	s19 =	sadd.s32 $0x60, s0;
	s26 =	simm.s32 $0x4680  }
0x313: {  	[tilespmem:s26], [sflag:$0x4] =	stream.linear.gather [hbm4b:s19+s5], $0x80, $0x38;
	[tilespmem:$0xD000] =	vst v63  }
0x314: {  	s19 =	sadd.s32 $0x70, s0;
	s26 =	simm.s32 $0x4780  }
0x315: {  	[tilespmem:s26], [sflag:$0x4] =	stream.linear.gather [hbm4b:s19+s5], $0x80, $0x38;
	[tilespmem:$0xD000] =	vst v63  }
0x316: {  	s19 =	sadd.s32 $0x80, s0;
	s26 =	simm.s32 $0x4880  }
0x317: {  	[tilespmem:s26], [sflag:$0x4] =	stream.linear.gather [hbm4b:s19+s5], $0x80, $0x38;
	[tilespmem:$0xD000] =	vst v63  }
0x318: {  	s19 =	sadd.s32 $0x90, s0;
	s26 =	simm.s32 $0x4980  }
0x319: {  	[tilespmem:s26], [sflag:$0x4] =	stream.linear.gather [hbm4b:s19+s5], $0x80, $0x38;
	[tilespmem:$0xD000] =	vst v63  }
0x31a: {  	s19 =	sadd.s32 $0xA0, s0;
	s26 =	simm.s32 $0x4A80  }
0x31b: {  	[tilespmem:s26], [sflag:$0x4] =	stream.linear.gather [hbm4b:s19+s5], $0x80, $0x38;
	[tilespmem:$0xD000] =	vst v63  }
0x31c: {  	s19 =	sadd.s32 $0xB0, s0;
	s26 =	simm.s32 $0x4B80  }
0x31d: {  	[tilespmem:s26], [sflag:$0x4] =	stream.linear.gather [hbm4b:s19+s5], $0x80, $0x38;
	[tilespmem:$0xD000] =	vst v63  }
0x31e: {  	s19 =	sadd.s32 $0xC0, s0;
	s26 =	simm.s32 $0x4C80  }
0x31f: {  	[tilespmem:s26], [sflag:$0x4] =	stream.linear.gather [hbm4b:s19+s5], $0x80, $0x38;
	[tilespmem:$0xD000] =	vst v63  }
0x320: {  	s19 =	sadd.s32 $0xD0, s0;
	s26 =	simm.s32 $0x4D80  }
0x321: {  	[tilespmem:s26], [sflag:$0x4] =	stream.linear.gather [hbm4b:s19+s5], $0x80, $0x38;
	[tilespmem:$0xD000] =	vst v63  }
0x322: {  	s26 =	sadd.s32 $0xE0, s0  }
0x323: {  	[tilespmem:s21], [sflag:$0x4] =	stream.linear.gather [hbm4b:s26+s5], $0x80, $0x38;
	[tilespmem:$0xD000] =	vst v63  }
0x324: {  	s0 =	sadd.s32 $0xF0, s0  }
0x325: {  	[tilespmem:s10], [sflag:$0x4] =	stream.linear.gather [hbm4b:s0+s5], $0x80, $0x38;
	[tilespmem:$0xD000] =	vst v63  }
0x326: {  	_ =	swait.ge [sflag:s15], $0x2000  }
0x327: {  	[sflag:s15] =	ssyncset.done $0x0  }
0x328: {  	[sflag:s15] =	ssyncadd.s32 $0xFFFFE000  }
0x329: {  	_ =	swait.ge [sflag:s13], $0x800  }
0x32a: {  	p0 =	seq.s32 s23, $0x0;
	[sflag:s13] =	ssyncset.done $0x0  }
0x32b: {  	s0 =	simm.s32 @!p0 $0x5;
	[sflag:s13] =	ssyncadd.s32 $0xFFFFF800  }
0x32c: {  	_ =	swait.ge @!p0 [sflag:s0], $0x2000  }
0x32d: {  	[sflag:s0] =	ssyncset.done @!p0 $0x0  }
0x32e: {  	[sflag:s0] =	ssyncadd.s32 @!p0 $0xFFFFE000;
	s0 =	simm.s32 @!p0 $0x7  }
0x32f: {  	_ =	swait.ge @!p0 [sflag:s0], $0x2000  }
0x330: {  	[sflag:s0] =	ssyncset.done @!p0 $0x0  }
0x331: {  	[sflag:s0] =	ssyncadd.s32 @!p0 $0xFFFFE000;
	s0 =	simm.s32 $0x40  }
0x332: {  	v0 =	vld [tilespmem:s0+$0xFFFFFFC0];
	_ =	sdelay $0x4  }
0x333: {  	v0 =	vmul.f32 $1.909859300e+00, v0;
	_ =	sdelay $0x1  }
0x334: {  	v0 =	vadd.f32 $6.000000000e+00, v0;
	_ =	sdelay $0x1  }
0x335: {  	v0 =	vtrunc.f32 v0  }
0x336: {  	v0 =	vcvt.f32.s32 v0;
	_ =	sdelay $0x1  }
0x337: {  	s26 =	simm.s32 $0x0;
	vm0 =	vlt.s32 v0, $0xB  }
0x338: {  	s4 =	sand.u32 $0x60, s26;
	s19 =	sand.u32 $0xF00, s26;
	v0 =	vnsel vm0, $0xB, v0  }
0x339: {  	s4 =	sor.u32 s4, s19;
	v1 =	vcvt.s32.f32 v0  }
0x33a: {  	v2 =	vld [tilespmem:s4+$0x4000]  }
0x33b: {  	v1 =	vadd.f32 $5.000000000e-01, v1;
	_ =	sdelay $0x1  }
0x33c: {  	v1 =	vmul.f32 $5.235987900e-01, v1;
	_ =	sdelay $0x1  }
0x33d: {  	v3 =	vand.u32 $0x1, v2;
	v1 =	vadd.f32 $-3.141592740e+00, v1  }
0x33e: {  	vm13 =	veq.s32 v3, $0x0  }
0x33f: {  	s29 =	simm.s32 $0x5040;
	v1 =	vnsel vm13, $0x0, v1  }
0x340: {  	s28 =	simm.s32 $0x9040;
	v3 =	vld [tilespmem:s4+$0x4010];
	v0 =	vnsel vm13, $0xC, v0;
	[tilespmem:s29+$0xFFFFFFC0] =	vst v1  }
0x341: {  	[tilespmem:s28+$0xFFFFFFC0] =	vst v0  }
0x342: {  	v0 =	vld [tilespmem:s0+$0xFFFFFFD0];
	_ =	sdelay $0x4  }
0x343: {  	v0 =	vmul.f32 $1.909859300e+00, v0;
	_ =	sdelay $0x1  }
0x344: {  	v0 =	vadd.f32 $6.000000000e+00, v0;
	_ =	sdelay $0x1  }
0x345: {  	v0 =	vtrunc.f32 v0  }
0x346: {  	v0 =	vcvt.f32.s32 v0;
	_ =	sdelay $0x1  }
0x347: {  	vm14 =	vlt.s32 v0, $0xB  }
0x348: {  	v0 =	vnsel vm14, $0xB, v0  }
0x349: {  	v1 =	vcvt.s32.f32 v0;
	_ =	sdelay $0x1  }
0x34a: {  	v1 =	vadd.f32 $5.000000000e-01, v1;
	_ =	sdelay $0x1  }
0x34b: {  	v1 =	vmul.f32 $5.235987900e-01, v1;
	_ =	sdelay $0x1  }
0x34c: {  	v4 =	vand.u32 $0x100, v2;
	v1 =	vadd.f32 $-3.141592740e+00, v1  }
0x34d: {  	vm15 =	veq.s32 v4, $0x0  }
0x34e: {  	v1 =	vnsel vm15, $0x0, v1  }
0x34f: {  	v0 =	vnsel vm15, $0xC, v0;
	[tilespmem:s29+$0xFFFFFFD0] =	vst v1  }
0x350: {  	[tilespmem:s28+$0xFFFFFFD0] =	vst v0  }
0x351: {  	v0 =	vld [tilespmem:s0+$0xFFFFFFE0];
	_ =	sdelay $0x4  }
0x352: {  	v0 =	vmul.f32 $1.909859300e+00, v0;
	_ =	sdelay $0x1  }
0x353: {  	v0 =	vadd.f32 $6.000000000e+00, v0;
	_ =	sdelay $0x1  }
0x354: {  	v0 =	vtrunc.f32 v0  }
0x355: {  	v0 =	vcvt.f32.s32 v0;
	_ =	sdelay $0x1  }
0x356: {  	vm4 =	vlt.s32 v0, $0xB  }
0x357: {  	v0 =	vnsel vm4, $0xB, v0  }
0x358: {  	v1 =	vcvt.s32.f32 v0;
	_ =	sdelay $0x1  }
0x359: {  	v1 =	vadd.f32 $5.000000000e-01, v1;
	_ =	sdelay $0x1  }
0x35a: {  	v1 =	vmul.f32 $5.235987900e-01, v1;
	_ =	sdelay $0x1  }
0x35b: {  	v63 =	vand.u32 $0x10000, v2;
	v1 =	vadd.f32 $-3.141592740e+00, v1  }
0x35c: {  	vm5 =	veq.s32 v63, $0x0  }
0x35d: {  	v1 =	vnsel vm5, $0x0, v1  }
0x35e: {  	v0 =	vnsel vm5, $0xC, v0;
	[tilespmem:s29+$0xFFFFFFE0] =	vst v1  }
0x35f: {  	[tilespmem:s28+$0xFFFFFFE0] =	vst v0  }
0x360: {  	v0 =	vld [tilespmem:s0+$0xFFFFFFF0];
	_ =	sdelay $0x4  }
0x361: {  	v0 =	vmul.f32 $1.909859300e+00, v0;
	_ =	sdelay $0x1  }
0x362: {  	v0 =	vadd.f32 $6.000000000e+00, v0;
	_ =	sdelay $0x1  }
0x363: {  	v0 =	vtrunc.f32 v0  }
0x364: {  	v0 =	vcvt.f32.s32 v0;
	_ =	sdelay $0x1  }
0x365: {  	vm6 =	vlt.s32 v0, $0xB  }
0x366: {  	v0 =	vnsel vm6, $0xB, v0  }
0x367: {  	v1 =	vcvt.s32.f32 v0;
	_ =	sdelay $0x1  }
0x368: {  	v1 =	vadd.f32 $5.000000000e-01, v1;
	_ =	sdelay $0x1  }
0x369: {  	v1 =	vmul.f32 $5.235987900e-01, v1;
	_ =	sdelay $0x1  }
0x36a: {  	v2 =	vand.u32 $0x1000000, v2;
	v1 =	vadd.f32 $-3.141592740e+00, v1  }
0x36b: {  	vm7 =	veq.s32 v2, $0x0  }
0x36c: {  	v1 =	vnsel vm7, $0x0, v1  }
0x36d: {  	v0 =	vnsel vm7, $0xC, v0;
	[tilespmem:s29+$0xFFFFFFF0] =	vst v1  }
0x36e: {  	[tilespmem:s28+$0xFFFFFFF0] =	vst v0  }
0x36f: {  	v0 =	vld [tilespmem:s0+$0x0];
	_ =	sdelay $0x4  }
0x370: {  	v0 =	vmul.f32 $1.909859300e+00, v0;
	_ =	sdelay $0x1  }
0x371: {  	v0 =	vadd.f32 $6.000000000e+00, v0;
	_ =	sdelay $0x1  }
0x372: {  	v0 =	vtrunc.f32 v0  }
0x373: {  	v0 =	vcvt.f32.s32 v0;
	_ =	sdelay $0x1  }
0x374: {  	vm8 =	vlt.s32 v0, $0xB  }
0x375: {  	v0 =	vnsel vm8, $0xB, v0  }
0x376: {  	v1 =	vcvt.s32.f32 v0;
	_ =	sdelay $0x1  }
0x377: {  	v1 =	vadd.f32 $5.000000000e-01, v1;
	_ =	sdelay $0x1  }
0x378: {  	v1 =	vmul.f32 $5.235987900e-01, v1;
	_ =	sdelay $0x1  }
0x379: {  	v2 =	vand.u32 $0x1, v3;
	v1 =	vadd.f32 $-3.141592740e+00, v1  }
0x37a: {  	vm9 =	veq.s32 v2, $0x0  }
0x37b: {  	v1 =	vnsel vm9, $0x0, v1  }
0x37c: {  	v0 =	vnsel vm9, $0xC, v0;
	[tilespmem:s29+$0x0] =	vst v1  }
0x37d: {  	[tilespmem:s28+$0x0] =	vst v0  }
0x37e: {  	v0 =	vld [tilespmem:s0+$0x10];
	_ =	sdelay $0x4  }
0x37f: {  	v0 =	vmul.f32 $1.909859300e+00, v0;
	_ =	sdelay $0x1  }
0x380: {  	v0 =	vadd.f32 $6.000000000e+00, v0;
	_ =	sdelay $0x1  }
0x381: {  	v0 =	vtrunc.f32 v0  }
0x382: {  	v0 =	vcvt.f32.s32 v0;
	_ =	sdelay $0x1  }
0x383: {  	vm10 =	vlt.s32 v0, $0xB  }
0x384: {  	v0 =	vnsel vm10, $0xB, v0  }
0x385: {  	v1 =	vcvt.s32.f32 v0;
	_ =	sdelay $0x1  }
0x386: {  	v1 =	vadd.f32 $5.000000000e-01, v1;
	_ =	sdelay $0x1  }
0x387: {  	v1 =	vmul.f32 $5.235987900e-01, v1;
	_ =	sdelay $0x1  }
0x388: {  	v2 =	vand.u32 $0x100, v3;
	v1 =	vadd.f32 $-3.141592740e+00, v1  }
0x389: {  	vm11 =	veq.s32 v2, $0x0  }
0x38a: {  	v1 =	vnsel vm11, $0x0, v1  }
0x38b: {  	v0 =	vnsel vm11, $0xC, v0;
	[tilespmem:s29+$0x10] =	vst v1  }
0x38c: {  	[tilespmem:s28+$0x10] =	vst v0  }
0x38d: {  	v0 =	vld [tilespmem:s0+$0x20];
	_ =	sdelay $0x4  }
0x38e: {  	v0 =	vmul.f32 $1.909859300e+00, v0;
	_ =	sdelay $0x1  }
0x38f: {  	v0 =	vadd.f32 $6.000000000e+00, v0;
	_ =	sdelay $0x1  }
0x390: {  	v0 =	vtrunc.f32 v0  }
0x391: {  	v0 =	vcvt.f32.s32 v0;
	_ =	sdelay $0x1  }
0x392: {  	vm12 =	vlt.s32 v0, $0xB  }
0x393: {  	v0 =	vnsel vm12, $0xB, v0  }
0x394: {  	v1 =	vcvt.s32.f32 v0;
	_ =	sdelay $0x1  }
0x395: {  	v1 =	vadd.f32 $5.000000000e-01, v1;
	_ =	sdelay $0x1  }
0x396: {  	v1 =	vmul.f32 $5.235987900e-01, v1;
	_ =	sdelay $0x1  }
0x397: {  	v2 =	vand.u32 $0x10000, v3;
	v1 =	vadd.f32 $-3.141592740e+00, v1  }
0x398: {  	vm13 =	veq.s32 v2, $0x0  }
0x399: {  	v1 =	vnsel vm13, $0x0, v1  }
0x39a: {  	v0 =	vnsel vm13, $0xC, v0;
	[tilespmem:s29+$0x20] =	vst v1  }
0x39b: {  	[tilespmem:s28+$0x20] =	vst v0  }
0x39c: {  	v0 =	vld [tilespmem:s0+$0x30];
	_ =	sdelay $0x4  }
0x39d: {  	v0 =	vmul.f32 $1.909859300e+00, v0;
	_ =	sdelay $0x1  }
0x39e: {  	v0 =	vadd.f32 $6.000000000e+00, v0;
	_ =	sdelay $0x1  }
0x39f: {  	v0 =	vtrunc.f32 v0  }
0x3a0: {  	v0 =	vcvt.f32.s32 v0;
	_ =	sdelay $0x1  }
0x3a1: {  	vm14 =	vlt.s32 v0, $0xB  }
0x3a2: {  	v0 =	vnsel vm14, $0xB, v0  }
0x3a3: {  	v1 =	vcvt.s32.f32 v0;
	_ =	sdelay $0x1  }
0x3a4: {  	v1 =	vadd.f32 $5.000000000e-01, v1;
	_ =	sdelay $0x1  }
0x3a5: {  	v1 =	vmul.f32 $5.235987900e-01, v1;
	_ =	sdelay $0x1  }
0x3a6: {  	v2 =	vand.u32 $0x1000000, v3;
	v1 =	vadd.f32 $-3.141592740e+00, v1  }
0x3a7: {  	vm15 =	veq.s32 v2, $0x0  }
0x3a8: {  	s19 =	sshll.u32 s23, $0xE;
	v1 =	vnsel vm15, $0x0, v1  }
0x3a9: {  	s31 =	simm.s32 $0x20;
	s30 =	sadd.s32 s11, s19;
	s0 =	simm.s32 $0x140;
	v0 =	vnsel vm15, $0xC, v0;
	[tilespmem:s29+$0x30] =	vst v1  }
.LBB2_29:
0x3aa: {  	[tilespmem:s28+$0x30] =	vst v0;
	s26 =	sadd.s32 $0x40, s26;
	s28 =	sadd.s32 $0x100, s28;
	s29 =	sadd.s32 $0x100, s29  }
0x3ab: {  	p1 =	sne.s32 s31, $0x7E0;
	s4 =	smov.u32 s31;
	s31 =	sadd.s32 $0x20, s31;
	v0 =	vld [tilespmem:s0+$0xFFFFFFC0]  }
0x3ac: {  	_ =	sdelay $0x3  }
0x3ad: {  	v0 =	vmul.f32 $1.909859300e+00, v0;
	_ =	sdelay $0x1  }
0x3ae: {  	v0 =	vadd.f32 $6.000000000e+00, v0;
	_ =	sdelay $0x1  }
0x3af: {  	v0 =	vtrunc.f32 v0  }
0x3b0: {  	v0 =	vcvt.f32.s32 v0;
	_ =	sdelay $0x1  }
0x3b1: {  	vm0 =	vlt.s32 v0, $0xB  }
0x3b2: {  	s4 =	sand.u32 $0x60, s4;
	s19 =	sand.u32 $0xF00, s26;
	v0 =	vnsel vm0, $0xB, v0  }
0x3b3: {  	s4 =	sor.u32 s4, s19;
	v1 =	vcvt.s32.f32 v0  }
0x3b4: {  	v2 =	vld [tilespmem:s4+$0x4000]  }
0x3b5: {  	v1 =	vadd.f32 $5.000000000e-01, v1;
	_ =	sdelay $0x1  }
0x3b6: {  	v1 =	vmul.f32 $5.235987900e-01, v1;
	_ =	sdelay $0x1  }
0x3b7: {  	v1 =	vadd.f32 $-3.141592740e+00, v1;
	v3 =	vand.u32 $0x1, v2;
	v4 =	vand.u32 $0x100, v2  }
0x3b8: {  	v5 =	vand.u32 $0x10000, v2;
	v6 =	vand.u32 $0x1000000, v2;
	vm0 =	veq.s32 v3, $0x0  }
0x3b9: {  	v7 =	vld [tilespmem:s4+$0x4010];
	v1 =	vnsel vm0, $0x0, v1  }
0x3ba: {  	v0 =	vnsel vm0, $0xC, v0;
	[tilespmem:s29+$0xFFFFFFC0] =	vst v1  }
0x3bb: {  	[tilespmem:s28+$0xFFFFFFC0] =	vst v0  }
0x3bc: {  	v8 =	vld [tilespmem:s0+$0xFFFFFFD0];
	_ =	sdelay $0x1  }
0x3bd: {  	v3 =	vand.u32 $0x1, v7;
	v2 =	vand.u32 $0x100, v7;
	v1 =	vand.u32 $0x10000, v7  }
0x3be: {  	v0 =	vand.u32 $0x1000000, v7;
	_ =	sdelay $0x1  }
0x3bf: {  	v7 =	vmul.f32 $1.909859300e+00, v8;
	_ =	sdelay $0x1  }
0x3c0: {  	v7 =	vadd.f32 $6.000000000e+00, v7;
	_ =	sdelay $0x1  }
0x3c1: {  	v7 =	vtrunc.f32 v7  }
0x3c2: {  	v7 =	vcvt.f32.s32 v7;
	_ =	sdelay $0x1  }
0x3c3: {  	vm0 =	vlt.s32 v7, $0xB  }
0x3c4: {  	v7 =	vnsel vm0, $0xB, v7  }
0x3c5: {  	v8 =	vcvt.s32.f32 v7;
	_ =	sdelay $0x1  }
0x3c6: {  	v8 =	vadd.f32 $5.000000000e-01, v8;
	_ =	sdelay $0x1  }
0x3c7: {  	v8 =	vmul.f32 $5.235987900e-01, v8;
	_ =	sdelay $0x1  }
0x3c8: {  	v8 =	vadd.f32 $-3.141592740e+00, v8  }
0x3c9: {  	vm0 =	veq.s32 v4, $0x0  }
0x3ca: {  	v4 =	vnsel vm0, $0x0, v8  }
0x3cb: {  	v7 =	vnsel vm0, $0xC, v7;
	[tilespmem:s29+$0xFFFFFFD0] =	vst v4  }
0x3cc: {  	[tilespmem:s28+$0xFFFFFFD0] =	vst v7  }
0x3cd: {  	v4 =	vld [tilespmem:s0+$0xFFFFFFE0];
	_ =	sdelay $0x4  }
0x3ce: {  	v4 =	vmul.f32 $1.909859300e+00, v4;
	_ =	sdelay $0x1  }
0x3cf: {  	v4 =	vadd.f32 $6.000000000e+00, v4;
	_ =	sdelay $0x1  }
0x3d0: {  	v4 =	vtrunc.f32 v4  }
0x3d1: {  	v4 =	vcvt.f32.s32 v4;
	_ =	sdelay $0x1  }
0x3d2: {  	vm0 =	vlt.s32 v4, $0xB  }
0x3d3: {  	v4 =	vnsel vm0, $0xB, v4  }
0x3d4: {  	v7 =	vcvt.s32.f32 v4;
	_ =	sdelay $0x1  }
0x3d5: {  	v7 =	vadd.f32 $5.000000000e-01, v7;
	_ =	sdelay $0x1  }
0x3d6: {  	v7 =	vmul.f32 $5.235987900e-01, v7;
	_ =	sdelay $0x1  }
0x3d7: {  	v7 =	vadd.f32 $-3.141592740e+00, v7  }
0x3d8: {  	vm0 =	veq.s32 v5, $0x0  }
0x3d9: {  	v5 =	vnsel vm0, $0x0, v7  }
0x3da: {  	v4 =	vnsel vm0, $0xC, v4;
	[tilespmem:s29+$0xFFFFFFE0] =	vst v5  }
0x3db: {  	[tilespmem:s28+$0xFFFFFFE0] =	vst v4  }
0x3dc: {  	v4 =	vld [tilespmem:s0+$0xFFFFFFF0];
	_ =	sdelay $0x4  }
0x3dd: {  	v4 =	vmul.f32 $1.909859300e+00, v4;
	_ =	sdelay $0x1  }
0x3de: {  	v4 =	vadd.f32 $6.000000000e+00, v4;
	_ =	sdelay $0x1  }
0x3df: {  	v4 =	vtrunc.f32 v4  }
0x3e0: {  	v4 =	vcvt.f32.s32 v4;
	_ =	sdelay $0x1  }
0x3e1: {  	vm0 =	vlt.s32 v4, $0xB  }
0x3e2: {  	v4 =	vnsel vm0, $0xB, v4  }
0x3e3: {  	v5 =	vcvt.s32.f32 v4;
	_ =	sdelay $0x1  }
0x3e4: {  	v5 =	vadd.f32 $5.000000000e-01, v5;
	_ =	sdelay $0x1  }
0x3e5: {  	v5 =	vmul.f32 $5.235987900e-01, v5;
	_ =	sdelay $0x1  }
0x3e6: {  	v5 =	vadd.f32 $-3.141592740e+00, v5  }
0x3e7: {  	vm0 =	veq.s32 v6, $0x0  }
0x3e8: {  	v5 =	vnsel vm0, $0x0, v5  }
0x3e9: {  	v4 =	vnsel vm0, $0xC, v4;
	[tilespmem:s29+$0xFFFFFFF0] =	vst v5  }
0x3ea: {  	[tilespmem:s28+$0xFFFFFFF0] =	vst v4  }
0x3eb: {  	v4 =	vld [tilespmem:s0+$0x0];
	_ =	sdelay $0x4  }
0x3ec: {  	v4 =	vmul.f32 $1.909859300e+00, v4;
	_ =	sdelay $0x1  }
0x3ed: {  	v4 =	vadd.f32 $6.000000000e+00, v4;
	_ =	sdelay $0x1  }
0x3ee: {  	v4 =	vtrunc.f32 v4  }
0x3ef: {  	v4 =	vcvt.f32.s32 v4;
	_ =	sdelay $0x1  }
0x3f0: {  	vm0 =	vlt.s32 v4, $0xB  }
0x3f1: {  	v4 =	vnsel vm0, $0xB, v4  }
0x3f2: {  	v5 =	vcvt.s32.f32 v4;
	_ =	sdelay $0x1  }
0x3f3: {  	v5 =	vadd.f32 $5.000000000e-01, v5;
	_ =	sdelay $0x1  }
0x3f4: {  	v5 =	vmul.f32 $5.235987900e-01, v5;
	_ =	sdelay $0x1  }
0x3f5: {  	v5 =	vadd.f32 $-3.141592740e+00, v5  }
0x3f6: {  	vm0 =	veq.s32 v3, $0x0  }
0x3f7: {  	v3 =	vnsel vm0, $0x0, v5  }
0x3f8: {  	v4 =	vnsel vm0, $0xC, v4;
	[tilespmem:s29+$0x0] =	vst v3  }
0x3f9: {  	[tilespmem:s28+$0x0] =	vst v4  }
0x3fa: {  	v3 =	vld [tilespmem:s0+$0x10];
	_ =	sdelay $0x4  }
0x3fb: {  	v3 =	vmul.f32 $1.909859300e+00, v3;
	_ =	sdelay $0x1  }
0x3fc: {  	v3 =	vadd.f32 $6.000000000e+00, v3;
	_ =	sdelay $0x1  }
0x3fd: {  	v3 =	vtrunc.f32 v3  }
0x3fe: {  	v3 =	vcvt.f32.s32 v3;
	_ =	sdelay $0x1  }
0x3ff: {  	vm0 =	vlt.s32 v3, $0xB  }
0x400: {  	v3 =	vnsel vm0, $0xB, v3  }
0x401: {  	v4 =	vcvt.s32.f32 v3;
	_ =	sdelay $0x1  }
0x402: {  	v4 =	vadd.f32 $5.000000000e-01, v4;
	_ =	sdelay $0x1  }
0x403: {  	v4 =	vmul.f32 $5.235987900e-01, v4;
	_ =	sdelay $0x1  }
0x404: {  	v4 =	vadd.f32 $-3.141592740e+00, v4  }
0x405: {  	vm0 =	veq.s32 v2, $0x0  }
0x406: {  	v2 =	vnsel vm0, $0x0, v4  }
0x407: {  	v3 =	vnsel vm0, $0xC, v3;
	[tilespmem:s29+$0x10] =	vst v2  }
0x408: {  	[tilespmem:s28+$0x10] =	vst v3  }
0x409: {  	v2 =	vld [tilespmem:s0+$0x20];
	_ =	sdelay $0x4  }
0x40a: {  	v2 =	vmul.f32 $1.909859300e+00, v2;
	_ =	sdelay $0x1  }
0x40b: {  	v2 =	vadd.f32 $6.000000000e+00, v2;
	_ =	sdelay $0x1  }
0x40c: {  	v2 =	vtrunc.f32 v2  }
0x40d: {  	v2 =	vcvt.f32.s32 v2;
	_ =	sdelay $0x1  }
0x40e: {  	vm0 =	vlt.s32 v2, $0xB  }
0x40f: {  	v2 =	vnsel vm0, $0xB, v2  }
0x410: {  	v3 =	vcvt.s32.f32 v2;
	_ =	sdelay $0x1  }
0x411: {  	v3 =	vadd.f32 $5.000000000e-01, v3;
	_ =	sdelay $0x1  }
0x412: {  	v3 =	vmul.f32 $5.235987900e-01, v3;
	_ =	sdelay $0x1  }
0x413: {  	v3 =	vadd.f32 $-3.141592740e+00, v3  }
0x414: {  	vm0 =	veq.s32 v1, $0x0  }
0x415: {  	v1 =	vnsel vm0, $0x0, v3  }
0x416: {  	v2 =	vnsel vm0, $0xC, v2;
	[tilespmem:s29+$0x20] =	vst v1  }
0x417: {  	[tilespmem:s28+$0x20] =	vst v2  }
0x418: {  	v1 =	vld [tilespmem:s0+$0x30];
	_ =	sdelay $0x4  }
0x419: {  	v1 =	vmul.f32 $1.909859300e+00, v1;
	_ =	sdelay $0x1  }
0x41a: {  	v1 =	vadd.f32 $6.000000000e+00, v1;
	_ =	sdelay $0x1  }
0x41b: {  	v1 =	vtrunc.f32 v1  }
0x41c: {  	v1 =	vcvt.f32.s32 v1;
	_ =	sdelay $0x1  }
0x41d: {  	vm0 =	vlt.s32 v1, $0xB  }
0x41e: {  	v1 =	vnsel vm0, $0xB, v1  }
0x41f: {  	v2 =	vcvt.s32.f32 v1;
	_ =	sdelay $0x1  }
0x420: {  	v2 =	vadd.f32 $5.000000000e-01, v2;
	_ =	sdelay $0x1  }
0x421: {  	v2 =	vmul.f32 $5.235987900e-01, v2  }
.Ltmp13:
0x422: {  	(pc) =	sbr.rel @p1 .LBB2_29-.Ltmp13, $4  }
0x423: {  	v2 =	vadd.f32 $-3.141592740e+00, v2  }
0x424: {  	vm0 =	veq.s32 v0, $0x0  }
0x425: {  	v2 =	vnsel vm0, $0x0, v2  }
0x426: {  	s0 =	sadd.s32 $0x100, s0;
	v0 =	vnsel vm0, $0xC, v1;
	[tilespmem:s29+$0x30] =	vst v2  }
0x427: {  	s0 =	sshrl.u32 s30, $0x3  }
0x428: {  	s29 =	simm.s32 $0x5000;
	s26 =	sadd.s32 s2, s0  }
0x429: {  	[tilespmem:s28+$0x30] =	vst v0;
	s28 =	simm.s32 $0x10;
	s30 =	simm.s32 $0x5100;
	s31 =	sadd.s32 $0x0, s26  }
.LBB2_31:
0x42a: {  	[hbm4b:s31+s5] =	stream.linear.scatter [tilespmem:s29], [sflag:$0x5], $0x80, $0x38;
	[tilespmem:$0xD000] =	vst v63  }
0x42b: {  	s4 =	smov.u32 s28;
	s29 =	smov.u32 s30;
	p1 =	sne.s32 s28, $0x3F0  }
.Ltmp14:
0x42c: {  	s28 =	sadd.s32 $0x10, s28;
	(pc) =	sbr.rel @p1 .LBB2_31-.Ltmp14, $2  }
0x42d: {  	_ =	sdelay $0x2  }
0x42e: {  	s30 =	sadd.s32 $0x100, s30;
	s31 =	sadd.s32 s4, s26  }
0x42f: {  	[hbm4b:s31+s5] =	stream.linear.scatter [tilespmem:s29], [sflag:$0x5], $0x80, $0x38;
	[tilespmem:$0xD000] =	vst v63  }
0x430: {  	s0 =	sadd.s32 s3, s0;
	s26 =	simm.s32 $0x9000  }
0x431: {  	s28 =	simm.s32 $0x10;
	s29 =	simm.s32 $0x9100;
	s30 =	sadd.s32 $0x0, s0  }
.LBB2_33:
0x432: {  	[hbm4b:s30+s5] =	stream.linear.scatter [tilespmem:s26], [sflag:$0x7], $0x80, $0x38;
	[tilespmem:$0xD000] =	vst v63  }
0x433: {  	s4 =	smov.u32 s28;
	s26 =	smov.u32 s29;
	p1 =	sne.s32 s28, $0x3F0  }
.Ltmp15:
0x434: {  	s28 =	sadd.s32 $0x10, s28;
	(pc) =	sbr.rel @p1 .LBB2_33-.Ltmp15, $2  }
0x435: {  	_ =	sdelay $0x2  }
0x436: {  	s29 =	sadd.s32 $0x100, s29;
	s30 =	sadd.s32 s4, s0  }
0x437: {  	p1 =	seq.s32 s23, $0xF  }
.Ltmp16:
0x438: {  	_ = 	snop;
	(pc) =	sbr.rel @p1 .LBB2_38-.Ltmp16, $2  }
0x439: {  	_ =	sdelay $0x2  }
0x43a: {  	[hbm4b:s30+s5] =	stream.linear.scatter [tilespmem:s26], [sflag:$0x7], $0x80, $0x38;
	[tilespmem:$0xD000] =	vst v63  }
0x43b: {  	s0 =	sadd.s32 $0x2, s25  }
0x43c: {  	s4 =	sshll.u32 s0, $0xD  }
0x43d: {  	s4 =	sadd.s32 s11, s4  }
0x43e: {  	s4 =	sshrl.u32 s4, $0x3  }
0x43f: {  	s26 =	simm.s32 $0x0;
	s25 =	sadd.s32 s1, s4  }
0x440: {  	s28 =	simm.s32 $0x10;
	s29 =	simm.s32 $0x100;
	s30 =	sadd.s32 $0x0, s25  }
.LBB2_36:
0x441: {  	[tilespmem:s26], [sflag:$0x1] =	stream.linear.gather [hbm4b:s30+s5], $0x80, $0x38;
	[tilespmem:$0xD000] =	vst v63  }
0x442: {  	s4 =	smov.u32 s28;
	s26 =	smov.u32 s29;
	p1 =	sne.s32 s28, $0x3F0  }
.Ltmp17:
0x443: {  	s28 =	sadd.s32 $0x10, s28;
	(pc) =	sbr.rel @p1 .LBB2_36-.Ltmp17, $2  }
0x444: {  	_ =	sdelay $0x2  }
0x445: {  	s29 =	sadd.s32 $0x100, s29;
	s30 =	sadd.s32 s4, s25  }
0x446: {  	[tilespmem:s26], [sflag:$0x1] =	stream.linear.gather [hbm4b:s30+s5], $0x80, $0x38;
	[tilespmem:$0xD000] =	vst v63  }
0x447: {  	s0 =	sshll.u32 s0, $0xB  }
0x448: {  	s0 =	sadd.s32 s12, s0  }
0x449: {  	s0 =	sshrl.u32 s0, $0x3  }
0x44a: {  	s4 =	simm.s32 $0x4000;
	s0 =	sadd.s32 s6, s0  }
0x44b: {  	[tilespmem:s4], [sflag:$0x3] =	stream.linear.gather [hbm4b:s0+s5], $0x80, $0x38;
	[tilespmem:$0xD000] =	vst v63  }
0x44c: {  	s19 =	simm.s32 $0x4100;
	s29 =	sadd.s32 $0x10, s0  }
0x44d: {  	[tilespmem:s19], [sflag:$0x3] =	stream.linear.gather [hbm4b:s29+s5], $0x80, $0x38;
	[tilespmem:$0xD000] =	vst v63  }
0x44e: {  	s31 =	simm.s32 $0x4200;
	s30 =	sadd.s32 $0x20, s0  }
0x44f: {  	[tilespmem:s31], [sflag:$0x3] =	stream.linear.gather [hbm4b:s30+s5], $0x80, $0x38;
	[tilespmem:$0xD000] =	vst v63  }
0x450: {  	s26 =	simm.s32 $0x4300;
	s25 =	sadd.s32 $0x30, s0  }
0x451: {  	[tilespmem:s26], [sflag:$0x3] =	stream.linear.gather [hbm4b:s25+s5], $0x80, $0x38;
	[tilespmem:$0xD000] =	vst v63  }
0x452: {  	s28 =	sadd.s32 $0x40, s0;
	s29 =	simm.s32 $0x4400  }
0x453: {  	[tilespmem:s29], [sflag:$0x3] =	stream.linear.gather [hbm4b:s28+s5], $0x80, $0x38;
	[tilespmem:$0xD000] =	vst v63  }
0x454: {  	s30 =	sadd.s32 $0x50, s0;
	s31 =	simm.s32 $0x4500  }
0x455: {  	[tilespmem:s31], [sflag:$0x3] =	stream.linear.gather [hbm4b:s30+s5], $0x80, $0x38;
	[tilespmem:$0xD000] =	vst v63  }
0x456: {  	s25 =	sadd.s32 $0x60, s0;
	s26 =	simm.s32 $0x4600  }
0x457: {  	[tilespmem:s26], [sflag:$0x3] =	stream.linear.gather [hbm4b:s25+s5], $0x80, $0x38;
	[tilespmem:$0xD000] =	vst v63  }
0x458: {  	s28 =	sadd.s32 $0x70, s0;
	s29 =	simm.s32 $0x4700  }
0x459: {  	[tilespmem:s29], [sflag:$0x3] =	stream.linear.gather [hbm4b:s28+s5], $0x80, $0x38;
	[tilespmem:$0xD000] =	vst v63  }
0x45a: {  	s30 =	sadd.s32 $0x80, s0;
	s31 =	simm.s32 $0x4800  }
0x45b: {  	[tilespmem:s31], [sflag:$0x3] =	stream.linear.gather [hbm4b:s30+s5], $0x80, $0x38;
	[tilespmem:$0xD000] =	vst v63  }
0x45c: {  	s25 =	sadd.s32 $0x90, s0;
	s26 =	simm.s32 $0x4900  }
0x45d: {  	[tilespmem:s26], [sflag:$0x3] =	stream.linear.gather [hbm4b:s25+s5], $0x80, $0x38;
	[tilespmem:$0xD000] =	vst v63  }
0x45e: {  	s28 =	sadd.s32 $0xA0, s0;
	s29 =	simm.s32 $0x4A00  }
0x45f: {  	[tilespmem:s29], [sflag:$0x3] =	stream.linear.gather [hbm4b:s28+s5], $0x80, $0x38;
	[tilespmem:$0xD000] =	vst v63  }
0x460: {  	s30 =	sadd.s32 $0xB0, s0;
	s31 =	simm.s32 $0x4B00  }
0x461: {  	[tilespmem:s31], [sflag:$0x3] =	stream.linear.gather [hbm4b:s30+s5], $0x80, $0x38;
	[tilespmem:$0xD000] =	vst v63  }
0x462: {  	s19 =	sadd.s32 $0xC0, s0;
	s25 =	simm.s32 $0x4C00  }
0x463: {  	[tilespmem:s25], [sflag:$0x3] =	stream.linear.gather [hbm4b:s19+s5], $0x80, $0x38;
	[tilespmem:$0xD000] =	vst v63  }
0x464: {  	s26 =	sadd.s32 $0xD0, s0;
	s28 =	simm.s32 $0x4D00  }
0x465: {  	[tilespmem:s28], [sflag:$0x3] =	stream.linear.gather [hbm4b:s26+s5], $0x80, $0x38;
	[tilespmem:$0xD000] =	vst v63  }
0x466: {  	s29 =	sadd.s32 $0xE0, s0;
	s30 =	simm.s32 $0x4E00  }
0x467: {  	[tilespmem:s30], [sflag:$0x3] =	stream.linear.gather [hbm4b:s29+s5], $0x80, $0x38;
	[tilespmem:$0xD000] =	vst v63  }
0x468: {  	s0 =	sadd.s32 $0xF0, s0;
	s31 =	simm.s32 $0x4F00  }
0x469: {  	[tilespmem:s31], [sflag:$0x3] =	stream.linear.gather [hbm4b:s0+s5], $0x80, $0x38;
	[tilespmem:$0xD000] =	vst v63  }
.LBB2_38:
0x46a: {  	_ =	swait.ge [sflag:s17], $0x2000  }
0x46b: {  	[sflag:s17] =	ssyncset.done $0x0  }
0x46c: {  	[sflag:s17] =	ssyncadd.s32 $0xFFFFE000  }
0x46d: {  	_ =	swait.ge [sflag:s18], $0x800  }
0x46e: {  	[sflag:s18] =	ssyncset.done $0x0  }
0x46f: {  	s0 =	simm.s32 @!p0 $0x6;
	[sflag:s18] =	ssyncadd.s32 $0xFFFFF800  }
0x470: {  	_ =	swait.ge @!p0 [sflag:s0], $0x2000  }
0x471: {  	[sflag:s0] =	ssyncset.done @!p0 $0x0  }
0x472: {  	[sflag:s0] =	ssyncadd.s32 @!p0 $0xFFFFE000;
	s0 =	simm.s32 @!p0 $0x8  }
0x473: {  	_ =	swait.ge @!p0 [sflag:s0], $0x2000  }
0x474: {  	[sflag:s0] =	ssyncset.done @!p0 $0x0  }
0x475: {  	s31 =	simm.s32 $0xF0;
	[sflag:s0] =	ssyncadd.s32 @!p0 $0xFFFFE000  }
0x476: {  	v0 =	vld [tilespmem:s31+$0xFFFFFF90];
	_ =	sdelay $0x4  }
0x477: {  	v0 =	vmul.f32 $1.909859300e+00, v0;
	_ =	sdelay $0x1  }
0x478: {  	v0 =	vadd.f32 $6.000000000e+00, v0;
	_ =	sdelay $0x1  }
0x479: {  	v0 =	vtrunc.f32 v0  }
0x47a: {  	v0 =	vcvt.f32.s32 v0;
	_ =	sdelay $0x1  }
0x47b: {  	s25 =	simm.s32 $0x0;
	vm0 =	vlt.s32 v0, $0xB  }
0x47c: {  	s4 =	sand.u32 $0x60, s25;
	s19 =	sand.u32 $0xF00, s25;
	v0 =	vnsel vm0, $0xB, v0  }
0x47d: {  	s4 =	sor.u32 s4, s19;
	v1 =	vcvt.s32.f32 v0  }
0x47e: {  	v2 =	vld [tilespmem:s4+$0x4080]  }
0x47f: {  	v1 =	vadd.f32 $5.000000000e-01, v1;
	_ =	sdelay $0x1  }
0x480: {  	v1 =	vmul.f32 $5.235987900e-01, v1;
	_ =	sdelay $0x1  }
0x481: {  	v3 =	vand.u32 $0x1, v2;
	v1 =	vadd.f32 $-3.141592740e+00, v1  }
0x482: {  	vm13 =	veq.s32 v3, $0x0  }
0x483: {  	s28 =	simm.s32 $0x50F0;
	v1 =	vnsel vm13, $0x0, v1  }
0x484: {  	s26 =	simm.s32 $0x90F0;
	v3 =	vld [tilespmem:s4+$0x4090];
	v0 =	vnsel vm13, $0xC, v0;
	[tilespmem:s28+$0xFFFFFF90] =	vst v1  }
0x485: {  	[tilespmem:s26+$0xFFFFFF90] =	vst v0  }
0x486: {  	v0 =	vld [tilespmem:s31+$0xFFFFFFA0];
	_ =	sdelay $0x4  }
0x487: {  	v0 =	vmul.f32 $1.909859300e+00, v0;
	_ =	sdelay $0x1  }
0x488: {  	v0 =	vadd.f32 $6.000000000e+00, v0;
	_ =	sdelay $0x1  }
0x489: {  	v0 =	vtrunc.f32 v0  }
0x48a: {  	v0 =	vcvt.f32.s32 v0;
	_ =	sdelay $0x1  }
0x48b: {  	vm14 =	vlt.s32 v0, $0xB  }
0x48c: {  	v0 =	vnsel vm14, $0xB, v0  }
0x48d: {  	v1 =	vcvt.s32.f32 v0;
	_ =	sdelay $0x1  }
0x48e: {  	v1 =	vadd.f32 $5.000000000e-01, v1;
	_ =	sdelay $0x1  }
0x48f: {  	v1 =	vmul.f32 $5.235987900e-01, v1;
	_ =	sdelay $0x1  }
0x490: {  	v4 =	vand.u32 $0x100, v2;
	v1 =	vadd.f32 $-3.141592740e+00, v1  }
0x491: {  	vm15 =	veq.s32 v4, $0x0  }
0x492: {  	v1 =	vnsel vm15, $0x0, v1  }
0x493: {  	v0 =	vnsel vm15, $0xC, v0;
	[tilespmem:s28+$0xFFFFFFA0] =	vst v1  }
0x494: {  	[tilespmem:s26+$0xFFFFFFA0] =	vst v0  }
0x495: {  	v0 =	vld [tilespmem:s31+$0xFFFFFFB0];
	_ =	sdelay $0x4  }
0x496: {  	v0 =	vmul.f32 $1.909859300e+00, v0;
	_ =	sdelay $0x1  }
0x497: {  	v0 =	vadd.f32 $6.000000000e+00, v0;
	_ =	sdelay $0x1  }
0x498: {  	v0 =	vtrunc.f32 v0  }
0x499: {  	v0 =	vcvt.f32.s32 v0;
	_ =	sdelay $0x1  }
0x49a: {  	vm4 =	vlt.s32 v0, $0xB  }
0x49b: {  	v0 =	vnsel vm4, $0xB, v0  }
0x49c: {  	v1 =	vcvt.s32.f32 v0;
	_ =	sdelay $0x1  }
0x49d: {  	v1 =	vadd.f32 $5.000000000e-01, v1;
	_ =	sdelay $0x1  }
0x49e: {  	v1 =	vmul.f32 $5.235987900e-01, v1;
	_ =	sdelay $0x1  }
0x49f: {  	v63 =	vand.u32 $0x10000, v2;
	v1 =	vadd.f32 $-3.141592740e+00, v1  }
0x4a0: {  	vm5 =	veq.s32 v63, $0x0  }
0x4a1: {  	v1 =	vnsel vm5, $0x0, v1  }
0x4a2: {  	v0 =	vnsel vm5, $0xC, v0;
	[tilespmem:s28+$0xFFFFFFB0] =	vst v1  }
0x4a3: {  	[tilespmem:s26+$0xFFFFFFB0] =	vst v0  }
0x4a4: {  	v0 =	vld [tilespmem:s31+$0xFFFFFFC0];
	_ =	sdelay $0x4  }
0x4a5: {  	v0 =	vmul.f32 $1.909859300e+00, v0;
	_ =	sdelay $0x1  }
0x4a6: {  	v0 =	vadd.f32 $6.000000000e+00, v0;
	_ =	sdelay $0x1  }
0x4a7: {  	v0 =	vtrunc.f32 v0  }
0x4a8: {  	v0 =	vcvt.f32.s32 v0;
	_ =	sdelay $0x1  }
0x4a9: {  	vm6 =	vlt.s32 v0, $0xB  }
0x4aa: {  	v0 =	vnsel vm6, $0xB, v0  }
0x4ab: {  	v1 =	vcvt.s32.f32 v0;
	_ =	sdelay $0x1  }
0x4ac: {  	v1 =	vadd.f32 $5.000000000e-01, v1;
	_ =	sdelay $0x1  }
0x4ad: {  	v1 =	vmul.f32 $5.235987900e-01, v1;
	_ =	sdelay $0x1  }
0x4ae: {  	v2 =	vand.u32 $0x1000000, v2;
	v1 =	vadd.f32 $-3.141592740e+00, v1  }
0x4af: {  	vm7 =	veq.s32 v2, $0x0  }
0x4b0: {  	v1 =	vnsel vm7, $0x0, v1  }
0x4b1: {  	v0 =	vnsel vm7, $0xC, v0;
	[tilespmem:s28+$0xFFFFFFC0] =	vst v1  }
0x4b2: {  	[tilespmem:s26+$0xFFFFFFC0] =	vst v0  }
0x4b3: {  	v0 =	vld [tilespmem:s31+$0xFFFFFFD0];
	_ =	sdelay $0x4  }
0x4b4: {  	v0 =	vmul.f32 $1.909859300e+00, v0;
	_ =	sdelay $0x1  }
0x4b5: {  	v0 =	vadd.f32 $6.000000000e+00, v0;
	_ =	sdelay $0x1  }
0x4b6: {  	v0 =	vtrunc.f32 v0  }
0x4b7: {  	v0 =	vcvt.f32.s32 v0;
	_ =	sdelay $0x1  }
0x4b8: {  	vm8 =	vlt.s32 v0, $0xB  }
0x4b9: {  	v0 =	vnsel vm8, $0xB, v0  }
0x4ba: {  	v1 =	vcvt.s32.f32 v0;
	_ =	sdelay $0x1  }
0x4bb: {  	v1 =	vadd.f32 $5.000000000e-01, v1;
	_ =	sdelay $0x1  }
0x4bc: {  	v1 =	vmul.f32 $5.235987900e-01, v1;
	_ =	sdelay $0x1  }
0x4bd: {  	v2 =	vand.u32 $0x1, v3;
	v1 =	vadd.f32 $-3.141592740e+00, v1  }
0x4be: {  	vm9 =	veq.s32 v2, $0x0  }
0x4bf: {  	v1 =	vnsel vm9, $0x0, v1  }
0x4c0: {  	v0 =	vnsel vm9, $0xC, v0;
	[tilespmem:s28+$0xFFFFFFD0] =	vst v1  }
0x4c1: {  	[tilespmem:s26+$0xFFFFFFD0] =	vst v0  }
0x4c2: {  	v0 =	vld [tilespmem:s31+$0xFFFFFFE0];
	_ =	sdelay $0x4  }
0x4c3: {  	v0 =	vmul.f32 $1.909859300e+00, v0;
	_ =	sdelay $0x1  }
0x4c4: {  	v0 =	vadd.f32 $6.000000000e+00, v0;
	_ =	sdelay $0x1  }
0x4c5: {  	v0 =	vtrunc.f32 v0  }
0x4c6: {  	v0 =	vcvt.f32.s32 v0;
	_ =	sdelay $0x1  }
0x4c7: {  	vm10 =	vlt.s32 v0, $0xB  }
0x4c8: {  	v0 =	vnsel vm10, $0xB, v0  }
0x4c9: {  	v1 =	vcvt.s32.f32 v0;
	_ =	sdelay $0x1  }
0x4ca: {  	v1 =	vadd.f32 $5.000000000e-01, v1;
	_ =	sdelay $0x1  }
0x4cb: {  	v1 =	vmul.f32 $5.235987900e-01, v1;
	_ =	sdelay $0x1  }
0x4cc: {  	v2 =	vand.u32 $0x100, v3;
	v1 =	vadd.f32 $-3.141592740e+00, v1  }
0x4cd: {  	vm11 =	veq.s32 v2, $0x0  }
0x4ce: {  	v1 =	vnsel vm11, $0x0, v1  }
0x4cf: {  	v0 =	vnsel vm11, $0xC, v0;
	[tilespmem:s28+$0xFFFFFFE0] =	vst v1  }
0x4d0: {  	[tilespmem:s26+$0xFFFFFFE0] =	vst v0  }
0x4d1: {  	v0 =	vld [tilespmem:s31+$0xFFFFFFF0];
	_ =	sdelay $0x4  }
0x4d2: {  	v0 =	vmul.f32 $1.909859300e+00, v0;
	_ =	sdelay $0x1  }
0x4d3: {  	v0 =	vadd.f32 $6.000000000e+00, v0;
	_ =	sdelay $0x1  }
0x4d4: {  	v0 =	vtrunc.f32 v0  }
0x4d5: {  	v0 =	vcvt.f32.s32 v0;
	_ =	sdelay $0x1  }
0x4d6: {  	vm12 =	vlt.s32 v0, $0xB  }
0x4d7: {  	v0 =	vnsel vm12, $0xB, v0  }
0x4d8: {  	v1 =	vcvt.s32.f32 v0;
	_ =	sdelay $0x1  }
0x4d9: {  	v1 =	vadd.f32 $5.000000000e-01, v1;
	_ =	sdelay $0x1  }
0x4da: {  	v1 =	vmul.f32 $5.235987900e-01, v1;
	_ =	sdelay $0x1  }
0x4db: {  	v2 =	vand.u32 $0x10000, v3;
	v1 =	vadd.f32 $-3.141592740e+00, v1  }
0x4dc: {  	vm13 =	veq.s32 v2, $0x0  }
0x4dd: {  	v1 =	vnsel vm13, $0x0, v1  }
0x4de: {  	v0 =	vnsel vm13, $0xC, v0;
	[tilespmem:s28+$0xFFFFFFF0] =	vst v1  }
0x4df: {  	[tilespmem:s26+$0xFFFFFFF0] =	vst v0  }
0x4e0: {  	v0 =	vld [tilespmem:s31+$0x0];
	_ =	sdelay $0x4  }
0x4e1: {  	v0 =	vmul.f32 $1.909859300e+00, v0;
	_ =	sdelay $0x1  }
0x4e2: {  	v0 =	vadd.f32 $6.000000000e+00, v0;
	_ =	sdelay $0x1  }
0x4e3: {  	v0 =	vtrunc.f32 v0  }
0x4e4: {  	v0 =	vcvt.f32.s32 v0;
	_ =	sdelay $0x1  }
0x4e5: {  	vm14 =	vlt.s32 v0, $0xB  }
0x4e6: {  	v0 =	vnsel vm14, $0xB, v0  }
0x4e7: {  	v1 =	vcvt.s32.f32 v0;
	_ =	sdelay $0x1  }
0x4e8: {  	v1 =	vadd.f32 $5.000000000e-01, v1;
	_ =	sdelay $0x1  }
0x4e9: {  	v1 =	vmul.f32 $5.235987900e-01, v1;
	_ =	sdelay $0x1  }
0x4ea: {  	v2 =	vand.u32 $0x1000000, v3;
	v1 =	vadd.f32 $-3.141592740e+00, v1  }
0x4eb: {  	vm15 =	veq.s32 v2, $0x0  }
0x4ec: {  	v1 =	vnsel vm15, $0x0, v1  }
0x4ed: {  	s29 =	simm.s32 $0x20;
	s0 =	simm.s32 $0x1F0;
	v0 =	vnsel vm15, $0xC, v0;
	[tilespmem:s28+$0x0] =	vst v1  }
.LBB2_39:
0x4ee: {  	[tilespmem:s26+$0x0] =	vst v0;
	s25 =	sadd.s32 $0x40, s25;
	s26 =	sadd.s32 $0x100, s26;
	s28 =	sadd.s32 $0x100, s28  }
0x4ef: {  	p0 =	sne.s32 s29, $0x7E0;
	s4 =	smov.u32 s29;
	s29 =	sadd.s32 $0x20, s29;
	v0 =	vld [tilespmem:s0+$0xFFFFFF90]  }
0x4f0: {  	_ =	sdelay $0x3  }
0x4f1: {  	v0 =	vmul.f32 $1.909859300e+00, v0;
	_ =	sdelay $0x1  }
0x4f2: {  	v0 =	vadd.f32 $6.000000000e+00, v0;
	_ =	sdelay $0x1  }
0x4f3: {  	v0 =	vtrunc.f32 v0  }
0x4f4: {  	v0 =	vcvt.f32.s32 v0;
	_ =	sdelay $0x1  }
0x4f5: {  	vm0 =	vlt.s32 v0, $0xB  }
0x4f6: {  	s4 =	sand.u32 $0x60, s4;
	s19 =	sand.u32 $0xF00, s25;
	v0 =	vnsel vm0, $0xB, v0  }
0x4f7: {  	s4 =	sor.u32 s4, s19;
	v1 =	vcvt.s32.f32 v0  }
0x4f8: {  	v2 =	vld [tilespmem:s4+$0x4080]  }
0x4f9: {  	v1 =	vadd.f32 $5.000000000e-01, v1;
	_ =	sdelay $0x1  }
0x4fa: {  	v1 =	vmul.f32 $5.235987900e-01, v1;
	_ =	sdelay $0x1  }
0x4fb: {  	v1 =	vadd.f32 $-3.141592740e+00, v1;
	v3 =	vand.u32 $0x1, v2;
	v4 =	vand.u32 $0x100, v2  }
0x4fc: {  	v5 =	vand.u32 $0x10000, v2;
	v6 =	vand.u32 $0x1000000, v2;
	vm0 =	veq.s32 v3, $0x0  }
0x4fd: {  	v7 =	vld [tilespmem:s4+$0x4090];
	v1 =	vnsel vm0, $0x0, v1  }
0x4fe: {  	v0 =	vnsel vm0, $0xC, v0;
	[tilespmem:s28+$0xFFFFFF90] =	vst v1  }
0x4ff: {  	[tilespmem:s26+$0xFFFFFF90] =	vst v0  }
0x500: {  	v8 =	vld [tilespmem:s0+$0xFFFFFFA0];
	_ =	sdelay $0x1  }
0x501: {  	v3 =	vand.u32 $0x1, v7;
	v2 =	vand.u32 $0x100, v7;
	v1 =	vand.u32 $0x10000, v7  }
0x502: {  	v0 =	vand.u32 $0x1000000, v7;
	_ =	sdelay $0x1  }
0x503: {  	v7 =	vmul.f32 $1.909859300e+00, v8;
	_ =	sdelay $0x1  }
0x504: {  	v7 =	vadd.f32 $6.000000000e+00, v7;
	_ =	sdelay $0x1  }
0x505: {  	v7 =	vtrunc.f32 v7  }
0x506: {  	v7 =	vcvt.f32.s32 v7;
	_ =	sdelay $0x1  }
0x507: {  	vm0 =	vlt.s32 v7, $0xB  }
0x508: {  	v7 =	vnsel vm0, $0xB, v7  }
0x509: {  	v8 =	vcvt.s32.f32 v7;
	_ =	sdelay $0x1  }
0x50a: {  	v8 =	vadd.f32 $5.000000000e-01, v8;
	_ =	sdelay $0x1  }
0x50b: {  	v8 =	vmul.f32 $5.235987900e-01, v8;
	_ =	sdelay $0x1  }
0x50c: {  	v8 =	vadd.f32 $-3.141592740e+00, v8  }
0x50d: {  	vm0 =	veq.s32 v4, $0x0  }
0x50e: {  	v4 =	vnsel vm0, $0x0, v8  }
0x50f: {  	v7 =	vnsel vm0, $0xC, v7;
	[tilespmem:s28+$0xFFFFFFA0] =	vst v4  }
0x510: {  	[tilespmem:s26+$0xFFFFFFA0] =	vst v7  }
0x511: {  	v4 =	vld [tilespmem:s0+$0xFFFFFFB0];
	_ =	sdelay $0x4  }
0x512: {  	v4 =	vmul.f32 $1.909859300e+00, v4;
	_ =	sdelay $0x1  }
0x513: {  	v4 =	vadd.f32 $6.000000000e+00, v4;
	_ =	sdelay $0x1  }
0x514: {  	v4 =	vtrunc.f32 v4  }
0x515: {  	v4 =	vcvt.f32.s32 v4;
	_ =	sdelay $0x1  }
0x516: {  	vm0 =	vlt.s32 v4, $0xB  }
0x517: {  	v4 =	vnsel vm0, $0xB, v4  }
0x518: {  	v7 =	vcvt.s32.f32 v4;
	_ =	sdelay $0x1  }
0x519: {  	v7 =	vadd.f32 $5.000000000e-01, v7;
	_ =	sdelay $0x1  }
0x51a: {  	v7 =	vmul.f32 $5.235987900e-01, v7;
	_ =	sdelay $0x1  }
0x51b: {  	v7 =	vadd.f32 $-3.141592740e+00, v7  }
0x51c: {  	vm0 =	veq.s32 v5, $0x0  }
0x51d: {  	v5 =	vnsel vm0, $0x0, v7  }
0x51e: {  	v4 =	vnsel vm0, $0xC, v4;
	[tilespmem:s28+$0xFFFFFFB0] =	vst v5  }
0x51f: {  	[tilespmem:s26+$0xFFFFFFB0] =	vst v4  }
0x520: {  	v4 =	vld [tilespmem:s0+$0xFFFFFFC0];
	_ =	sdelay $0x4  }
0x521: {  	v4 =	vmul.f32 $1.909859300e+00, v4;
	_ =	sdelay $0x1  }
0x522: {  	v4 =	vadd.f32 $6.000000000e+00, v4;
	_ =	sdelay $0x1  }
0x523: {  	v4 =	vtrunc.f32 v4  }
0x524: {  	v4 =	vcvt.f32.s32 v4;
	_ =	sdelay $0x1  }
0x525: {  	vm0 =	vlt.s32 v4, $0xB  }
0x526: {  	v4 =	vnsel vm0, $0xB, v4  }
0x527: {  	v5 =	vcvt.s32.f32 v4;
	_ =	sdelay $0x1  }
0x528: {  	v5 =	vadd.f32 $5.000000000e-01, v5;
	_ =	sdelay $0x1  }
0x529: {  	v5 =	vmul.f32 $5.235987900e-01, v5;
	_ =	sdelay $0x1  }
0x52a: {  	v5 =	vadd.f32 $-3.141592740e+00, v5  }
0x52b: {  	vm0 =	veq.s32 v6, $0x0  }
0x52c: {  	v5 =	vnsel vm0, $0x0, v5  }
0x52d: {  	v4 =	vnsel vm0, $0xC, v4;
	[tilespmem:s28+$0xFFFFFFC0] =	vst v5  }
0x52e: {  	[tilespmem:s26+$0xFFFFFFC0] =	vst v4  }
0x52f: {  	v4 =	vld [tilespmem:s0+$0xFFFFFFD0];
	_ =	sdelay $0x4  }
0x530: {  	v4 =	vmul.f32 $1.909859300e+00, v4;
	_ =	sdelay $0x1  }
0x531: {  	v4 =	vadd.f32 $6.000000000e+00, v4;
	_ =	sdelay $0x1  }
0x532: {  	v4 =	vtrunc.f32 v4  }
0x533: {  	v4 =	vcvt.f32.s32 v4;
	_ =	sdelay $0x1  }
0x534: {  	vm0 =	vlt.s32 v4, $0xB  }
0x535: {  	v4 =	vnsel vm0, $0xB, v4  }
0x536: {  	v5 =	vcvt.s32.f32 v4;
	_ =	sdelay $0x1  }
0x537: {  	v5 =	vadd.f32 $5.000000000e-01, v5;
	_ =	sdelay $0x1  }
0x538: {  	v5 =	vmul.f32 $5.235987900e-01, v5;
	_ =	sdelay $0x1  }
0x539: {  	v5 =	vadd.f32 $-3.141592740e+00, v5  }
0x53a: {  	vm0 =	veq.s32 v3, $0x0  }
0x53b: {  	v3 =	vnsel vm0, $0x0, v5  }
0x53c: {  	v4 =	vnsel vm0, $0xC, v4;
	[tilespmem:s28+$0xFFFFFFD0] =	vst v3  }
0x53d: {  	[tilespmem:s26+$0xFFFFFFD0] =	vst v4  }
0x53e: {  	v3 =	vld [tilespmem:s0+$0xFFFFFFE0];
	_ =	sdelay $0x4  }
0x53f: {  	v3 =	vmul.f32 $1.909859300e+00, v3;
	_ =	sdelay $0x1  }
0x540: {  	v3 =	vadd.f32 $6.000000000e+00, v3;
	_ =	sdelay $0x1  }
0x541: {  	v3 =	vtrunc.f32 v3  }
0x542: {  	v3 =	vcvt.f32.s32 v3;
	_ =	sdelay $0x1  }
0x543: {  	vm0 =	vlt.s32 v3, $0xB  }
0x544: {  	v3 =	vnsel vm0, $0xB, v3  }
0x545: {  	v4 =	vcvt.s32.f32 v3;
	_ =	sdelay $0x1  }
0x546: {  	v4 =	vadd.f32 $5.000000000e-01, v4;
	_ =	sdelay $0x1  }
0x547: {  	v4 =	vmul.f32 $5.235987900e-01, v4;
	_ =	sdelay $0x1  }
0x548: {  	v4 =	vadd.f32 $-3.141592740e+00, v4  }
0x549: {  	vm0 =	veq.s32 v2, $0x0  }
0x54a: {  	v2 =	vnsel vm0, $0x0, v4  }
0x54b: {  	v3 =	vnsel vm0, $0xC, v3;
	[tilespmem:s28+$0xFFFFFFE0] =	vst v2  }
0x54c: {  	[tilespmem:s26+$0xFFFFFFE0] =	vst v3  }
0x54d: {  	v2 =	vld [tilespmem:s0+$0xFFFFFFF0];
	_ =	sdelay $0x4  }
0x54e: {  	v2 =	vmul.f32 $1.909859300e+00, v2;
	_ =	sdelay $0x1  }
0x54f: {  	v2 =	vadd.f32 $6.000000000e+00, v2;
	_ =	sdelay $0x1  }
0x550: {  	v2 =	vtrunc.f32 v2  }
0x551: {  	v2 =	vcvt.f32.s32 v2;
	_ =	sdelay $0x1  }
0x552: {  	vm0 =	vlt.s32 v2, $0xB  }
0x553: {  	v2 =	vnsel vm0, $0xB, v2  }
0x554: {  	v3 =	vcvt.s32.f32 v2;
	_ =	sdelay $0x1  }
0x555: {  	v3 =	vadd.f32 $5.000000000e-01, v3;
	_ =	sdelay $0x1  }
0x556: {  	v3 =	vmul.f32 $5.235987900e-01, v3;
	_ =	sdelay $0x1  }
0x557: {  	v3 =	vadd.f32 $-3.141592740e+00, v3  }
0x558: {  	vm0 =	veq.s32 v1, $0x0  }
0x559: {  	v1 =	vnsel vm0, $0x0, v3  }
0x55a: {  	v2 =	vnsel vm0, $0xC, v2;
	[tilespmem:s28+$0xFFFFFFF0] =	vst v1  }
0x55b: {  	[tilespmem:s26+$0xFFFFFFF0] =	vst v2  }
0x55c: {  	v1 =	vld [tilespmem:s0+$0x0];
	_ =	sdelay $0x4  }
0x55d: {  	v1 =	vmul.f32 $1.909859300e+00, v1;
	_ =	sdelay $0x1  }
0x55e: {  	v1 =	vadd.f32 $6.000000000e+00, v1;
	_ =	sdelay $0x1  }
0x55f: {  	v1 =	vtrunc.f32 v1  }
0x560: {  	v1 =	vcvt.f32.s32 v1;
	_ =	sdelay $0x1  }
0x561: {  	vm0 =	vlt.s32 v1, $0xB  }
0x562: {  	v1 =	vnsel vm0, $0xB, v1  }
0x563: {  	v2 =	vcvt.s32.f32 v1;
	_ =	sdelay $0x1  }
0x564: {  	v2 =	vadd.f32 $5.000000000e-01, v2;
	_ =	sdelay $0x1  }
0x565: {  	v2 =	vmul.f32 $5.235987900e-01, v2  }
.Ltmp18:
0x566: {  	(pc) =	sbr.rel @p0 .LBB2_39-.Ltmp18, $4  }
0x567: {  	v2 =	vadd.f32 $-3.141592740e+00, v2  }
0x568: {  	vm0 =	veq.s32 v0, $0x0  }
0x569: {  	v2 =	vnsel vm0, $0x0, v2  }
0x56a: {  	s0 =	sadd.s32 $0x100, s0;
	v0 =	vnsel vm0, $0xC, v1;
	[tilespmem:s28+$0x0] =	vst v2  }
0x56b: {  	s0 =	sadd.s32 s2, s24;
	s25 =	simm.s32 $0x5080  }
0x56c: {  	[tilespmem:s26+$0x0] =	vst v0;
	s26 =	simm.s32 $0x10;
	s28 =	simm.s32 $0x5180;
	s29 =	sadd.s32 $0x0, s0  }
.LBB2_41:
0x56d: {  	[hbm4b:s29+s5] =	stream.linear.scatter [tilespmem:s25], [sflag:$0x6], $0x80, $0x38;
	[tilespmem:$0xD000] =	vst v63  }
0x56e: {  	s4 =	smov.u32 s26;
	s25 =	smov.u32 s28;
	p0 =	sne.s32 s26, $0x3F0  }
.Ltmp19:
0x56f: {  	s26 =	sadd.s32 $0x10, s26;
	(pc) =	sbr.rel @p0 .LBB2_41-.Ltmp19, $2  }
0x570: {  	_ =	sdelay $0x2  }
0x571: {  	s28 =	sadd.s32 $0x100, s28;
	s29 =	sadd.s32 s4, s0  }
0x572: {  	[hbm4b:s29+s5] =	stream.linear.scatter [tilespmem:s25], [sflag:$0x6], $0x80, $0x38;
	[tilespmem:$0xD000] =	vst v63  }
0x573: {  	s0 =	sadd.s32 s3, s24;
	s24 =	simm.s32 $0x9080  }
0x574: {  	s25 =	simm.s32 $0x10;
	s26 =	simm.s32 $0x9180;
	s28 =	sadd.s32 $0x0, s0  }
.LBB2_43:
0x575: {  	[hbm4b:s28+s5] =	stream.linear.scatter [tilespmem:s24], [sflag:$0x8], $0x80, $0x38;
	[tilespmem:$0xD000] =	vst v63  }
0x576: {  	s4 =	smov.u32 s25;
	s24 =	smov.u32 s26;
	p0 =	sne.s32 s25, $0x3F0  }
.Ltmp20:
0x577: {  	s25 =	sadd.s32 $0x10, s25;
	(pc) =	sbr.rel @p0 .LBB2_43-.Ltmp20, $2  }
0x578: {  	_ =	sdelay $0x2  }
0x579: {  	s26 =	sadd.s32 $0x100, s26;
	s28 =	sadd.s32 s4, s0  }
0x57a: {  	s23 =	sadd.s32 $0x1, s23  }
0x57b: {  	p0 =	sne.s32 s23, $0x10  }
.Ltmp21:
0x57c: {  	_ = 	snop;
	(pc) =	sbr.rel @p0 .LBB2_26-.Ltmp21, $2  }
0x57d: {  	_ =	sdelay $0x2  }
0x57e: {  	[hbm4b:s28+s5] =	stream.linear.scatter [tilespmem:s24], [sflag:$0x8], $0x80, $0x38;
	[tilespmem:$0xD000] =	vst v63  }
0x57f: {  	s0 =	simm.s32 $0x5  }
0x580: {  	_ =	swait.ge [sflag:s0], $0x2000  }
0x581: {  	[sflag:s0] =	ssyncset.done $0x0  }
0x582: {  	s31 =	simm.s32 $0x7;
	[sflag:s0] =	ssyncadd.s32 $0xFFFFE000  }
0x583: {  	_ =	swait.ge [sflag:s31], $0x2000  }
0x584: {  	[sflag:s31] =	ssyncset.done $0x0  }
0x585: {  	[sflag:s31] =	ssyncadd.s32 $0xFFFFE000  }
0x586: {  	_ =	swait.ge [sflag:s20], $0x2000  }
0x587: {  	[sflag:s20] =	ssyncset.done $0x0  }
0x588: {  	[sflag:s20] =	ssyncadd.s32 $0xFFFFE000  }
0x589: {  	s23 =	simm.s32 $0x0;
	_ =	swait.ge [sflag:s22], $0x2000  }
0x58a: {  	s26 =	sadd.s32 $0x0, s16;
	s24 =	simm.s32 $0x100;
	[sflag:s22] =	ssyncset.done $0x0  }
0x58b: {  	s25 =	simm.s32 $0x0;
	s0 =	simm.s32 $0x10;
	[sflag:s22] =	ssyncadd.s32 $0xFFFFE000  }
.LBB2_46:
0x58c: {  	[tilespmem:s25], [sflag:$0x1] =	stream.linear.gather [hbm4b:s26+s23], $0x80, $0x38;
	[tilespmem:$0xD000] =	vst v63  }
0x58d: {  	s4 =	smov.u32 s0;
	s25 =	smov.u32 s24;
	p0 =	sne.s32 s0, $0x3F0  }
.Ltmp22:
0x58e: {  	s0 =	sadd.s32 $0x10, s0;
	(pc) =	sbr.rel @p0 .LBB2_46-.Ltmp22, $2  }
0x58f: {  	_ =	sdelay $0x2  }
0x590: {  	s24 =	sadd.s32 $0x100, s24;
	s26 =	sadd.s32 s4, s16  }
0x591: {  	[tilespmem:s25], [sflag:$0x1] =	stream.linear.gather [hbm4b:s26+s23], $0x80, $0x38;
	[tilespmem:$0xD000] =	vst v63  }
.LBB2_48:
0x592: {  	s25 =	sshll.u32 s23, $0xE;
	s0 =	rddreg [dreg:$0x8]  }
0x593: {  	s0 =	sadd.s32 s0, s25  }
0x594: {  	s24 =	sshrl.u32 s0, $0x3  }
0x595: {  	s26 =	simm.s32 $0x80;
	s0 =	sadd.s32 s1, s24  }
0x596: {  	s28 =	simm.s32 $0x10;
	s29 =	simm.s32 $0x180;
	s30 =	sadd.s32 $0x0, s0  }
.LBB2_49:
0x597: {  	[tilespmem:s26], [sflag:$0x2] =	stream.linear.gather [hbm4b:s30+s5], $0x80, $0x38;
	[tilespmem:$0xD000] =	vst v63  }
0x598: {  	s4 =	smov.u32 s28;
	s26 =	smov.u32 s29;
	p0 =	sne.s32 s28, $0x3F0  }
.Ltmp23:
0x599: {  	s28 =	sadd.s32 $0x10, s28;
	(pc) =	sbr.rel @p0 .LBB2_49-.Ltmp23, $2  }
0x59a: {  	_ =	sdelay $0x2  }
0x59b: {  	s29 =	sadd.s32 $0x100, s29;
	s30 =	sadd.s32 s4, s0  }
0x59c: {  	[tilespmem:s26], [sflag:$0x2] =	stream.linear.gather [hbm4b:s30+s5], $0x80, $0x38;
	[tilespmem:$0xD000] =	vst v63  }
0x59d: {  	_ =	swait.ge [sflag:s15], $0x2000  }
0x59e: {  	p0 =	seq.s32 s23, $0x0;
	[sflag:s15] =	ssyncset.done $0x0  }
0x59f: {  	s0 =	simm.s32 @!p0 $0x5;
	[sflag:s15] =	ssyncadd.s32 $0xFFFFE000  }
0x5a0: {  	_ =	swait.ge @!p0 [sflag:s0], $0x2000  }
0x5a1: {  	[sflag:s0] =	ssyncset.done @!p0 $0x0  }
0x5a2: {  	[sflag:s0] =	ssyncadd.s32 @!p0 $0xFFFFE000;
	s0 =	simm.s32 @!p0 $0x7  }
0x5a3: {  	_ =	swait.ge @!p0 [sflag:s0], $0x2000  }
0x5a4: {  	[sflag:s0] =	ssyncset.done @!p0 $0x0  }
0x5a5: {  	[sflag:s0] =	ssyncadd.s32 @!p0 $0xFFFFE000;
	s0 =	simm.s32 $0x0  }
0x5a6: {  	v0 =	vld [tilespmem:s0+$0x40]  }
0x5a7: {  	v1 =	vld [tilespmem:s0+$0x70]  }
0x5a8: {  	v2 =	vld [tilespmem:s0+$0x60]  }
0x5a9: {  	v3 =	vld [tilespmem:s0+$0x50]  }
0x5aa: {  	v4 =	vld [tilespmem:s0+$0x30]  }
0x5ab: {  	v5 =	vld [tilespmem:s0+$0x10]  }
0x5ac: {  	v6 =	vld [tilespmem:s0+$0x0]  }
0x5ad: {  	v0 =	vmul.f32 $2.546478990e+00, v0  }
0x5ae: {  	v1 =	vmul.f32 $2.546478990e+00, v1;
	v2 =	vmul.f32 $2.546478990e+00, v2  }
0x5af: {  	v3 =	vmul.f32 $2.546478990e+00, v3;
	v4 =	vmul.f32 $2.546478990e+00, v4  }
0x5b0: {  	v5 =	vmul.f32 $2.546478990e+00, v5;
	v0 =	vadd.f32 $8.000000000e+00, v0;
	v1 =	vadd.f32 $8.000000000e+00, v1  }
0x5b1: {  	v7 =	vld [tilespmem:s0+$0x20];
	v6 =	vmul.f32 $2.546478990e+00, v6;
	v2 =	vadd.f32 $8.000000000e+00, v2;
	v4 =	vadd.f32 $8.000000000e+00, v4  }
0x5b2: {  	v0 =	vtrunc.f32 v0;
	v1 =	vtrunc.f32 v1  }
0x5b3: {  	v2 =	vtrunc.f32 v2;
	v4 =	vtrunc.f32 v4  }
0x5b4: {  	v0 =	vcvt.f32.s32 v0;
	v1 =	vcvt.f32.s32 v1  }
0x5b5: {  	v2 =	vcvt.f32.s32 v2;
	v4 =	vcvt.f32.s32 v4  }
0x5b6: {  	v7 =	vmul.f32 $2.546478990e+00, v7;
	v5 =	vadd.f32 $8.000000000e+00, v5;
	vm0 =	vlt.s32 v0, $0xF  }
0x5b7: {  	vm7 =	vlt.s32 v1, $0xF;
	vm8 =	vlt.s32 v2, $0xF;
	vm10 =	vlt.s32 v4, $0xF  }
0x5b8: {  	v0 =	vnsel vm0, $0xF, v0;
	v1 =	vnsel vm7, $0xF, v1;
	v2 =	vnsel vm8, $0xF, v2  }
0x5b9: {  	v4 =	vnsel vm10, $0xF, v4;
	v8 =	vcvt.s32.f32 v0;
	v9 =	vcvt.s32.f32 v1  }
0x5ba: {  	[tilespmem:s0+$0x9040] =	vst v0;
	v0 =	vadd.f32 $8.000000000e+00, v3;
	v3 =	vadd.f32 $8.000000000e+00, v6;
	v6 =	vcvt.s32.f32 v2  }
0x5bb: {  	v7 =	vadd.f32 $8.000000000e+00, v7;
	[tilespmem:s0+$0x9070] =	vst v1;
	v1 =	vtrunc.f32 v5;
	v14 =	vcvt.s32.f32 v4  }
0x5bc: {  	v1 =	vcvt.f32.s32 v1;
	v8 =	vadd.f32 $5.000000000e-01, v8;
	v0 =	vtrunc.f32 v0  }
0x5bd: {  	[tilespmem:s0+$0x9060] =	vst v2;
	v2 =	vtrunc.f32 v3;
	v3 =	vadd.f32 $5.000000000e-01, v6;
	v6 =	vtrunc.f32 v7  }
0x5be: {  	s26 =	simm.s32 $0x100;
	v9 =	vadd.f32 $5.000000000e-01, v9;
	v0 =	vcvt.f32.s32 v0;
	v6 =	vcvt.f32.s32 v6  }
0x5bf: {  	v14 =	vadd.f32 $5.000000000e-01, v14;
	v2 =	vcvt.f32.s32 v2;
	v7 =	vmul.f32 $3.926990930e-01, v8;
	v8 =	vld [tilespmem:s26+$0x70]  }
0x5c0: {  	vm11 =	vlt.s32 v1, $0xF;
	v5 =	vmul.f32 $3.926990930e-01, v9;
	v3 =	vmul.f32 $3.926990930e-01, v3;
	v9 =	vld [tilespmem:s26+$0x60]  }
0x5c1: {  	v10 =	vld [tilespmem:s26+$0x40];
	v1 =	vnsel vm11, $0xF, v1;
	v14 =	vmul.f32 $3.926990930e-01, v14;
	vm9 =	vlt.s32 v0, $0xF  }
0x5c2: {  	vm1 =	vlt.s32 v6, $0xF;
	v7 =	vadd.f32 $-3.141592740e+00, v7;
	v0 =	vnsel vm9, $0xF, v0  }
0x5c3: {  	v11 =	vld [tilespmem:s26+$0x50];
	v15 =	vcvt.s32.f32 v1;
	v3 =	vadd.f32 $-3.141592740e+00, v3;
	v12 =	vcvt.s32.f32 v0  }
0x5c4: {  	v5 =	vadd.f32 $-3.141592740e+00, v5;
	v6 =	vnsel vm1, $0xF, v6;
	[tilespmem:s0+$0x5040] =	vst v7;
	v8 =	vmul.f32 $2.546478990e+00, v8  }
0x5c5: {  	v7 =	vld [tilespmem:s26+$0x30];
	[tilespmem:s0+$0x5060] =	vst v3;
	v3 =	vcvt.s32.f32 v6;
	v12 =	vadd.f32 $5.000000000e-01, v12;
	v9 =	vmul.f32 $2.546478990e+00, v9  }
0x5c6: {  	vm12 =	vlt.s32 v2, $0xF;
	v13 =	vld [tilespmem:s26+$0x20];
	[tilespmem:s0+$0x9020] =	vst v6;
	v6 =	vmul.f32 $2.546478990e+00, v10;
	v8 =	vadd.f32 $8.000000000e+00, v8  }
0x5c7: {  	v3 =	vadd.f32 $5.000000000e-01, v3;
	v10 =	vld [tilespmem:s26+$0x10];
	v12 =	vmul.f32 $3.926990930e-01, v12;
	v9 =	vadd.f32 $8.000000000e+00, v9  }
0x5c8: {  	[tilespmem:s0+$0x9050] =	vst v0;
	v0 =	vadd.f32 $8.000000000e+00, v6;
	v6 =	vmul.f32 $2.546478990e+00, v11;
	v8 =	vtrunc.f32 v8  }
0x5c9: {  	v2 =	vnsel vm12, $0xF, v2;
	v16 =	vmul.f32 $3.926990930e-01, v3;
	v9 =	vtrunc.f32 v9  }
0x5ca: {  	v15 =	vadd.f32 $5.000000000e-01, v15;
	v7 =	vmul.f32 $2.546478990e+00, v7;
	v0 =	vtrunc.f32 v0  }
0x5cb: {  	v11 =	vld [tilespmem:s26+$0x0];
	[tilespmem:s0+$0x9030] =	vst v4;
	v4 =	vadd.f32 $-3.141592740e+00, v14;
	v8 =	vcvt.f32.s32 v8;
	v9 =	vcvt.f32.s32 v9  }
0x5cc: {  	v0 =	vcvt.f32.s32 v0;
	v62 =	vadd.f32 $-3.141592740e+00, v16;
	v10 =	vmul.f32 $2.546478990e+00, v10  }
0x5cd: {  	[tilespmem:s0+$0x9010] =	vst v1;
	vm14 =	vlt.s32 v8, $0xF;
	v1 =	vadd.f32 $8.000000000e+00, v7;
	vm15 =	vlt.s32 v9, $0xF  }
0x5ce: {  	vm13 =	vlt.s32 v0, $0xF;
	v7 =	vnsel vm14, $0xF, v8;
	v8 =	vcvt.s32.f32 v2  }
0x5cf: {  	[tilespmem:s0+$0x5070] =	vst v5;
	v0 =	vnsel vm13, $0xF, v0;
	v5 =	vadd.f32 $8.000000000e+00, v10;
	v10 =	vcvt.s32.f32 v7  }
0x5d0: {  	[tilespmem:s0+$0x9000] =	vst v2;
	v11 =	vmul.f32 $2.546478990e+00, v11;
	v3 =	vcvt.s32.f32 v0;
	v8 =	vadd.f32 $5.000000000e-01, v8  }
0x5d1: {  	[tilespmem:s26+$0x9040] =	vst v0;
	v0 =	vmul.f32 $2.546478990e+00, v13;
	v2 =	vtrunc.f32 v5;
	v5 =	vadd.f32 $5.000000000e-01, v10  }
0x5d2: {  	v11 =	vadd.f32 $8.000000000e+00, v11;
	[tilespmem:s0+$0x5030] =	vst v4;
	v4 =	vadd.f32 $8.000000000e+00, v6;
	v10 =	vmul.f32 $3.926990930e-01, v15  }
0x5d3: {  	v6 =	vnsel vm15, $0xF, v9;
	v9 =	vadd.f32 $-3.141592740e+00, v12;
	[tilespmem:s26+$0x9070] =	vst v7;
	v7 =	vmul.f32 $3.926990930e-01, v5  }
0x5d4: {  	v3 =	vadd.f32 $5.000000000e-01, v3;
	v63 =	vcvt.s32.f32 v6;
	[tilespmem:s0+$0x5020] =	vst v62;
	v5 =	vadd.f32 $8.000000000e+00, v0  }
0x5d5: {  	s4 =	rddreg [dreg:$0x6];
	[tilespmem:s26+$0x9060] =	vst v6;
	v6 =	vtrunc.f32 v4;
	v0 =	vadd.f32 $-3.141592740e+00, v7;
	v7 =	vmul.f32 $3.926990930e-01, v8  }
0x5d6: {  	s29 =	simm.s32 $0x800;
	s28 =	sor.u32 s4, s25;
	v4 =	vtrunc.f32 v11;
	[tilespmem:s0+$0x5050] =	vst v9;
	v9 =	vadd.f32 $5.000000000e-01, v63;
	v8 =	vadd.f32 $-3.141592740e+00, v10  }
.LBB2_51:
0x5d7: {  	s4 =	sshra.s32 s29, $0x2;
	p1 =	sne.s32 s29, $0xFC00;
	s29 =	sadd.s32 $0x400, s29;
	v5 =	vtrunc.f32 v5;
	v3 =	vmul.f32 $3.926990930e-01, v3;
	v7 =	vadd.f32 $-3.141592740e+00, v7  }
0x5d8: {  	v6 =	vcvt.f32.s32 v6;
	v10 =	vld [tilespmem:s4+$0x70];
	v9 =	vmul.f32 $3.926990930e-01, v9;
	[tilespmem:s0+$0x5010] =	vst v8  }
0x5d9: {  	v1 =	vtrunc.f32 v1;
	v5 =	vcvt.f32.s32 v5;
	v8 =	vld [tilespmem:s4+$0x60];
	v3 =	vadd.f32 $-3.141592740e+00, v3;
	[tilespmem:s0+$0x5000] =	vst v7;
	s0 =	smov.u32 s26;
	s26 =	smov.u32 s4  }
0x5da: {  	v1 =	vcvt.f32.s32 v1;
	vm0 =	vlt.s32 v6, $0xF;
	v7 =	vld [tilespmem:s26+$0x40];
	v9 =	vadd.f32 $-3.141592740e+00, v9  }
0x5db: {  	v2 =	vcvt.f32.s32 v2;
	vm1 =	vlt.s32 v5, $0xF;
	v11 =	vld [tilespmem:s26+$0x50];
	[tilespmem:s0+$0x5040] =	vst v3;
	v3 =	vnsel vm0, $0xF, v6  }
0x5dc: {  	v5 =	vnsel vm1, $0xF, v5;
	vm0 =	vlt.s32 v1, $0xF;
	v6 =	vld [tilespmem:s26+$0x30];
	v12 =	vcvt.s32.f32 v3;
	[tilespmem:s0+$0x5060] =	vst v9  }
0x5dd: {  	v4 =	vcvt.f32.s32 v4;
	v13 =	vcvt.s32.f32 v5;
	v1 =	vnsel vm0, $0xF, v1;
	v9 =	vld [tilespmem:s26+$0x20];
	[tilespmem:s0+$0x9020] =	vst v5  }
0x5de: {  	vm0 =	vlt.s32 v2, $0xF;
	v14 =	vcvt.s32.f32 v1;
	v5 =	vld [tilespmem:s26+$0x10];
	v12 =	vadd.f32 $5.000000000e-01, v12;
	[tilespmem:s0+$0x9050] =	vst v3  }
0x5df: {  	v2 =	vnsel vm0, $0xF, v2;
	v13 =	vadd.f32 $5.000000000e-01, v13;
	v3 =	vld [tilespmem:s26+$0x0];
	v7 =	vmul.f32 $2.546478990e+00, v7;
	[tilespmem:s0+$0x9030] =	vst v1  }
0x5e0: {  	v1 =	vmul.f32 $2.546478990e+00, v8;
	v8 =	vadd.f32 $5.000000000e-01, v14;
	[tilespmem:s0+$0x9010] =	vst v2;
	v12 =	vmul.f32 $3.926990930e-01, v12  }
0x5e1: {  	v10 =	vmul.f32 $2.546478990e+00, v10;
	v11 =	vmul.f32 $2.546478990e+00, v11;
	v7 =	vadd.f32 $8.000000000e+00, v7;
	[tilespmem:s0+$0x5070] =	vst v0  }
0x5e2: {  	v2 =	vcvt.s32.f32 v2;
	v0 =	vmul.f32 $2.546478990e+00, v6;
	v1 =	vadd.f32 $8.000000000e+00, v1  }
0x5e3: {  	vm0 =	vlt.s32 v4, $0xF;
	v6 =	vtrunc.f32 v7;
	v7 =	vadd.f32 $8.000000000e+00, v10  }
0x5e4: {  	v4 =	vnsel vm0, $0xF, v4;
	v8 =	vmul.f32 $3.926990930e-01, v8;
	v6 =	vcvt.f32.s32 v6  }
0x5e5: {  	v5 =	vmul.f32 $2.546478990e+00, v5;
	v10 =	vadd.f32 $5.000000000e-01, v2;
	v7 =	vtrunc.f32 v7;
	[tilespmem:s0+$0x9000] =	vst v4  }
0x5e6: {  	vm0 =	vlt.s32 v6, $0xF;
	v2 =	vcvt.f32.s32 v7;
	v7 =	vmul.f32 $3.926990930e-01, v13  }
0x5e7: {  	v13 =	vmul.f32 $2.546478990e+00, v3;
	v3 =	vnsel vm0, $0xF, v6;
	v6 =	vtrunc.f32 v1  }
0x5e8: {  	v8 =	vadd.f32 $-3.141592740e+00, v8;
	v14 =	vcvt.s32.f32 v3;
	[tilespmem:s26+$0x9040] =	vst v3;
	vm0 =	vlt.s32 v2, $0xF  }
0x5e9: {  	v1 =	vadd.f32 $8.000000000e+00, v0;
	v0 =	vnsel vm0, $0xF, v2;
	v2 =	vcvt.s32.f32 v4  }
0x5ea: {  	v4 =	vadd.f32 $8.000000000e+00, v5;
	v3 =	vadd.f32 $5.000000000e-01, v14;
	v5 =	vcvt.s32.f32 v0;
	[tilespmem:s0+$0x5030] =	vst v8  }
0x5eb: {  	v6 =	vcvt.f32.s32 v6;
	[tilespmem:s26+$0x9070] =	vst v0;
	v8 =	vadd.f32 $5.000000000e-01, v2;
	v0 =	vadd.f32 $-3.141592740e+00, v7  }
0x5ec: {  	v2 =	vtrunc.f32 v4;
	v4 =	vmul.f32 $2.546478990e+00, v9;
	v5 =	vadd.f32 $5.000000000e-01, v5  }
.Ltmp24:
0x5ed: {  	v10 =	vmul.f32 $3.926990930e-01, v10;
	vm0 =	vlt.s32 v6, $0xF;
	v7 =	vadd.f32 $8.000000000e+00, v11;
	[tilespmem:s0+$0x5020] =	vst v0;
	(pc) =	sbr.rel @p1 .LBB2_51-.Ltmp24, $4  }
0x5ee: {  	v11 =	vadd.f32 $-3.141592740e+00, v12;
	v0 =	vnsel vm0, $0xF, v6;
	v9 =	vmul.f32 $3.926990930e-01, v5  }
0x5ef: {  	v12 =	vadd.f32 $8.000000000e+00, v13;
	v5 =	vadd.f32 $8.000000000e+00, v4;
	v13 =	vcvt.s32.f32 v0;
	[tilespmem:s26+$0x9060] =	vst v0  }
0x5f0: {  	v6 =	vtrunc.f32 v7;
	v7 =	vmul.f32 $3.926990930e-01, v8;
	v0 =	vadd.f32 $-3.141592740e+00, v9;
	[tilespmem:s0+$0x5050] =	vst v11  }
0x5f1: {  	v8 =	vadd.f32 $-3.141592740e+00, v10;
	v4 =	vtrunc.f32 v12;
	v9 =	vadd.f32 $5.000000000e-01, v13  }
0x5f2: {  	v5 =	vtrunc.f32 v5  }
0x5f3: {  	v3 =	vmul.f32 $3.926990930e-01, v3;
	v6 =	vcvt.f32.s32 v6  }
0x5f4: {  	v1 =	vtrunc.f32 v1;
	v2 =	vcvt.f32.s32 v2  }
0x5f5: {  	v4 =	vcvt.f32.s32 v4;
	v9 =	vmul.f32 $3.926990930e-01, v9  }
0x5f6: {  	v7 =	vadd.f32 $-3.141592740e+00, v7;
	v1 =	vcvt.f32.s32 v1;
	v5 =	vcvt.f32.s32 v5  }
0x5f7: {  	[tilespmem:s0+$0x5010] =	vst v8;
	v3 =	vadd.f32 $-3.141592740e+00, v3;
	vm0 =	vlt.s32 v6, $0xF;
	vm14 =	vlt.s32 v2, $0xF  }
0x5f8: {  	[tilespmem:s0+$0x5000] =	vst v7;
	vm15 =	vlt.s32 v4, $0xF;
	v47 =	vadd.f32 $-3.141592740e+00, v9;
	v6 =	vnsel vm0, $0xF, v6  }
0x5f9: {  	vm1 =	vlt.s32 v1, $0xF;
	v2 =	vnsel vm14, $0xF, v2;
	[tilespmem:s26+$0x5070] =	vst v0;
	v50 =	vcvt.s32.f32 v6  }
0x5fa: {  	vm13 =	vlt.s32 v5, $0xF;
	v4 =	vnsel vm15, $0xF, v4;
	[tilespmem:s26+$0x5040] =	vst v3;
	v54 =	vcvt.s32.f32 v2  }
0x5fb: {  	v1 =	vnsel vm1, $0xF, v1;
	[tilespmem:s26+$0x9050] =	vst v6;
	v56 =	vcvt.s32.f32 v4;
	v7 =	vadd.f32 $5.000000000e-01, v50  }
0x5fc: {  	v48 =	vnsel vm13, $0xF, v5;
	[tilespmem:s26+$0x9010] =	vst v2;
	v49 =	vcvt.s32.f32 v1;
	v57 =	vadd.f32 $5.000000000e-01, v54  }
0x5fd: {  	[tilespmem:s26+$0x9000] =	vst v4;
	v51 =	vcvt.s32.f32 v48;
	v60 =	vadd.f32 $5.000000000e-01, v56;
	v58 =	vmul.f32 $3.926990930e-01, v7  }
0x5fe: {  	[tilespmem:s26+$0x5060] =	vst v47;
	v52 =	vadd.f32 $5.000000000e-01, v49;
	v2 =	vmul.f32 $3.926990930e-01, v57  }
0x5ff: {  	[tilespmem:s26+$0x9030] =	vst v1;
	v53 =	vadd.f32 $5.000000000e-01, v51;
	v1 =	vmul.f32 $3.926990930e-01, v60;
	v62 =	vadd.f32 $-3.141592740e+00, v58  }
0x600: {  	[tilespmem:s26+$0x9020] =	vst v48;
	v55 =	vmul.f32 $3.926990930e-01, v52;
	v2 =	vadd.f32 $-3.141592740e+00, v2  }
0x601: {  	v5 =	vmul.f32 $3.926990930e-01, v53;
	v63 =	vadd.f32 $-3.141592740e+00, v1;
	[tilespmem:s26+$0x5050] =	vst v62  }
0x602: {  	v59 =	vadd.f32 $-3.141592740e+00, v55;
	[tilespmem:s26+$0x5010] =	vst v2  }
0x603: {  	s0 =	sshrl.u32 s28, $0x3;
	v61 =	vadd.f32 $-3.141592740e+00, v5;
	[tilespmem:s26+$0x5000] =	vst v63  }
0x604: {  	s29 =	simm.s32 $0x5000;
	s28 =	sadd.s32 s2, s0;
	[tilespmem:s26+$0x5030] =	vst v59  }
0x605: {  	s30 =	simm.s32 $0x5100;
	s31 =	sadd.s32 $0x0, s28;
	[tilespmem:s26+$0x5020] =	vst v61;
	s26 =	simm.s32 $0x10  }
.LBB2_53:
0x606: {  	[hbm4b:s31+s5] =	stream.linear.scatter [tilespmem:s29], [sflag:$0x5], $0x80, $0x38;
	[tilespmem:$0xD000] =	vst v63  }
0x607: {  	s4 =	smov.u32 s26;
	s29 =	smov.u32 s30;
	p1 =	sne.s32 s26, $0x3F0  }
.Ltmp25:
0x608: {  	s26 =	sadd.s32 $0x10, s26;
	(pc) =	sbr.rel @p1 .LBB2_53-.Ltmp25, $2  }
0x609: {  	_ =	sdelay $0x2  }
0x60a: {  	s30 =	sadd.s32 $0x100, s30;
	s31 =	sadd.s32 s4, s28  }
0x60b: {  	[hbm4b:s31+s5] =	stream.linear.scatter [tilespmem:s29], [sflag:$0x5], $0x80, $0x38;
	[tilespmem:$0xD000] =	vst v63  }
0x60c: {  	s0 =	sadd.s32 s3, s0;
	s26 =	simm.s32 $0x9000  }
0x60d: {  	s28 =	simm.s32 $0x10;
	s29 =	simm.s32 $0x9100;
	s30 =	sadd.s32 $0x0, s0  }
.LBB2_55:
0x60e: {  	[hbm4b:s30+s5] =	stream.linear.scatter [tilespmem:s26], [sflag:$0x7], $0x80, $0x38;
	[tilespmem:$0xD000] =	vst v63  }
0x60f: {  	s4 =	smov.u32 s28;
	s26 =	smov.u32 s29;
	p1 =	sne.s32 s28, $0x3F0  }
.Ltmp26:
0x610: {  	s28 =	sadd.s32 $0x10, s28;
	(pc) =	sbr.rel @p1 .LBB2_55-.Ltmp26, $2  }
0x611: {  	_ =	sdelay $0x2  }
0x612: {  	s29 =	sadd.s32 $0x100, s29;
	s30 =	sadd.s32 s4, s0  }
0x613: {  	p1 =	sne.s32 s23, $0xF  }
.Ltmp27:
0x614: {  	_ = 	snop;
	(pc) =	sbr.rel @p1 .LBB2_58-.Ltmp27, $2  }
0x615: {  	_ =	sdelay $0x2  }
0x616: {  	[hbm4b:s30+s5] =	stream.linear.scatter [tilespmem:s26], [sflag:$0x7], $0x80, $0x38;
	[tilespmem:$0xD000] =	vst v63  }
.Ltmp28:
0x617: {  	(pc) =	sbr.rel .LBB2_61-.Ltmp28, $4  }
0x618: {  	_ = 	snop  }
0x619: {  	_ =	swait.ge [sflag:s17], $0x2000  }
0x61a: {  	[sflag:s17] =	ssyncset.done $0x0  }
0x61b: {  	[sflag:s17] =	ssyncadd.s32 $0xFFFFE000  }
.LBB2_58:
0x61c: {  	s0 =	rddreg [dreg:$0x9]  }
0x61d: {  	s0 =	sadd.s32 s25, s0  }
0x61e: {  	s0 =	sshrl.u32 s0, $0x3  }
0x61f: {  	s26 =	simm.s32 $0x10;
	s0 =	sadd.s32 s1, s0  }
0x620: {  	s28 =	simm.s32 $0x100;
	s25 =	simm.s32 $0x0;
	s29 =	sadd.s32 $0x0, s0  }
.LBB2_59:
0x621: {  	[tilespmem:s25], [sflag:$0x1] =	stream.linear.gather [hbm4b:s29+s5], $0x80, $0x38;
	[tilespmem:$0xD000] =	vst v63  }
0x622: {  	s4 =	smov.u32 s26;
	s25 =	smov.u32 s28;
	p1 =	sne.s32 s26, $0x3F0  }
.Ltmp29:
0x623: {  	s26 =	sadd.s32 $0x10, s26;
	(pc) =	sbr.rel @p1 .LBB2_59-.Ltmp29, $2  }
0x624: {  	_ =	sdelay $0x2  }
0x625: {  	s28 =	sadd.s32 $0x100, s28;
	s29 =	sadd.s32 s4, s0  }
.Ltmp30:
0x626: {  	(pc) =	sbr.rel @p0 .LBB2_62-.Ltmp30, $4  }
0x627: {  	[tilespmem:s25], [sflag:$0x1] =	stream.linear.gather [hbm4b:s29+s5], $0x80, $0x38;
	[tilespmem:$0xD000] =	vst v63  }
0x628: {  	_ =	swait.ge [sflag:s17], $0x2000  }
0x629: {  	[sflag:s17] =	ssyncset.done $0x0  }
0x62a: {  	[sflag:s17] =	ssyncadd.s32 $0xFFFFE000  }
.LBB2_61:
0x62b: {  	_ =	swait.ge [sflag:s20], $0x2000  }
0x62c: {  	[sflag:s20] =	ssyncset.done $0x0  }
0x62d: {  	[sflag:s20] =	ssyncadd.s32 $0xFFFFE000  }
0x62e: {  	_ =	swait.ge [sflag:s22], $0x2000  }
0x62f: {  	[sflag:s22] =	ssyncset.done $0x0  }
0x630: {  	[sflag:s22] =	ssyncadd.s32 $0xFFFFE000  }
.LBB2_62:
0x631: {  	s0 =	simm.s32 $0x0  }
0x632: {  	v0 =	vld [tilespmem:s0+$0xC0]  }
0x633: {  	v1 =	vld [tilespmem:s0+$0xF0]  }
0x634: {  	v2 =	vld [tilespmem:s0+$0xE0]  }
0x635: {  	v3 =	vld [tilespmem:s0+$0xD0]  }
0x636: {  	v4 =	vld [tilespmem:s0+$0xB0]  }
0x637: {  	v5 =	vld [tilespmem:s0+$0x90]  }
0x638: {  	v6 =	vld [tilespmem:s0+$0x80]  }
0x639: {  	v0 =	vmul.f32 $2.546478990e+00, v0  }
0x63a: {  	v1 =	vmul.f32 $2.546478990e+00, v1;
	v2 =	vmul.f32 $2.546478990e+00, v2  }
0x63b: {  	v3 =	vmul.f32 $2.546478990e+00, v3;
	v4 =	vmul.f32 $2.546478990e+00, v4  }
0x63c: {  	v5 =	vmul.f32 $2.546478990e+00, v5;
	v0 =	vadd.f32 $8.000000000e+00, v0;
	v1 =	vadd.f32 $8.000000000e+00, v1  }
0x63d: {  	v7 =	vld [tilespmem:s0+$0xA0];
	v6 =	vmul.f32 $2.546478990e+00, v6;
	v2 =	vadd.f32 $8.000000000e+00, v2;
	v4 =	vadd.f32 $8.000000000e+00, v4  }
0x63e: {  	v0 =	vtrunc.f32 v0;
	v1 =	vtrunc.f32 v1  }
0x63f: {  	v2 =	vtrunc.f32 v2;
	v4 =	vtrunc.f32 v4  }
0x640: {  	v0 =	vcvt.f32.s32 v0;
	v1 =	vcvt.f32.s32 v1  }
0x641: {  	v2 =	vcvt.f32.s32 v2;
	v4 =	vcvt.f32.s32 v4  }
0x642: {  	v7 =	vmul.f32 $2.546478990e+00, v7;
	v5 =	vadd.f32 $8.000000000e+00, v5;
	vm0 =	vlt.s32 v0, $0xF  }
0x643: {  	vm7 =	vlt.s32 v1, $0xF;
	vm8 =	vlt.s32 v2, $0xF;
	vm10 =	vlt.s32 v4, $0xF  }
0x644: {  	v0 =	vnsel vm0, $0xF, v0;
	v1 =	vnsel vm7, $0xF, v1;
	v2 =	vnsel vm8, $0xF, v2  }
0x645: {  	v4 =	vnsel vm10, $0xF, v4;
	v8 =	vcvt.s32.f32 v0;
	v9 =	vcvt.s32.f32 v1  }
0x646: {  	[tilespmem:s0+$0x90C0] =	vst v0;
	v0 =	vadd.f32 $8.000000000e+00, v3;
	v3 =	vadd.f32 $8.000000000e+00, v6;
	v6 =	vcvt.s32.f32 v2  }
0x647: {  	v7 =	vadd.f32 $8.000000000e+00, v7;
	[tilespmem:s0+$0x90F0] =	vst v1;
	v1 =	vtrunc.f32 v5;
	v14 =	vcvt.s32.f32 v4  }
0x648: {  	v1 =	vcvt.f32.s32 v1;
	v8 =	vadd.f32 $5.000000000e-01, v8;
	v0 =	vtrunc.f32 v0  }
0x649: {  	[tilespmem:s0+$0x90E0] =	vst v2;
	v2 =	vtrunc.f32 v3;
	v3 =	vadd.f32 $5.000000000e-01, v6;
	v6 =	vtrunc.f32 v7  }
0x64a: {  	s25 =	simm.s32 $0x100;
	v9 =	vadd.f32 $5.000000000e-01, v9;
	v0 =	vcvt.f32.s32 v0;
	v6 =	vcvt.f32.s32 v6  }
0x64b: {  	v14 =	vadd.f32 $5.000000000e-01, v14;
	v2 =	vcvt.f32.s32 v2;
	v7 =	vmul.f32 $3.926990930e-01, v8;
	v8 =	vld [tilespmem:s25+$0xF0]  }
0x64c: {  	vm11 =	vlt.s32 v1, $0xF;
	v5 =	vmul.f32 $3.926990930e-01, v9;
	v3 =	vmul.f32 $3.926990930e-01, v3;
	v9 =	vld [tilespmem:s25+$0xE0]  }
0x64d: {  	v10 =	vld [tilespmem:s25+$0xC0];
	v1 =	vnsel vm11, $0xF, v1;
	v14 =	vmul.f32 $3.926990930e-01, v14;
	vm9 =	vlt.s32 v0, $0xF  }
0x64e: {  	vm1 =	vlt.s32 v6, $0xF;
	v7 =	vadd.f32 $-3.141592740e+00, v7;
	v0 =	vnsel vm9, $0xF, v0  }
0x64f: {  	v11 =	vld [tilespmem:s25+$0xD0];
	v15 =	vcvt.s32.f32 v1;
	v3 =	vadd.f32 $-3.141592740e+00, v3;
	v12 =	vcvt.s32.f32 v0  }
0x650: {  	v5 =	vadd.f32 $-3.141592740e+00, v5;
	v6 =	vnsel vm1, $0xF, v6;
	[tilespmem:s0+$0x50C0] =	vst v7;
	v8 =	vmul.f32 $2.546478990e+00, v8  }
0x651: {  	v7 =	vld [tilespmem:s25+$0xB0];
	[tilespmem:s0+$0x50E0] =	vst v3;
	v3 =	vcvt.s32.f32 v6;
	v12 =	vadd.f32 $5.000000000e-01, v12;
	v9 =	vmul.f32 $2.546478990e+00, v9  }
0x652: {  	vm12 =	vlt.s32 v2, $0xF;
	v13 =	vld [tilespmem:s25+$0xA0];
	[tilespmem:s0+$0x90A0] =	vst v6;
	v6 =	vmul.f32 $2.546478990e+00, v10;
	v8 =	vadd.f32 $8.000000000e+00, v8  }
0x653: {  	v3 =	vadd.f32 $5.000000000e-01, v3;
	v10 =	vld [tilespmem:s25+$0x90];
	v12 =	vmul.f32 $3.926990930e-01, v12;
	v9 =	vadd.f32 $8.000000000e+00, v9  }
0x654: {  	[tilespmem:s0+$0x90D0] =	vst v0;
	v0 =	vadd.f32 $8.000000000e+00, v6;
	v6 =	vmul.f32 $2.546478990e+00, v11;
	v8 =	vtrunc.f32 v8  }
0x655: {  	v2 =	vnsel vm12, $0xF, v2;
	v16 =	vmul.f32 $3.926990930e-01, v3;
	v9 =	vtrunc.f32 v9  }
0x656: {  	v15 =	vadd.f32 $5.000000000e-01, v15;
	v7 =	vmul.f32 $2.546478990e+00, v7;
	v0 =	vtrunc.f32 v0  }
0x657: {  	v11 =	vld [tilespmem:s25+$0x80];
	[tilespmem:s0+$0x90B0] =	vst v4;
	v4 =	vadd.f32 $-3.141592740e+00, v14;
	v8 =	vcvt.f32.s32 v8;
	v9 =	vcvt.f32.s32 v9  }
0x658: {  	v0 =	vcvt.f32.s32 v0;
	v62 =	vadd.f32 $-3.141592740e+00, v16;
	v10 =	vmul.f32 $2.546478990e+00, v10  }
0x659: {  	[tilespmem:s0+$0x9090] =	vst v1;
	vm14 =	vlt.s32 v8, $0xF;
	v1 =	vadd.f32 $8.000000000e+00, v7;
	vm15 =	vlt.s32 v9, $0xF  }
0x65a: {  	vm13 =	vlt.s32 v0, $0xF;
	v7 =	vnsel vm14, $0xF, v8;
	v8 =	vcvt.s32.f32 v2  }
0x65b: {  	[tilespmem:s0+$0x50F0] =	vst v5;
	v0 =	vnsel vm13, $0xF, v0;
	v5 =	vadd.f32 $8.000000000e+00, v10;
	v10 =	vcvt.s32.f32 v7  }
0x65c: {  	[tilespmem:s0+$0x9080] =	vst v2;
	v11 =	vmul.f32 $2.546478990e+00, v11;
	v3 =	vcvt.s32.f32 v0;
	v8 =	vadd.f32 $5.000000000e-01, v8  }
0x65d: {  	[tilespmem:s25+$0x90C0] =	vst v0;
	v0 =	vmul.f32 $2.546478990e+00, v13;
	v2 =	vtrunc.f32 v5;
	v5 =	vadd.f32 $5.000000000e-01, v10  }
0x65e: {  	v11 =	vadd.f32 $8.000000000e+00, v11;
	[tilespmem:s0+$0x50B0] =	vst v4;
	v4 =	vadd.f32 $8.000000000e+00, v6;
	v10 =	vmul.f32 $3.926990930e-01, v15  }
0x65f: {  	v6 =	vnsel vm15, $0xF, v9;
	v9 =	vadd.f32 $-3.141592740e+00, v12;
	[tilespmem:s25+$0x90F0] =	vst v7;
	v7 =	vmul.f32 $3.926990930e-01, v5  }
0x660: {  	v3 =	vadd.f32 $5.000000000e-01, v3;
	v63 =	vcvt.s32.f32 v6;
	v8 =	vmul.f32 $3.926990930e-01, v8;
	[tilespmem:s0+$0x50A0] =	vst v62  }
0x661: {  	v5 =	vadd.f32 $8.000000000e+00, v0;
	[tilespmem:s25+$0x90E0] =	vst v6;
	v6 =	vtrunc.f32 v4;
	v0 =	vadd.f32 $-3.141592740e+00, v7  }
0x662: {  	s26 =	simm.s32 $0x800;
	v4 =	vtrunc.f32 v11;
	[tilespmem:s0+$0x50D0] =	vst v9;
	v9 =	vadd.f32 $5.000000000e-01, v63;
	v7 =	vadd.f32 $-3.141592740e+00, v10  }
.LBB2_63:
0x663: {  	s4 =	sshra.s32 s26, $0x2;
	p0 =	sne.s32 s26, $0xFC00;
	s26 =	sadd.s32 $0x400, s26;
	v5 =	vtrunc.f32 v5;
	v3 =	vmul.f32 $3.926990930e-01, v3;
	v8 =	vadd.f32 $-3.141592740e+00, v8  }
0x664: {  	v6 =	vcvt.f32.s32 v6;
	v10 =	vld [tilespmem:s4+$0xF0];
	v9 =	vmul.f32 $3.926990930e-01, v9;
	[tilespmem:s0+$0x5090] =	vst v7  }
0x665: {  	v1 =	vtrunc.f32 v1;
	v5 =	vcvt.f32.s32 v5;
	v7 =	vld [tilespmem:s4+$0xE0];
	v3 =	vadd.f32 $-3.141592740e+00, v3;
	[tilespmem:s0+$0x5080] =	vst v8;
	s0 =	smov.u32 s25;
	s25 =	smov.u32 s4  }
0x666: {  	v1 =	vcvt.f32.s32 v1;
	vm0 =	vlt.s32 v6, $0xF;
	v8 =	vld [tilespmem:s25+$0xC0];
	v9 =	vadd.f32 $-3.141592740e+00, v9  }
0x667: {  	v2 =	vcvt.f32.s32 v2;
	vm1 =	vlt.s32 v5, $0xF;
	v11 =	vld [tilespmem:s25+$0xD0];
	[tilespmem:s0+$0x50C0] =	vst v3;
	v3 =	vnsel vm0, $0xF, v6  }
0x668: {  	v5 =	vnsel vm1, $0xF, v5;
	vm0 =	vlt.s32 v1, $0xF;
	v6 =	vld [tilespmem:s25+$0xB0];
	v12 =	vcvt.s32.f32 v3;
	[tilespmem:s0+$0x50E0] =	vst v9  }
0x669: {  	v4 =	vcvt.f32.s32 v4;
	v13 =	vcvt.s32.f32 v5;
	v1 =	vnsel vm0, $0xF, v1;
	v9 =	vld [tilespmem:s25+$0xA0];
	[tilespmem:s0+$0x90A0] =	vst v5  }
0x66a: {  	vm0 =	vlt.s32 v2, $0xF;
	v14 =	vcvt.s32.f32 v1;
	v5 =	vld [tilespmem:s25+$0x90];
	v12 =	vadd.f32 $5.000000000e-01, v12;
	[tilespmem:s0+$0x90D0] =	vst v3  }
0x66b: {  	v2 =	vnsel vm0, $0xF, v2;
	v13 =	vadd.f32 $5.000000000e-01, v13;
	v3 =	vld [tilespmem:s25+$0x80];
	v8 =	vmul.f32 $2.546478990e+00, v8;
	[tilespmem:s0+$0x90B0] =	vst v1  }
0x66c: {  	v1 =	vmul.f32 $2.546478990e+00, v7;
	v7 =	vadd.f32 $5.000000000e-01, v14;
	[tilespmem:s0+$0x9090] =	vst v2;
	v12 =	vmul.f32 $3.926990930e-01, v12  }
0x66d: {  	v10 =	vmul.f32 $2.546478990e+00, v10;
	v11 =	vmul.f32 $2.546478990e+00, v11;
	v8 =	vadd.f32 $8.000000000e+00, v8;
	[tilespmem:s0+$0x50F0] =	vst v0  }
0x66e: {  	v2 =	vcvt.s32.f32 v2;
	v0 =	vmul.f32 $2.546478990e+00, v6;
	v1 =	vadd.f32 $8.000000000e+00, v1  }
0x66f: {  	vm0 =	vlt.s32 v4, $0xF;
	v6 =	vtrunc.f32 v8;
	v8 =	vadd.f32 $8.000000000e+00, v10  }
0x670: {  	v4 =	vnsel vm0, $0xF, v4;
	v7 =	vmul.f32 $3.926990930e-01, v7;
	v6 =	vcvt.f32.s32 v6  }
0x671: {  	v5 =	vmul.f32 $2.546478990e+00, v5;
	v10 =	vadd.f32 $5.000000000e-01, v2;
	v8 =	vtrunc.f32 v8;
	[tilespmem:s0+$0x9080] =	vst v4  }
0x672: {  	vm0 =	vlt.s32 v6, $0xF;
	v2 =	vcvt.f32.s32 v8;
	v8 =	vmul.f32 $3.926990930e-01, v13  }
0x673: {  	v13 =	vmul.f32 $2.546478990e+00, v3;
	v3 =	vnsel vm0, $0xF, v6;
	v6 =	vtrunc.f32 v1  }
0x674: {  	v7 =	vadd.f32 $-3.141592740e+00, v7;
	v14 =	vcvt.s32.f32 v3;
	[tilespmem:s25+$0x90C0] =	vst v3;
	vm0 =	vlt.s32 v2, $0xF  }
0x675: {  	v1 =	vadd.f32 $8.000000000e+00, v0;
	v0 =	vnsel vm0, $0xF, v2;
	v2 =	vcvt.s32.f32 v4  }
0x676: {  	v4 =	vadd.f32 $8.000000000e+00, v5;
	v3 =	vadd.f32 $5.000000000e-01, v14;
	v5 =	vcvt.s32.f32 v0;
	[tilespmem:s0+$0x50B0] =	vst v7  }
0x677: {  	v6 =	vcvt.f32.s32 v6;
	[tilespmem:s25+$0x90F0] =	vst v0;
	v7 =	vadd.f32 $5.000000000e-01, v2;
	v0 =	vadd.f32 $-3.141592740e+00, v8  }
0x678: {  	v2 =	vtrunc.f32 v4;
	v4 =	vmul.f32 $2.546478990e+00, v9;
	v5 =	vadd.f32 $5.000000000e-01, v5  }
.Ltmp31:
0x679: {  	v10 =	vmul.f32 $3.926990930e-01, v10;
	vm0 =	vlt.s32 v6, $0xF;
	v8 =	vadd.f32 $8.000000000e+00, v11;
	[tilespmem:s0+$0x50A0] =	vst v0;
	(pc) =	sbr.rel @p0 .LBB2_63-.Ltmp31, $4  }
0x67a: {  	v11 =	vadd.f32 $-3.141592740e+00, v12;
	v0 =	vnsel vm0, $0xF, v6;
	v9 =	vmul.f32 $3.926990930e-01, v5  }
0x67b: {  	v12 =	vadd.f32 $8.000000000e+00, v13;
	v5 =	vadd.f32 $8.000000000e+00, v4;
	v13 =	vcvt.s32.f32 v0;
	[tilespmem:s25+$0x90E0] =	vst v0  }
0x67c: {  	v6 =	vtrunc.f32 v8;
	v8 =	vmul.f32 $3.926990930e-01, v7;
	v0 =	vadd.f32 $-3.141592740e+00, v9;
	[tilespmem:s0+$0x50D0] =	vst v11  }
0x67d: {  	v7 =	vadd.f32 $-3.141592740e+00, v10;
	v4 =	vtrunc.f32 v12;
	v9 =	vadd.f32 $5.000000000e-01, v13  }
0x67e: {  	v5 =	vtrunc.f32 v5  }
0x67f: {  	v3 =	vmul.f32 $3.926990930e-01, v3;
	v6 =	vcvt.f32.s32 v6  }
0x680: {  	v1 =	vtrunc.f32 v1;
	v2 =	vcvt.f32.s32 v2  }
0x681: {  	v4 =	vcvt.f32.s32 v4;
	v9 =	vmul.f32 $3.926990930e-01, v9  }
0x682: {  	v8 =	vadd.f32 $-3.141592740e+00, v8;
	v1 =	vcvt.f32.s32 v1;
	v5 =	vcvt.f32.s32 v5  }
0x683: {  	[tilespmem:s0+$0x5090] =	vst v7;
	v3 =	vadd.f32 $-3.141592740e+00, v3;
	vm0 =	vlt.s32 v6, $0xF;
	vm14 =	vlt.s32 v2, $0xF  }
0x684: {  	[tilespmem:s0+$0x5080] =	vst v8;
	vm15 =	vlt.s32 v4, $0xF;
	v46 =	vadd.f32 $-3.141592740e+00, v9;
	v6 =	vnsel vm0, $0xF, v6  }
0x685: {  	vm1 =	vlt.s32 v1, $0xF;
	v2 =	vnsel vm14, $0xF, v2;
	[tilespmem:s25+$0x50F0] =	vst v0;
	v49 =	vcvt.s32.f32 v6  }
0x686: {  	vm13 =	vlt.s32 v5, $0xF;
	v4 =	vnsel vm15, $0xF, v4;
	[tilespmem:s25+$0x50C0] =	vst v3;
	v53 =	vcvt.s32.f32 v2  }
0x687: {  	v1 =	vnsel vm1, $0xF, v1;
	[tilespmem:s25+$0x90D0] =	vst v6;
	v56 =	vcvt.s32.f32 v4;
	v54 =	vadd.f32 $5.000000000e-01, v49  }
0x688: {  	v47 =	vnsel vm13, $0xF, v5;
	[tilespmem:s25+$0x9090] =	vst v2;
	v48 =	vcvt.s32.f32 v1;
	v57 =	vadd.f32 $5.000000000e-01, v53  }
0x689: {  	[tilespmem:s25+$0x9080] =	vst v4;
	v50 =	vcvt.s32.f32 v47;
	v60 =	vadd.f32 $5.000000000e-01, v56;
	v58 =	vmul.f32 $3.926990930e-01, v54  }
0x68a: {  	[tilespmem:s25+$0x50E0] =	vst v46;
	v51 =	vadd.f32 $5.000000000e-01, v48;
	v2 =	vmul.f32 $3.926990930e-01, v57  }
0x68b: {  	[tilespmem:s25+$0x90B0] =	vst v1;
	v52 =	vadd.f32 $5.000000000e-01, v50;
	v1 =	vmul.f32 $3.926990930e-01, v60;
	v62 =	vadd.f32 $-3.141592740e+00, v58  }
0x68c: {  	[tilespmem:s25+$0x90A0] =	vst v47;
	v55 =	vmul.f32 $3.926990930e-01, v51;
	v2 =	vadd.f32 $-3.141592740e+00, v2  }
0x68d: {  	v5 =	vmul.f32 $3.926990930e-01, v52;
	v63 =	vadd.f32 $-3.141592740e+00, v1;
	[tilespmem:s25+$0x50D0] =	vst v62  }
0x68e: {  	v59 =	vadd.f32 $-3.141592740e+00, v55;
	[tilespmem:s25+$0x5090] =	vst v2  }
0x68f: {  	v61 =	vadd.f32 $-3.141592740e+00, v5;
	[tilespmem:s25+$0x5080] =	vst v63  }
0x690: {  	s26 =	simm.s32 $0x5080;
	s0 =	sadd.s32 s2, s24;
	[tilespmem:s25+$0x50B0] =	vst v59  }
0x691: {  	s28 =	simm.s32 $0x5180;
	s29 =	sadd.s32 $0x0, s0;
	[tilespmem:s25+$0x50A0] =	vst v61;
	s25 =	simm.s32 $0x10  }
.LBB2_65:
0x692: {  	[hbm4b:s29+s5] =	stream.linear.scatter [tilespmem:s26], [sflag:$0x6], $0x80, $0x38;
	[tilespmem:$0xD000] =	vst v63  }
0x693: {  	s4 =	smov.u32 s25;
	s26 =	smov.u32 s28;
	p0 =	sne.s32 s25, $0x3F0  }
.Ltmp32:
0x694: {  	s25 =	sadd.s32 $0x10, s25;
	(pc) =	sbr.rel @p0 .LBB2_65-.Ltmp32, $2  }
0x695: {  	_ =	sdelay $0x2  }
0x696: {  	s28 =	sadd.s32 $0x100, s28;
	s29 =	sadd.s32 s4, s0  }
0x697: {  	[hbm4b:s29+s5] =	stream.linear.scatter [tilespmem:s26], [sflag:$0x6], $0x80, $0x38;
	[tilespmem:$0xD000] =	vst v63  }
0x698: {  	s0 =	sadd.s32 s3, s24;
	s24 =	simm.s32 $0x9080  }
0x699: {  	s25 =	simm.s32 $0x10;
	s26 =	simm.s32 $0x9180;
	s28 =	sadd.s32 $0x0, s0  }
.LBB2_67:
0x69a: {  	[hbm4b:s28+s5] =	stream.linear.scatter [tilespmem:s24], [sflag:$0x8], $0x80, $0x38;
	[tilespmem:$0xD000] =	vst v63  }
0x69b: {  	s4 =	smov.u32 s25;
	s24 =	smov.u32 s26;
	p0 =	sne.s32 s25, $0x3F0  }
.Ltmp33:
0x69c: {  	s25 =	sadd.s32 $0x10, s25;
	(pc) =	sbr.rel @p0 .LBB2_67-.Ltmp33, $2  }
0x69d: {  	_ =	sdelay $0x2  }
0x69e: {  	s26 =	sadd.s32 $0x100, s26;
	s28 =	sadd.s32 s4, s0  }
0x69f: {  	s23 =	sadd.s32 $0x1, s23  }
0x6a0: {  	p0 =	sne.s32 s23, $0x10  }
.Ltmp34:
0x6a1: {  	_ = 	snop;
	(pc) =	sbr.rel @p0 .LBB2_48-.Ltmp34, $2  }
0x6a2: {  	_ =	sdelay $0x2  }
0x6a3: {  	[hbm4b:s28+s5] =	stream.linear.scatter [tilespmem:s24], [sflag:$0x8], $0x80, $0x38;
	[tilespmem:$0xD000] =	vst v63  }
0x6a4: {  	s0 =	simm.s32 $0x5  }
0x6a5: {  	_ =	swait.ge [sflag:s0], $0x2000  }
0x6a6: {  	[sflag:s0] =	ssyncset.done $0x0  }
0x6a7: {  	s30 =	simm.s32 $0x7;
	[sflag:s0] =	ssyncadd.s32 $0xFFFFE000  }
0x6a8: {  	_ =	swait.ge [sflag:s30], $0x2000  }
0x6a9: {  	[sflag:s30] =	ssyncset.done $0x0  }
0x6aa: {  	[sflag:s30] =	ssyncadd.s32 $0xFFFFE000  }
0x6ab: {  	_ =	swait.ge [sflag:s20], $0x2000  }
0x6ac: {  	[sflag:s20] =	ssyncset.done $0x0  }
0x6ad: {  	[sflag:s20] =	ssyncadd.s32 $0xFFFFE000  }
0x6ae: {  	_ =	swait.ge [sflag:s22], $0x2000  }
0x6af: {  	s4 =	rddreg [dreg:$0xc]  }
0x6b0: {  	s31 =	rddreg [dreg:$0xa];
	s4 =	sadd.s32 $0x1, s4  }
0x6b1: {  	p0 =	sne.s32 s4, s31  }
.Ltmp35:
0x6b2: {  	_ = 	snop;
	(pc) =	sbr.rel @p0 .LBB2_1-.Ltmp35, $3  }
0x6b3: {  	_ =	sdelay $0x1  }
0x6b4: {  	[sflag:s22] =	ssyncset.done $0x0  }
0x6b5: {  	[sflag:s22] =	ssyncadd.s32 $0xFFFFE000  }
0x6b6: {  	_ =	sfence.sel $0x180000  }
0x6b7: {  	[bflag:$0x0] =	sbarrier.arrive $0xFFFF  }
0x6b8: {  	_ =	strace $0x90000047  }
0x6b9: {  	s0 =	stileid.u32;
	[bflag:$0x2] =	sbarrier.arrive $0xFFFF  }
0x6ba: {  	p0 =	sne.s32 s0, $0x0;
	s0 =	rddreg [dreg:$0x4]  }
0x6bb: {  	s0 =	sadd.s32 @!p0 $0x100000, s0  }
0x6bc: {  	[sflag:s0] =	ssyncadd.tile.s32 @!p0 $0x1;
	_ =	shalt  }
.Lfunc_end2:
_tile_overlayer_lowered:
.L_overlay_start_2:
0x6bd: {  	(tag) =	ssettag $0x2  }
0x6be: {  	s0 =	rddreg [dreg:$0x0];
	s2 =	stileid.u32  }
0x6bf: {  	s1 =	rddreg [dreg:$0x1];
	p0 =	sne.s32 s2, $0x0  }
0x6c0: {  	s3 =	rddreg [dreg:$0x2];
	[bflag:$0x3] =	sbarrier.arrive $0xFFFF;
	s2 =	simm.s32 @!p0 $0x1C09  }
0x6c1: {  	[timem:s3], [sflag:s2] =	dma.local @!p0 [hbm:s0], s1  }
0x6c2: {  	s0 =	simm.s32 @!p0 $0x9  }
0x6c3: {  	_ =	swait.ge @!p0 [sflag:s0], s1  }
0x6c4: {  	s1 =	ssub.s32 @!p0 $0x0, s1;
	[sflag:s0] =	ssyncset.done @!p0 $0x0  }
0x6c5: {  	[sflag:s0] =	ssyncadd.s32 @!p0 s1  }
0x6c6: {  	[bflag:$0x3] =	sbarrier.arrive $0xFFFF  }
0x6c7: {  	_ =	shalt  }

</sc_bundles>
